<compile_context>
chip_gen: v7x
topology: tpu7x:2x2x1
jax: 0.10.2.dev20260603
libtpu: 0.0.44.dev20260713+nightly
codegen_flags: <defaults>
</compile_context>

<pallas_src>
import functools

import jax
import jax.numpy as jnp
from jax import lax
from jax.experimental import pallas as pl
from jax.experimental.pallas import tpu as pltpu
from jax.experimental.pallas import tpu_sc as plsc

_B, _C, _E, _P = 32, 32, 128, 256
_L = 16
_ROWS = 64
_NBUF = 7
_CHUNKS_PER_C = _E // _ROWS
_UNITS = _C * _CHUNKS_PER_C
_NGROUPS = _UNITS // _NBUF
_NTAIL = _UNITS - _NGROUPS * _NBUF


def _ppt_sc(X, perm_idx):
    mesh = plsc.VectorSubcoreMesh(core_axis_name="c", subcore_axis_name="s")

    @functools.partial(
        pl.kernel,
        out_type=jax.ShapeDtypeStruct((_B, _C, _E, _P), jnp.float32),
        mesh=mesh,
        compiler_params=pltpu.CompilerParams(
            needs_layout_passes=False, use_tc_tiling_on_sc=True),
        scratch_types=[
            pltpu.VMEM((_C, _P), jnp.int32),
            [pltpu.VMEM((_ROWS, _P), jnp.float32) for _ in range(_NBUF)],
            [pltpu.SemaphoreType.DMA for _ in range(_NBUF)],
            [pltpu.SemaphoreType.DMA for _ in range(_NBUF)],
        ],
    )
    def k(x_hbm, perm_hbm, out_hbm, perm_v, bufs, isems, osems):
        w = lax.axis_index("s") * 2 + lax.axis_index("c")
        pltpu.sync_copy(perm_hbm, perm_v)

        def start_in(u, kbuf):
            c, r0 = u // _CHUNKS_PER_C, (u % _CHUNKS_PER_C) * _ROWS
            pltpu.async_copy(
                x_hbm.at[w, c, pl.ds(r0, _ROWS)], bufs[kbuf], isems[kbuf])

        def wait_in(kbuf):
            pltpu.make_async_copy(
                x_hbm.at[0, 0, pl.ds(0, _ROWS)], bufs[kbuf], isems[kbuf]).wait()

        def start_out(u, kbuf):
            c, r0 = u // _CHUNKS_PER_C, (u % _CHUNKS_PER_C) * _ROWS
            pltpu.async_copy(
                bufs[kbuf], out_hbm.at[w, c, pl.ds(r0, _ROWS)], osems[kbuf])

        def wait_out(kbuf):
            pltpu.make_async_copy(
                bufs[kbuf], out_hbm.at[0, 0, pl.ds(0, _ROWS)], osems[kbuf]).wait()

        def permute_chunk(u, buf):
            c = u // _CHUNKS_PER_C
            cols = [perm_v[c, pl.ds(j * _L, _L)] for j in range(_P // _L)]
            rows0 = jnp.zeros((_L,), jnp.int32)

            @plsc.parallel_loop(0, _ROWS, unroll=1, carry=rows0)
            def _(r, rows):
                vals = [plsc.load_gather(buf, [rows, cols[j]])
                        for j in range(_P // _L)]
                for j in range(_P // _L):
                    buf[r, pl.ds(j * _L, _L)] = vals[j]
                return rows + 1

        for kbuf in range(_NBUF // 2):
            start_in(kbuf, kbuf)

        def do_group(g, carry):
            for ki in range(_NBUF):
                u = g * _NBUF + ki
                kj = (ki + _NBUF // 2) % _NBUF
                wait_in(ki)

                if kj > ki:
                    nxt = g * _NBUF + kj

                    @pl.when(g > 0)
                    def _():
                        wait_out(kj)
                        start_in(nxt, kj)

                    @pl.when(g == 0)
                    def _():
                        start_in(nxt, kj)
                else:
                    nxt = (g + 1) * _NBUF + kj

                    @pl.when(nxt < _UNITS)
                    def _():
                        wait_out(kj)
                        start_in(nxt, kj)

                permute_chunk(u, bufs[ki])
                start_out(u, ki)

            return carry

        lax.fori_loop(0, _NGROUPS, do_group, 0, unroll=False)

        for t in range(_NBUF // 2, _NTAIL):
            wait_out(t)
            start_in(_NGROUPS * _NBUF + t, t)
        for t in range(_NTAIL):
            u = _NGROUPS * _NBUF + t
            wait_in(t)
            permute_chunk(u, bufs[t])
            start_out(u, t)
        for kbuf in range(_NBUF):
            wait_out(kbuf)

    return k(X, perm_idx)


def kernel(X, perm_idx):
    return _ppt_sc(X, perm_idx)

# --- scband reference (transcript-rebuilt; emitter-appended) ---
"""Pipeline reference for scband-ppt-6932077216174 (READ-ONLY COPY).

The authoritative reference and input builder live on the scoring server;
editing this copy changes nothing except your own understanding.
"""

import jax, jax.numpy as jnp
import numpy as np

B, C, E, P = 32, 32, 128, 256
PERMUTE_FREQ = 64


def _build_perm_idx():
    # Faithful to PPT._permute with strategy 'random': start from arange and
    # apply permute_freq random index swaps per channel.
    rng = np.random.default_rng(0)
    perm = np.tile(np.arange(P), (C, 1))
    for c in range(C):
        for _ in range(PERMUTE_FREQ):
            i1, i2 = rng.integers(0, P, size=2)
            perm[c, i1], perm[c, i2] = perm[c, i2], perm[c, i1]
    return perm


def setup_inputs(seed: int = 0) -> dict:
    key = jax.random.key(seed)
    X = jax.random.normal(key, (B, C, E, P), dtype=jnp.float32)
    # One precomputed permutation pattern (module selects one row of its
    # [permute_tensor_size, C, P] buffer at random; we fix the selection).
    perm_idx = jnp.asarray(_build_perm_idx(), dtype=jnp.int32)
    return {"X": X, "perm_idx": perm_idx}


def reference(X, perm_idx):
    # rearrange 'b c e p -> b e c p'
    Xt = jnp.transpose(X, (0, 2, 1, 3))
    # expand shuffled idx [C, P] -> [B, E, C, P] and gather along patch dim
    idx = jnp.broadcast_to(perm_idx[None, None, :, :], Xt.shape)
    Xp = jnp.take_along_axis(Xt, idx, axis=3)
    # rearrange 'b e c p -> b c e p'
    return jnp.transpose(Xp, (0, 2, 1, 3))

if __name__ == "__main__":
    import jax
    _d = setup_inputs()
    print(jax.jit(kernel)(*tuple(_d.values())))

</pallas_src>

<mosaic_0001>
#map = affine_map<(d0, d1) -> (0, 0, 0, 0)>
#map1 = affine_map<(d0, d1) -> (0, 0)>
module attributes {stable_mosaic.version = 14 : i64} {
  func.func @k(%arg0: i32, %arg1: i32, %arg2: memref<32x32x128x256xf32, #tpu.memory_space<hbm>>, %arg3: memref<32x256xi32, #tpu.memory_space<hbm>>, %arg4: memref<32x32x128x256xf32, #tpu.memory_space<hbm>>, %arg5: memref<32x256xi32, #tpu.memory_space<vmem>>, %arg6: memref<64x256xf32, #tpu.memory_space<vmem>>, %arg7: memref<64x256xf32, #tpu.memory_space<vmem>>, %arg8: memref<64x256xf32, #tpu.memory_space<vmem>>, %arg9: memref<64x256xf32, #tpu.memory_space<vmem>>, %arg10: memref<64x256xf32, #tpu.memory_space<vmem>>, %arg11: memref<64x256xf32, #tpu.memory_space<vmem>>, %arg12: memref<64x256xf32, #tpu.memory_space<vmem>>, %arg13: memref<!tpu.dma_semaphore, #tpu.memory_space<semaphore_mem>>, %arg14: memref<!tpu.dma_semaphore, #tpu.memory_space<semaphore_mem>>, %arg15: memref<!tpu.dma_semaphore, #tpu.memory_space<semaphore_mem>>, %arg16: memref<!tpu.dma_semaphore, #tpu.memory_space<semaphore_mem>>, %arg17: memref<!tpu.dma_semaphore, #tpu.memory_space<semaphore_mem>>, %arg18: memref<!tpu.dma_semaphore, #tpu.memory_space<semaphore_mem>>, %arg19: memref<!tpu.dma_semaphore, #tpu.memory_space<semaphore_mem>>, %arg20: memref<!tpu.dma_semaphore, #tpu.memory_space<semaphore_mem>>, %arg21: memref<!tpu.dma_semaphore, #tpu.memory_space<semaphore_mem>>, %arg22: memref<!tpu.dma_semaphore, #tpu.memory_space<semaphore_mem>>, %arg23: memref<!tpu.dma_semaphore, #tpu.memory_space<semaphore_mem>>, %arg24: memref<!tpu.dma_semaphore, #tpu.memory_space<semaphore_mem>>, %arg25: memref<!tpu.dma_semaphore, #tpu.memory_space<semaphore_mem>>, %arg26: memref<!tpu.dma_semaphore, #tpu.memory_space<semaphore_mem>>) attributes {dimension_semantics = [#tpu.dimension_semantics<core_parallel>, #tpu.dimension_semantics<subcore_parallel>], iteration_bounds = array<i64: 2, 16>, scalar_prefetch = 0 : i64, scratch_operands = 22 : i64, tpu.core_type = #tpu.core_type<sc_vector_subcore>, window_params = [{transform_indices = #map}, {transform_indices = #map1}, {transform_indices = #map}]} {
    %mul3A = arith.constant 2 : i32
    %mul3A_0 = arith.muli %arg1, %mul3A : i32
    %add3A = arith.addi %mul3A_0, %arg0 : i32
    "tpu.region"() ({
      %run_scoped3A = tpu.sem_alloc : memref<!tpu.dma_semaphore, #tpu.memory_space<semaphore_mem>>
      tpu.enqueue_dma source(%arg3 : memref<32x256xi32, #tpu.memory_space<hbm>>) target(%arg5 : memref<32x256xi32, #tpu.memory_space<vmem>>) target_semaphore(%run_scoped3A : memref<!tpu.dma_semaphore, #tpu.memory_space<semaphore_mem>>)
      tpu.wait_dma2 semaphore(%run_scoped3A : memref<!tpu.dma_semaphore, #tpu.memory_space<semaphore_mem>>) src(%arg3 : memref<32x256xi32, #tpu.memory_space<hbm>>) dst(%arg5 : memref<32x256xi32, #tpu.memory_space<vmem>>)
      tpu.yield
    }) : () -> ()
    %dma_start3A = arith.constant 0 : i32
    %dma_start3A_1 = arith.constant 0 : i32
    %dma_start3A_2 = arith.constant 0 : i32
    %dma_start3A_3 = tpu.memref_slice %arg2[%add3A, %dma_start3A, %dma_start3A_1, %dma_start3A_2] : memref<32x32x128x256xf32, #tpu.memory_space<hbm>> -> memref<1x1x64x256xf32, #tpu.memory_space<hbm>>
    %dma_start3A_4 = tpu.memref_squeeze %dma_start3A_3 : memref<1x1x64x256xf32, #tpu.memory_space<hbm>> -> memref<64x256xf32, #tpu.memory_space<hbm>>
    %dma_start3A_5 = arith.constant 0 : i32
    %dma_start3A_6 = arith.constant 0 : i32
    %dma_start3A_7 = tpu.memref_slice %arg2[%add3A, %dma_start3A, %dma_start3A_5, %dma_start3A_6] : memref<32x32x128x256xf32, #tpu.memory_space<hbm>> -> memref<1x1x64x256xf32, #tpu.memory_space<hbm>>
    %dma_start3A_8 = tpu.memref_squeeze %dma_start3A_7 : memref<1x1x64x256xf32, #tpu.memory_space<hbm>> -> memref<64x256xf32, #tpu.memory_space<hbm>>
    tpu.enqueue_dma source(%dma_start3A_8 : memref<64x256xf32, #tpu.memory_space<hbm>>) target(%arg6 : memref<64x256xf32, #tpu.memory_space<vmem>>) target_semaphore(%arg13 : memref<!tpu.dma_semaphore, #tpu.memory_space<semaphore_mem>>)
    %dma_start3A_9 = arith.constant 0 : i32
    %dma_start3A_10 = arith.constant 64 : i32
    %dma_start3A_11 = arith.constant 0 : i32
    %dma_start3A_12 = tpu.memref_slice %arg2[%add3A, %dma_start3A_9, %dma_start3A_10, %dma_start3A_11] : memref<32x32x128x256xf32, #tpu.memory_space<hbm>> -> memref<1x1x64x256xf32, #tpu.memory_space<hbm>>
    %dma_start3A_13 = tpu.memref_squeeze %dma_start3A_12 : memref<1x1x64x256xf32, #tpu.memory_space<hbm>> -> memref<64x256xf32, #tpu.memory_space<hbm>>
    %dma_start3A_14 = arith.constant 64 : i32
    %dma_start3A_15 = arith.constant 0 : i32
    %dma_start3A_16 = tpu.memref_slice %arg2[%add3A, %dma_start3A_9, %dma_start3A_14, %dma_start3A_15] : memref<32x32x128x256xf32, #tpu.memory_space<hbm>> -> memref<1x1x64x256xf32, #tpu.memory_space<hbm>>
    %dma_start3A_17 = tpu.memref_squeeze %dma_start3A_16 : memref<1x1x64x256xf32, #tpu.memory_space<hbm>> -> memref<64x256xf32, #tpu.memory_space<hbm>>
    tpu.enqueue_dma source(%dma_start3A_17 : memref<64x256xf32, #tpu.memory_space<hbm>>) target(%arg7 : memref<64x256xf32, #tpu.memory_space<vmem>>) target_semaphore(%arg14 : memref<!tpu.dma_semaphore, #tpu.memory_space<semaphore_mem>>)
    %dma_start3A_18 = arith.constant 1 : i32
    %dma_start3A_19 = arith.constant 0 : i32
    %dma_start3A_20 = arith.constant 0 : i32
    %dma_start3A_21 = tpu.memref_slice %arg2[%add3A, %dma_start3A_18, %dma_start3A_19, %dma_start3A_20] : memref<32x32x128x256xf32, #tpu.memory_space<hbm>> -> memref<1x1x64x256xf32, #tpu.memory_space<hbm>>
    %dma_start3A_22 = tpu.memref_squeeze %dma_start3A_21 : memref<1x1x64x256xf32, #tpu.memory_space<hbm>> -> memref<64x256xf32, #tpu.memory_space<hbm>>
    %dma_start3A_23 = arith.constant 0 : i32
    %dma_start3A_24 = arith.constant 0 : i32
    %dma_start3A_25 = tpu.memref_slice %arg2[%add3A, %dma_start3A_18, %dma_start3A_23, %dma_start3A_24] : memref<32x32x128x256xf32, #tpu.memory_space<hbm>> -> memref<1x1x64x256xf32, #tpu.memory_space<hbm>>
    %dma_start3A_26 = tpu.memref_squeeze %dma_start3A_25 : memref<1x1x64x256xf32, #tpu.memory_space<hbm>> -> memref<64x256xf32, #tpu.memory_space<hbm>>
    tpu.enqueue_dma source(%dma_start3A_26 : memref<64x256xf32, #tpu.memory_space<hbm>>) target(%arg8 : memref<64x256xf32, #tpu.memory_space<vmem>>) target_semaphore(%arg15 : memref<!tpu.dma_semaphore, #tpu.memory_space<semaphore_mem>>)
    %scan3A = arith.constant 0 : i32
    %scan3A_27 = arith.constant 0 : i32
    %scan3A_28 = arith.constant 9 : i32
    %scan3A_29 = arith.addi %scan3A_27, %scan3A_28 : i32
    %scan3A_30 = arith.constant 1 : i32
    scf.for %scan3A_187 = %scan3A_27 to %scan3A_29 step %scan3A_30  : i32 {
      %mul3A_188 = arith.constant 7 : i32
      %mul3A_189 = arith.muli %scan3A_187, %mul3A_188 : i32
      %add3A_190 = arith.constant 0 : i32
      %add3A_191 = arith.addi %mul3A_189, %add3A_190 : i32
      %dma_wait3A_192 = arith.constant 0 : i32
      %dma_wait3A_193 = arith.constant 0 : i32
      %dma_wait3A_194 = arith.constant 0 : i32
      %dma_wait3A_195 = arith.constant 0 : i32
      %dma_wait3A_196 = tpu.memref_slice %arg2[%dma_wait3A_192, %dma_wait3A_193, %dma_wait3A_194, %dma_wait3A_195] : memref<32x32x128x256xf32, #tpu.memory_space<hbm>> -> memref<1x1x64x256xf32, #tpu.memory_space<hbm>>
      %dma_wait3A_197 = tpu.memref_squeeze %dma_wait3A_196 : memref<1x1x64x256xf32, #tpu.memory_space<hbm>> -> memref<64x256xf32, #tpu.memory_space<hbm>>
      %dma_wait3A_198 = arith.constant 0 : i32
      %dma_wait3A_199 = arith.constant 0 : i32
      %dma_wait3A_200 = tpu.memref_slice %arg2[%dma_wait3A_192, %dma_wait3A_193, %dma_wait3A_198, %dma_wait3A_199] : memref<32x32x128x256xf32, #tpu.memory_space<hbm>> -> memref<1x1x64x256xf32, #tpu.memory_space<hbm>>
      %dma_wait3A_201 = tpu.memref_squeeze %dma_wait3A_200 : memref<1x1x64x256xf32, #tpu.memory_space<hbm>> -> memref<64x256xf32, #tpu.memory_space<hbm>>
      tpu.wait_dma2 semaphore(%arg13 : memref<!tpu.dma_semaphore, #tpu.memory_space<semaphore_mem>>) src(%dma_wait3A_201 : memref<64x256xf32, #tpu.memory_space<hbm>>) dst(%arg6 : memref<64x256xf32, #tpu.memory_space<vmem>>)
      %mul3A_202 = arith.constant 7 : i32
      %mul3A_203 = arith.muli %scan3A_187, %mul3A_202 : i32
      %add3A_204 = arith.constant 3 : i32
      %add3A_205 = arith.addi %mul3A_203, %add3A_204 : i32
      %gt3A = arith.constant 0 : i32
      %gt3A_206 = arith.cmpi sgt, %scan3A_187, %gt3A : i32
      %convert_element_type3A = arith.extui %gt3A_206 : i1 to i32
      %cond3A = arith.constant 0 : i32
      %cond3A_207 = arith.cmpi ne, %convert_element_type3A, %cond3A : i32
      scf.if %cond3A_207 {
        %dma_wait3A_1244 = arith.constant 0 : i32
        %dma_wait3A_1245 = arith.constant 0 : i32
        %dma_wait3A_1246 = arith.constant 0 : i32
        %dma_wait3A_1247 = arith.constant 0 : i32
        %dma_wait3A_1248 = tpu.memref_slice %arg4[%dma_wait3A_1244, %dma_wait3A_1245, %dma_wait3A_1246, %dma_wait3A_1247] : memref<32x32x128x256xf32, #tpu.memory_space<hbm>> -> memref<1x1x64x256xf32, #tpu.memory_space<hbm>>
        %dma_wait3A_1249 = tpu.memref_squeeze %dma_wait3A_1248 : memref<1x1x64x256xf32, #tpu.memory_space<hbm>> -> memref<64x256xf32, #tpu.memory_space<hbm>>
        %dma_wait3A_1250 = arith.constant 0 : i32
        %dma_wait3A_1251 = arith.constant 0 : i32
        %dma_wait3A_1252 = tpu.memref_slice %arg4[%dma_wait3A_1244, %dma_wait3A_1245, %dma_wait3A_1250, %dma_wait3A_1251] : memref<32x32x128x256xf32, #tpu.memory_space<hbm>> -> memref<1x1x64x256xf32, #tpu.memory_space<hbm>>
        %dma_wait3A_1253 = tpu.memref_squeeze %dma_wait3A_1252 : memref<1x1x64x256xf32, #tpu.memory_space<hbm>> -> memref<64x256xf32, #tpu.memory_space<hbm>>
        tpu.wait_dma2 semaphore(%arg23 : memref<!tpu.dma_semaphore, #tpu.memory_space<semaphore_mem>>) src(%arg9 : memref<64x256xf32, #tpu.memory_space<vmem>>) dst(%dma_wait3A_1253 : memref<64x256xf32, #tpu.memory_space<hbm>>)
        %jit3A_1254 = arith.constant 2 : i32
        %div3A_1255 = arith.divsi %add3A_205, %jit3A_1254 : i32
        %sign3A_1256 = arith.constant 0 : i32
        %sign3A_1257 = arith.cmpi sgt, %add3A_205, %sign3A_1256 : i32
        %sign3A_1258 = arith.extui %sign3A_1257 : i1 to i32
        %sign3A_1259 = arith.constant 0 : i32
        %sign3A_1260 = arith.cmpi slt, %add3A_205, %sign3A_1259 : i32
        %sign3A_1261 = arith.extui %sign3A_1260 : i1 to i32
        %sign3A_1262 = arith.subi %sign3A_1258, %sign3A_1261 : i32
        %sign3A_1263 = arith.constant 0 : i32
        %sign3A_1264 = arith.cmpi sgt, %jit3A_1254, %sign3A_1263 : i32
        %sign3A_1265 = arith.extui %sign3A_1264 : i1 to i32
        %sign3A_1266 = arith.constant 0 : i32
        %sign3A_1267 = arith.cmpi slt, %jit3A_1254, %sign3A_1266 : i32
        %sign3A_1268 = arith.extui %sign3A_1267 : i1 to i32
        %sign3A_1269 = arith.subi %sign3A_1265, %sign3A_1268 : i32
        %ne3A_1270 = arith.cmpi ne, %sign3A_1262, %sign3A_1269 : i32
        %rem3A_1271 = arith.remsi %add3A_205, %jit3A_1254 : i32
        %ne3A_1272 = arith.constant 0 : i32
        %ne3A_1273 = arith.cmpi ne, %rem3A_1271, %ne3A_1272 : i32
        %and3A_1274 = arith.andi %ne3A_1270, %ne3A_1273 : i1
        %sub3A_1275 = arith.constant 1 : i32
        %sub3A_1276 = arith.subi %div3A_1255, %sub3A_1275 : i32
        %select_n3A_1277 = arith.select %and3A_1274, %sub3A_1276, %div3A_1255 : i32
        %jit3A_1278 = arith.constant 2 : i32
        %eq3A_1279 = arith.constant 0 : i32
        %eq3A_1280 = arith.cmpi eq, %jit3A_1278, %eq3A_1279 : i32
        %jit3A_1281 = arith.constant 1 : i32
        %select_n3A_1282 = arith.select %eq3A_1280, %jit3A_1281, %jit3A_1278 : i32
        %rem3A_1283 = arith.remsi %add3A_205, %select_n3A_1282 : i32
        %ne3A_1284 = arith.constant 0 : i32
        %ne3A_1285 = arith.cmpi ne, %rem3A_1283, %ne3A_1284 : i32
        %lt3A_1286 = arith.constant 0 : i32
        %lt3A_1287 = arith.cmpi slt, %rem3A_1283, %lt3A_1286 : i32
        %lt3A_1288 = arith.constant 0 : i32
        %lt3A_1289 = arith.cmpi slt, %select_n3A_1282, %lt3A_1288 : i32
        %ne3A_1290 = arith.xori %lt3A_1287, %lt3A_1289 : i1
        %and3A_1291 = arith.andi %ne3A_1290, %ne3A_1285 : i1
        %add3A_1292 = arith.addi %rem3A_1283, %select_n3A_1282 : i32
        %select_n3A_1293 = arith.select %and3A_1291, %add3A_1292, %rem3A_1283 : i32
        %mul3A_1294 = arith.constant 64 : i32
        %mul3A_1295 = arith.muli %select_n3A_1293, %mul3A_1294 : i32
        %dma_start3A_1296 = arith.constant 0 : i32
        %dma_start3A_1297 = tpu.memref_slice %arg2[%add3A, %select_n3A_1277, %mul3A_1295, %dma_start3A_1296] : memref<32x32x128x256xf32, #tpu.memory_space<hbm>> -> memref<1x1x64x256xf32, #tpu.memory_space<hbm>>
        %dma_start3A_1298 = tpu.memref_squeeze %dma_start3A_1297 : memref<1x1x64x256xf32, #tpu.memory_space<hbm>> -> memref<64x256xf32, #tpu.memory_space<hbm>>
        %dma_start3A_1299 = arith.constant 0 : i32
        %dma_start3A_1300 = tpu.memref_slice %arg2[%add3A, %select_n3A_1277, %mul3A_1295, %dma_start3A_1299] : memref<32x32x128x256xf32, #tpu.memory_space<hbm>> -> memref<1x1x64x256xf32, #tpu.memory_space<hbm>>
        %dma_start3A_1301 = tpu.memref_squeeze %dma_start3A_1300 : memref<1x1x64x256xf32, #tpu.memory_space<hbm>> -> memref<64x256xf32, #tpu.memory_space<hbm>>
        tpu.enqueue_dma source(%dma_start3A_1301 : memref<64x256xf32, #tpu.memory_space<hbm>>) target(%arg9 : memref<64x256xf32, #tpu.memory_space<vmem>>) target_semaphore(%arg16 : memref<!tpu.dma_semaphore, #tpu.memory_space<semaphore_mem>>)
      } else {
      }
      %eq3A = arith.constant 0 : i32
      %eq3A_208 = arith.cmpi eq, %scan3A_187, %eq3A : i32
      %convert_element_type3A_209 = arith.extui %eq3A_208 : i1 to i32
      %cond3A_210 = arith.constant 0 : i32
      %cond3A_211 = arith.cmpi ne, %convert_element_type3A_209, %cond3A_210 : i32
      scf.if %cond3A_211 {
        %jit3A_1244 = arith.constant 2 : i32
        %div3A_1245 = arith.divsi %add3A_205, %jit3A_1244 : i32
        %sign3A_1246 = arith.constant 0 : i32
        %sign3A_1247 = arith.cmpi sgt, %add3A_205, %sign3A_1246 : i32
        %sign3A_1248 = arith.extui %sign3A_1247 : i1 to i32
        %sign3A_1249 = arith.constant 0 : i32
        %sign3A_1250 = arith.cmpi slt, %add3A_205, %sign3A_1249 : i32
        %sign3A_1251 = arith.extui %sign3A_1250 : i1 to i32
        %sign3A_1252 = arith.subi %sign3A_1248, %sign3A_1251 : i32
        %sign3A_1253 = arith.constant 0 : i32
        %sign3A_1254 = arith.cmpi sgt, %jit3A_1244, %sign3A_1253 : i32
        %sign3A_1255 = arith.extui %sign3A_1254 : i1 to i32
        %sign3A_1256 = arith.constant 0 : i32
        %sign3A_1257 = arith.cmpi slt, %jit3A_1244, %sign3A_1256 : i32
        %sign3A_1258 = arith.extui %sign3A_1257 : i1 to i32
        %sign3A_1259 = arith.subi %sign3A_1255, %sign3A_1258 : i32
        %ne3A_1260 = arith.cmpi ne, %sign3A_1252, %sign3A_1259 : i32
        %rem3A_1261 = arith.remsi %add3A_205, %jit3A_1244 : i32
        %ne3A_1262 = arith.constant 0 : i32
        %ne3A_1263 = arith.cmpi ne, %rem3A_1261, %ne3A_1262 : i32
        %and3A_1264 = arith.andi %ne3A_1260, %ne3A_1263 : i1
        %sub3A_1265 = arith.constant 1 : i32
        %sub3A_1266 = arith.subi %div3A_1245, %sub3A_1265 : i32
        %select_n3A_1267 = arith.select %and3A_1264, %sub3A_1266, %div3A_1245 : i32
        %jit3A_1268 = arith.constant 2 : i32
        %eq3A_1269 = arith.constant 0 : i32
        %eq3A_1270 = arith.cmpi eq, %jit3A_1268, %eq3A_1269 : i32
        %jit3A_1271 = arith.constant 1 : i32
        %select_n3A_1272 = arith.select %eq3A_1270, %jit3A_1271, %jit3A_1268 : i32
        %rem3A_1273 = arith.remsi %add3A_205, %select_n3A_1272 : i32
        %ne3A_1274 = arith.constant 0 : i32
        %ne3A_1275 = arith.cmpi ne, %rem3A_1273, %ne3A_1274 : i32
        %lt3A_1276 = arith.constant 0 : i32
        %lt3A_1277 = arith.cmpi slt, %rem3A_1273, %lt3A_1276 : i32
        %lt3A_1278 = arith.constant 0 : i32
        %lt3A_1279 = arith.cmpi slt, %select_n3A_1272, %lt3A_1278 : i32
        %ne3A_1280 = arith.xori %lt3A_1277, %lt3A_1279 : i1
        %and3A_1281 = arith.andi %ne3A_1280, %ne3A_1275 : i1
        %add3A_1282 = arith.addi %rem3A_1273, %select_n3A_1272 : i32
        %select_n3A_1283 = arith.select %and3A_1281, %add3A_1282, %rem3A_1273 : i32
        %mul3A_1284 = arith.constant 64 : i32
        %mul3A_1285 = arith.muli %select_n3A_1283, %mul3A_1284 : i32
        %dma_start3A_1286 = arith.constant 0 : i32
        %dma_start3A_1287 = tpu.memref_slice %arg2[%add3A, %select_n3A_1267, %mul3A_1285, %dma_start3A_1286] : memref<32x32x128x256xf32, #tpu.memory_space<hbm>> -> memref<1x1x64x256xf32, #tpu.memory_space<hbm>>
        %dma_start3A_1288 = tpu.memref_squeeze %dma_start3A_1287 : memref<1x1x64x256xf32, #tpu.memory_space<hbm>> -> memref<64x256xf32, #tpu.memory_space<hbm>>
        %dma_start3A_1289 = arith.constant 0 : i32
        %dma_start3A_1290 = tpu.memref_slice %arg2[%add3A, %select_n3A_1267, %mul3A_1285, %dma_start3A_1289] : memref<32x32x128x256xf32, #tpu.memory_space<hbm>> -> memref<1x1x64x256xf32, #tpu.memory_space<hbm>>
        %dma_start3A_1291 = tpu.memref_squeeze %dma_start3A_1290 : memref<1x1x64x256xf32, #tpu.memory_space<hbm>> -> memref<64x256xf32, #tpu.memory_space<hbm>>
        tpu.enqueue_dma source(%dma_start3A_1291 : memref<64x256xf32, #tpu.memory_space<hbm>>) target(%arg9 : memref<64x256xf32, #tpu.memory_space<vmem>>) target_semaphore(%arg16 : memref<!tpu.dma_semaphore, #tpu.memory_space<semaphore_mem>>)
      } else {
      }
      %jit3A = arith.constant 2 : i32
      %div3A = arith.divsi %add3A_191, %jit3A : i32
      %sign3A = arith.constant 0 : i32
      %sign3A_212 = arith.cmpi sgt, %add3A_191, %sign3A : i32
      %sign3A_213 = arith.extui %sign3A_212 : i1 to i32
      %sign3A_214 = arith.constant 0 : i32
      %sign3A_215 = arith.cmpi slt, %add3A_191, %sign3A_214 : i32
      %sign3A_216 = arith.extui %sign3A_215 : i1 to i32
      %sign3A_217 = arith.subi %sign3A_213, %sign3A_216 : i32
      %sign3A_218 = arith.constant 0 : i32
      %sign3A_219 = arith.cmpi sgt, %jit3A, %sign3A_218 : i32
      %sign3A_220 = arith.extui %sign3A_219 : i1 to i32
      %sign3A_221 = arith.constant 0 : i32
      %sign3A_222 = arith.cmpi slt, %jit3A, %sign3A_221 : i32
      %sign3A_223 = arith.extui %sign3A_222 : i1 to i32
      %sign3A_224 = arith.subi %sign3A_220, %sign3A_223 : i32
      %ne3A = arith.cmpi ne, %sign3A_217, %sign3A_224 : i32
      %rem3A = arith.remsi %add3A_191, %jit3A : i32
      %ne3A_225 = arith.constant 0 : i32
      %ne3A_226 = arith.cmpi ne, %rem3A, %ne3A_225 : i32
      %and3A = arith.andi %ne3A, %ne3A_226 : i1
      %sub3A = arith.constant 1 : i32
      %sub3A_227 = arith.subi %div3A, %sub3A : i32
      %select_n3A = arith.select %and3A, %sub3A_227, %div3A : i32
      %get3A_228 = arith.index_cast %select_n3A : i32 to index
      %get3A_229 = arith.constant 0 : index
      %get3A_230 = tpu.vector_load %arg5[%get3A_228, %get3A_229] {strides = array<i32>} : memref<32x256xi32, #tpu.memory_space<vmem>>, vector<16xi32>,
      %get3A_231 = arith.index_cast %select_n3A : i32 to index
      %get3A_232 = arith.constant 16 : index
      %get3A_233 = tpu.vector_load %arg5[%get3A_231, %get3A_232] {strides = array<i32>} : memref<32x256xi32, #tpu.memory_space<vmem>>, vector<16xi32>,
      %get3A_234 = arith.index_cast %select_n3A : i32 to index
      %get3A_235 = arith.constant 32 : index
      %get3A_236 = tpu.vector_load %arg5[%get3A_234, %get3A_235] {strides = array<i32>} : memref<32x256xi32, #tpu.memory_space<vmem>>, vector<16xi32>,
      %get3A_237 = arith.index_cast %select_n3A : i32 to index
      %get3A_238 = arith.constant 48 : index
      %get3A_239 = tpu.vector_load %arg5[%get3A_237, %get3A_238] {strides = array<i32>} : memref<32x256xi32, #tpu.memory_space<vmem>>, vector<16xi32>,
      %get3A_240 = arith.index_cast %select_n3A : i32 to index
      %get3A_241 = arith.constant 64 : index
      %get3A_242 = tpu.vector_load %arg5[%get3A_240, %get3A_241] {strides = array<i32>} : memref<32x256xi32, #tpu.memory_space<vmem>>, vector<16xi32>,
      %get3A_243 = arith.index_cast %select_n3A : i32 to index
      %get3A_244 = arith.constant 80 : index
      %get3A_245 = tpu.vector_load %arg5[%get3A_243, %get3A_244] {strides = array<i32>} : memref<32x256xi32, #tpu.memory_space<vmem>>, vector<16xi32>,
      %get3A_246 = arith.index_cast %select_n3A : i32 to index
      %get3A_247 = arith.constant 96 : index
      %get3A_248 = tpu.vector_load %arg5[%get3A_246, %get3A_247] {strides = array<i32>} : memref<32x256xi32, #tpu.memory_space<vmem>>, vector<16xi32>,
      %get3A_249 = arith.index_cast %select_n3A : i32 to index
      %get3A_250 = arith.constant 112 : index
      %get3A_251 = tpu.vector_load %arg5[%get3A_249, %get3A_250] {strides = array<i32>} : memref<32x256xi32, #tpu.memory_space<vmem>>, vector<16xi32>,
      %get3A_252 = arith.index_cast %select_n3A : i32 to index
      %get3A_253 = arith.constant 128 : index
      %get3A_254 = tpu.vector_load %arg5[%get3A_252, %get3A_253] {strides = array<i32>} : memref<32x256xi32, #tpu.memory_space<vmem>>, vector<16xi32>,
      %get3A_255 = arith.index_cast %select_n3A : i32 to index
      %get3A_256 = arith.constant 144 : index
      %get3A_257 = tpu.vector_load %arg5[%get3A_255, %get3A_256] {strides = array<i32>} : memref<32x256xi32, #tpu.memory_space<vmem>>, vector<16xi32>,
      %get3A_258 = arith.index_cast %select_n3A : i32 to index
      %get3A_259 = arith.constant 160 : index
      %get3A_260 = tpu.vector_load %arg5[%get3A_258, %get3A_259] {strides = array<i32>} : memref<32x256xi32, #tpu.memory_space<vmem>>, vector<16xi32>,
      %get3A_261 = arith.index_cast %select_n3A : i32 to index
      %get3A_262 = arith.constant 176 : index
      %get3A_263 = tpu.vector_load %arg5[%get3A_261, %get3A_262] {strides = array<i32>} : memref<32x256xi32, #tpu.memory_space<vmem>>, vector<16xi32>,
      %get3A_264 = arith.index_cast %select_n3A : i32 to index
      %get3A_265 = arith.constant 192 : index
      %get3A_266 = tpu.vector_load %arg5[%get3A_264, %get3A_265] {strides = array<i32>} : memref<32x256xi32, #tpu.memory_space<vmem>>, vector<16xi32>,
      %get3A_267 = arith.index_cast %select_n3A : i32 to index
      %get3A_268 = arith.constant 208 : index
      %get3A_269 = tpu.vector_load %arg5[%get3A_267, %get3A_268] {strides = array<i32>} : memref<32x256xi32, #tpu.memory_space<vmem>>, vector<16xi32>,
      %get3A_270 = arith.index_cast %select_n3A : i32 to index
      %get3A_271 = arith.constant 224 : index
      %get3A_272 = tpu.vector_load %arg5[%get3A_270, %get3A_271] {strides = array<i32>} : memref<32x256xi32, #tpu.memory_space<vmem>>, vector<16xi32>,
      %get3A_273 = arith.index_cast %select_n3A : i32 to index
      %get3A_274 = arith.constant 240 : index
      %get3A_275 = tpu.vector_load %arg5[%get3A_273, %get3A_274] {strides = array<i32>} : memref<32x256xi32, #tpu.memory_space<vmem>>, vector<16xi32>,
      %broadcast_in_dim3A_276 = arith.constant 0 : i32
      %broadcast_in_dim3A_277 = vector.broadcast %broadcast_in_dim3A_276 : i32 to vector<16xi32>
      %parallel_loop3A_278 = arith.constant 0 : i32
      %parallel_loop3A_279 = arith.constant 64 : i32
      %parallel_loop3A_280 = arith.constant 1 : i32
      %parallel_loop3A_281 = scf.for %parallel_loop3A_1244 = %parallel_loop3A_278 to %parallel_loop3A_279 step %parallel_loop3A_280 iter_args(%parallel_loop3A_1245 = %broadcast_in_dim3A_277) -> (vector<16xi32>)  : i32 {
        %parallel_loop3A_1246 = tpu.vector_load_idx %arg6[%parallel_loop3A_1245, %get3A_230] : memref<64x256xf32, #tpu.memory_space<vmem>>[vector<16xi32>, vector<16xi32>], vector<16xf32>,
        %parallel_loop3A_1247 = tpu.vector_load_idx %arg6[%parallel_loop3A_1245, %get3A_233] : memref<64x256xf32, #tpu.memory_space<vmem>>[vector<16xi32>, vector<16xi32>], vector<16xf32>,
        %parallel_loop3A_1248 = tpu.vector_load_idx %arg6[%parallel_loop3A_1245, %get3A_236] : memref<64x256xf32, #tpu.memory_space<vmem>>[vector<16xi32>, vector<16xi32>], vector<16xf32>,
        %parallel_loop3A_1249 = tpu.vector_load_idx %arg6[%parallel_loop3A_1245, %get3A_239] : memref<64x256xf32, #tpu.memory_space<vmem>>[vector<16xi32>, vector<16xi32>], vector<16xf32>,
        %parallel_loop3A_1250 = tpu.vector_load_idx %arg6[%parallel_loop3A_1245, %get3A_242] : memref<64x256xf32, #tpu.memory_space<vmem>>[vector<16xi32>, vector<16xi32>], vector<16xf32>,
        %parallel_loop3A_1251 = tpu.vector_load_idx %arg6[%parallel_loop3A_1245, %get3A_245] : memref<64x256xf32, #tpu.memory_space<vmem>>[vector<16xi32>, vector<16xi32>], vector<16xf32>,
        %parallel_loop3A_1252 = tpu.vector_load_idx %arg6[%parallel_loop3A_1245, %get3A_248] : memref<64x256xf32, #tpu.memory_space<vmem>>[vector<16xi32>, vector<16xi32>], vector<16xf32>,
        %parallel_loop3A_1253 = tpu.vector_load_idx %arg6[%parallel_loop3A_1245, %get3A_251] : memref<64x256xf32, #tpu.memory_space<vmem>>[vector<16xi32>, vector<16xi32>], vector<16xf32>,
        %parallel_loop3A_1254 = tpu.vector_load_idx %arg6[%parallel_loop3A_1245, %get3A_254] : memref<64x256xf32, #tpu.memory_space<vmem>>[vector<16xi32>, vector<16xi32>], vector<16xf32>,
        %parallel_loop3A_1255 = tpu.vector_load_idx %arg6[%parallel_loop3A_1245, %get3A_257] : memref<64x256xf32, #tpu.memory_space<vmem>>[vector<16xi32>, vector<16xi32>], vector<16xf32>,
        %parallel_loop3A_1256 = tpu.vector_load_idx %arg6[%parallel_loop3A_1245, %get3A_260] : memref<64x256xf32, #tpu.memory_space<vmem>>[vector<16xi32>, vector<16xi32>], vector<16xf32>,
        %parallel_loop3A_1257 = tpu.vector_load_idx %arg6[%parallel_loop3A_1245, %get3A_263] : memref<64x256xf32, #tpu.memory_space<vmem>>[vector<16xi32>, vector<16xi32>], vector<16xf32>,
        %parallel_loop3A_1258 = tpu.vector_load_idx %arg6[%parallel_loop3A_1245, %get3A_266] : memref<64x256xf32, #tpu.memory_space<vmem>>[vector<16xi32>, vector<16xi32>], vector<16xf32>,
        %parallel_loop3A_1259 = tpu.vector_load_idx %arg6[%parallel_loop3A_1245, %get3A_269] : memref<64x256xf32, #tpu.memory_space<vmem>>[vector<16xi32>, vector<16xi32>], vector<16xf32>,
        %parallel_loop3A_1260 = tpu.vector_load_idx %arg6[%parallel_loop3A_1245, %get3A_272] : memref<64x256xf32, #tpu.memory_space<vmem>>[vector<16xi32>, vector<16xi32>], vector<16xf32>,
        %parallel_loop3A_1261 = tpu.vector_load_idx %arg6[%parallel_loop3A_1245, %get3A_275] : memref<64x256xf32, #tpu.memory_space<vmem>>[vector<16xi32>, vector<16xi32>], vector<16xf32>,
        %parallel_loop3A_1262 = arith.index_cast %parallel_loop3A_1244 : i32 to index
        %parallel_loop3A_1263 = arith.constant 0 : index
        %parallel_loop3A_1264 = tpu.vector_load %arg6[%parallel_loop3A_1262, %parallel_loop3A_1263] {strides = array<i32>} : memref<64x256xf32, #tpu.memory_space<vmem>>, vector<16xf32>,
        tpu.vector_store %arg6[%parallel_loop3A_1262, %parallel_loop3A_1263], %parallel_loop3A_1246 {strides = array<i32>} : memref<64x256xf32, #tpu.memory_space<vmem>>, vector<16xf32>,
        %parallel_loop3A_1265 = arith.index_cast %parallel_loop3A_1244 : i32 to index
        %parallel_loop3A_1266 = arith.constant 16 : index
        %parallel_loop3A_1267 = tpu.vector_load %arg6[%parallel_loop3A_1265, %parallel_loop3A_1266] {strides = array<i32>} : memref<64x256xf32, #tpu.memory_space<vmem>>, vector<16xf32>,
        tpu.vector_store %arg6[%parallel_loop3A_1265, %parallel_loop3A_1266], %parallel_loop3A_1247 {strides = array<i32>} : memref<64x256xf32, #tpu.memory_space<vmem>>, vector<16xf32>,
        %parallel_loop3A_1268 = arith.index_cast %parallel_loop3A_1244 : i32 to index
        %parallel_loop3A_1269 = arith.constant 32 : index
        %parallel_loop3A_1270 = tpu.vector_load %arg6[%parallel_loop3A_1268, %parallel_loop3A_1269] {strides = array<i32>} : memref<64x256xf32, #tpu.memory_space<vmem>>, vector<16xf32>,
        tpu.vector_store %arg6[%parallel_loop3A_1268, %parallel_loop3A_1269], %parallel_loop3A_1248 {strides = array<i32>} : memref<64x256xf32, #tpu.memory_space<vmem>>, vector<16xf32>,
        %parallel_loop3A_1271 = arith.index_cast %parallel_loop3A_1244 : i32 to index
        %parallel_loop3A_1272 = arith.constant 48 : index
        %parallel_loop3A_1273 = tpu.vector_load %arg6[%parallel_loop3A_1271, %parallel_loop3A_1272] {strides = array<i32>} : memref<64x256xf32, #tpu.memory_space<vmem>>, vector<16xf32>,
        tpu.vector_store %arg6[%parallel_loop3A_1271, %parallel_loop3A_1272], %parallel_loop3A_1249 {strides = array<i32>} : memref<64x256xf32, #tpu.memory_space<vmem>>, vector<16xf32>,
        %parallel_loop3A_1274 = arith.index_cast %parallel_loop3A_1244 : i32 to index
        %parallel_loop3A_1275 = arith.constant 64 : index
        %parallel_loop3A_1276 = tpu.vector_load %arg6[%parallel_loop3A_1274, %parallel_loop3A_1275] {strides = array<i32>} : memref<64x256xf32, #tpu.memory_space<vmem>>, vector<16xf32>,
        tpu.vector_store %arg6[%parallel_loop3A_1274, %parallel_loop3A_1275], %parallel_loop3A_1250 {strides = array<i32>} : memref<64x256xf32, #tpu.memory_space<vmem>>, vector<16xf32>,
        %parallel_loop3A_1277 = arith.index_cast %parallel_loop3A_1244 : i32 to index
        %parallel_loop3A_1278 = arith.constant 80 : index
        %parallel_loop3A_1279 = tpu.vector_load %arg6[%parallel_loop3A_1277, %parallel_loop3A_1278] {strides = array<i32>} : memref<64x256xf32, #tpu.memory_space<vmem>>, vector<16xf32>,
        tpu.vector_store %arg6[%parallel_loop3A_1277, %parallel_loop3A_1278], %parallel_loop3A_1251 {strides = array<i32>} : memref<64x256xf32, #tpu.memory_space<vmem>>, vector<16xf32>,
        %parallel_loop3A_1280 = arith.index_cast %parallel_loop3A_1244 : i32 to index
        %parallel_loop3A_1281 = arith.constant 96 : index
        %parallel_loop3A_1282 = tpu.vector_load %arg6[%parallel_loop3A_1280, %parallel_loop3A_1281] {strides = array<i32>} : memref<64x256xf32, #tpu.memory_space<vmem>>, vector<16xf32>,
        tpu.vector_store %arg6[%parallel_loop3A_1280, %parallel_loop3A_1281], %parallel_loop3A_1252 {strides = array<i32>} : memref<64x256xf32, #tpu.memory_space<vmem>>, vector<16xf32>,
        %parallel_loop3A_1283 = arith.index_cast %parallel_loop3A_1244 : i32 to index
        %parallel_loop3A_1284 = arith.constant 112 : index
        %parallel_loop3A_1285 = tpu.vector_load %arg6[%parallel_loop3A_1283, %parallel_loop3A_1284] {strides = array<i32>} : memref<64x256xf32, #tpu.memory_space<vmem>>, vector<16xf32>,
        tpu.vector_store %arg6[%parallel_loop3A_1283, %parallel_loop3A_1284], %parallel_loop3A_1253 {strides = array<i32>} : memref<64x256xf32, #tpu.memory_space<vmem>>, vector<16xf32>,
        %parallel_loop3A_1286 = arith.index_cast %parallel_loop3A_1244 : i32 to index
        %parallel_loop3A_1287 = arith.constant 128 : index
        %parallel_loop3A_1288 = tpu.vector_load %arg6[%parallel_loop3A_1286, %parallel_loop3A_1287] {strides = array<i32>} : memref<64x256xf32, #tpu.memory_space<vmem>>, vector<16xf32>,
        tpu.vector_store %arg6[%parallel_loop3A_1286, %parallel_loop3A_1287], %parallel_loop3A_1254 {strides = array<i32>} : memref<64x256xf32, #tpu.memory_space<vmem>>, vector<16xf32>,
        %parallel_loop3A_1289 = arith.index_cast %parallel_loop3A_1244 : i32 to index
        %parallel_loop3A_1290 = arith.constant 144 : index
        %parallel_loop3A_1291 = tpu.vector_load %arg6[%parallel_loop3A_1289, %parallel_loop3A_1290] {strides = array<i32>} : memref<64x256xf32, #tpu.memory_space<vmem>>, vector<16xf32>,
        tpu.vector_store %arg6[%parallel_loop3A_1289, %parallel_loop3A_1290], %parallel_loop3A_1255 {strides = array<i32>} : memref<64x256xf32, #tpu.memory_space<vmem>>, vector<16xf32>,
        %parallel_loop3A_1292 = arith.index_cast %parallel_loop3A_1244 : i32 to index
        %parallel_loop3A_1293 = arith.constant 160 : index
        %parallel_loop3A_1294 = tpu.vector_load %arg6[%parallel_loop3A_1292, %parallel_loop3A_1293] {strides = array<i32>} : memref<64x256xf32, #tpu.memory_space<vmem>>, vector<16xf32>,
        tpu.vector_store %arg6[%parallel_loop3A_1292, %parallel_loop3A_1293], %parallel_loop3A_1256 {strides = array<i32>} : memref<64x256xf32, #tpu.memory_space<vmem>>, vector<16xf32>,
        %parallel_loop3A_1295 = arith.index_cast %parallel_loop3A_1244 : i32 to index
        %parallel_loop3A_1296 = arith.constant 176 : index
        %parallel_loop3A_1297 = tpu.vector_load %arg6[%parallel_loop3A_1295, %parallel_loop3A_1296] {strides = array<i32>} : memref<64x256xf32, #tpu.memory_space<vmem>>, vector<16xf32>,
        tpu.vector_store %arg6[%parallel_loop3A_1295, %parallel_loop3A_1296], %parallel_loop3A_1257 {strides = array<i32>} : memref<64x256xf32, #tpu.memory_space<vmem>>, vector<16xf32>,
        %parallel_loop3A_1298 = arith.index_cast %parallel_loop3A_1244 : i32 to index
        %parallel_loop3A_1299 = arith.constant 192 : index
        %parallel_loop3A_1300 = tpu.vector_load %arg6[%parallel_loop3A_1298, %parallel_loop3A_1299] {strides = array<i32>} : memref<64x256xf32, #tpu.memory_space<vmem>>, vector<16xf32>,
        tpu.vector_store %arg6[%parallel_loop3A_1298, %parallel_loop3A_1299], %parallel_loop3A_1258 {strides = array<i32>} : memref<64x256xf32, #tpu.memory_space<vmem>>, vector<16xf32>,
        %parallel_loop3A_1301 = arith.index_cast %parallel_loop3A_1244 : i32 to index
        %parallel_loop3A_1302 = arith.constant 208 : index
        %parallel_loop3A_1303 = tpu.vector_load %arg6[%parallel_loop3A_1301, %parallel_loop3A_1302] {strides = array<i32>} : memref<64x256xf32, #tpu.memory_space<vmem>>, vector<16xf32>,
        tpu.vector_store %arg6[%parallel_loop3A_1301, %parallel_loop3A_1302], %parallel_loop3A_1259 {strides = array<i32>} : memref<64x256xf32, #tpu.memory_space<vmem>>, vector<16xf32>,
        %parallel_loop3A_1304 = arith.index_cast %parallel_loop3A_1244 : i32 to index
        %parallel_loop3A_1305 = arith.constant 224 : index
        %parallel_loop3A_1306 = tpu.vector_load %arg6[%parallel_loop3A_1304, %parallel_loop3A_1305] {strides = array<i32>} : memref<64x256xf32, #tpu.memory_space<vmem>>, vector<16xf32>,
        tpu.vector_store %arg6[%parallel_loop3A_1304, %parallel_loop3A_1305], %parallel_loop3A_1260 {strides = array<i32>} : memref<64x256xf32, #tpu.memory_space<vmem>>, vector<16xf32>,
        %parallel_loop3A_1307 = arith.index_cast %parallel_loop3A_1244 : i32 to index
        %parallel_loop3A_1308 = arith.constant 240 : index
        %parallel_loop3A_1309 = tpu.vector_load %arg6[%parallel_loop3A_1307, %parallel_loop3A_1308] {strides = array<i32>} : memref<64x256xf32, #tpu.memory_space<vmem>>, vector<16xf32>,
        tpu.vector_store %arg6[%parallel_loop3A_1307, %parallel_loop3A_1308], %parallel_loop3A_1261 {strides = array<i32>} : memref<64x256xf32, #tpu.memory_space<vmem>>, vector<16xf32>,
        %parallel_loop3A_1310 = arith.constant 1 : i32
        %parallel_loop3A_1311 = vector.broadcast %parallel_loop3A_1310 : i32 to vector<16xi32>
        %parallel_loop3A_1312 = arith.addi %parallel_loop3A_1245, %parallel_loop3A_1311 : vector<16xi32>
        scf.yield %parallel_loop3A_1312 : vector<16xi32>
      } {sc.loop_unroll_factor = 1 : i64, sc.parallel_access}
      %jit3A_282 = arith.constant 2 : i32
      %div3A_283 = arith.divsi %add3A_191, %jit3A_282 : i32
      %sign3A_284 = arith.constant 0 : i32
      %sign3A_285 = arith.cmpi sgt, %add3A_191, %sign3A_284 : i32
      %sign3A_286 = arith.extui %sign3A_285 : i1 to i32
      %sign3A_287 = arith.constant 0 : i32
      %sign3A_288 = arith.cmpi slt, %add3A_191, %sign3A_287 : i32
      %sign3A_289 = arith.extui %sign3A_288 : i1 to i32
      %sign3A_290 = arith.subi %sign3A_286, %sign3A_289 : i32
      %sign3A_291 = arith.constant 0 : i32
      %sign3A_292 = arith.cmpi sgt, %jit3A_282, %sign3A_291 : i32
      %sign3A_293 = arith.extui %sign3A_292 : i1 to i32
      %sign3A_294 = arith.constant 0 : i32
      %sign3A_295 = arith.cmpi slt, %jit3A_282, %sign3A_294 : i32
      %sign3A_296 = arith.extui %sign3A_295 : i1 to i32
      %sign3A_297 = arith.subi %sign3A_293, %sign3A_296 : i32
      %ne3A_298 = arith.cmpi ne, %sign3A_290, %sign3A_297 : i32
      %rem3A_299 = arith.remsi %add3A_191, %jit3A_282 : i32
      %ne3A_300 = arith.constant 0 : i32
      %ne3A_301 = arith.cmpi ne, %rem3A_299, %ne3A_300 : i32
      %and3A_302 = arith.andi %ne3A_298, %ne3A_301 : i1
      %sub3A_303 = arith.constant 1 : i32
      %sub3A_304 = arith.subi %div3A_283, %sub3A_303 : i32
      %select_n3A_305 = arith.select %and3A_302, %sub3A_304, %div3A_283 : i32
      %jit3A_306 = arith.constant 2 : i32
      %eq3A_307 = arith.constant 0 : i32
      %eq3A_308 = arith.cmpi eq, %jit3A_306, %eq3A_307 : i32
      %jit3A_309 = arith.constant 1 : i32
      %select_n3A_310 = arith.select %eq3A_308, %jit3A_309, %jit3A_306 : i32
      %rem3A_311 = arith.remsi %add3A_191, %select_n3A_310 : i32
      %ne3A_312 = arith.constant 0 : i32
      %ne3A_313 = arith.cmpi ne, %rem3A_311, %ne3A_312 : i32
      %lt3A = arith.constant 0 : i32
      %lt3A_314 = arith.cmpi slt, %rem3A_311, %lt3A : i32
      %lt3A_315 = arith.constant 0 : i32
      %lt3A_316 = arith.cmpi slt, %select_n3A_310, %lt3A_315 : i32
      %ne3A_317 = arith.xori %lt3A_314, %lt3A_316 : i1
      %and3A_318 = arith.andi %ne3A_317, %ne3A_313 : i1
      %add3A_319 = arith.addi %rem3A_311, %select_n3A_310 : i32
      %select_n3A_320 = arith.select %and3A_318, %add3A_319, %rem3A_311 : i32
      %mul3A_321 = arith.constant 64 : i32
      %mul3A_322 = arith.muli %select_n3A_320, %mul3A_321 : i32
      %dma_start3A_323 = arith.constant 0 : i32
      %dma_start3A_324 = tpu.memref_slice %arg4[%add3A, %select_n3A_305, %mul3A_322, %dma_start3A_323] : memref<32x32x128x256xf32, #tpu.memory_space<hbm>> -> memref<1x1x64x256xf32, #tpu.memory_space<hbm>>
      %dma_start3A_325 = tpu.memref_squeeze %dma_start3A_324 : memref<1x1x64x256xf32, #tpu.memory_space<hbm>> -> memref<64x256xf32, #tpu.memory_space<hbm>>
      %dma_start3A_326 = arith.constant 0 : i32
      %dma_start3A_327 = tpu.memref_slice %arg4[%add3A, %select_n3A_305, %mul3A_322, %dma_start3A_326] : memref<32x32x128x256xf32, #tpu.memory_space<hbm>> -> memref<1x1x64x256xf32, #tpu.memory_space<hbm>>
      %dma_start3A_328 = tpu.memref_squeeze %dma_start3A_327 : memref<1x1x64x256xf32, #tpu.memory_space<hbm>> -> memref<64x256xf32, #tpu.memory_space<hbm>>
      tpu.enqueue_dma source(%arg6 : memref<64x256xf32, #tpu.memory_space<vmem>>) target(%dma_start3A_328 : memref<64x256xf32, #tpu.memory_space<hbm>>) target_semaphore(%arg20 : memref<!tpu.dma_semaphore, #tpu.memory_space<semaphore_mem>>)
      %mul3A_329 = arith.constant 7 : i32
      %mul3A_330 = arith.muli %scan3A_187, %mul3A_329 : i32
      %add3A_331 = arith.constant 1 : i32
      %add3A_332 = arith.addi %mul3A_330, %add3A_331 : i32
      %dma_wait3A_333 = arith.constant 0 : i32
      %dma_wait3A_334 = arith.constant 0 : i32
      %dma_wait3A_335 = arith.constant 0 : i32
      %dma_wait3A_336 = arith.constant 0 : i32
      %dma_wait3A_337 = tpu.memref_slice %arg2[%dma_wait3A_333, %dma_wait3A_334, %dma_wait3A_335, %dma_wait3A_336] : memref<32x32x128x256xf32, #tpu.memory_space<hbm>> -> memref<1x1x64x256xf32, #tpu.memory_space<hbm>>
      %dma_wait3A_338 = tpu.memref_squeeze %dma_wait3A_337 : memref<1x1x64x256xf32, #tpu.memory_space<hbm>> -> memref<64x256xf32, #tpu.memory_space<hbm>>
      %dma_wait3A_339 = arith.constant 0 : i32
      %dma_wait3A_340 = arith.constant 0 : i32
      %dma_wait3A_341 = tpu.memref_slice %arg2[%dma_wait3A_333, %dma_wait3A_334, %dma_wait3A_339, %dma_wait3A_340] : memref<32x32x128x256xf32, #tpu.memory_space<hbm>> -> memref<1x1x64x256xf32, #tpu.memory_space<hbm>>
      %dma_wait3A_342 = tpu.memref_squeeze %dma_wait3A_341 : memref<1x1x64x256xf32, #tpu.memory_space<hbm>> -> memref<64x256xf32, #tpu.memory_space<hbm>>
      tpu.wait_dma2 semaphore(%arg14 : memref<!tpu.dma_semaphore, #tpu.memory_space<semaphore_mem>>) src(%dma_wait3A_342 : memref<64x256xf32, #tpu.memory_space<hbm>>) dst(%arg7 : memref<64x256xf32, #tpu.memory_space<vmem>>)
      %mul3A_343 = arith.constant 7 : i32
      %mul3A_344 = arith.muli %scan3A_187, %mul3A_343 : i32
      %add3A_345 = arith.constant 4 : i32
      %add3A_346 = arith.addi %mul3A_344, %add3A_345 : i32
      %gt3A_347 = arith.constant 0 : i32
      %gt3A_348 = arith.cmpi sgt, %scan3A_187, %gt3A_347 : i32
      %convert_element_type3A_349 = arith.extui %gt3A_348 : i1 to i32
      %cond3A_350 = arith.constant 0 : i32
      %cond3A_351 = arith.cmpi ne, %convert_element_type3A_349, %cond3A_350 : i32
      scf.if %cond3A_351 {
        %dma_wait3A_1244 = arith.constant 0 : i32
        %dma_wait3A_1245 = arith.constant 0 : i32
        %dma_wait3A_1246 = arith.constant 0 : i32
        %dma_wait3A_1247 = arith.constant 0 : i32
        %dma_wait3A_1248 = tpu.memref_slice %arg4[%dma_wait3A_1244, %dma_wait3A_1245, %dma_wait3A_1246, %dma_wait3A_1247] : memref<32x32x128x256xf32, #tpu.memory_space<hbm>> -> memref<1x1x64x256xf32, #tpu.memory_space<hbm>>
        %dma_wait3A_1249 = tpu.memref_squeeze %dma_wait3A_1248 : memref<1x1x64x256xf32, #tpu.memory_space<hbm>> -> memref<64x256xf32, #tpu.memory_space<hbm>>
        %dma_wait3A_1250 = arith.constant 0 : i32
        %dma_wait3A_1251 = arith.constant 0 : i32
        %dma_wait3A_1252 = tpu.memref_slice %arg4[%dma_wait3A_1244, %dma_wait3A_1245, %dma_wait3A_1250, %dma_wait3A_1251] : memref<32x32x128x256xf32, #tpu.memory_space<hbm>> -> memref<1x1x64x256xf32, #tpu.memory_space<hbm>>
        %dma_wait3A_1253 = tpu.memref_squeeze %dma_wait3A_1252 : memref<1x1x64x256xf32, #tpu.memory_space<hbm>> -> memref<64x256xf32, #tpu.memory_space<hbm>>
        tpu.wait_dma2 semaphore(%arg24 : memref<!tpu.dma_semaphore, #tpu.memory_space<semaphore_mem>>) src(%arg10 : memref<64x256xf32, #tpu.memory_space<vmem>>) dst(%dma_wait3A_1253 : memref<64x256xf32, #tpu.memory_space<hbm>>)
        %jit3A_1254 = arith.constant 2 : i32
        %div3A_1255 = arith.divsi %add3A_346, %jit3A_1254 : i32
        %sign3A_1256 = arith.constant 0 : i32
        %sign3A_1257 = arith.cmpi sgt, %add3A_346, %sign3A_1256 : i32
        %sign3A_1258 = arith.extui %sign3A_1257 : i1 to i32
        %sign3A_1259 = arith.constant 0 : i32
        %sign3A_1260 = arith.cmpi slt, %add3A_346, %sign3A_1259 : i32
        %sign3A_1261 = arith.extui %sign3A_1260 : i1 to i32
        %sign3A_1262 = arith.subi %sign3A_1258, %sign3A_1261 : i32
        %sign3A_1263 = arith.constant 0 : i32
        %sign3A_1264 = arith.cmpi sgt, %jit3A_1254, %sign3A_1263 : i32
        %sign3A_1265 = arith.extui %sign3A_1264 : i1 to i32
        %sign3A_1266 = arith.constant 0 : i32
        %sign3A_1267 = arith.cmpi slt, %jit3A_1254, %sign3A_1266 : i32
        %sign3A_1268 = arith.extui %sign3A_1267 : i1 to i32
        %sign3A_1269 = arith.subi %sign3A_1265, %sign3A_1268 : i32
        %ne3A_1270 = arith.cmpi ne, %sign3A_1262, %sign3A_1269 : i32
        %rem3A_1271 = arith.remsi %add3A_346, %jit3A_1254 : i32
        %ne3A_1272 = arith.constant 0 : i32
        %ne3A_1273 = arith.cmpi ne, %rem3A_1271, %ne3A_1272 : i32
        %and3A_1274 = arith.andi %ne3A_1270, %ne3A_1273 : i1
        %sub3A_1275 = arith.constant 1 : i32
        %sub3A_1276 = arith.subi %div3A_1255, %sub3A_1275 : i32
        %select_n3A_1277 = arith.select %and3A_1274, %sub3A_1276, %div3A_1255 : i32
        %jit3A_1278 = arith.constant 2 : i32
        %eq3A_1279 = arith.constant 0 : i32
        %eq3A_1280 = arith.cmpi eq, %jit3A_1278, %eq3A_1279 : i32
        %jit3A_1281 = arith.constant 1 : i32
        %select_n3A_1282 = arith.select %eq3A_1280, %jit3A_1281, %jit3A_1278 : i32
        %rem3A_1283 = arith.remsi %add3A_346, %select_n3A_1282 : i32
        %ne3A_1284 = arith.constant 0 : i32
        %ne3A_1285 = arith.cmpi ne, %rem3A_1283, %ne3A_1284 : i32
        %lt3A_1286 = arith.constant 0 : i32
        %lt3A_1287 = arith.cmpi slt, %rem3A_1283, %lt3A_1286 : i32
        %lt3A_1288 = arith.constant 0 : i32
        %lt3A_1289 = arith.cmpi slt, %select_n3A_1282, %lt3A_1288 : i32
        %ne3A_1290 = arith.xori %lt3A_1287, %lt3A_1289 : i1
        %and3A_1291 = arith.andi %ne3A_1290, %ne3A_1285 : i1
        %add3A_1292 = arith.addi %rem3A_1283, %select_n3A_1282 : i32
        %select_n3A_1293 = arith.select %and3A_1291, %add3A_1292, %rem3A_1283 : i32
        %mul3A_1294 = arith.constant 64 : i32
        %mul3A_1295 = arith.muli %select_n3A_1293, %mul3A_1294 : i32
        %dma_start3A_1296 = arith.constant 0 : i32
        %dma_start3A_1297 = tpu.memref_slice %arg2[%add3A, %select_n3A_1277, %mul3A_1295, %dma_start3A_1296] : memref<32x32x128x256xf32, #tpu.memory_space<hbm>> -> memref<1x1x64x256xf32, #tpu.memory_space<hbm>>
        %dma_start3A_1298 = tpu.memref_squeeze %dma_start3A_1297 : memref<1x1x64x256xf32, #tpu.memory_space<hbm>> -> memref<64x256xf32, #tpu.memory_space<hbm>>
        %dma_start3A_1299 = arith.constant 0 : i32
        %dma_start3A_1300 = tpu.memref_slice %arg2[%add3A, %select_n3A_1277, %mul3A_1295, %dma_start3A_1299] : memref<32x32x128x256xf32, #tpu.memory_space<hbm>> -> memref<1x1x64x256xf32, #tpu.memory_space<hbm>>
        %dma_start3A_1301 = tpu.memref_squeeze %dma_start3A_1300 : memref<1x1x64x256xf32, #tpu.memory_space<hbm>> -> memref<64x256xf32, #tpu.memory_space<hbm>>
        tpu.enqueue_dma source(%dma_start3A_1301 : memref<64x256xf32, #tpu.memory_space<hbm>>) target(%arg10 : memref<64x256xf32, #tpu.memory_space<vmem>>) target_semaphore(%arg17 : memref<!tpu.dma_semaphore, #tpu.memory_space<semaphore_mem>>)
      } else {
      }
      %eq3A_352 = arith.constant 0 : i32
      %eq3A_353 = arith.cmpi eq, %scan3A_187, %eq3A_352 : i32
      %convert_element_type3A_354 = arith.extui %eq3A_353 : i1 to i32
      %cond3A_355 = arith.constant 0 : i32
      %cond3A_356 = arith.cmpi ne, %convert_element_type3A_354, %cond3A_355 : i32
      scf.if %cond3A_356 {
        %jit3A_1244 = arith.constant 2 : i32
        %div3A_1245 = arith.divsi %add3A_346, %jit3A_1244 : i32
        %sign3A_1246 = arith.constant 0 : i32
        %sign3A_1247 = arith.cmpi sgt, %add3A_346, %sign3A_1246 : i32
        %sign3A_1248 = arith.extui %sign3A_1247 : i1 to i32
        %sign3A_1249 = arith.constant 0 : i32
        %sign3A_1250 = arith.cmpi slt, %add3A_346, %sign3A_1249 : i32
        %sign3A_1251 = arith.extui %sign3A_1250 : i1 to i32
        %sign3A_1252 = arith.subi %sign3A_1248, %sign3A_1251 : i32
        %sign3A_1253 = arith.constant 0 : i32
        %sign3A_1254 = arith.cmpi sgt, %jit3A_1244, %sign3A_1253 : i32
        %sign3A_1255 = arith.extui %sign3A_1254 : i1 to i32
        %sign3A_1256 = arith.constant 0 : i32
        %sign3A_1257 = arith.cmpi slt, %jit3A_1244, %sign3A_1256 : i32
        %sign3A_1258 = arith.extui %sign3A_1257 : i1 to i32
        %sign3A_1259 = arith.subi %sign3A_1255, %sign3A_1258 : i32
        %ne3A_1260 = arith.cmpi ne, %sign3A_1252, %sign3A_1259 : i32
        %rem3A_1261 = arith.remsi %add3A_346, %jit3A_1244 : i32
        %ne3A_1262 = arith.constant 0 : i32
        %ne3A_1263 = arith.cmpi ne, %rem3A_1261, %ne3A_1262 : i32
        %and3A_1264 = arith.andi %ne3A_1260, %ne3A_1263 : i1
        %sub3A_1265 = arith.constant 1 : i32
        %sub3A_1266 = arith.subi %div3A_1245, %sub3A_1265 : i32
        %select_n3A_1267 = arith.select %and3A_1264, %sub3A_1266, %div3A_1245 : i32
        %jit3A_1268 = arith.constant 2 : i32
        %eq3A_1269 = arith.constant 0 : i32
        %eq3A_1270 = arith.cmpi eq, %jit3A_1268, %eq3A_1269 : i32
        %jit3A_1271 = arith.constant 1 : i32
        %select_n3A_1272 = arith.select %eq3A_1270, %jit3A_1271, %jit3A_1268 : i32
        %rem3A_1273 = arith.remsi %add3A_346, %select_n3A_1272 : i32
        %ne3A_1274 = arith.constant 0 : i32
        %ne3A_1275 = arith.cmpi ne, %rem3A_1273, %ne3A_1274 : i32
        %lt3A_1276 = arith.constant 0 : i32
        %lt3A_1277 = arith.cmpi slt, %rem3A_1273, %lt3A_1276 : i32
        %lt3A_1278 = arith.constant 0 : i32
        %lt3A_1279 = arith.cmpi slt, %select_n3A_1272, %lt3A_1278 : i32
        %ne3A_1280 = arith.xori %lt3A_1277, %lt3A_1279 : i1
        %and3A_1281 = arith.andi %ne3A_1280, %ne3A_1275 : i1
        %add3A_1282 = arith.addi %rem3A_1273, %select_n3A_1272 : i32
        %select_n3A_1283 = arith.select %and3A_1281, %add3A_1282, %rem3A_1273 : i32
        %mul3A_1284 = arith.constant 64 : i32
        %mul3A_1285 = arith.muli %select_n3A_1283, %mul3A_1284 : i32
        %dma_start3A_1286 = arith.constant 0 : i32
        %dma_start3A_1287 = tpu.memref_slice %arg2[%add3A, %select_n3A_1267, %mul3A_1285, %dma_start3A_1286] : memref<32x32x128x256xf32, #tpu.memory_space<hbm>> -> memref<1x1x64x256xf32, #tpu.memory_space<hbm>>
        %dma_start3A_1288 = tpu.memref_squeeze %dma_start3A_1287 : memref<1x1x64x256xf32, #tpu.memory_space<hbm>> -> memref<64x256xf32, #tpu.memory_space<hbm>>
        %dma_start3A_1289 = arith.constant 0 : i32
        %dma_start3A_1290 = tpu.memref_slice %arg2[%add3A, %select_n3A_1267, %mul3A_1285, %dma_start3A_1289] : memref<32x32x128x256xf32, #tpu.memory_space<hbm>> -> memref<1x1x64x256xf32, #tpu.memory_space<hbm>>
        %dma_start3A_1291 = tpu.memref_squeeze %dma_start3A_1290 : memref<1x1x64x256xf32, #tpu.memory_space<hbm>> -> memref<64x256xf32, #tpu.memory_space<hbm>>
        tpu.enqueue_dma source(%dma_start3A_1291 : memref<64x256xf32, #tpu.memory_space<hbm>>) target(%arg10 : memref<64x256xf32, #tpu.memory_space<vmem>>) target_semaphore(%arg17 : memref<!tpu.dma_semaphore, #tpu.memory_space<semaphore_mem>>)
      } else {
      }
      %jit3A_357 = arith.constant 2 : i32
      %div3A_358 = arith.divsi %add3A_332, %jit3A_357 : i32
      %sign3A_359 = arith.constant 0 : i32
      %sign3A_360 = arith.cmpi sgt, %add3A_332, %sign3A_359 : i32
      %sign3A_361 = arith.extui %sign3A_360 : i1 to i32
      %sign3A_362 = arith.constant 0 : i32
      %sign3A_363 = arith.cmpi slt, %add3A_332, %sign3A_362 : i32
      %sign3A_364 = arith.extui %sign3A_363 : i1 to i32
      %sign3A_365 = arith.subi %sign3A_361, %sign3A_364 : i32
      %sign3A_366 = arith.constant 0 : i32
      %sign3A_367 = arith.cmpi sgt, %jit3A_357, %sign3A_366 : i32
      %sign3A_368 = arith.extui %sign3A_367 : i1 to i32
      %sign3A_369 = arith.constant 0 : i32
      %sign3A_370 = arith.cmpi slt, %jit3A_357, %sign3A_369 : i32
      %sign3A_371 = arith.extui %sign3A_370 : i1 to i32
      %sign3A_372 = arith.subi %sign3A_368, %sign3A_371 : i32
      %ne3A_373 = arith.cmpi ne, %sign3A_365, %sign3A_372 : i32
      %rem3A_374 = arith.remsi %add3A_332, %jit3A_357 : i32
      %ne3A_375 = arith.constant 0 : i32
      %ne3A_376 = arith.cmpi ne, %rem3A_374, %ne3A_375 : i32
      %and3A_377 = arith.andi %ne3A_373, %ne3A_376 : i1
      %sub3A_378 = arith.constant 1 : i32
      %sub3A_379 = arith.subi %div3A_358, %sub3A_378 : i32
      %select_n3A_380 = arith.select %and3A_377, %sub3A_379, %div3A_358 : i32
      %get3A_381 = arith.index_cast %select_n3A_380 : i32 to index
      %get3A_382 = arith.constant 0 : index
      %get3A_383 = tpu.vector_load %arg5[%get3A_381, %get3A_382] {strides = array<i32>} : memref<32x256xi32, #tpu.memory_space<vmem>>, vector<16xi32>,
      %get3A_384 = arith.index_cast %select_n3A_380 : i32 to index
      %get3A_385 = arith.constant 16 : index
      %get3A_386 = tpu.vector_load %arg5[%get3A_384, %get3A_385] {strides = array<i32>} : memref<32x256xi32, #tpu.memory_space<vmem>>, vector<16xi32>,
      %get3A_387 = arith.index_cast %select_n3A_380 : i32 to index
      %get3A_388 = arith.constant 32 : index
      %get3A_389 = tpu.vector_load %arg5[%get3A_387, %get3A_388] {strides = array<i32>} : memref<32x256xi32, #tpu.memory_space<vmem>>, vector<16xi32>,
      %get3A_390 = arith.index_cast %select_n3A_380 : i32 to index
      %get3A_391 = arith.constant 48 : index
      %get3A_392 = tpu.vector_load %arg5[%get3A_390, %get3A_391] {strides = array<i32>} : memref<32x256xi32, #tpu.memory_space<vmem>>, vector<16xi32>,
      %get3A_393 = arith.index_cast %select_n3A_380 : i32 to index
      %get3A_394 = arith.constant 64 : index
      %get3A_395 = tpu.vector_load %arg5[%get3A_393, %get3A_394] {strides = array<i32>} : memref<32x256xi32, #tpu.memory_space<vmem>>, vector<16xi32>,
      %get3A_396 = arith.index_cast %select_n3A_380 : i32 to index
      %get3A_397 = arith.constant 80 : index
      %get3A_398 = tpu.vector_load %arg5[%get3A_396, %get3A_397] {strides = array<i32>} : memref<32x256xi32, #tpu.memory_space<vmem>>, vector<16xi32>,
      %get3A_399 = arith.index_cast %select_n3A_380 : i32 to index
      %get3A_400 = arith.constant 96 : index
      %get3A_401 = tpu.vector_load %arg5[%get3A_399, %get3A_400] {strides = array<i32>} : memref<32x256xi32, #tpu.memory_space<vmem>>, vector<16xi32>,
      %get3A_402 = arith.index_cast %select_n3A_380 : i32 to index
      %get3A_403 = arith.constant 112 : index
      %get3A_404 = tpu.vector_load %arg5[%get3A_402, %get3A_403] {strides = array<i32>} : memref<32x256xi32, #tpu.memory_space<vmem>>, vector<16xi32>,
      %get3A_405 = arith.index_cast %select_n3A_380 : i32 to index
      %get3A_406 = arith.constant 128 : index
      %get3A_407 = tpu.vector_load %arg5[%get3A_405, %get3A_406] {strides = array<i32>} : memref<32x256xi32, #tpu.memory_space<vmem>>, vector<16xi32>,
      %get3A_408 = arith.index_cast %select_n3A_380 : i32 to index
      %get3A_409 = arith.constant 144 : index
      %get3A_410 = tpu.vector_load %arg5[%get3A_408, %get3A_409] {strides = array<i32>} : memref<32x256xi32, #tpu.memory_space<vmem>>, vector<16xi32>,
      %get3A_411 = arith.index_cast %select_n3A_380 : i32 to index
      %get3A_412 = arith.constant 160 : index
      %get3A_413 = tpu.vector_load %arg5[%get3A_411, %get3A_412] {strides = array<i32>} : memref<32x256xi32, #tpu.memory_space<vmem>>, vector<16xi32>,
      %get3A_414 = arith.index_cast %select_n3A_380 : i32 to index
      %get3A_415 = arith.constant 176 : index
      %get3A_416 = tpu.vector_load %arg5[%get3A_414, %get3A_415] {strides = array<i32>} : memref<32x256xi32, #tpu.memory_space<vmem>>, vector<16xi32>,
      %get3A_417 = arith.index_cast %select_n3A_380 : i32 to index
      %get3A_418 = arith.constant 192 : index
      %get3A_419 = tpu.vector_load %arg5[%get3A_417, %get3A_418] {strides = array<i32>} : memref<32x256xi32, #tpu.memory_space<vmem>>, vector<16xi32>,
      %get3A_420 = arith.index_cast %select_n3A_380 : i32 to index
      %get3A_421 = arith.constant 208 : index
      %get3A_422 = tpu.vector_load %arg5[%get3A_420, %get3A_421] {strides = array<i32>} : memref<32x256xi32, #tpu.memory_space<vmem>>, vector<16xi32>,
      %get3A_423 = arith.index_cast %select_n3A_380 : i32 to index
      %get3A_424 = arith.constant 224 : index
      %get3A_425 = tpu.vector_load %arg5[%get3A_423, %get3A_424] {strides = array<i32>} : memref<32x256xi32, #tpu.memory_space<vmem>>, vector<16xi32>,
      %get3A_426 = arith.index_cast %select_n3A_380 : i32 to index
      %get3A_427 = arith.constant 240 : index
      %get3A_428 = tpu.vector_load %arg5[%get3A_426, %get3A_427] {strides = array<i32>} : memref<32x256xi32, #tpu.memory_space<vmem>>, vector<16xi32>,
      %broadcast_in_dim3A_429 = arith.constant 0 : i32
      %broadcast_in_dim3A_430 = vector.broadcast %broadcast_in_dim3A_429 : i32 to vector<16xi32>
      %parallel_loop3A_431 = arith.constant 0 : i32
      %parallel_loop3A_432 = arith.constant 64 : i32
      %parallel_loop3A_433 = arith.constant 1 : i32
      %parallel_loop3A_434 = scf.for %parallel_loop3A_1244 = %parallel_loop3A_431 to %parallel_loop3A_432 step %parallel_loop3A_433 iter_args(%parallel_loop3A_1245 = %broadcast_in_dim3A_430) -> (vector<16xi32>)  : i32 {
        %parallel_loop3A_1246 = tpu.vector_load_idx %arg7[%parallel_loop3A_1245, %get3A_383] : memref<64x256xf32, #tpu.memory_space<vmem>>[vector<16xi32>, vector<16xi32>], vector<16xf32>,
        %parallel_loop3A_1247 = tpu.vector_load_idx %arg7[%parallel_loop3A_1245, %get3A_386] : memref<64x256xf32, #tpu.memory_space<vmem>>[vector<16xi32>, vector<16xi32>], vector<16xf32>,
        %parallel_loop3A_1248 = tpu.vector_load_idx %arg7[%parallel_loop3A_1245, %get3A_389] : memref<64x256xf32, #tpu.memory_space<vmem>>[vector<16xi32>, vector<16xi32>], vector<16xf32>,
        %parallel_loop3A_1249 = tpu.vector_load_idx %arg7[%parallel_loop3A_1245, %get3A_392] : memref<64x256xf32, #tpu.memory_space<vmem>>[vector<16xi32>, vector<16xi32>], vector<16xf32>,
        %parallel_loop3A_1250 = tpu.vector_load_idx %arg7[%parallel_loop3A_1245, %get3A_395] : memref<64x256xf32, #tpu.memory_space<vmem>>[vector<16xi32>, vector<16xi32>], vector<16xf32>,
        %parallel_loop3A_1251 = tpu.vector_load_idx %arg7[%parallel_loop3A_1245, %get3A_398] : memref<64x256xf32, #tpu.memory_space<vmem>>[vector<16xi32>, vector<16xi32>], vector<16xf32>,
        %parallel_loop3A_1252 = tpu.vector_load_idx %arg7[%parallel_loop3A_1245, %get3A_401] : memref<64x256xf32, #tpu.memory_space<vmem>>[vector<16xi32>, vector<16xi32>], vector<16xf32>,
        %parallel_loop3A_1253 = tpu.vector_load_idx %arg7[%parallel_loop3A_1245, %get3A_404] : memref<64x256xf32, #tpu.memory_space<vmem>>[vector<16xi32>, vector<16xi32>], vector<16xf32>,
        %parallel_loop3A_1254 = tpu.vector_load_idx %arg7[%parallel_loop3A_1245, %get3A_407] : memref<64x256xf32, #tpu.memory_space<vmem>>[vector<16xi32>, vector<16xi32>], vector<16xf32>,
        %parallel_loop3A_1255 = tpu.vector_load_idx %arg7[%parallel_loop3A_1245, %get3A_410] : memref<64x256xf32, #tpu.memory_space<vmem>>[vector<16xi32>, vector<16xi32>], vector<16xf32>,
        %parallel_loop3A_1256 = tpu.vector_load_idx %arg7[%parallel_loop3A_1245, %get3A_413] : memref<64x256xf32, #tpu.memory_space<vmem>>[vector<16xi32>, vector<16xi32>], vector<16xf32>,
        %parallel_loop3A_1257 = tpu.vector_load_idx %arg7[%parallel_loop3A_1245, %get3A_416] : memref<64x256xf32, #tpu.memory_space<vmem>>[vector<16xi32>, vector<16xi32>], vector<16xf32>,
        %parallel_loop3A_1258 = tpu.vector_load_idx %arg7[%parallel_loop3A_1245, %get3A_419] : memref<64x256xf32, #tpu.memory_space<vmem>>[vector<16xi32>, vector<16xi32>], vector<16xf32>,
        %parallel_loop3A_1259 = tpu.vector_load_idx %arg7[%parallel_loop3A_1245, %get3A_422] : memref<64x256xf32, #tpu.memory_space<vmem>>[vector<16xi32>, vector<16xi32>], vector<16xf32>,
        %parallel_loop3A_1260 = tpu.vector_load_idx %arg7[%parallel_loop3A_1245, %get3A_425] : memref<64x256xf32, #tpu.memory_space<vmem>>[vector<16xi32>, vector<16xi32>], vector<16xf32>,
        %parallel_loop3A_1261 = tpu.vector_load_idx %arg7[%parallel_loop3A_1245, %get3A_428] : memref<64x256xf32, #tpu.memory_space<vmem>>[vector<16xi32>, vector<16xi32>], vector<16xf32>,
        %parallel_loop3A_1262 = arith.index_cast %parallel_loop3A_1244 : i32 to index
        %parallel_loop3A_1263 = arith.constant 0 : index
        %parallel_loop3A_1264 = tpu.vector_load %arg7[%parallel_loop3A_1262, %parallel_loop3A_1263] {strides = array<i32>} : memref<64x256xf32, #tpu.memory_space<vmem>>, vector<16xf32>,
        tpu.vector_store %arg7[%parallel_loop3A_1262, %parallel_loop3A_1263], %parallel_loop3A_1246 {strides = array<i32>} : memref<64x256xf32, #tpu.memory_space<vmem>>, vector<16xf32>,
        %parallel_loop3A_1265 = arith.index_cast %parallel_loop3A_1244 : i32 to index
        %parallel_loop3A_1266 = arith.constant 16 : index
        %parallel_loop3A_1267 = tpu.vector_load %arg7[%parallel_loop3A_1265, %parallel_loop3A_1266] {strides = array<i32>} : memref<64x256xf32, #tpu.memory_space<vmem>>, vector<16xf32>,
        tpu.vector_store %arg7[%parallel_loop3A_1265, %parallel_loop3A_1266], %parallel_loop3A_1247 {strides = array<i32>} : memref<64x256xf32, #tpu.memory_space<vmem>>, vector<16xf32>,
        %parallel_loop3A_1268 = arith.index_cast %parallel_loop3A_1244 : i32 to index
        %parallel_loop3A_1269 = arith.constant 32 : index
        %parallel_loop3A_1270 = tpu.vector_load %arg7[%parallel_loop3A_1268, %parallel_loop3A_1269] {strides = array<i32>} : memref<64x256xf32, #tpu.memory_space<vmem>>, vector<16xf32>,
        tpu.vector_store %arg7[%parallel_loop3A_1268, %parallel_loop3A_1269], %parallel_loop3A_1248 {strides = array<i32>} : memref<64x256xf32, #tpu.memory_space<vmem>>, vector<16xf32>,
        %parallel_loop3A_1271 = arith.index_cast %parallel_loop3A_1244 : i32 to index
        %parallel_loop3A_1272 = arith.constant 48 : index
        %parallel_loop3A_1273 = tpu.vector_load %arg7[%parallel_loop3A_1271, %parallel_loop3A_1272] {strides = array<i32>} : memref<64x256xf32, #tpu.memory_space<vmem>>, vector<16xf32>,
        tpu.vector_store %arg7[%parallel_loop3A_1271, %parallel_loop3A_1272], %parallel_loop3A_1249 {strides = array<i32>} : memref<64x256xf32, #tpu.memory_space<vmem>>, vector<16xf32>,
        %parallel_loop3A_1274 = arith.index_cast %parallel_loop3A_1244 : i32 to index
        %parallel_loop3A_1275 = arith.constant 64 : index
        %parallel_loop3A_1276 = tpu.vector_load %arg7[%parallel_loop3A_1274, %parallel_loop3A_1275] {strides = array<i32>} : memref<64x256xf32, #tpu.memory_space<vmem>>, vector<16xf32>,
        tpu.vector_store %arg7[%parallel_loop3A_1274, %parallel_loop3A_1275], %parallel_loop3A_1250 {strides = array<i32>} : memref<64x256xf32, #tpu.memory_space<vmem>>, vector<16xf32>,
        %parallel_loop3A_1277 = arith.index_cast %parallel_loop3A_1244 : i32 to index
        %parallel_loop3A_1278 = arith.constant 80 : index
        %parallel_loop3A_1279 = tpu.vector_load %arg7[%parallel_loop3A_1277, %parallel_loop3A_1278] {strides = array<i32>} : memref<64x256xf32, #tpu.memory_space<vmem>>, vector<16xf32>,
        tpu.vector_store %arg7[%parallel_loop3A_1277, %parallel_loop3A_1278], %parallel_loop3A_1251 {strides = array<i32>} : memref<64x256xf32, #tpu.memory_space<vmem>>, vector<16xf32>,
        %parallel_loop3A_1280 = arith.index_cast %parallel_loop3A_1244 : i32 to index
        %parallel_loop3A_1281 = arith.constant 96 : index
        %parallel_loop3A_1282 = tpu.vector_load %arg7[%parallel_loop3A_1280, %parallel_loop3A_1281] {strides = array<i32>} : memref<64x256xf32, #tpu.memory_space<vmem>>, vector<16xf32>,
        tpu.vector_store %arg7[%parallel_loop3A_1280, %parallel_loop3A_1281], %parallel_loop3A_1252 {strides = array<i32>} : memref<64x256xf32, #tpu.memory_space<vmem>>, vector<16xf32>,
        %parallel_loop3A_1283 = arith.index_cast %parallel_loop3A_1244 : i32 to index
        %parallel_loop3A_1284 = arith.constant 112 : index
        %parallel_loop3A_1285 = tpu.vector_load %arg7[%parallel_loop3A_1283, %parallel_loop3A_1284] {strides = array<i32>} : memref<64x256xf32, #tpu.memory_space<vmem>>, vector<16xf32>,
        tpu.vector_store %arg7[%parallel_loop3A_1283, %parallel_loop3A_1284], %parallel_loop3A_1253 {strides = array<i32>} : memref<64x256xf32, #tpu.memory_space<vmem>>, vector<16xf32>,
        %parallel_loop3A_1286 = arith.index_cast %parallel_loop3A_1244 : i32 to index
        %parallel_loop3A_1287 = arith.constant 128 : index
        %parallel_loop3A_1288 = tpu.vector_load %arg7[%parallel_loop3A_1286, %parallel_loop3A_1287] {strides = array<i32>} : memref<64x256xf32, #tpu.memory_space<vmem>>, vector<16xf32>,
        tpu.vector_store %arg7[%parallel_loop3A_1286, %parallel_loop3A_1287], %parallel_loop3A_1254 {strides = array<i32>} : memref<64x256xf32, #tpu.memory_space<vmem>>, vector<16xf32>,
        %parallel_loop3A_1289 = arith.index_cast %parallel_loop3A_1244 : i32 to index
        %parallel_loop3A_1290 = arith.constant 144 : index
        %parallel_loop3A_1291 = tpu.vector_load %arg7[%parallel_loop3A_1289, %parallel_loop3A_1290] {strides = array<i32>} : memref<64x256xf32, #tpu.memory_space<vmem>>, vector<16xf32>,
        tpu.vector_store %arg7[%parallel_loop3A_1289, %parallel_loop3A_1290], %parallel_loop3A_1255 {strides = array<i32>} : memref<64x256xf32, #tpu.memory_space<vmem>>, vector<16xf32>,
        %parallel_loop3A_1292 = arith.index_cast %parallel_loop3A_1244 : i32 to index
        %parallel_loop3A_1293 = arith.constant 160 : index
        %parallel_loop3A_1294 = tpu.vector_load %arg7[%parallel_loop3A_1292, %parallel_loop3A_1293] {strides = array<i32>} : memref<64x256xf32, #tpu.memory_space<vmem>>, vector<16xf32>,
        tpu.vector_store %arg7[%parallel_loop3A_1292, %parallel_loop3A_1293], %parallel_loop3A_1256 {strides = array<i32>} : memref<64x256xf32, #tpu.memory_space<vmem>>, vector<16xf32>,
        %parallel_loop3A_1295 = arith.index_cast %parallel_loop3A_1244 : i32 to index
        %parallel_loop3A_1296 = arith.constant 176 : index
        %parallel_loop3A_1297 = tpu.vector_load %arg7[%parallel_loop3A_1295, %parallel_loop3A_1296] {strides = array<i32>} : memref<64x256xf32, #tpu.memory_space<vmem>>, vector<16xf32>,
        tpu.vector_store %arg7[%parallel_loop3A_1295, %parallel_loop3A_1296], %parallel_loop3A_1257 {strides = array<i32>} : memref<64x256xf32, #tpu.memory_space<vmem>>, vector<16xf32>,
        %parallel_loop3A_1298 = arith.index_cast %parallel_loop3A_1244 : i32 to index
        %parallel_loop3A_1299 = arith.constant 192 : index
        %parallel_loop3A_1300 = tpu.vector_load %arg7[%parallel_loop3A_1298, %parallel_loop3A_1299] {strides = array<i32>} : memref<64x256xf32, #tpu.memory_space<vmem>>, vector<16xf32>,
        tpu.vector_store %arg7[%parallel_loop3A_1298, %parallel_loop3A_1299], %parallel_loop3A_1258 {strides = array<i32>} : memref<64x256xf32, #tpu.memory_space<vmem>>, vector<16xf32>,
        %parallel_loop3A_1301 = arith.index_cast %parallel_loop3A_1244 : i32 to index
        %parallel_loop3A_1302 = arith.constant 208 : index
        %parallel_loop3A_1303 = tpu.vector_load %arg7[%parallel_loop3A_1301, %parallel_loop3A_1302] {strides = array<i32>} : memref<64x256xf32, #tpu.memory_space<vmem>>, vector<16xf32>,
        tpu.vector_store %arg7[%parallel_loop3A_1301, %parallel_loop3A_1302], %parallel_loop3A_1259 {strides = array<i32>} : memref<64x256xf32, #tpu.memory_space<vmem>>, vector<16xf32>,
        %parallel_loop3A_1304 = arith.index_cast %parallel_loop3A_1244 : i32 to index
        %parallel_loop3A_1305 = arith.constant 224 : index
        %parallel_loop3A_1306 = tpu.vector_load %arg7[%parallel_loop3A_1304, %parallel_loop3A_1305] {strides = array<i32>} : memref<64x256xf32, #tpu.memory_space<vmem>>, vector<16xf32>,
        tpu.vector_store %arg7[%parallel_loop3A_1304, %parallel_loop3A_1305], %parallel_loop3A_1260 {strides = array<i32>} : memref<64x256xf32, #tpu.memory_space<vmem>>, vector<16xf32>,
        %parallel_loop3A_1307 = arith.index_cast %parallel_loop3A_1244 : i32 to index
        %parallel_loop3A_1308 = arith.constant 240 : index
        %parallel_loop3A_1309 = tpu.vector_load %arg7[%parallel_loop3A_1307, %parallel_loop3A_1308] {strides = array<i32>} : memref<64x256xf32, #tpu.memory_space<vmem>>, vector<16xf32>,
        tpu.vector_store %arg7[%parallel_loop3A_1307, %parallel_loop3A_1308], %parallel_loop3A_1261 {strides = array<i32>} : memref<64x256xf32, #tpu.memory_space<vmem>>, vector<16xf32>,
        %parallel_loop3A_1310 = arith.constant 1 : i32
        %parallel_loop3A_1311 = vector.broadcast %parallel_loop3A_1310 : i32 to vector<16xi32>
        %parallel_loop3A_1312 = arith.addi %parallel_loop3A_1245, %parallel_loop3A_1311 : vector<16xi32>
        scf.yield %parallel_loop3A_1312 : vector<16xi32>
      } {sc.loop_unroll_factor = 1 : i64, sc.parallel_access}
      %jit3A_435 = arith.constant 2 : i32
      %div3A_436 = arith.divsi %add3A_332, %jit3A_435 : i32
      %sign3A_437 = arith.constant 0 : i32
      %sign3A_438 = arith.cmpi sgt, %add3A_332, %sign3A_437 : i32
      %sign3A_439 = arith.extui %sign3A_438 : i1 to i32
      %sign3A_440 = arith.constant 0 : i32
      %sign3A_441 = arith.cmpi slt, %add3A_332, %sign3A_440 : i32
      %sign3A_442 = arith.extui %sign3A_441 : i1 to i32
      %sign3A_443 = arith.subi %sign3A_439, %sign3A_442 : i32
      %sign3A_444 = arith.constant 0 : i32
      %sign3A_445 = arith.cmpi sgt, %jit3A_435, %sign3A_444 : i32
      %sign3A_446 = arith.extui %sign3A_445 : i1 to i32
      %sign3A_447 = arith.constant 0 : i32
      %sign3A_448 = arith.cmpi slt, %jit3A_435, %sign3A_447 : i32
      %sign3A_449 = arith.extui %sign3A_448 : i1 to i32
      %sign3A_450 = arith.subi %sign3A_446, %sign3A_449 : i32
      %ne3A_451 = arith.cmpi ne, %sign3A_443, %sign3A_450 : i32
      %rem3A_452 = arith.remsi %add3A_332, %jit3A_435 : i32
      %ne3A_453 = arith.constant 0 : i32
      %ne3A_454 = arith.cmpi ne, %rem3A_452, %ne3A_453 : i32
      %and3A_455 = arith.andi %ne3A_451, %ne3A_454 : i1
      %sub3A_456 = arith.constant 1 : i32
      %sub3A_457 = arith.subi %div3A_436, %sub3A_456 : i32
      %select_n3A_458 = arith.select %and3A_455, %sub3A_457, %div3A_436 : i32
      %jit3A_459 = arith.constant 2 : i32
      %eq3A_460 = arith.constant 0 : i32
      %eq3A_461 = arith.cmpi eq, %jit3A_459, %eq3A_460 : i32
      %jit3A_462 = arith.constant 1 : i32
      %select_n3A_463 = arith.select %eq3A_461, %jit3A_462, %jit3A_459 : i32
      %rem3A_464 = arith.remsi %add3A_332, %select_n3A_463 : i32
      %ne3A_465 = arith.constant 0 : i32
      %ne3A_466 = arith.cmpi ne, %rem3A_464, %ne3A_465 : i32
      %lt3A_467 = arith.constant 0 : i32
      %lt3A_468 = arith.cmpi slt, %rem3A_464, %lt3A_467 : i32
      %lt3A_469 = arith.constant 0 : i32
      %lt3A_470 = arith.cmpi slt, %select_n3A_463, %lt3A_469 : i32
      %ne3A_471 = arith.xori %lt3A_468, %lt3A_470 : i1
      %and3A_472 = arith.andi %ne3A_471, %ne3A_466 : i1
      %add3A_473 = arith.addi %rem3A_464, %select_n3A_463 : i32
      %select_n3A_474 = arith.select %and3A_472, %add3A_473, %rem3A_464 : i32
      %mul3A_475 = arith.constant 64 : i32
      %mul3A_476 = arith.muli %select_n3A_474, %mul3A_475 : i32
      %dma_start3A_477 = arith.constant 0 : i32
      %dma_start3A_478 = tpu.memref_slice %arg4[%add3A, %select_n3A_458, %mul3A_476, %dma_start3A_477] : memref<32x32x128x256xf32, #tpu.memory_space<hbm>> -> memref<1x1x64x256xf32, #tpu.memory_space<hbm>>
      %dma_start3A_479 = tpu.memref_squeeze %dma_start3A_478 : memref<1x1x64x256xf32, #tpu.memory_space<hbm>> -> memref<64x256xf32, #tpu.memory_space<hbm>>
      %dma_start3A_480 = arith.constant 0 : i32
      %dma_start3A_481 = tpu.memref_slice %arg4[%add3A, %select_n3A_458, %mul3A_476, %dma_start3A_480] : memref<32x32x128x256xf32, #tpu.memory_space<hbm>> -> memref<1x1x64x256xf32, #tpu.memory_space<hbm>>
      %dma_start3A_482 = tpu.memref_squeeze %dma_start3A_481 : memref<1x1x64x256xf32, #tpu.memory_space<hbm>> -> memref<64x256xf32, #tpu.memory_space<hbm>>
      tpu.enqueue_dma source(%arg7 : memref<64x256xf32, #tpu.memory_space<vmem>>) target(%dma_start3A_482 : memref<64x256xf32, #tpu.memory_space<hbm>>) target_semaphore(%arg21 : memref<!tpu.dma_semaphore, #tpu.memory_space<semaphore_mem>>)
      %mul3A_483 = arith.constant 7 : i32
      %mul3A_484 = arith.muli %scan3A_187, %mul3A_483 : i32
      %add3A_485 = arith.constant 2 : i32
      %add3A_486 = arith.addi %mul3A_484, %add3A_485 : i32
      %dma_wait3A_487 = arith.constant 0 : i32
      %dma_wait3A_488 = arith.constant 0 : i32
      %dma_wait3A_489 = arith.constant 0 : i32
      %dma_wait3A_490 = arith.constant 0 : i32
      %dma_wait3A_491 = tpu.memref_slice %arg2[%dma_wait3A_487, %dma_wait3A_488, %dma_wait3A_489, %dma_wait3A_490] : memref<32x32x128x256xf32, #tpu.memory_space<hbm>> -> memref<1x1x64x256xf32, #tpu.memory_space<hbm>>
      %dma_wait3A_492 = tpu.memref_squeeze %dma_wait3A_491 : memref<1x1x64x256xf32, #tpu.memory_space<hbm>> -> memref<64x256xf32, #tpu.memory_space<hbm>>
      %dma_wait3A_493 = arith.constant 0 : i32
      %dma_wait3A_494 = arith.constant 0 : i32
      %dma_wait3A_495 = tpu.memref_slice %arg2[%dma_wait3A_487, %dma_wait3A_488, %dma_wait3A_493, %dma_wait3A_494] : memref<32x32x128x256xf32, #tpu.memory_space<hbm>> -> memref<1x1x64x256xf32, #tpu.memory_space<hbm>>
      %dma_wait3A_496 = tpu.memref_squeeze %dma_wait3A_495 : memref<1x1x64x256xf32, #tpu.memory_space<hbm>> -> memref<64x256xf32, #tpu.memory_space<hbm>>
      tpu.wait_dma2 semaphore(%arg15 : memref<!tpu.dma_semaphore, #tpu.memory_space<semaphore_mem>>) src(%dma_wait3A_496 : memref<64x256xf32, #tpu.memory_space<hbm>>) dst(%arg8 : memref<64x256xf32, #tpu.memory_space<vmem>>)
      %mul3A_497 = arith.constant 7 : i32
      %mul3A_498 = arith.muli %scan3A_187, %mul3A_497 : i32
      %add3A_499 = arith.constant 5 : i32
      %add3A_500 = arith.addi %mul3A_498, %add3A_499 : i32
      %gt3A_501 = arith.constant 0 : i32
      %gt3A_502 = arith.cmpi sgt, %scan3A_187, %gt3A_501 : i32
      %convert_element_type3A_503 = arith.extui %gt3A_502 : i1 to i32
      %cond3A_504 = arith.constant 0 : i32
      %cond3A_505 = arith.cmpi ne, %convert_element_type3A_503, %cond3A_504 : i32
      scf.if %cond3A_505 {
        %dma_wait3A_1244 = arith.constant 0 : i32
        %dma_wait3A_1245 = arith.constant 0 : i32
        %dma_wait3A_1246 = arith.constant 0 : i32
        %dma_wait3A_1247 = arith.constant 0 : i32
        %dma_wait3A_1248 = tpu.memref_slice %arg4[%dma_wait3A_1244, %dma_wait3A_1245, %dma_wait3A_1246, %dma_wait3A_1247] : memref<32x32x128x256xf32, #tpu.memory_space<hbm>> -> memref<1x1x64x256xf32, #tpu.memory_space<hbm>>
        %dma_wait3A_1249 = tpu.memref_squeeze %dma_wait3A_1248 : memref<1x1x64x256xf32, #tpu.memory_space<hbm>> -> memref<64x256xf32, #tpu.memory_space<hbm>>
        %dma_wait3A_1250 = arith.constant 0 : i32
        %dma_wait3A_1251 = arith.constant 0 : i32
        %dma_wait3A_1252 = tpu.memref_slice %arg4[%dma_wait3A_1244, %dma_wait3A_1245, %dma_wait3A_1250, %dma_wait3A_1251] : memref<32x32x128x256xf32, #tpu.memory_space<hbm>> -> memref<1x1x64x256xf32, #tpu.memory_space<hbm>>
        %dma_wait3A_1253 = tpu.memref_squeeze %dma_wait3A_1252 : memref<1x1x64x256xf32, #tpu.memory_space<hbm>> -> memref<64x256xf32, #tpu.memory_space<hbm>>
        tpu.wait_dma2 semaphore(%arg25 : memref<!tpu.dma_semaphore, #tpu.memory_space<semaphore_mem>>) src(%arg11 : memref<64x256xf32, #tpu.memory_space<vmem>>) dst(%dma_wait3A_1253 : memref<64x256xf32, #tpu.memory_space<hbm>>)
        %jit3A_1254 = arith.constant 2 : i32
        %div3A_1255 = arith.divsi %add3A_500, %jit3A_1254 : i32
        %sign3A_1256 = arith.constant 0 : i32
        %sign3A_1257 = arith.cmpi sgt, %add3A_500, %sign3A_1256 : i32
        %sign3A_1258 = arith.extui %sign3A_1257 : i1 to i32
        %sign3A_1259 = arith.constant 0 : i32
        %sign3A_1260 = arith.cmpi slt, %add3A_500, %sign3A_1259 : i32
        %sign3A_1261 = arith.extui %sign3A_1260 : i1 to i32
        %sign3A_1262 = arith.subi %sign3A_1258, %sign3A_1261 : i32
        %sign3A_1263 = arith.constant 0 : i32
        %sign3A_1264 = arith.cmpi sgt, %jit3A_1254, %sign3A_1263 : i32
        %sign3A_1265 = arith.extui %sign3A_1264 : i1 to i32
        %sign3A_1266 = arith.constant 0 : i32
        %sign3A_1267 = arith.cmpi slt, %jit3A_1254, %sign3A_1266 : i32
        %sign3A_1268 = arith.extui %sign3A_1267 : i1 to i32
        %sign3A_1269 = arith.subi %sign3A_1265, %sign3A_1268 : i32
        %ne3A_1270 = arith.cmpi ne, %sign3A_1262, %sign3A_1269 : i32
        %rem3A_1271 = arith.remsi %add3A_500, %jit3A_1254 : i32
        %ne3A_1272 = arith.constant 0 : i32
        %ne3A_1273 = arith.cmpi ne, %rem3A_1271, %ne3A_1272 : i32
        %and3A_1274 = arith.andi %ne3A_1270, %ne3A_1273 : i1
        %sub3A_1275 = arith.constant 1 : i32
        %sub3A_1276 = arith.subi %div3A_1255, %sub3A_1275 : i32
        %select_n3A_1277 = arith.select %and3A_1274, %sub3A_1276, %div3A_1255 : i32
        %jit3A_1278 = arith.constant 2 : i32
        %eq3A_1279 = arith.constant 0 : i32
        %eq3A_1280 = arith.cmpi eq, %jit3A_1278, %eq3A_1279 : i32
        %jit3A_1281 = arith.constant 1 : i32
        %select_n3A_1282 = arith.select %eq3A_1280, %jit3A_1281, %jit3A_1278 : i32
        %rem3A_1283 = arith.remsi %add3A_500, %select_n3A_1282 : i32
        %ne3A_1284 = arith.constant 0 : i32
        %ne3A_1285 = arith.cmpi ne, %rem3A_1283, %ne3A_1284 : i32
        %lt3A_1286 = arith.constant 0 : i32
        %lt3A_1287 = arith.cmpi slt, %rem3A_1283, %lt3A_1286 : i32
        %lt3A_1288 = arith.constant 0 : i32
        %lt3A_1289 = arith.cmpi slt, %select_n3A_1282, %lt3A_1288 : i32
        %ne3A_1290 = arith.xori %lt3A_1287, %lt3A_1289 : i1
        %and3A_1291 = arith.andi %ne3A_1290, %ne3A_1285 : i1
        %add3A_1292 = arith.addi %rem3A_1283, %select_n3A_1282 : i32
        %select_n3A_1293 = arith.select %and3A_1291, %add3A_1292, %rem3A_1283 : i32
        %mul3A_1294 = arith.constant 64 : i32
        %mul3A_1295 = arith.muli %select_n3A_1293, %mul3A_1294 : i32
        %dma_start3A_1296 = arith.constant 0 : i32
        %dma_start3A_1297 = tpu.memref_slice %arg2[%add3A, %select_n3A_1277, %mul3A_1295, %dma_start3A_1296] : memref<32x32x128x256xf32, #tpu.memory_space<hbm>> -> memref<1x1x64x256xf32, #tpu.memory_space<hbm>>
        %dma_start3A_1298 = tpu.memref_squeeze %dma_start3A_1297 : memref<1x1x64x256xf32, #tpu.memory_space<hbm>> -> memref<64x256xf32, #tpu.memory_space<hbm>>
        %dma_start3A_1299 = arith.constant 0 : i32
        %dma_start3A_1300 = tpu.memref_slice %arg2[%add3A, %select_n3A_1277, %mul3A_1295, %dma_start3A_1299] : memref<32x32x128x256xf32, #tpu.memory_space<hbm>> -> memref<1x1x64x256xf32, #tpu.memory_space<hbm>>
        %dma_start3A_1301 = tpu.memref_squeeze %dma_start3A_1300 : memref<1x1x64x256xf32, #tpu.memory_space<hbm>> -> memref<64x256xf32, #tpu.memory_space<hbm>>
        tpu.enqueue_dma source(%dma_start3A_1301 : memref<64x256xf32, #tpu.memory_space<hbm>>) target(%arg11 : memref<64x256xf32, #tpu.memory_space<vmem>>) target_semaphore(%arg18 : memref<!tpu.dma_semaphore, #tpu.memory_space<semaphore_mem>>)
      } else {
      }
      %eq3A_506 = arith.constant 0 : i32
      %eq3A_507 = arith.cmpi eq, %scan3A_187, %eq3A_506 : i32
      %convert_element_type3A_508 = arith.extui %eq3A_507 : i1 to i32
      %cond3A_509 = arith.constant 0 : i32
      %cond3A_510 = arith.cmpi ne, %convert_element_type3A_508, %cond3A_509 : i32
      scf.if %cond3A_510 {
        %jit3A_1244 = arith.constant 2 : i32
        %div3A_1245 = arith.divsi %add3A_500, %jit3A_1244 : i32
        %sign3A_1246 = arith.constant 0 : i32
        %sign3A_1247 = arith.cmpi sgt, %add3A_500, %sign3A_1246 : i32
        %sign3A_1248 = arith.extui %sign3A_1247 : i1 to i32
        %sign3A_1249 = arith.constant 0 : i32
        %sign3A_1250 = arith.cmpi slt, %add3A_500, %sign3A_1249 : i32
        %sign3A_1251 = arith.extui %sign3A_1250 : i1 to i32
        %sign3A_1252 = arith.subi %sign3A_1248, %sign3A_1251 : i32
        %sign3A_1253 = arith.constant 0 : i32
        %sign3A_1254 = arith.cmpi sgt, %jit3A_1244, %sign3A_1253 : i32
        %sign3A_1255 = arith.extui %sign3A_1254 : i1 to i32
        %sign3A_1256 = arith.constant 0 : i32
        %sign3A_1257 = arith.cmpi slt, %jit3A_1244, %sign3A_1256 : i32
        %sign3A_1258 = arith.extui %sign3A_1257 : i1 to i32
        %sign3A_1259 = arith.subi %sign3A_1255, %sign3A_1258 : i32
        %ne3A_1260 = arith.cmpi ne, %sign3A_1252, %sign3A_1259 : i32
        %rem3A_1261 = arith.remsi %add3A_500, %jit3A_1244 : i32
        %ne3A_1262 = arith.constant 0 : i32
        %ne3A_1263 = arith.cmpi ne, %rem3A_1261, %ne3A_1262 : i32
        %and3A_1264 = arith.andi %ne3A_1260, %ne3A_1263 : i1
        %sub3A_1265 = arith.constant 1 : i32
        %sub3A_1266 = arith.subi %div3A_1245, %sub3A_1265 : i32
        %select_n3A_1267 = arith.select %and3A_1264, %sub3A_1266, %div3A_1245 : i32
        %jit3A_1268 = arith.constant 2 : i32
        %eq3A_1269 = arith.constant 0 : i32
        %eq3A_1270 = arith.cmpi eq, %jit3A_1268, %eq3A_1269 : i32
        %jit3A_1271 = arith.constant 1 : i32
        %select_n3A_1272 = arith.select %eq3A_1270, %jit3A_1271, %jit3A_1268 : i32
        %rem3A_1273 = arith.remsi %add3A_500, %select_n3A_1272 : i32
        %ne3A_1274 = arith.constant 0 : i32
        %ne3A_1275 = arith.cmpi ne, %rem3A_1273, %ne3A_1274 : i32
        %lt3A_1276 = arith.constant 0 : i32
        %lt3A_1277 = arith.cmpi slt, %rem3A_1273, %lt3A_1276 : i32
        %lt3A_1278 = arith.constant 0 : i32
        %lt3A_1279 = arith.cmpi slt, %select_n3A_1272, %lt3A_1278 : i32
        %ne3A_1280 = arith.xori %lt3A_1277, %lt3A_1279 : i1
        %and3A_1281 = arith.andi %ne3A_1280, %ne3A_1275 : i1
        %add3A_1282 = arith.addi %rem3A_1273, %select_n3A_1272 : i32
        %select_n3A_1283 = arith.select %and3A_1281, %add3A_1282, %rem3A_1273 : i32
        %mul3A_1284 = arith.constant 64 : i32
        %mul3A_1285 = arith.muli %select_n3A_1283, %mul3A_1284 : i32
        %dma_start3A_1286 = arith.constant 0 : i32
        %dma_start3A_1287 = tpu.memref_slice %arg2[%add3A, %select_n3A_1267, %mul3A_1285, %dma_start3A_1286] : memref<32x32x128x256xf32, #tpu.memory_space<hbm>> -> memref<1x1x64x256xf32, #tpu.memory_space<hbm>>
        %dma_start3A_1288 = tpu.memref_squeeze %dma_start3A_1287 : memref<1x1x64x256xf32, #tpu.memory_space<hbm>> -> memref<64x256xf32, #tpu.memory_space<hbm>>
        %dma_start3A_1289 = arith.constant 0 : i32
        %dma_start3A_1290 = tpu.memref_slice %arg2[%add3A, %select_n3A_1267, %mul3A_1285, %dma_start3A_1289] : memref<32x32x128x256xf32, #tpu.memory_space<hbm>> -> memref<1x1x64x256xf32, #tpu.memory_space<hbm>>
        %dma_start3A_1291 = tpu.memref_squeeze %dma_start3A_1290 : memref<1x1x64x256xf32, #tpu.memory_space<hbm>> -> memref<64x256xf32, #tpu.memory_space<hbm>>
        tpu.enqueue_dma source(%dma_start3A_1291 : memref<64x256xf32, #tpu.memory_space<hbm>>) target(%arg11 : memref<64x256xf32, #tpu.memory_space<vmem>>) target_semaphore(%arg18 : memref<!tpu.dma_semaphore, #tpu.memory_space<semaphore_mem>>)
      } else {
      }
      %jit3A_511 = arith.constant 2 : i32
      %div3A_512 = arith.divsi %add3A_486, %jit3A_511 : i32
      %sign3A_513 = arith.constant 0 : i32
      %sign3A_514 = arith.cmpi sgt, %add3A_486, %sign3A_513 : i32
      %sign3A_515 = arith.extui %sign3A_514 : i1 to i32
      %sign3A_516 = arith.constant 0 : i32
      %sign3A_517 = arith.cmpi slt, %add3A_486, %sign3A_516 : i32
      %sign3A_518 = arith.extui %sign3A_517 : i1 to i32
      %sign3A_519 = arith.subi %sign3A_515, %sign3A_518 : i32
      %sign3A_520 = arith.constant 0 : i32
      %sign3A_521 = arith.cmpi sgt, %jit3A_511, %sign3A_520 : i32
      %sign3A_522 = arith.extui %sign3A_521 : i1 to i32
      %sign3A_523 = arith.constant 0 : i32
      %sign3A_524 = arith.cmpi slt, %jit3A_511, %sign3A_523 : i32
      %sign3A_525 = arith.extui %sign3A_524 : i1 to i32
      %sign3A_526 = arith.subi %sign3A_522, %sign3A_525 : i32
      %ne3A_527 = arith.cmpi ne, %sign3A_519, %sign3A_526 : i32
      %rem3A_528 = arith.remsi %add3A_486, %jit3A_511 : i32
      %ne3A_529 = arith.constant 0 : i32
      %ne3A_530 = arith.cmpi ne, %rem3A_528, %ne3A_529 : i32
      %and3A_531 = arith.andi %ne3A_527, %ne3A_530 : i1
      %sub3A_532 = arith.constant 1 : i32
      %sub3A_533 = arith.subi %div3A_512, %sub3A_532 : i32
      %select_n3A_534 = arith.select %and3A_531, %sub3A_533, %div3A_512 : i32
      %get3A_535 = arith.index_cast %select_n3A_534 : i32 to index
      %get3A_536 = arith.constant 0 : index
      %get3A_537 = tpu.vector_load %arg5[%get3A_535, %get3A_536] {strides = array<i32>} : memref<32x256xi32, #tpu.memory_space<vmem>>, vector<16xi32>,
      %get3A_538 = arith.index_cast %select_n3A_534 : i32 to index
      %get3A_539 = arith.constant 16 : index
      %get3A_540 = tpu.vector_load %arg5[%get3A_538, %get3A_539] {strides = array<i32>} : memref<32x256xi32, #tpu.memory_space<vmem>>, vector<16xi32>,
      %get3A_541 = arith.index_cast %select_n3A_534 : i32 to index
      %get3A_542 = arith.constant 32 : index
      %get3A_543 = tpu.vector_load %arg5[%get3A_541, %get3A_542] {strides = array<i32>} : memref<32x256xi32, #tpu.memory_space<vmem>>, vector<16xi32>,
      %get3A_544 = arith.index_cast %select_n3A_534 : i32 to index
      %get3A_545 = arith.constant 48 : index
      %get3A_546 = tpu.vector_load %arg5[%get3A_544, %get3A_545] {strides = array<i32>} : memref<32x256xi32, #tpu.memory_space<vmem>>, vector<16xi32>,
      %get3A_547 = arith.index_cast %select_n3A_534 : i32 to index
      %get3A_548 = arith.constant 64 : index
      %get3A_549 = tpu.vector_load %arg5[%get3A_547, %get3A_548] {strides = array<i32>} : memref<32x256xi32, #tpu.memory_space<vmem>>, vector<16xi32>,
      %get3A_550 = arith.index_cast %select_n3A_534 : i32 to index
      %get3A_551 = arith.constant 80 : index
      %get3A_552 = tpu.vector_load %arg5[%get3A_550, %get3A_551] {strides = array<i32>} : memref<32x256xi32, #tpu.memory_space<vmem>>, vector<16xi32>,
      %get3A_553 = arith.index_cast %select_n3A_534 : i32 to index
      %get3A_554 = arith.constant 96 : index
      %get3A_555 = tpu.vector_load %arg5[%get3A_553, %get3A_554] {strides = array<i32>} : memref<32x256xi32, #tpu.memory_space<vmem>>, vector<16xi32>,
      %get3A_556 = arith.index_cast %select_n3A_534 : i32 to index
      %get3A_557 = arith.constant 112 : index
      %get3A_558 = tpu.vector_load %arg5[%get3A_556, %get3A_557] {strides = array<i32>} : memref<32x256xi32, #tpu.memory_space<vmem>>, vector<16xi32>,
      %get3A_559 = arith.index_cast %select_n3A_534 : i32 to index
      %get3A_560 = arith.constant 128 : index
      %get3A_561 = tpu.vector_load %arg5[%get3A_559, %get3A_560] {strides = array<i32>} : memref<32x256xi32, #tpu.memory_space<vmem>>, vector<16xi32>,
      %get3A_562 = arith.index_cast %select_n3A_534 : i32 to index
      %get3A_563 = arith.constant 144 : index
      %get3A_564 = tpu.vector_load %arg5[%get3A_562, %get3A_563] {strides = array<i32>} : memref<32x256xi32, #tpu.memory_space<vmem>>, vector<16xi32>,
      %get3A_565 = arith.index_cast %select_n3A_534 : i32 to index
      %get3A_566 = arith.constant 160 : index
      %get3A_567 = tpu.vector_load %arg5[%get3A_565, %get3A_566] {strides = array<i32>} : memref<32x256xi32, #tpu.memory_space<vmem>>, vector<16xi32>,
      %get3A_568 = arith.index_cast %select_n3A_534 : i32 to index
      %get3A_569 = arith.constant 176 : index
      %get3A_570 = tpu.vector_load %arg5[%get3A_568, %get3A_569] {strides = array<i32>} : memref<32x256xi32, #tpu.memory_space<vmem>>, vector<16xi32>,
      %get3A_571 = arith.index_cast %select_n3A_534 : i32 to index
      %get3A_572 = arith.constant 192 : index
      %get3A_573 = tpu.vector_load %arg5[%get3A_571, %get3A_572] {strides = array<i32>} : memref<32x256xi32, #tpu.memory_space<vmem>>, vector<16xi32>,
      %get3A_574 = arith.index_cast %select_n3A_534 : i32 to index
      %get3A_575 = arith.constant 208 : index
      %get3A_576 = tpu.vector_load %arg5[%get3A_574, %get3A_575] {strides = array<i32>} : memref<32x256xi32, #tpu.memory_space<vmem>>, vector<16xi32>,
      %get3A_577 = arith.index_cast %select_n3A_534 : i32 to index
      %get3A_578 = arith.constant 224 : index
      %get3A_579 = tpu.vector_load %arg5[%get3A_577, %get3A_578] {strides = array<i32>} : memref<32x256xi32, #tpu.memory_space<vmem>>, vector<16xi32>,
      %get3A_580 = arith.index_cast %select_n3A_534 : i32 to index
      %get3A_581 = arith.constant 240 : index
      %get3A_582 = tpu.vector_load %arg5[%get3A_580, %get3A_581] {strides = array<i32>} : memref<32x256xi32, #tpu.memory_space<vmem>>, vector<16xi32>,
      %broadcast_in_dim3A_583 = arith.constant 0 : i32
      %broadcast_in_dim3A_584 = vector.broadcast %broadcast_in_dim3A_583 : i32 to vector<16xi32>
      %parallel_loop3A_585 = arith.constant 0 : i32
      %parallel_loop3A_586 = arith.constant 64 : i32
      %parallel_loop3A_587 = arith.constant 1 : i32
      %parallel_loop3A_588 = scf.for %parallel_loop3A_1244 = %parallel_loop3A_585 to %parallel_loop3A_586 step %parallel_loop3A_587 iter_args(%parallel_loop3A_1245 = %broadcast_in_dim3A_584) -> (vector<16xi32>)  : i32 {
        %parallel_loop3A_1246 = tpu.vector_load_idx %arg8[%parallel_loop3A_1245, %get3A_537] : memref<64x256xf32, #tpu.memory_space<vmem>>[vector<16xi32>, vector<16xi32>], vector<16xf32>,
        %parallel_loop3A_1247 = tpu.vector_load_idx %arg8[%parallel_loop3A_1245, %get3A_540] : memref<64x256xf32, #tpu.memory_space<vmem>>[vector<16xi32>, vector<16xi32>], vector<16xf32>,
        %parallel_loop3A_1248 = tpu.vector_load_idx %arg8[%parallel_loop3A_1245, %get3A_543] : memref<64x256xf32, #tpu.memory_space<vmem>>[vector<16xi32>, vector<16xi32>], vector<16xf32>,
        %parallel_loop3A_1249 = tpu.vector_load_idx %arg8[%parallel_loop3A_1245, %get3A_546] : memref<64x256xf32, #tpu.memory_space<vmem>>[vector<16xi32>, vector<16xi32>], vector<16xf32>,
        %parallel_loop3A_1250 = tpu.vector_load_idx %arg8[%parallel_loop3A_1245, %get3A_549] : memref<64x256xf32, #tpu.memory_space<vmem>>[vector<16xi32>, vector<16xi32>], vector<16xf32>,
        %parallel_loop3A_1251 = tpu.vector_load_idx %arg8[%parallel_loop3A_1245, %get3A_552] : memref<64x256xf32, #tpu.memory_space<vmem>>[vector<16xi32>, vector<16xi32>], vector<16xf32>,
        %parallel_loop3A_1252 = tpu.vector_load_idx %arg8[%parallel_loop3A_1245, %get3A_555] : memref<64x256xf32, #tpu.memory_space<vmem>>[vector<16xi32>, vector<16xi32>], vector<16xf32>,
        %parallel_loop3A_1253 = tpu.vector_load_idx %arg8[%parallel_loop3A_1245, %get3A_558] : memref<64x256xf32, #tpu.memory_space<vmem>>[vector<16xi32>, vector<16xi32>], vector<16xf32>,
        %parallel_loop3A_1254 = tpu.vector_load_idx %arg8[%parallel_loop3A_1245, %get3A_561] : memref<64x256xf32, #tpu.memory_space<vmem>>[vector<16xi32>, vector<16xi32>], vector<16xf32>,
        %parallel_loop3A_1255 = tpu.vector_load_idx %arg8[%parallel_loop3A_1245, %get3A_564] : memref<64x256xf32, #tpu.memory_space<vmem>>[vector<16xi32>, vector<16xi32>], vector<16xf32>,
        %parallel_loop3A_1256 = tpu.vector_load_idx %arg8[%parallel_loop3A_1245, %get3A_567] : memref<64x256xf32, #tpu.memory_space<vmem>>[vector<16xi32>, vector<16xi32>], vector<16xf32>,
        %parallel_loop3A_1257 = tpu.vector_load_idx %arg8[%parallel_loop3A_1245, %get3A_570] : memref<64x256xf32, #tpu.memory_space<vmem>>[vector<16xi32>, vector<16xi32>], vector<16xf32>,
        %parallel_loop3A_1258 = tpu.vector_load_idx %arg8[%parallel_loop3A_1245, %get3A_573] : memref<64x256xf32, #tpu.memory_space<vmem>>[vector<16xi32>, vector<16xi32>], vector<16xf32>,
        %parallel_loop3A_1259 = tpu.vector_load_idx %arg8[%parallel_loop3A_1245, %get3A_576] : memref<64x256xf32, #tpu.memory_space<vmem>>[vector<16xi32>, vector<16xi32>], vector<16xf32>,
        %parallel_loop3A_1260 = tpu.vector_load_idx %arg8[%parallel_loop3A_1245, %get3A_579] : memref<64x256xf32, #tpu.memory_space<vmem>>[vector<16xi32>, vector<16xi32>], vector<16xf32>,
        %parallel_loop3A_1261 = tpu.vector_load_idx %arg8[%parallel_loop3A_1245, %get3A_582] : memref<64x256xf32, #tpu.memory_space<vmem>>[vector<16xi32>, vector<16xi32>], vector<16xf32>,
        %parallel_loop3A_1262 = arith.index_cast %parallel_loop3A_1244 : i32 to index
        %parallel_loop3A_1263 = arith.constant 0 : index
        %parallel_loop3A_1264 = tpu.vector_load %arg8[%parallel_loop3A_1262, %parallel_loop3A_1263] {strides = array<i32>} : memref<64x256xf32, #tpu.memory_space<vmem>>, vector<16xf32>,
        tpu.vector_store %arg8[%parallel_loop3A_1262, %parallel_loop3A_1263], %parallel_loop3A_1246 {strides = array<i32>} : memref<64x256xf32, #tpu.memory_space<vmem>>, vector<16xf32>,
        %parallel_loop3A_1265 = arith.index_cast %parallel_loop3A_1244 : i32 to index
        %parallel_loop3A_1266 = arith.constant 16 : index
        %parallel_loop3A_1267 = tpu.vector_load %arg8[%parallel_loop3A_1265, %parallel_loop3A_1266] {strides = array<i32>} : memref<64x256xf32, #tpu.memory_space<vmem>>, vector<16xf32>,
        tpu.vector_store %arg8[%parallel_loop3A_1265, %parallel_loop3A_1266], %parallel_loop3A_1247 {strides = array<i32>} : memref<64x256xf32, #tpu.memory_space<vmem>>, vector<16xf32>,
        %parallel_loop3A_1268 = arith.index_cast %parallel_loop3A_1244 : i32 to index
        %parallel_loop3A_1269 = arith.constant 32 : index
        %parallel_loop3A_1270 = tpu.vector_load %arg8[%parallel_loop3A_1268, %parallel_loop3A_1269] {strides = array<i32>} : memref<64x256xf32, #tpu.memory_space<vmem>>, vector<16xf32>,
        tpu.vector_store %arg8[%parallel_loop3A_1268, %parallel_loop3A_1269], %parallel_loop3A_1248 {strides = array<i32>} : memref<64x256xf32, #tpu.memory_space<vmem>>, vector<16xf32>,
        %parallel_loop3A_1271 = arith.index_cast %parallel_loop3A_1244 : i32 to index
        %parallel_loop3A_1272 = arith.constant 48 : index
        %parallel_loop3A_1273 = tpu.vector_load %arg8[%parallel_loop3A_1271, %parallel_loop3A_1272] {strides = array<i32>} : memref<64x256xf32, #tpu.memory_space<vmem>>, vector<16xf32>,
        tpu.vector_store %arg8[%parallel_loop3A_1271, %parallel_loop3A_1272], %parallel_loop3A_1249 {strides = array<i32>} : memref<64x256xf32, #tpu.memory_space<vmem>>, vector<16xf32>,
        %parallel_loop3A_1274 = arith.index_cast %parallel_loop3A_1244 : i32 to index
        %parallel_loop3A_1275 = arith.constant 64 : index
        %parallel_loop3A_1276 = tpu.vector_load %arg8[%parallel_loop3A_1274, %parallel_loop3A_1275] {strides = array<i32>} : memref<64x256xf32, #tpu.memory_space<vmem>>, vector<16xf32>,
        tpu.vector_store %arg8[%parallel_loop3A_1274, %parallel_loop3A_1275], %parallel_loop3A_1250 {strides = array<i32>} : memref<64x256xf32, #tpu.memory_space<vmem>>, vector<16xf32>,
        %parallel_loop3A_1277 = arith.index_cast %parallel_loop3A_1244 : i32 to index
        %parallel_loop3A_1278 = arith.constant 80 : index
        %parallel_loop3A_1279 = tpu.vector_load %arg8[%parallel_loop3A_1277, %parallel_loop3A_1278] {strides = array<i32>} : memref<64x256xf32, #tpu.memory_space<vmem>>, vector<16xf32>,
        tpu.vector_store %arg8[%parallel_loop3A_1277, %parallel_loop3A_1278], %parallel_loop3A_1251 {strides = array<i32>} : memref<64x256xf32, #tpu.memory_space<vmem>>, vector<16xf32>,
        %parallel_loop3A_1280 = arith.index_cast %parallel_loop3A_1244 : i32 to index
        %parallel_loop3A_1281 = arith.constant 96 : index
        %parallel_loop3A_1282 = tpu.vector_load %arg8[%parallel_loop3A_1280, %parallel_loop3A_1281] {strides = array<i32>} : memref<64x256xf32, #tpu.memory_space<vmem>>, vector<16xf32>,
        tpu.vector_store %arg8[%parallel_loop3A_1280, %parallel_loop3A_1281], %parallel_loop3A_1252 {strides = array<i32>} : memref<64x256xf32, #tpu.memory_space<vmem>>, vector<16xf32>,
        %parallel_loop3A_1283 = arith.index_cast %parallel_loop3A_1244 : i32 to index
        %parallel_loop3A_1284 = arith.constant 112 : index
        %parallel_loop3A_1285 = tpu.vector_load %arg8[%parallel_loop3A_1283, %parallel_loop3A_1284] {strides = array<i32>} : memref<64x256xf32, #tpu.memory_space<vmem>>, vector<16xf32>,
        tpu.vector_store %arg8[%parallel_loop3A_1283, %parallel_loop3A_1284], %parallel_loop3A_1253 {strides = array<i32>} : memref<64x256xf32, #tpu.memory_space<vmem>>, vector<16xf32>,
        %parallel_loop3A_1286 = arith.index_cast %parallel_loop3A_1244 : i32 to index
        %parallel_loop3A_1287 = arith.constant 128 : index
        %parallel_loop3A_1288 = tpu.vector_load %arg8[%parallel_loop3A_1286, %parallel_loop3A_1287] {strides = array<i32>} : memref<64x256xf32, #tpu.memory_space<vmem>>, vector<16xf32>,
        tpu.vector_store %arg8[%parallel_loop3A_1286, %parallel_loop3A_1287], %parallel_loop3A_1254 {strides = array<i32>} : memref<64x256xf32, #tpu.memory_space<vmem>>, vector<16xf32>,
        %parallel_loop3A_1289 = arith.index_cast %parallel_loop3A_1244 : i32 to index
        %parallel_loop3A_1290 = arith.constant 144 : index
        %parallel_loop3A_1291 = tpu.vector_load %arg8[%parallel_loop3A_1289, %parallel_loop3A_1290] {strides = array<i32>} : memref<64x256xf32, #tpu.memory_space<vmem>>, vector<16xf32>,
        tpu.vector_store %arg8[%parallel_loop3A_1289, %parallel_loop3A_1290], %parallel_loop3A_1255 {strides = array<i32>} : memref<64x256xf32, #tpu.memory_space<vmem>>, vector<16xf32>,
        %parallel_loop3A_1292 = arith.index_cast %parallel_loop3A_1244 : i32 to index
        %parallel_loop3A_1293 = arith.constant 160 : index
        %parallel_loop3A_1294 = tpu.vector_load %arg8[%parallel_loop3A_1292, %parallel_loop3A_1293] {strides = array<i32>} : memref<64x256xf32, #tpu.memory_space<vmem>>, vector<16xf32>,
        tpu.vector_store %arg8[%parallel_loop3A_1292, %parallel_loop3A_1293], %parallel_loop3A_1256 {strides = array<i32>} : memref<64x256xf32, #tpu.memory_space<vmem>>, vector<16xf32>,
        %parallel_loop3A_1295 = arith.index_cast %parallel_loop3A_1244 : i32 to index
        %parallel_loop3A_1296 = arith.constant 176 : index
        %parallel_loop3A_1297 = tpu.vector_load %arg8[%parallel_loop3A_1295, %parallel_loop3A_1296] {strides = array<i32>} : memref<64x256xf32, #tpu.memory_space<vmem>>, vector<16xf32>,
        tpu.vector_store %arg8[%parallel_loop3A_1295, %parallel_loop3A_1296], %parallel_loop3A_1257 {strides = array<i32>} : memref<64x256xf32, #tpu.memory_space<vmem>>, vector<16xf32>,
        %parallel_loop3A_1298 = arith.index_cast %parallel_loop3A_1244 : i32 to index
        %parallel_loop3A_1299 = arith.constant 192 : index
        %parallel_loop3A_1300 = tpu.vector_load %arg8[%parallel_loop3A_1298, %parallel_loop3A_1299] {strides = array<i32>} : memref<64x256xf32, #tpu.memory_space<vmem>>, vector<16xf32>,
        tpu.vector_store %arg8[%parallel_loop3A_1298, %parallel_loop3A_1299], %parallel_loop3A_1258 {strides = array<i32>} : memref<64x256xf32, #tpu.memory_space<vmem>>, vector<16xf32>,
        %parallel_loop3A_1301 = arith.index_cast %parallel_loop3A_1244 : i32 to index
        %parallel_loop3A_1302 = arith.constant 208 : index
        %parallel_loop3A_1303 = tpu.vector_load %arg8[%parallel_loop3A_1301, %parallel_loop3A_1302] {strides = array<i32>} : memref<64x256xf32, #tpu.memory_space<vmem>>, vector<16xf32>,
        tpu.vector_store %arg8[%parallel_loop3A_1301, %parallel_loop3A_1302], %parallel_loop3A_1259 {strides = array<i32>} : memref<64x256xf32, #tpu.memory_space<vmem>>, vector<16xf32>,
        %parallel_loop3A_1304 = arith.index_cast %parallel_loop3A_1244 : i32 to index
        %parallel_loop3A_1305 = arith.constant 224 : index
        %parallel_loop3A_1306 = tpu.vector_load %arg8[%parallel_loop3A_1304, %parallel_loop3A_1305] {strides = array<i32>} : memref<64x256xf32, #tpu.memory_space<vmem>>, vector<16xf32>,
        tpu.vector_store %arg8[%parallel_loop3A_1304, %parallel_loop3A_1305], %parallel_loop3A_1260 {strides = array<i32>} : memref<64x256xf32, #tpu.memory_space<vmem>>, vector<16xf32>,
        %parallel_loop3A_1307 = arith.index_cast %parallel_loop3A_1244 : i32 to index
        %parallel_loop3A_1308 = arith.constant 240 : index
        %parallel_loop3A_1309 = tpu.vector_load %arg8[%parallel_loop3A_1307, %parallel_loop3A_1308] {strides = array<i32>} : memref<64x256xf32, #tpu.memory_space<vmem>>, vector<16xf32>,
        tpu.vector_store %arg8[%parallel_loop3A_1307, %parallel_loop3A_1308], %parallel_loop3A_1261 {strides = array<i32>} : memref<64x256xf32, #tpu.memory_space<vmem>>, vector<16xf32>,
        %parallel_loop3A_1310 = arith.constant 1 : i32
        %parallel_loop3A_1311 = vector.broadcast %parallel_loop3A_1310 : i32 to vector<16xi32>
        %parallel_loop3A_1312 = arith.addi %parallel_loop3A_1245, %parallel_loop3A_1311 : vector<16xi32>
        scf.yield %parallel_loop3A_1312 : vector<16xi32>
      } {sc.loop_unroll_factor = 1 : i64, sc.parallel_access}
      %jit3A_589 = arith.constant 2 : i32
      %div3A_590 = arith.divsi %add3A_486, %jit3A_589 : i32
      %sign3A_591 = arith.constant 0 : i32
      %sign3A_592 = arith.cmpi sgt, %add3A_486, %sign3A_591 : i32
      %sign3A_593 = arith.extui %sign3A_592 : i1 to i32
      %sign3A_594 = arith.constant 0 : i32
      %sign3A_595 = arith.cmpi slt, %add3A_486, %sign3A_594 : i32
      %sign3A_596 = arith.extui %sign3A_595 : i1 to i32
      %sign3A_597 = arith.subi %sign3A_593, %sign3A_596 : i32
      %sign3A_598 = arith.constant 0 : i32
      %sign3A_599 = arith.cmpi sgt, %jit3A_589, %sign3A_598 : i32
      %sign3A_600 = arith.extui %sign3A_599 : i1 to i32
      %sign3A_601 = arith.constant 0 : i32
      %sign3A_602 = arith.cmpi slt, %jit3A_589, %sign3A_601 : i32
      %sign3A_603 = arith.extui %sign3A_602 : i1 to i32
      %sign3A_604 = arith.subi %sign3A_600, %sign3A_603 : i32
      %ne3A_605 = arith.cmpi ne, %sign3A_597, %sign3A_604 : i32
      %rem3A_606 = arith.remsi %add3A_486, %jit3A_589 : i32
      %ne3A_607 = arith.constant 0 : i32
      %ne3A_608 = arith.cmpi ne, %rem3A_606, %ne3A_607 : i32
      %and3A_609 = arith.andi %ne3A_605, %ne3A_608 : i1
      %sub3A_610 = arith.constant 1 : i32
      %sub3A_611 = arith.subi %div3A_590, %sub3A_610 : i32
      %select_n3A_612 = arith.select %and3A_609, %sub3A_611, %div3A_590 : i32
      %jit3A_613 = arith.constant 2 : i32
      %eq3A_614 = arith.constant 0 : i32
      %eq3A_615 = arith.cmpi eq, %jit3A_613, %eq3A_614 : i32
      %jit3A_616 = arith.constant 1 : i32
      %select_n3A_617 = arith.select %eq3A_615, %jit3A_616, %jit3A_613 : i32
      %rem3A_618 = arith.remsi %add3A_486, %select_n3A_617 : i32
      %ne3A_619 = arith.constant 0 : i32
      %ne3A_620 = arith.cmpi ne, %rem3A_618, %ne3A_619 : i32
      %lt3A_621 = arith.constant 0 : i32
      %lt3A_622 = arith.cmpi slt, %rem3A_618, %lt3A_621 : i32
      %lt3A_623 = arith.constant 0 : i32
      %lt3A_624 = arith.cmpi slt, %select_n3A_617, %lt3A_623 : i32
      %ne3A_625 = arith.xori %lt3A_622, %lt3A_624 : i1
      %and3A_626 = arith.andi %ne3A_625, %ne3A_620 : i1
      %add3A_627 = arith.addi %rem3A_618, %select_n3A_617 : i32
      %select_n3A_628 = arith.select %and3A_626, %add3A_627, %rem3A_618 : i32
      %mul3A_629 = arith.constant 64 : i32
      %mul3A_630 = arith.muli %select_n3A_628, %mul3A_629 : i32
      %dma_start3A_631 = arith.constant 0 : i32
      %dma_start3A_632 = tpu.memref_slice %arg4[%add3A, %select_n3A_612, %mul3A_630, %dma_start3A_631] : memref<32x32x128x256xf32, #tpu.memory_space<hbm>> -> memref<1x1x64x256xf32, #tpu.memory_space<hbm>>
      %dma_start3A_633 = tpu.memref_squeeze %dma_start3A_632 : memref<1x1x64x256xf32, #tpu.memory_space<hbm>> -> memref<64x256xf32, #tpu.memory_space<hbm>>
      %dma_start3A_634 = arith.constant 0 : i32
      %dma_start3A_635 = tpu.memref_slice %arg4[%add3A, %select_n3A_612, %mul3A_630, %dma_start3A_634] : memref<32x32x128x256xf32, #tpu.memory_space<hbm>> -> memref<1x1x64x256xf32, #tpu.memory_space<hbm>>
      %dma_start3A_636 = tpu.memref_squeeze %dma_start3A_635 : memref<1x1x64x256xf32, #tpu.memory_space<hbm>> -> memref<64x256xf32, #tpu.memory_space<hbm>>
      tpu.enqueue_dma source(%arg8 : memref<64x256xf32, #tpu.memory_space<vmem>>) target(%dma_start3A_636 : memref<64x256xf32, #tpu.memory_space<hbm>>) target_semaphore(%arg22 : memref<!tpu.dma_semaphore, #tpu.memory_space<semaphore_mem>>)
      %mul3A_637 = arith.constant 7 : i32
      %mul3A_638 = arith.muli %scan3A_187, %mul3A_637 : i32
      %add3A_639 = arith.constant 3 : i32
      %add3A_640 = arith.addi %mul3A_638, %add3A_639 : i32
      %dma_wait3A_641 = arith.constant 0 : i32
      %dma_wait3A_642 = arith.constant 0 : i32
      %dma_wait3A_643 = arith.constant 0 : i32
      %dma_wait3A_644 = arith.constant 0 : i32
      %dma_wait3A_645 = tpu.memref_slice %arg2[%dma_wait3A_641, %dma_wait3A_642, %dma_wait3A_643, %dma_wait3A_644] : memref<32x32x128x256xf32, #tpu.memory_space<hbm>> -> memref<1x1x64x256xf32, #tpu.memory_space<hbm>>
      %dma_wait3A_646 = tpu.memref_squeeze %dma_wait3A_645 : memref<1x1x64x256xf32, #tpu.memory_space<hbm>> -> memref<64x256xf32, #tpu.memory_space<hbm>>
      %dma_wait3A_647 = arith.constant 0 : i32
      %dma_wait3A_648 = arith.constant 0 : i32
      %dma_wait3A_649 = tpu.memref_slice %arg2[%dma_wait3A_641, %dma_wait3A_642, %dma_wait3A_647, %dma_wait3A_648] : memref<32x32x128x256xf32, #tpu.memory_space<hbm>> -> memref<1x1x64x256xf32, #tpu.memory_space<hbm>>
      %dma_wait3A_650 = tpu.memref_squeeze %dma_wait3A_649 : memref<1x1x64x256xf32, #tpu.memory_space<hbm>> -> memref<64x256xf32, #tpu.memory_space<hbm>>
      tpu.wait_dma2 semaphore(%arg16 : memref<!tpu.dma_semaphore, #tpu.memory_space<semaphore_mem>>) src(%dma_wait3A_650 : memref<64x256xf32, #tpu.memory_space<hbm>>) dst(%arg9 : memref<64x256xf32, #tpu.memory_space<vmem>>)
      %mul3A_651 = arith.constant 7 : i32
      %mul3A_652 = arith.muli %scan3A_187, %mul3A_651 : i32
      %add3A_653 = arith.constant 6 : i32
      %add3A_654 = arith.addi %mul3A_652, %add3A_653 : i32
      %gt3A_655 = arith.constant 0 : i32
      %gt3A_656 = arith.cmpi sgt, %scan3A_187, %gt3A_655 : i32
      %convert_element_type3A_657 = arith.extui %gt3A_656 : i1 to i32
      %cond3A_658 = arith.constant 0 : i32
      %cond3A_659 = arith.cmpi ne, %convert_element_type3A_657, %cond3A_658 : i32
      scf.if %cond3A_659 {
        %dma_wait3A_1244 = arith.constant 0 : i32
        %dma_wait3A_1245 = arith.constant 0 : i32
        %dma_wait3A_1246 = arith.constant 0 : i32
        %dma_wait3A_1247 = arith.constant 0 : i32
        %dma_wait3A_1248 = tpu.memref_slice %arg4[%dma_wait3A_1244, %dma_wait3A_1245, %dma_wait3A_1246, %dma_wait3A_1247] : memref<32x32x128x256xf32, #tpu.memory_space<hbm>> -> memref<1x1x64x256xf32, #tpu.memory_space<hbm>>
        %dma_wait3A_1249 = tpu.memref_squeeze %dma_wait3A_1248 : memref<1x1x64x256xf32, #tpu.memory_space<hbm>> -> memref<64x256xf32, #tpu.memory_space<hbm>>
        %dma_wait3A_1250 = arith.constant 0 : i32
        %dma_wait3A_1251 = arith.constant 0 : i32
        %dma_wait3A_1252 = tpu.memref_slice %arg4[%dma_wait3A_1244, %dma_wait3A_1245, %dma_wait3A_1250, %dma_wait3A_1251] : memref<32x32x128x256xf32, #tpu.memory_space<hbm>> -> memref<1x1x64x256xf32, #tpu.memory_space<hbm>>
        %dma_wait3A_1253 = tpu.memref_squeeze %dma_wait3A_1252 : memref<1x1x64x256xf32, #tpu.memory_space<hbm>> -> memref<64x256xf32, #tpu.memory_space<hbm>>
        tpu.wait_dma2 semaphore(%arg26 : memref<!tpu.dma_semaphore, #tpu.memory_space<semaphore_mem>>) src(%arg12 : memref<64x256xf32, #tpu.memory_space<vmem>>) dst(%dma_wait3A_1253 : memref<64x256xf32, #tpu.memory_space<hbm>>)
        %jit3A_1254 = arith.constant 2 : i32
        %div3A_1255 = arith.divsi %add3A_654, %jit3A_1254 : i32
        %sign3A_1256 = arith.constant 0 : i32
        %sign3A_1257 = arith.cmpi sgt, %add3A_654, %sign3A_1256 : i32
        %sign3A_1258 = arith.extui %sign3A_1257 : i1 to i32
        %sign3A_1259 = arith.constant 0 : i32
        %sign3A_1260 = arith.cmpi slt, %add3A_654, %sign3A_1259 : i32
        %sign3A_1261 = arith.extui %sign3A_1260 : i1 to i32
        %sign3A_1262 = arith.subi %sign3A_1258, %sign3A_1261 : i32
        %sign3A_1263 = arith.constant 0 : i32
        %sign3A_1264 = arith.cmpi sgt, %jit3A_1254, %sign3A_1263 : i32
        %sign3A_1265 = arith.extui %sign3A_1264 : i1 to i32
        %sign3A_1266 = arith.constant 0 : i32
        %sign3A_1267 = arith.cmpi slt, %jit3A_1254, %sign3A_1266 : i32
        %sign3A_1268 = arith.extui %sign3A_1267 : i1 to i32
        %sign3A_1269 = arith.subi %sign3A_1265, %sign3A_1268 : i32
        %ne3A_1270 = arith.cmpi ne, %sign3A_1262, %sign3A_1269 : i32
        %rem3A_1271 = arith.remsi %add3A_654, %jit3A_1254 : i32
        %ne3A_1272 = arith.constant 0 : i32
        %ne3A_1273 = arith.cmpi ne, %rem3A_1271, %ne3A_1272 : i32
        %and3A_1274 = arith.andi %ne3A_1270, %ne3A_1273 : i1
        %sub3A_1275 = arith.constant 1 : i32
        %sub3A_1276 = arith.subi %div3A_1255, %sub3A_1275 : i32
        %select_n3A_1277 = arith.select %and3A_1274, %sub3A_1276, %div3A_1255 : i32
        %jit3A_1278 = arith.constant 2 : i32
        %eq3A_1279 = arith.constant 0 : i32
        %eq3A_1280 = arith.cmpi eq, %jit3A_1278, %eq3A_1279 : i32
        %jit3A_1281 = arith.constant 1 : i32
        %select_n3A_1282 = arith.select %eq3A_1280, %jit3A_1281, %jit3A_1278 : i32
        %rem3A_1283 = arith.remsi %add3A_654, %select_n3A_1282 : i32
        %ne3A_1284 = arith.constant 0 : i32
        %ne3A_1285 = arith.cmpi ne, %rem3A_1283, %ne3A_1284 : i32
        %lt3A_1286 = arith.constant 0 : i32
        %lt3A_1287 = arith.cmpi slt, %rem3A_1283, %lt3A_1286 : i32
        %lt3A_1288 = arith.constant 0 : i32
        %lt3A_1289 = arith.cmpi slt, %select_n3A_1282, %lt3A_1288 : i32
        %ne3A_1290 = arith.xori %lt3A_1287, %lt3A_1289 : i1
        %and3A_1291 = arith.andi %ne3A_1290, %ne3A_1285 : i1
        %add3A_1292 = arith.addi %rem3A_1283, %select_n3A_1282 : i32
        %select_n3A_1293 = arith.select %and3A_1291, %add3A_1292, %rem3A_1283 : i32
        %mul3A_1294 = arith.constant 64 : i32
        %mul3A_1295 = arith.muli %select_n3A_1293, %mul3A_1294 : i32
        %dma_start3A_1296 = arith.constant 0 : i32
        %dma_start3A_1297 = tpu.memref_slice %arg2[%add3A, %select_n3A_1277, %mul3A_1295, %dma_start3A_1296] : memref<32x32x128x256xf32, #tpu.memory_space<hbm>> -> memref<1x1x64x256xf32, #tpu.memory_space<hbm>>
        %dma_start3A_1298 = tpu.memref_squeeze %dma_start3A_1297 : memref<1x1x64x256xf32, #tpu.memory_space<hbm>> -> memref<64x256xf32, #tpu.memory_space<hbm>>
        %dma_start3A_1299 = arith.constant 0 : i32
        %dma_start3A_1300 = tpu.memref_slice %arg2[%add3A, %select_n3A_1277, %mul3A_1295, %dma_start3A_1299] : memref<32x32x128x256xf32, #tpu.memory_space<hbm>> -> memref<1x1x64x256xf32, #tpu.memory_space<hbm>>
        %dma_start3A_1301 = tpu.memref_squeeze %dma_start3A_1300 : memref<1x1x64x256xf32, #tpu.memory_space<hbm>> -> memref<64x256xf32, #tpu.memory_space<hbm>>
        tpu.enqueue_dma source(%dma_start3A_1301 : memref<64x256xf32, #tpu.memory_space<hbm>>) target(%arg12 : memref<64x256xf32, #tpu.memory_space<vmem>>) target_semaphore(%arg19 : memref<!tpu.dma_semaphore, #tpu.memory_space<semaphore_mem>>)
      } else {
      }
      %eq3A_660 = arith.constant 0 : i32
      %eq3A_661 = arith.cmpi eq, %scan3A_187, %eq3A_660 : i32
      %convert_element_type3A_662 = arith.extui %eq3A_661 : i1 to i32
      %cond3A_663 = arith.constant 0 : i32
      %cond3A_664 = arith.cmpi ne, %convert_element_type3A_662, %cond3A_663 : i32
      scf.if %cond3A_664 {
        %jit3A_1244 = arith.constant 2 : i32
        %div3A_1245 = arith.divsi %add3A_654, %jit3A_1244 : i32
        %sign3A_1246 = arith.constant 0 : i32
        %sign3A_1247 = arith.cmpi sgt, %add3A_654, %sign3A_1246 : i32
        %sign3A_1248 = arith.extui %sign3A_1247 : i1 to i32
        %sign3A_1249 = arith.constant 0 : i32
        %sign3A_1250 = arith.cmpi slt, %add3A_654, %sign3A_1249 : i32
        %sign3A_1251 = arith.extui %sign3A_1250 : i1 to i32
        %sign3A_1252 = arith.subi %sign3A_1248, %sign3A_1251 : i32
        %sign3A_1253 = arith.constant 0 : i32
        %sign3A_1254 = arith.cmpi sgt, %jit3A_1244, %sign3A_1253 : i32
        %sign3A_1255 = arith.extui %sign3A_1254 : i1 to i32
        %sign3A_1256 = arith.constant 0 : i32
        %sign3A_1257 = arith.cmpi slt, %jit3A_1244, %sign3A_1256 : i32
        %sign3A_1258 = arith.extui %sign3A_1257 : i1 to i32
        %sign3A_1259 = arith.subi %sign3A_1255, %sign3A_1258 : i32
        %ne3A_1260 = arith.cmpi ne, %sign3A_1252, %sign3A_1259 : i32
        %rem3A_1261 = arith.remsi %add3A_654, %jit3A_1244 : i32
        %ne3A_1262 = arith.constant 0 : i32
        %ne3A_1263 = arith.cmpi ne, %rem3A_1261, %ne3A_1262 : i32
        %and3A_1264 = arith.andi %ne3A_1260, %ne3A_1263 : i1
        %sub3A_1265 = arith.constant 1 : i32
        %sub3A_1266 = arith.subi %div3A_1245, %sub3A_1265 : i32
        %select_n3A_1267 = arith.select %and3A_1264, %sub3A_1266, %div3A_1245 : i32
        %jit3A_1268 = arith.constant 2 : i32
        %eq3A_1269 = arith.constant 0 : i32
        %eq3A_1270 = arith.cmpi eq, %jit3A_1268, %eq3A_1269 : i32
        %jit3A_1271 = arith.constant 1 : i32
        %select_n3A_1272 = arith.select %eq3A_1270, %jit3A_1271, %jit3A_1268 : i32
        %rem3A_1273 = arith.remsi %add3A_654, %select_n3A_1272 : i32
        %ne3A_1274 = arith.constant 0 : i32
        %ne3A_1275 = arith.cmpi ne, %rem3A_1273, %ne3A_1274 : i32
        %lt3A_1276 = arith.constant 0 : i32
        %lt3A_1277 = arith.cmpi slt, %rem3A_1273, %lt3A_1276 : i32
        %lt3A_1278 = arith.constant 0 : i32
        %lt3A_1279 = arith.cmpi slt, %select_n3A_1272, %lt3A_1278 : i32
        %ne3A_1280 = arith.xori %lt3A_1277, %lt3A_1279 : i1
        %and3A_1281 = arith.andi %ne3A_1280, %ne3A_1275 : i1
        %add3A_1282 = arith.addi %rem3A_1273, %select_n3A_1272 : i32
        %select_n3A_1283 = arith.select %and3A_1281, %add3A_1282, %rem3A_1273 : i32
        %mul3A_1284 = arith.constant 64 : i32
        %mul3A_1285 = arith.muli %select_n3A_1283, %mul3A_1284 : i32
        %dma_start3A_1286 = arith.constant 0 : i32
        %dma_start3A_1287 = tpu.memref_slice %arg2[%add3A, %select_n3A_1267, %mul3A_1285, %dma_start3A_1286] : memref<32x32x128x256xf32, #tpu.memory_space<hbm>> -> memref<1x1x64x256xf32, #tpu.memory_space<hbm>>
        %dma_start3A_1288 = tpu.memref_squeeze %dma_start3A_1287 : memref<1x1x64x256xf32, #tpu.memory_space<hbm>> -> memref<64x256xf32, #tpu.memory_space<hbm>>
        %dma_start3A_1289 = arith.constant 0 : i32
        %dma_start3A_1290 = tpu.memref_slice %arg2[%add3A, %select_n3A_1267, %mul3A_1285, %dma_start3A_1289] : memref<32x32x128x256xf32, #tpu.memory_space<hbm>> -> memref<1x1x64x256xf32, #tpu.memory_space<hbm>>
        %dma_start3A_1291 = tpu.memref_squeeze %dma_start3A_1290 : memref<1x1x64x256xf32, #tpu.memory_space<hbm>> -> memref<64x256xf32, #tpu.memory_space<hbm>>
        tpu.enqueue_dma source(%dma_start3A_1291 : memref<64x256xf32, #tpu.memory_space<hbm>>) target(%arg12 : memref<64x256xf32, #tpu.memory_space<vmem>>) target_semaphore(%arg19 : memref<!tpu.dma_semaphore, #tpu.memory_space<semaphore_mem>>)
      } else {
      }
      %jit3A_665 = arith.constant 2 : i32
      %div3A_666 = arith.divsi %add3A_640, %jit3A_665 : i32
      %sign3A_667 = arith.constant 0 : i32
      %sign3A_668 = arith.cmpi sgt, %add3A_640, %sign3A_667 : i32
      %sign3A_669 = arith.extui %sign3A_668 : i1 to i32
      %sign3A_670 = arith.constant 0 : i32
      %sign3A_671 = arith.cmpi slt, %add3A_640, %sign3A_670 : i32
      %sign3A_672 = arith.extui %sign3A_671 : i1 to i32
      %sign3A_673 = arith.subi %sign3A_669, %sign3A_672 : i32
      %sign3A_674 = arith.constant 0 : i32
      %sign3A_675 = arith.cmpi sgt, %jit3A_665, %sign3A_674 : i32
      %sign3A_676 = arith.extui %sign3A_675 : i1 to i32
      %sign3A_677 = arith.constant 0 : i32
      %sign3A_678 = arith.cmpi slt, %jit3A_665, %sign3A_677 : i32
      %sign3A_679 = arith.extui %sign3A_678 : i1 to i32
      %sign3A_680 = arith.subi %sign3A_676, %sign3A_679 : i32
      %ne3A_681 = arith.cmpi ne, %sign3A_673, %sign3A_680 : i32
      %rem3A_682 = arith.remsi %add3A_640, %jit3A_665 : i32
      %ne3A_683 = arith.constant 0 : i32
      %ne3A_684 = arith.cmpi ne, %rem3A_682, %ne3A_683 : i32
      %and3A_685 = arith.andi %ne3A_681, %ne3A_684 : i1
      %sub3A_686 = arith.constant 1 : i32
      %sub3A_687 = arith.subi %div3A_666, %sub3A_686 : i32
      %select_n3A_688 = arith.select %and3A_685, %sub3A_687, %div3A_666 : i32
      %get3A_689 = arith.index_cast %select_n3A_688 : i32 to index
      %get3A_690 = arith.constant 0 : index
      %get3A_691 = tpu.vector_load %arg5[%get3A_689, %get3A_690] {strides = array<i32>} : memref<32x256xi32, #tpu.memory_space<vmem>>, vector<16xi32>,
      %get3A_692 = arith.index_cast %select_n3A_688 : i32 to index
      %get3A_693 = arith.constant 16 : index
      %get3A_694 = tpu.vector_load %arg5[%get3A_692, %get3A_693] {strides = array<i32>} : memref<32x256xi32, #tpu.memory_space<vmem>>, vector<16xi32>,
      %get3A_695 = arith.index_cast %select_n3A_688 : i32 to index
      %get3A_696 = arith.constant 32 : index
      %get3A_697 = tpu.vector_load %arg5[%get3A_695, %get3A_696] {strides = array<i32>} : memref<32x256xi32, #tpu.memory_space<vmem>>, vector<16xi32>,
      %get3A_698 = arith.index_cast %select_n3A_688 : i32 to index
      %get3A_699 = arith.constant 48 : index
      %get3A_700 = tpu.vector_load %arg5[%get3A_698, %get3A_699] {strides = array<i32>} : memref<32x256xi32, #tpu.memory_space<vmem>>, vector<16xi32>,
      %get3A_701 = arith.index_cast %select_n3A_688 : i32 to index
      %get3A_702 = arith.constant 64 : index
      %get3A_703 = tpu.vector_load %arg5[%get3A_701, %get3A_702] {strides = array<i32>} : memref<32x256xi32, #tpu.memory_space<vmem>>, vector<16xi32>,
      %get3A_704 = arith.index_cast %select_n3A_688 : i32 to index
      %get3A_705 = arith.constant 80 : index
      %get3A_706 = tpu.vector_load %arg5[%get3A_704, %get3A_705] {strides = array<i32>} : memref<32x256xi32, #tpu.memory_space<vmem>>, vector<16xi32>,
      %get3A_707 = arith.index_cast %select_n3A_688 : i32 to index
      %get3A_708 = arith.constant 96 : index
      %get3A_709 = tpu.vector_load %arg5[%get3A_707, %get3A_708] {strides = array<i32>} : memref<32x256xi32, #tpu.memory_space<vmem>>, vector<16xi32>,
      %get3A_710 = arith.index_cast %select_n3A_688 : i32 to index
      %get3A_711 = arith.constant 112 : index
      %get3A_712 = tpu.vector_load %arg5[%get3A_710, %get3A_711] {strides = array<i32>} : memref<32x256xi32, #tpu.memory_space<vmem>>, vector<16xi32>,
      %get3A_713 = arith.index_cast %select_n3A_688 : i32 to index
      %get3A_714 = arith.constant 128 : index
      %get3A_715 = tpu.vector_load %arg5[%get3A_713, %get3A_714] {strides = array<i32>} : memref<32x256xi32, #tpu.memory_space<vmem>>, vector<16xi32>,
      %get3A_716 = arith.index_cast %select_n3A_688 : i32 to index
      %get3A_717 = arith.constant 144 : index
      %get3A_718 = tpu.vector_load %arg5[%get3A_716, %get3A_717] {strides = array<i32>} : memref<32x256xi32, #tpu.memory_space<vmem>>, vector<16xi32>,
      %get3A_719 = arith.index_cast %select_n3A_688 : i32 to index
      %get3A_720 = arith.constant 160 : index
      %get3A_721 = tpu.vector_load %arg5[%get3A_719, %get3A_720] {strides = array<i32>} : memref<32x256xi32, #tpu.memory_space<vmem>>, vector<16xi32>,
      %get3A_722 = arith.index_cast %select_n3A_688 : i32 to index
      %get3A_723 = arith.constant 176 : index
      %get3A_724 = tpu.vector_load %arg5[%get3A_722, %get3A_723] {strides = array<i32>} : memref<32x256xi32, #tpu.memory_space<vmem>>, vector<16xi32>,
      %get3A_725 = arith.index_cast %select_n3A_688 : i32 to index
      %get3A_726 = arith.constant 192 : index
      %get3A_727 = tpu.vector_load %arg5[%get3A_725, %get3A_726] {strides = array<i32>} : memref<32x256xi32, #tpu.memory_space<vmem>>, vector<16xi32>,
      %get3A_728 = arith.index_cast %select_n3A_688 : i32 to index
      %get3A_729 = arith.constant 208 : index
      %get3A_730 = tpu.vector_load %arg5[%get3A_728, %get3A_729] {strides = array<i32>} : memref<32x256xi32, #tpu.memory_space<vmem>>, vector<16xi32>,
      %get3A_731 = arith.index_cast %select_n3A_688 : i32 to index
      %get3A_732 = arith.constant 224 : index
      %get3A_733 = tpu.vector_load %arg5[%get3A_731, %get3A_732] {strides = array<i32>} : memref<32x256xi32, #tpu.memory_space<vmem>>, vector<16xi32>,
      %get3A_734 = arith.index_cast %select_n3A_688 : i32 to index
      %get3A_735 = arith.constant 240 : index
      %get3A_736 = tpu.vector_load %arg5[%get3A_734, %get3A_735] {strides = array<i32>} : memref<32x256xi32, #tpu.memory_space<vmem>>, vector<16xi32>,
      %broadcast_in_dim3A_737 = arith.constant 0 : i32
      %broadcast_in_dim3A_738 = vector.broadcast %broadcast_in_dim3A_737 : i32 to vector<16xi32>
      %parallel_loop3A_739 = arith.constant 0 : i32
      %parallel_loop3A_740 = arith.constant 64 : i32
      %parallel_loop3A_741 = arith.constant 1 : i32
      %parallel_loop3A_742 = scf.for %parallel_loop3A_1244 = %parallel_loop3A_739 to %parallel_loop3A_740 step %parallel_loop3A_741 iter_args(%parallel_loop3A_1245 = %broadcast_in_dim3A_738) -> (vector<16xi32>)  : i32 {
        %parallel_loop3A_1246 = tpu.vector_load_idx %arg9[%parallel_loop3A_1245, %get3A_691] : memref<64x256xf32, #tpu.memory_space<vmem>>[vector<16xi32>, vector<16xi32>], vector<16xf32>,
        %parallel_loop3A_1247 = tpu.vector_load_idx %arg9[%parallel_loop3A_1245, %get3A_694] : memref<64x256xf32, #tpu.memory_space<vmem>>[vector<16xi32>, vector<16xi32>], vector<16xf32>,
        %parallel_loop3A_1248 = tpu.vector_load_idx %arg9[%parallel_loop3A_1245, %get3A_697] : memref<64x256xf32, #tpu.memory_space<vmem>>[vector<16xi32>, vector<16xi32>], vector<16xf32>,
        %parallel_loop3A_1249 = tpu.vector_load_idx %arg9[%parallel_loop3A_1245, %get3A_700] : memref<64x256xf32, #tpu.memory_space<vmem>>[vector<16xi32>, vector<16xi32>], vector<16xf32>,
        %parallel_loop3A_1250 = tpu.vector_load_idx %arg9[%parallel_loop3A_1245, %get3A_703] : memref<64x256xf32, #tpu.memory_space<vmem>>[vector<16xi32>, vector<16xi32>], vector<16xf32>,
        %parallel_loop3A_1251 = tpu.vector_load_idx %arg9[%parallel_loop3A_1245, %get3A_706] : memref<64x256xf32, #tpu.memory_space<vmem>>[vector<16xi32>, vector<16xi32>], vector<16xf32>,
        %parallel_loop3A_1252 = tpu.vector_load_idx %arg9[%parallel_loop3A_1245, %get3A_709] : memref<64x256xf32, #tpu.memory_space<vmem>>[vector<16xi32>, vector<16xi32>], vector<16xf32>,
        %parallel_loop3A_1253 = tpu.vector_load_idx %arg9[%parallel_loop3A_1245, %get3A_712] : memref<64x256xf32, #tpu.memory_space<vmem>>[vector<16xi32>, vector<16xi32>], vector<16xf32>,
        %parallel_loop3A_1254 = tpu.vector_load_idx %arg9[%parallel_loop3A_1245, %get3A_715] : memref<64x256xf32, #tpu.memory_space<vmem>>[vector<16xi32>, vector<16xi32>], vector<16xf32>,
        %parallel_loop3A_1255 = tpu.vector_load_idx %arg9[%parallel_loop3A_1245, %get3A_718] : memref<64x256xf32, #tpu.memory_space<vmem>>[vector<16xi32>, vector<16xi32>], vector<16xf32>,
        %parallel_loop3A_1256 = tpu.vector_load_idx %arg9[%parallel_loop3A_1245, %get3A_721] : memref<64x256xf32, #tpu.memory_space<vmem>>[vector<16xi32>, vector<16xi32>], vector<16xf32>,
        %parallel_loop3A_1257 = tpu.vector_load_idx %arg9[%parallel_loop3A_1245, %get3A_724] : memref<64x256xf32, #tpu.memory_space<vmem>>[vector<16xi32>, vector<16xi32>], vector<16xf32>,
        %parallel_loop3A_1258 = tpu.vector_load_idx %arg9[%parallel_loop3A_1245, %get3A_727] : memref<64x256xf32, #tpu.memory_space<vmem>>[vector<16xi32>, vector<16xi32>], vector<16xf32>,
        %parallel_loop3A_1259 = tpu.vector_load_idx %arg9[%parallel_loop3A_1245, %get3A_730] : memref<64x256xf32, #tpu.memory_space<vmem>>[vector<16xi32>, vector<16xi32>], vector<16xf32>,
        %parallel_loop3A_1260 = tpu.vector_load_idx %arg9[%parallel_loop3A_1245, %get3A_733] : memref<64x256xf32, #tpu.memory_space<vmem>>[vector<16xi32>, vector<16xi32>], vector<16xf32>,
        %parallel_loop3A_1261 = tpu.vector_load_idx %arg9[%parallel_loop3A_1245, %get3A_736] : memref<64x256xf32, #tpu.memory_space<vmem>>[vector<16xi32>, vector<16xi32>], vector<16xf32>,
        %parallel_loop3A_1262 = arith.index_cast %parallel_loop3A_1244 : i32 to index
        %parallel_loop3A_1263 = arith.constant 0 : index
        %parallel_loop3A_1264 = tpu.vector_load %arg9[%parallel_loop3A_1262, %parallel_loop3A_1263] {strides = array<i32>} : memref<64x256xf32, #tpu.memory_space<vmem>>, vector<16xf32>,
        tpu.vector_store %arg9[%parallel_loop3A_1262, %parallel_loop3A_1263], %parallel_loop3A_1246 {strides = array<i32>} : memref<64x256xf32, #tpu.memory_space<vmem>>, vector<16xf32>,
        %parallel_loop3A_1265 = arith.index_cast %parallel_loop3A_1244 : i32 to index
        %parallel_loop3A_1266 = arith.constant 16 : index
        %parallel_loop3A_1267 = tpu.vector_load %arg9[%parallel_loop3A_1265, %parallel_loop3A_1266] {strides = array<i32>} : memref<64x256xf32, #tpu.memory_space<vmem>>, vector<16xf32>,
        tpu.vector_store %arg9[%parallel_loop3A_1265, %parallel_loop3A_1266], %parallel_loop3A_1247 {strides = array<i32>} : memref<64x256xf32, #tpu.memory_space<vmem>>, vector<16xf32>,
        %parallel_loop3A_1268 = arith.index_cast %parallel_loop3A_1244 : i32 to index
        %parallel_loop3A_1269 = arith.constant 32 : index
        %parallel_loop3A_1270 = tpu.vector_load %arg9[%parallel_loop3A_1268, %parallel_loop3A_1269] {strides = array<i32>} : memref<64x256xf32, #tpu.memory_space<vmem>>, vector<16xf32>,
        tpu.vector_store %arg9[%parallel_loop3A_1268, %parallel_loop3A_1269], %parallel_loop3A_1248 {strides = array<i32>} : memref<64x256xf32, #tpu.memory_space<vmem>>, vector<16xf32>,
        %parallel_loop3A_1271 = arith.index_cast %parallel_loop3A_1244 : i32 to index
        %parallel_loop3A_1272 = arith.constant 48 : index
        %parallel_loop3A_1273 = tpu.vector_load %arg9[%parallel_loop3A_1271, %parallel_loop3A_1272] {strides = array<i32>} : memref<64x256xf32, #tpu.memory_space<vmem>>, vector<16xf32>,
        tpu.vector_store %arg9[%parallel_loop3A_1271, %parallel_loop3A_1272], %parallel_loop3A_1249 {strides = array<i32>} : memref<64x256xf32, #tpu.memory_space<vmem>>, vector<16xf32>,
        %parallel_loop3A_1274 = arith.index_cast %parallel_loop3A_1244 : i32 to index
        %parallel_loop3A_1275 = arith.constant 64 : index
        %parallel_loop3A_1276 = tpu.vector_load %arg9[%parallel_loop3A_1274, %parallel_loop3A_1275] {strides = array<i32>} : memref<64x256xf32, #tpu.memory_space<vmem>>, vector<16xf32>,
        tpu.vector_store %arg9[%parallel_loop3A_1274, %parallel_loop3A_1275], %parallel_loop3A_1250 {strides = array<i32>} : memref<64x256xf32, #tpu.memory_space<vmem>>, vector<16xf32>,
        %parallel_loop3A_1277 = arith.index_cast %parallel_loop3A_1244 : i32 to index
        %parallel_loop3A_1278 = arith.constant 80 : index
        %parallel_loop3A_1279 = tpu.vector_load %arg9[%parallel_loop3A_1277, %parallel_loop3A_1278] {strides = array<i32>} : memref<64x256xf32, #tpu.memory_space<vmem>>, vector<16xf32>,
        tpu.vector_store %arg9[%parallel_loop3A_1277, %parallel_loop3A_1278], %parallel_loop3A_1251 {strides = array<i32>} : memref<64x256xf32, #tpu.memory_space<vmem>>, vector<16xf32>,
        %parallel_loop3A_1280 = arith.index_cast %parallel_loop3A_1244 : i32 to index
        %parallel_loop3A_1281 = arith.constant 96 : index
        %parallel_loop3A_1282 = tpu.vector_load %arg9[%parallel_loop3A_1280, %parallel_loop3A_1281] {strides = array<i32>} : memref<64x256xf32, #tpu.memory_space<vmem>>, vector<16xf32>,
        tpu.vector_store %arg9[%parallel_loop3A_1280, %parallel_loop3A_1281], %parallel_loop3A_1252 {strides = array<i32>} : memref<64x256xf32, #tpu.memory_space<vmem>>, vector<16xf32>,
        %parallel_loop3A_1283 = arith.index_cast %parallel_loop3A_1244 : i32 to index
        %parallel_loop3A_1284 = arith.constant 112 : index
        %parallel_loop3A_1285 = tpu.vector_load %arg9[%parallel_loop3A_1283, %parallel_loop3A_1284] {strides = array<i32>} : memref<64x256xf32, #tpu.memory_space<vmem>>, vector<16xf32>,
        tpu.vector_store %arg9[%parallel_loop3A_1283, %parallel_loop3A_1284], %parallel_loop3A_1253 {strides = array<i32>} : memref<64x256xf32, #tpu.memory_space<vmem>>, vector<16xf32>,
        %parallel_loop3A_1286 = arith.index_cast %parallel_loop3A_1244 : i32 to index
        %parallel_loop3A_1287 = arith.constant 128 : index
        %parallel_loop3A_1288 = tpu.vector_load %arg9[%parallel_loop3A_1286, %parallel_loop3A_1287] {strides = array<i32>} : memref<64x256xf32, #tpu.memory_space<vmem>>, vector<16xf32>,
        tpu.vector_store %arg9[%parallel_loop3A_1286, %parallel_loop3A_1287], %parallel_loop3A_1254 {strides = array<i32>} : memref<64x256xf32, #tpu.memory_space<vmem>>, vector<16xf32>,
        %parallel_loop3A_1289 = arith.index_cast %parallel_loop3A_1244 : i32 to index
        %parallel_loop3A_1290 = arith.constant 144 : index
        %parallel_loop3A_1291 = tpu.vector_load %arg9[%parallel_loop3A_1289, %parallel_loop3A_1290] {strides = array<i32>} : memref<64x256xf32, #tpu.memory_space<vmem>>, vector<16xf32>,
        tpu.vector_store %arg9[%parallel_loop3A_1289, %parallel_loop3A_1290], %parallel_loop3A_1255 {strides = array<i32>} : memref<64x256xf32, #tpu.memory_space<vmem>>, vector<16xf32>,
        %parallel_loop3A_1292 = arith.index_cast %parallel_loop3A_1244 : i32 to index
        %parallel_loop3A_1293 = arith.constant 160 : index
        %parallel_loop3A_1294 = tpu.vector_load %arg9[%parallel_loop3A_1292, %parallel_loop3A_1293] {strides = array<i32>} : memref<64x256xf32, #tpu.memory_space<vmem>>, vector<16xf32>,
        tpu.vector_store %arg9[%parallel_loop3A_1292, %parallel_loop3A_1293], %parallel_loop3A_1256 {strides = array<i32>} : memref<64x256xf32, #tpu.memory_space<vmem>>, vector<16xf32>,
        %parallel_loop3A_1295 = arith.index_cast %parallel_loop3A_1244 : i32 to index
        %parallel_loop3A_1296 = arith.constant 176 : index
        %parallel_loop3A_1297 = tpu.vector_load %arg9[%parallel_loop3A_1295, %parallel_loop3A_1296] {strides = array<i32>} : memref<64x256xf32, #tpu.memory_space<vmem>>, vector<16xf32>,
        tpu.vector_store %arg9[%parallel_loop3A_1295, %parallel_loop3A_1296], %parallel_loop3A_1257 {strides = array<i32>} : memref<64x256xf32, #tpu.memory_space<vmem>>, vector<16xf32>,
        %parallel_loop3A_1298 = arith.index_cast %parallel_loop3A_1244 : i32 to index
        %parallel_loop3A_1299 = arith.constant 192 : index
        %parallel_loop3A_1300 = tpu.vector_load %arg9[%parallel_loop3A_1298, %parallel_loop3A_1299] {strides = array<i32>} : memref<64x256xf32, #tpu.memory_space<vmem>>, vector<16xf32>,
        tpu.vector_store %arg9[%parallel_loop3A_1298, %parallel_loop3A_1299], %parallel_loop3A_1258 {strides = array<i32>} : memref<64x256xf32, #tpu.memory_space<vmem>>, vector<16xf32>,
        %parallel_loop3A_1301 = arith.index_cast %parallel_loop3A_1244 : i32 to index
        %parallel_loop3A_1302 = arith.constant 208 : index
        %parallel_loop3A_1303 = tpu.vector_load %arg9[%parallel_loop3A_1301, %parallel_loop3A_1302] {strides = array<i32>} : memref<64x256xf32, #tpu.memory_space<vmem>>, vector<16xf32>,
        tpu.vector_store %arg9[%parallel_loop3A_1301, %parallel_loop3A_1302], %parallel_loop3A_1259 {strides = array<i32>} : memref<64x256xf32, #tpu.memory_space<vmem>>, vector<16xf32>,
        %parallel_loop3A_1304 = arith.index_cast %parallel_loop3A_1244 : i32 to index
        %parallel_loop3A_1305 = arith.constant 224 : index
        %parallel_loop3A_1306 = tpu.vector_load %arg9[%parallel_loop3A_1304, %parallel_loop3A_1305] {strides = array<i32>} : memref<64x256xf32, #tpu.memory_space<vmem>>, vector<16xf32>,
        tpu.vector_store %arg9[%parallel_loop3A_1304, %parallel_loop3A_1305], %parallel_loop3A_1260 {strides = array<i32>} : memref<64x256xf32, #tpu.memory_space<vmem>>, vector<16xf32>,
        %parallel_loop3A_1307 = arith.index_cast %parallel_loop3A_1244 : i32 to index
        %parallel_loop3A_1308 = arith.constant 240 : index
        %parallel_loop3A_1309 = tpu.vector_load %arg9[%parallel_loop3A_1307, %parallel_loop3A_1308] {strides = array<i32>} : memref<64x256xf32, #tpu.memory_space<vmem>>, vector<16xf32>,
        tpu.vector_store %arg9[%parallel_loop3A_1307, %parallel_loop3A_1308], %parallel_loop3A_1261 {strides = array<i32>} : memref<64x256xf32, #tpu.memory_space<vmem>>, vector<16xf32>,
        %parallel_loop3A_1310 = arith.constant 1 : i32
        %parallel_loop3A_1311 = vector.broadcast %parallel_loop3A_1310 : i32 to vector<16xi32>
        %parallel_loop3A_1312 = arith.addi %parallel_loop3A_1245, %parallel_loop3A_1311 : vector<16xi32>
        scf.yield %parallel_loop3A_1312 : vector<16xi32>
      } {sc.loop_unroll_factor = 1 : i64, sc.parallel_access}
      %jit3A_743 = arith.constant 2 : i32
      %div3A_744 = arith.divsi %add3A_640, %jit3A_743 : i32
      %sign3A_745 = arith.constant 0 : i32
      %sign3A_746 = arith.cmpi sgt, %add3A_640, %sign3A_745 : i32
      %sign3A_747 = arith.extui %sign3A_746 : i1 to i32
      %sign3A_748 = arith.constant 0 : i32
      %sign3A_749 = arith.cmpi slt, %add3A_640, %sign3A_748 : i32
      %sign3A_750 = arith.extui %sign3A_749 : i1 to i32
      %sign3A_751 = arith.subi %sign3A_747, %sign3A_750 : i32
      %sign3A_752 = arith.constant 0 : i32
      %sign3A_753 = arith.cmpi sgt, %jit3A_743, %sign3A_752 : i32
      %sign3A_754 = arith.extui %sign3A_753 : i1 to i32
      %sign3A_755 = arith.constant 0 : i32
      %sign3A_756 = arith.cmpi slt, %jit3A_743, %sign3A_755 : i32
      %sign3A_757 = arith.extui %sign3A_756 : i1 to i32
      %sign3A_758 = arith.subi %sign3A_754, %sign3A_757 : i32
      %ne3A_759 = arith.cmpi ne, %sign3A_751, %sign3A_758 : i32
      %rem3A_760 = arith.remsi %add3A_640, %jit3A_743 : i32
      %ne3A_761 = arith.constant 0 : i32
      %ne3A_762 = arith.cmpi ne, %rem3A_760, %ne3A_761 : i32
      %and3A_763 = arith.andi %ne3A_759, %ne3A_762 : i1
      %sub3A_764 = arith.constant 1 : i32
      %sub3A_765 = arith.subi %div3A_744, %sub3A_764 : i32
      %select_n3A_766 = arith.select %and3A_763, %sub3A_765, %div3A_744 : i32
      %jit3A_767 = arith.constant 2 : i32
      %eq3A_768 = arith.constant 0 : i32
      %eq3A_769 = arith.cmpi eq, %jit3A_767, %eq3A_768 : i32
      %jit3A_770 = arith.constant 1 : i32
      %select_n3A_771 = arith.select %eq3A_769, %jit3A_770, %jit3A_767 : i32
      %rem3A_772 = arith.remsi %add3A_640, %select_n3A_771 : i32
      %ne3A_773 = arith.constant 0 : i32
      %ne3A_774 = arith.cmpi ne, %rem3A_772, %ne3A_773 : i32
      %lt3A_775 = arith.constant 0 : i32
      %lt3A_776 = arith.cmpi slt, %rem3A_772, %lt3A_775 : i32
      %lt3A_777 = arith.constant 0 : i32
      %lt3A_778 = arith.cmpi slt, %select_n3A_771, %lt3A_777 : i32
      %ne3A_779 = arith.xori %lt3A_776, %lt3A_778 : i1
      %and3A_780 = arith.andi %ne3A_779, %ne3A_774 : i1
      %add3A_781 = arith.addi %rem3A_772, %select_n3A_771 : i32
      %select_n3A_782 = arith.select %and3A_780, %add3A_781, %rem3A_772 : i32
      %mul3A_783 = arith.constant 64 : i32
      %mul3A_784 = arith.muli %select_n3A_782, %mul3A_783 : i32
      %dma_start3A_785 = arith.constant 0 : i32
      %dma_start3A_786 = tpu.memref_slice %arg4[%add3A, %select_n3A_766, %mul3A_784, %dma_start3A_785] : memref<32x32x128x256xf32, #tpu.memory_space<hbm>> -> memref<1x1x64x256xf32, #tpu.memory_space<hbm>>
      %dma_start3A_787 = tpu.memref_squeeze %dma_start3A_786 : memref<1x1x64x256xf32, #tpu.memory_space<hbm>> -> memref<64x256xf32, #tpu.memory_space<hbm>>
      %dma_start3A_788 = arith.constant 0 : i32
      %dma_start3A_789 = tpu.memref_slice %arg4[%add3A, %select_n3A_766, %mul3A_784, %dma_start3A_788] : memref<32x32x128x256xf32, #tpu.memory_space<hbm>> -> memref<1x1x64x256xf32, #tpu.memory_space<hbm>>
      %dma_start3A_790 = tpu.memref_squeeze %dma_start3A_789 : memref<1x1x64x256xf32, #tpu.memory_space<hbm>> -> memref<64x256xf32, #tpu.memory_space<hbm>>
      tpu.enqueue_dma source(%arg9 : memref<64x256xf32, #tpu.memory_space<vmem>>) target(%dma_start3A_790 : memref<64x256xf32, #tpu.memory_space<hbm>>) target_semaphore(%arg23 : memref<!tpu.dma_semaphore, #tpu.memory_space<semaphore_mem>>)
      %mul3A_791 = arith.constant 7 : i32
      %mul3A_792 = arith.muli %scan3A_187, %mul3A_791 : i32
      %add3A_793 = arith.constant 4 : i32
      %add3A_794 = arith.addi %mul3A_792, %add3A_793 : i32
      %dma_wait3A_795 = arith.constant 0 : i32
      %dma_wait3A_796 = arith.constant 0 : i32
      %dma_wait3A_797 = arith.constant 0 : i32
      %dma_wait3A_798 = arith.constant 0 : i32
      %dma_wait3A_799 = tpu.memref_slice %arg2[%dma_wait3A_795, %dma_wait3A_796, %dma_wait3A_797, %dma_wait3A_798] : memref<32x32x128x256xf32, #tpu.memory_space<hbm>> -> memref<1x1x64x256xf32, #tpu.memory_space<hbm>>
      %dma_wait3A_800 = tpu.memref_squeeze %dma_wait3A_799 : memref<1x1x64x256xf32, #tpu.memory_space<hbm>> -> memref<64x256xf32, #tpu.memory_space<hbm>>
      %dma_wait3A_801 = arith.constant 0 : i32
      %dma_wait3A_802 = arith.constant 0 : i32
      %dma_wait3A_803 = tpu.memref_slice %arg2[%dma_wait3A_795, %dma_wait3A_796, %dma_wait3A_801, %dma_wait3A_802] : memref<32x32x128x256xf32, #tpu.memory_space<hbm>> -> memref<1x1x64x256xf32, #tpu.memory_space<hbm>>
      %dma_wait3A_804 = tpu.memref_squeeze %dma_wait3A_803 : memref<1x1x64x256xf32, #tpu.memory_space<hbm>> -> memref<64x256xf32, #tpu.memory_space<hbm>>
      tpu.wait_dma2 semaphore(%arg17 : memref<!tpu.dma_semaphore, #tpu.memory_space<semaphore_mem>>) src(%dma_wait3A_804 : memref<64x256xf32, #tpu.memory_space<hbm>>) dst(%arg10 : memref<64x256xf32, #tpu.memory_space<vmem>>)
      %add3A_805 = arith.constant 1 : i32
      %add3A_806 = arith.addi %scan3A_187, %add3A_805 : i32
      %mul3A_807 = arith.constant 7 : i32
      %mul3A_808 = arith.muli %add3A_806, %mul3A_807 : i32
      %add3A_809 = arith.constant 0 : i32
      %add3A_810 = arith.addi %mul3A_808, %add3A_809 : i32
      %lt3A_811 = arith.constant 64 : i32
      %lt3A_812 = arith.cmpi slt, %add3A_810, %lt3A_811 : i32
      %convert_element_type3A_813 = arith.extui %lt3A_812 : i1 to i32
      %cond3A_814 = arith.constant 0 : i32
      %cond3A_815 = arith.cmpi ne, %convert_element_type3A_813, %cond3A_814 : i32
      scf.if %cond3A_815 {
        %dma_wait3A_1244 = arith.constant 0 : i32
        %dma_wait3A_1245 = arith.constant 0 : i32
        %dma_wait3A_1246 = arith.constant 0 : i32
        %dma_wait3A_1247 = arith.constant 0 : i32
        %dma_wait3A_1248 = tpu.memref_slice %arg4[%dma_wait3A_1244, %dma_wait3A_1245, %dma_wait3A_1246, %dma_wait3A_1247] : memref<32x32x128x256xf32, #tpu.memory_space<hbm>> -> memref<1x1x64x256xf32, #tpu.memory_space<hbm>>
        %dma_wait3A_1249 = tpu.memref_squeeze %dma_wait3A_1248 : memref<1x1x64x256xf32, #tpu.memory_space<hbm>> -> memref<64x256xf32, #tpu.memory_space<hbm>>
        %dma_wait3A_1250 = arith.constant 0 : i32
        %dma_wait3A_1251 = arith.constant 0 : i32
        %dma_wait3A_1252 = tpu.memref_slice %arg4[%dma_wait3A_1244, %dma_wait3A_1245, %dma_wait3A_1250, %dma_wait3A_1251] : memref<32x32x128x256xf32, #tpu.memory_space<hbm>> -> memref<1x1x64x256xf32, #tpu.memory_space<hbm>>
        %dma_wait3A_1253 = tpu.memref_squeeze %dma_wait3A_1252 : memref<1x1x64x256xf32, #tpu.memory_space<hbm>> -> memref<64x256xf32, #tpu.memory_space<hbm>>
        tpu.wait_dma2 semaphore(%arg20 : memref<!tpu.dma_semaphore, #tpu.memory_space<semaphore_mem>>) src(%arg6 : memref<64x256xf32, #tpu.memory_space<vmem>>) dst(%dma_wait3A_1253 : memref<64x256xf32, #tpu.memory_space<hbm>>)
        %jit3A_1254 = arith.constant 2 : i32
        %div3A_1255 = arith.divsi %add3A_810, %jit3A_1254 : i32
        %sign3A_1256 = arith.constant 0 : i32
        %sign3A_1257 = arith.cmpi sgt, %add3A_810, %sign3A_1256 : i32
        %sign3A_1258 = arith.extui %sign3A_1257 : i1 to i32
        %sign3A_1259 = arith.constant 0 : i32
        %sign3A_1260 = arith.cmpi slt, %add3A_810, %sign3A_1259 : i32
        %sign3A_1261 = arith.extui %sign3A_1260 : i1 to i32
        %sign3A_1262 = arith.subi %sign3A_1258, %sign3A_1261 : i32
        %sign3A_1263 = arith.constant 0 : i32
        %sign3A_1264 = arith.cmpi sgt, %jit3A_1254, %sign3A_1263 : i32
        %sign3A_1265 = arith.extui %sign3A_1264 : i1 to i32
        %sign3A_1266 = arith.constant 0 : i32
        %sign3A_1267 = arith.cmpi slt, %jit3A_1254, %sign3A_1266 : i32
        %sign3A_1268 = arith.extui %sign3A_1267 : i1 to i32
        %sign3A_1269 = arith.subi %sign3A_1265, %sign3A_1268 : i32
        %ne3A_1270 = arith.cmpi ne, %sign3A_1262, %sign3A_1269 : i32
        %rem3A_1271 = arith.remsi %add3A_810, %jit3A_1254 : i32
        %ne3A_1272 = arith.constant 0 : i32
        %ne3A_1273 = arith.cmpi ne, %rem3A_1271, %ne3A_1272 : i32
        %and3A_1274 = arith.andi %ne3A_1270, %ne3A_1273 : i1
        %sub3A_1275 = arith.constant 1 : i32
        %sub3A_1276 = arith.subi %div3A_1255, %sub3A_1275 : i32
        %select_n3A_1277 = arith.select %and3A_1274, %sub3A_1276, %div3A_1255 : i32
        %jit3A_1278 = arith.constant 2 : i32
        %eq3A_1279 = arith.constant 0 : i32
        %eq3A_1280 = arith.cmpi eq, %jit3A_1278, %eq3A_1279 : i32
        %jit3A_1281 = arith.constant 1 : i32
        %select_n3A_1282 = arith.select %eq3A_1280, %jit3A_1281, %jit3A_1278 : i32
        %rem3A_1283 = arith.remsi %add3A_810, %select_n3A_1282 : i32
        %ne3A_1284 = arith.constant 0 : i32
        %ne3A_1285 = arith.cmpi ne, %rem3A_1283, %ne3A_1284 : i32
        %lt3A_1286 = arith.constant 0 : i32
        %lt3A_1287 = arith.cmpi slt, %rem3A_1283, %lt3A_1286 : i32
        %lt3A_1288 = arith.constant 0 : i32
        %lt3A_1289 = arith.cmpi slt, %select_n3A_1282, %lt3A_1288 : i32
        %ne3A_1290 = arith.xori %lt3A_1287, %lt3A_1289 : i1
        %and3A_1291 = arith.andi %ne3A_1290, %ne3A_1285 : i1
        %add3A_1292 = arith.addi %rem3A_1283, %select_n3A_1282 : i32
        %select_n3A_1293 = arith.select %and3A_1291, %add3A_1292, %rem3A_1283 : i32
        %mul3A_1294 = arith.constant 64 : i32
        %mul3A_1295 = arith.muli %select_n3A_1293, %mul3A_1294 : i32
        %dma_start3A_1296 = arith.constant 0 : i32
        %dma_start3A_1297 = tpu.memref_slice %arg2[%add3A, %select_n3A_1277, %mul3A_1295, %dma_start3A_1296] : memref<32x32x128x256xf32, #tpu.memory_space<hbm>> -> memref<1x1x64x256xf32, #tpu.memory_space<hbm>>
        %dma_start3A_1298 = tpu.memref_squeeze %dma_start3A_1297 : memref<1x1x64x256xf32, #tpu.memory_space<hbm>> -> memref<64x256xf32, #tpu.memory_space<hbm>>
        %dma_start3A_1299 = arith.constant 0 : i32
        %dma_start3A_1300 = tpu.memref_slice %arg2[%add3A, %select_n3A_1277, %mul3A_1295, %dma_start3A_1299] : memref<32x32x128x256xf32, #tpu.memory_space<hbm>> -> memref<1x1x64x256xf32, #tpu.memory_space<hbm>>
        %dma_start3A_1301 = tpu.memref_squeeze %dma_start3A_1300 : memref<1x1x64x256xf32, #tpu.memory_space<hbm>> -> memref<64x256xf32, #tpu.memory_space<hbm>>
        tpu.enqueue_dma source(%dma_start3A_1301 : memref<64x256xf32, #tpu.memory_space<hbm>>) target(%arg6 : memref<64x256xf32, #tpu.memory_space<vmem>>) target_semaphore(%arg13 : memref<!tpu.dma_semaphore, #tpu.memory_space<semaphore_mem>>)
      } else {
      }
      %jit3A_816 = arith.constant 2 : i32
      %div3A_817 = arith.divsi %add3A_794, %jit3A_816 : i32
      %sign3A_818 = arith.constant 0 : i32
      %sign3A_819 = arith.cmpi sgt, %add3A_794, %sign3A_818 : i32
      %sign3A_820 = arith.extui %sign3A_819 : i1 to i32
      %sign3A_821 = arith.constant 0 : i32
      %sign3A_822 = arith.cmpi slt, %add3A_794, %sign3A_821 : i32
      %sign3A_823 = arith.extui %sign3A_822 : i1 to i32
      %sign3A_824 = arith.subi %sign3A_820, %sign3A_823 : i32
      %sign3A_825 = arith.constant 0 : i32
      %sign3A_826 = arith.cmpi sgt, %jit3A_816, %sign3A_825 : i32
      %sign3A_827 = arith.extui %sign3A_826 : i1 to i32
      %sign3A_828 = arith.constant 0 : i32
      %sign3A_829 = arith.cmpi slt, %jit3A_816, %sign3A_828 : i32
      %sign3A_830 = arith.extui %sign3A_829 : i1 to i32
      %sign3A_831 = arith.subi %sign3A_827, %sign3A_830 : i32
      %ne3A_832 = arith.cmpi ne, %sign3A_824, %sign3A_831 : i32
      %rem3A_833 = arith.remsi %add3A_794, %jit3A_816 : i32
      %ne3A_834 = arith.constant 0 : i32
      %ne3A_835 = arith.cmpi ne, %rem3A_833, %ne3A_834 : i32
      %and3A_836 = arith.andi %ne3A_832, %ne3A_835 : i1
      %sub3A_837 = arith.constant 1 : i32
      %sub3A_838 = arith.subi %div3A_817, %sub3A_837 : i32
      %select_n3A_839 = arith.select %and3A_836, %sub3A_838, %div3A_817 : i32
      %get3A_840 = arith.index_cast %select_n3A_839 : i32 to index
      %get3A_841 = arith.constant 0 : index
      %get3A_842 = tpu.vector_load %arg5[%get3A_840, %get3A_841] {strides = array<i32>} : memref<32x256xi32, #tpu.memory_space<vmem>>, vector<16xi32>,
      %get3A_843 = arith.index_cast %select_n3A_839 : i32 to index
      %get3A_844 = arith.constant 16 : index
      %get3A_845 = tpu.vector_load %arg5[%get3A_843, %get3A_844] {strides = array<i32>} : memref<32x256xi32, #tpu.memory_space<vmem>>, vector<16xi32>,
      %get3A_846 = arith.index_cast %select_n3A_839 : i32 to index
      %get3A_847 = arith.constant 32 : index
      %get3A_848 = tpu.vector_load %arg5[%get3A_846, %get3A_847] {strides = array<i32>} : memref<32x256xi32, #tpu.memory_space<vmem>>, vector<16xi32>,
      %get3A_849 = arith.index_cast %select_n3A_839 : i32 to index
      %get3A_850 = arith.constant 48 : index
      %get3A_851 = tpu.vector_load %arg5[%get3A_849, %get3A_850] {strides = array<i32>} : memref<32x256xi32, #tpu.memory_space<vmem>>, vector<16xi32>,
      %get3A_852 = arith.index_cast %select_n3A_839 : i32 to index
      %get3A_853 = arith.constant 64 : index
      %get3A_854 = tpu.vector_load %arg5[%get3A_852, %get3A_853] {strides = array<i32>} : memref<32x256xi32, #tpu.memory_space<vmem>>, vector<16xi32>,
      %get3A_855 = arith.index_cast %select_n3A_839 : i32 to index
      %get3A_856 = arith.constant 80 : index
      %get3A_857 = tpu.vector_load %arg5[%get3A_855, %get3A_856] {strides = array<i32>} : memref<32x256xi32, #tpu.memory_space<vmem>>, vector<16xi32>,
      %get3A_858 = arith.index_cast %select_n3A_839 : i32 to index
      %get3A_859 = arith.constant 96 : index
      %get3A_860 = tpu.vector_load %arg5[%get3A_858, %get3A_859] {strides = array<i32>} : memref<32x256xi32, #tpu.memory_space<vmem>>, vector<16xi32>,
      %get3A_861 = arith.index_cast %select_n3A_839 : i32 to index
      %get3A_862 = arith.constant 112 : index
      %get3A_863 = tpu.vector_load %arg5[%get3A_861, %get3A_862] {strides = array<i32>} : memref<32x256xi32, #tpu.memory_space<vmem>>, vector<16xi32>,
      %get3A_864 = arith.index_cast %select_n3A_839 : i32 to index
      %get3A_865 = arith.constant 128 : index
      %get3A_866 = tpu.vector_load %arg5[%get3A_864, %get3A_865] {strides = array<i32>} : memref<32x256xi32, #tpu.memory_space<vmem>>, vector<16xi32>,
      %get3A_867 = arith.index_cast %select_n3A_839 : i32 to index
      %get3A_868 = arith.constant 144 : index
      %get3A_869 = tpu.vector_load %arg5[%get3A_867, %get3A_868] {strides = array<i32>} : memref<32x256xi32, #tpu.memory_space<vmem>>, vector<16xi32>,
      %get3A_870 = arith.index_cast %select_n3A_839 : i32 to index
      %get3A_871 = arith.constant 160 : index
      %get3A_872 = tpu.vector_load %arg5[%get3A_870, %get3A_871] {strides = array<i32>} : memref<32x256xi32, #tpu.memory_space<vmem>>, vector<16xi32>,
      %get3A_873 = arith.index_cast %select_n3A_839 : i32 to index
      %get3A_874 = arith.constant 176 : index
      %get3A_875 = tpu.vector_load %arg5[%get3A_873, %get3A_874] {strides = array<i32>} : memref<32x256xi32, #tpu.memory_space<vmem>>, vector<16xi32>,
      %get3A_876 = arith.index_cast %select_n3A_839 : i32 to index
      %get3A_877 = arith.constant 192 : index
      %get3A_878 = tpu.vector_load %arg5[%get3A_876, %get3A_877] {strides = array<i32>} : memref<32x256xi32, #tpu.memory_space<vmem>>, vector<16xi32>,
      %get3A_879 = arith.index_cast %select_n3A_839 : i32 to index
      %get3A_880 = arith.constant 208 : index
      %get3A_881 = tpu.vector_load %arg5[%get3A_879, %get3A_880] {strides = array<i32>} : memref<32x256xi32, #tpu.memory_space<vmem>>, vector<16xi32>,
      %get3A_882 = arith.index_cast %select_n3A_839 : i32 to index
      %get3A_883 = arith.constant 224 : index
      %get3A_884 = tpu.vector_load %arg5[%get3A_882, %get3A_883] {strides = array<i32>} : memref<32x256xi32, #tpu.memory_space<vmem>>, vector<16xi32>,
      %get3A_885 = arith.index_cast %select_n3A_839 : i32 to index
      %get3A_886 = arith.constant 240 : index
      %get3A_887 = tpu.vector_load %arg5[%get3A_885, %get3A_886] {strides = array<i32>} : memref<32x256xi32, #tpu.memory_space<vmem>>, vector<16xi32>,
      %broadcast_in_dim3A_888 = arith.constant 0 : i32
      %broadcast_in_dim3A_889 = vector.broadcast %broadcast_in_dim3A_888 : i32 to vector<16xi32>
      %parallel_loop3A_890 = arith.constant 0 : i32
      %parallel_loop3A_891 = arith.constant 64 : i32
      %parallel_loop3A_892 = arith.constant 1 : i32
      %parallel_loop3A_893 = scf.for %parallel_loop3A_1244 = %parallel_loop3A_890 to %parallel_loop3A_891 step %parallel_loop3A_892 iter_args(%parallel_loop3A_1245 = %broadcast_in_dim3A_889) -> (vector<16xi32>)  : i32 {
        %parallel_loop3A_1246 = tpu.vector_load_idx %arg10[%parallel_loop3A_1245, %get3A_842] : memref<64x256xf32, #tpu.memory_space<vmem>>[vector<16xi32>, vector<16xi32>], vector<16xf32>,
        %parallel_loop3A_1247 = tpu.vector_load_idx %arg10[%parallel_loop3A_1245, %get3A_845] : memref<64x256xf32, #tpu.memory_space<vmem>>[vector<16xi32>, vector<16xi32>], vector<16xf32>,
        %parallel_loop3A_1248 = tpu.vector_load_idx %arg10[%parallel_loop3A_1245, %get3A_848] : memref<64x256xf32, #tpu.memory_space<vmem>>[vector<16xi32>, vector<16xi32>], vector<16xf32>,
        %parallel_loop3A_1249 = tpu.vector_load_idx %arg10[%parallel_loop3A_1245, %get3A_851] : memref<64x256xf32, #tpu.memory_space<vmem>>[vector<16xi32>, vector<16xi32>], vector<16xf32>,
        %parallel_loop3A_1250 = tpu.vector_load_idx %arg10[%parallel_loop3A_1245, %get3A_854] : memref<64x256xf32, #tpu.memory_space<vmem>>[vector<16xi32>, vector<16xi32>], vector<16xf32>,
        %parallel_loop3A_1251 = tpu.vector_load_idx %arg10[%parallel_loop3A_1245, %get3A_857] : memref<64x256xf32, #tpu.memory_space<vmem>>[vector<16xi32>, vector<16xi32>], vector<16xf32>,
        %parallel_loop3A_1252 = tpu.vector_load_idx %arg10[%parallel_loop3A_1245, %get3A_860] : memref<64x256xf32, #tpu.memory_space<vmem>>[vector<16xi32>, vector<16xi32>], vector<16xf32>,
        %parallel_loop3A_1253 = tpu.vector_load_idx %arg10[%parallel_loop3A_1245, %get3A_863] : memref<64x256xf32, #tpu.memory_space<vmem>>[vector<16xi32>, vector<16xi32>], vector<16xf32>,
        %parallel_loop3A_1254 = tpu.vector_load_idx %arg10[%parallel_loop3A_1245, %get3A_866] : memref<64x256xf32, #tpu.memory_space<vmem>>[vector<16xi32>, vector<16xi32>], vector<16xf32>,
        %parallel_loop3A_1255 = tpu.vector_load_idx %arg10[%parallel_loop3A_1245, %get3A_869] : memref<64x256xf32, #tpu.memory_space<vmem>>[vector<16xi32>, vector<16xi32>], vector<16xf32>,
        %parallel_loop3A_1256 = tpu.vector_load_idx %arg10[%parallel_loop3A_1245, %get3A_872] : memref<64x256xf32, #tpu.memory_space<vmem>>[vector<16xi32>, vector<16xi32>], vector<16xf32>,
        %parallel_loop3A_1257 = tpu.vector_load_idx %arg10[%parallel_loop3A_1245, %get3A_875] : memref<64x256xf32, #tpu.memory_space<vmem>>[vector<16xi32>, vector<16xi32>], vector<16xf32>,
        %parallel_loop3A_1258 = tpu.vector_load_idx %arg10[%parallel_loop3A_1245, %get3A_878] : memref<64x256xf32, #tpu.memory_space<vmem>>[vector<16xi32>, vector<16xi32>], vector<16xf32>,
        %parallel_loop3A_1259 = tpu.vector_load_idx %arg10[%parallel_loop3A_1245, %get3A_881] : memref<64x256xf32, #tpu.memory_space<vmem>>[vector<16xi32>, vector<16xi32>], vector<16xf32>,
        %parallel_loop3A_1260 = tpu.vector_load_idx %arg10[%parallel_loop3A_1245, %get3A_884] : memref<64x256xf32, #tpu.memory_space<vmem>>[vector<16xi32>, vector<16xi32>], vector<16xf32>,
        %parallel_loop3A_1261 = tpu.vector_load_idx %arg10[%parallel_loop3A_1245, %get3A_887] : memref<64x256xf32, #tpu.memory_space<vmem>>[vector<16xi32>, vector<16xi32>], vector<16xf32>,
        %parallel_loop3A_1262 = arith.index_cast %parallel_loop3A_1244 : i32 to index
        %parallel_loop3A_1263 = arith.constant 0 : index
        %parallel_loop3A_1264 = tpu.vector_load %arg10[%parallel_loop3A_1262, %parallel_loop3A_1263] {strides = array<i32>} : memref<64x256xf32, #tpu.memory_space<vmem>>, vector<16xf32>,
        tpu.vector_store %arg10[%parallel_loop3A_1262, %parallel_loop3A_1263], %parallel_loop3A_1246 {strides = array<i32>} : memref<64x256xf32, #tpu.memory_space<vmem>>, vector<16xf32>,
        %parallel_loop3A_1265 = arith.index_cast %parallel_loop3A_1244 : i32 to index
        %parallel_loop3A_1266 = arith.constant 16 : index
        %parallel_loop3A_1267 = tpu.vector_load %arg10[%parallel_loop3A_1265, %parallel_loop3A_1266] {strides = array<i32>} : memref<64x256xf32, #tpu.memory_space<vmem>>, vector<16xf32>,
        tpu.vector_store %arg10[%parallel_loop3A_1265, %parallel_loop3A_1266], %parallel_loop3A_1247 {strides = array<i32>} : memref<64x256xf32, #tpu.memory_space<vmem>>, vector<16xf32>,
        %parallel_loop3A_1268 = arith.index_cast %parallel_loop3A_1244 : i32 to index
        %parallel_loop3A_1269 = arith.constant 32 : index
        %parallel_loop3A_1270 = tpu.vector_load %arg10[%parallel_loop3A_1268, %parallel_loop3A_1269] {strides = array<i32>} : memref<64x256xf32, #tpu.memory_space<vmem>>, vector<16xf32>,
        tpu.vector_store %arg10[%parallel_loop3A_1268, %parallel_loop3A_1269], %parallel_loop3A_1248 {strides = array<i32>} : memref<64x256xf32, #tpu.memory_space<vmem>>, vector<16xf32>,
        %parallel_loop3A_1271 = arith.index_cast %parallel_loop3A_1244 : i32 to index
        %parallel_loop3A_1272 = arith.constant 48 : index
        %parallel_loop3A_1273 = tpu.vector_load %arg10[%parallel_loop3A_1271, %parallel_loop3A_1272] {strides = array<i32>} : memref<64x256xf32, #tpu.memory_space<vmem>>, vector<16xf32>,
        tpu.vector_store %arg10[%parallel_loop3A_1271, %parallel_loop3A_1272], %parallel_loop3A_1249 {strides = array<i32>} : memref<64x256xf32, #tpu.memory_space<vmem>>, vector<16xf32>,
        %parallel_loop3A_1274 = arith.index_cast %parallel_loop3A_1244 : i32 to index
        %parallel_loop3A_1275 = arith.constant 64 : index
        %parallel_loop3A_1276 = tpu.vector_load %arg10[%parallel_loop3A_1274, %parallel_loop3A_1275] {strides = array<i32>} : memref<64x256xf32, #tpu.memory_space<vmem>>, vector<16xf32>,
        tpu.vector_store %arg10[%parallel_loop3A_1274, %parallel_loop3A_1275], %parallel_loop3A_1250 {strides = array<i32>} : memref<64x256xf32, #tpu.memory_space<vmem>>, vector<16xf32>,
        %parallel_loop3A_1277 = arith.index_cast %parallel_loop3A_1244 : i32 to index
        %parallel_loop3A_1278 = arith.constant 80 : index
        %parallel_loop3A_1279 = tpu.vector_load %arg10[%parallel_loop3A_1277, %parallel_loop3A_1278] {strides = array<i32>} : memref<64x256xf32, #tpu.memory_space<vmem>>, vector<16xf32>,
        tpu.vector_store %arg10[%parallel_loop3A_1277, %parallel_loop3A_1278], %parallel_loop3A_1251 {strides = array<i32>} : memref<64x256xf32, #tpu.memory_space<vmem>>, vector<16xf32>,
        %parallel_loop3A_1280 = arith.index_cast %parallel_loop3A_1244 : i32 to index
        %parallel_loop3A_1281 = arith.constant 96 : index
        %parallel_loop3A_1282 = tpu.vector_load %arg10[%parallel_loop3A_1280, %parallel_loop3A_1281] {strides = array<i32>} : memref<64x256xf32, #tpu.memory_space<vmem>>, vector<16xf32>,
        tpu.vector_store %arg10[%parallel_loop3A_1280, %parallel_loop3A_1281], %parallel_loop3A_1252 {strides = array<i32>} : memref<64x256xf32, #tpu.memory_space<vmem>>, vector<16xf32>,
        %parallel_loop3A_1283 = arith.index_cast %parallel_loop3A_1244 : i32 to index
        %parallel_loop3A_1284 = arith.constant 112 : index
        %parallel_loop3A_1285 = tpu.vector_load %arg10[%parallel_loop3A_1283, %parallel_loop3A_1284] {strides = array<i32>} : memref<64x256xf32, #tpu.memory_space<vmem>>, vector<16xf32>,
        tpu.vector_store %arg10[%parallel_loop3A_1283, %parallel_loop3A_1284], %parallel_loop3A_1253 {strides = array<i32>} : memref<64x256xf32, #tpu.memory_space<vmem>>, vector<16xf32>,
        %parallel_loop3A_1286 = arith.index_cast %parallel_loop3A_1244 : i32 to index
        %parallel_loop3A_1287 = arith.constant 128 : index
        %parallel_loop3A_1288 = tpu.vector_load %arg10[%parallel_loop3A_1286, %parallel_loop3A_1287] {strides = array<i32>} : memref<64x256xf32, #tpu.memory_space<vmem>>, vector<16xf32>,
        tpu.vector_store %arg10[%parallel_loop3A_1286, %parallel_loop3A_1287], %parallel_loop3A_1254 {strides = array<i32>} : memref<64x256xf32, #tpu.memory_space<vmem>>, vector<16xf32>,
        %parallel_loop3A_1289 = arith.index_cast %parallel_loop3A_1244 : i32 to index
        %parallel_loop3A_1290 = arith.constant 144 : index
        %parallel_loop3A_1291 = tpu.vector_load %arg10[%parallel_loop3A_1289, %parallel_loop3A_1290] {strides = array<i32>} : memref<64x256xf32, #tpu.memory_space<vmem>>, vector<16xf32>,
        tpu.vector_store %arg10[%parallel_loop3A_1289, %parallel_loop3A_1290], %parallel_loop3A_1255 {strides = array<i32>} : memref<64x256xf32, #tpu.memory_space<vmem>>, vector<16xf32>,
        %parallel_loop3A_1292 = arith.index_cast %parallel_loop3A_1244 : i32 to index
        %parallel_loop3A_1293 = arith.constant 160 : index
        %parallel_loop3A_1294 = tpu.vector_load %arg10[%parallel_loop3A_1292, %parallel_loop3A_1293] {strides = array<i32>} : memref<64x256xf32, #tpu.memory_space<vmem>>, vector<16xf32>,
        tpu.vector_store %arg10[%parallel_loop3A_1292, %parallel_loop3A_1293], %parallel_loop3A_1256 {strides = array<i32>} : memref<64x256xf32, #tpu.memory_space<vmem>>, vector<16xf32>,
        %parallel_loop3A_1295 = arith.index_cast %parallel_loop3A_1244 : i32 to index
        %parallel_loop3A_1296 = arith.constant 176 : index
        %parallel_loop3A_1297 = tpu.vector_load %arg10[%parallel_loop3A_1295, %parallel_loop3A_1296] {strides = array<i32>} : memref<64x256xf32, #tpu.memory_space<vmem>>, vector<16xf32>,
        tpu.vector_store %arg10[%parallel_loop3A_1295, %parallel_loop3A_1296], %parallel_loop3A_1257 {strides = array<i32>} : memref<64x256xf32, #tpu.memory_space<vmem>>, vector<16xf32>,
        %parallel_loop3A_1298 = arith.index_cast %parallel_loop3A_1244 : i32 to index
        %parallel_loop3A_1299 = arith.constant 192 : index
        %parallel_loop3A_1300 = tpu.vector_load %arg10[%parallel_loop3A_1298, %parallel_loop3A_1299] {strides = array<i32>} : memref<64x256xf32, #tpu.memory_space<vmem>>, vector<16xf32>,
        tpu.vector_store %arg10[%parallel_loop3A_1298, %parallel_loop3A_1299], %parallel_loop3A_1258 {strides = array<i32>} : memref<64x256xf32, #tpu.memory_space<vmem>>, vector<16xf32>,
        %parallel_loop3A_1301 = arith.index_cast %parallel_loop3A_1244 : i32 to index
        %parallel_loop3A_1302 = arith.constant 208 : index
        %parallel_loop3A_1303 = tpu.vector_load %arg10[%parallel_loop3A_1301, %parallel_loop3A_1302] {strides = array<i32>} : memref<64x256xf32, #tpu.memory_space<vmem>>, vector<16xf32>,
        tpu.vector_store %arg10[%parallel_loop3A_1301, %parallel_loop3A_1302], %parallel_loop3A_1259 {strides = array<i32>} : memref<64x256xf32, #tpu.memory_space<vmem>>, vector<16xf32>,
        %parallel_loop3A_1304 = arith.index_cast %parallel_loop3A_1244 : i32 to index
        %parallel_loop3A_1305 = arith.constant 224 : index
        %parallel_loop3A_1306 = tpu.vector_load %arg10[%parallel_loop3A_1304, %parallel_loop3A_1305] {strides = array<i32>} : memref<64x256xf32, #tpu.memory_space<vmem>>, vector<16xf32>,
        tpu.vector_store %arg10[%parallel_loop3A_1304, %parallel_loop3A_1305], %parallel_loop3A_1260 {strides = array<i32>} : memref<64x256xf32, #tpu.memory_space<vmem>>, vector<16xf32>,
        %parallel_loop3A_1307 = arith.index_cast %parallel_loop3A_1244 : i32 to index
        %parallel_loop3A_1308 = arith.constant 240 : index
        %parallel_loop3A_1309 = tpu.vector_load %arg10[%parallel_loop3A_1307, %parallel_loop3A_1308] {strides = array<i32>} : memref<64x256xf32, #tpu.memory_space<vmem>>, vector<16xf32>,
        tpu.vector_store %arg10[%parallel_loop3A_1307, %parallel_loop3A_1308], %parallel_loop3A_1261 {strides = array<i32>} : memref<64x256xf32, #tpu.memory_space<vmem>>, vector<16xf32>,
        %parallel_loop3A_1310 = arith.constant 1 : i32
        %parallel_loop3A_1311 = vector.broadcast %parallel_loop3A_1310 : i32 to vector<16xi32>
        %parallel_loop3A_1312 = arith.addi %parallel_loop3A_1245, %parallel_loop3A_1311 : vector<16xi32>
        scf.yield %parallel_loop3A_1312 : vector<16xi32>
      } {sc.loop_unroll_factor = 1 : i64, sc.parallel_access}
      %jit3A_894 = arith.constant 2 : i32
      %div3A_895 = arith.divsi %add3A_794, %jit3A_894 : i32
      %sign3A_896 = arith.constant 0 : i32
      %sign3A_897 = arith.cmpi sgt, %add3A_794, %sign3A_896 : i32
      %sign3A_898 = arith.extui %sign3A_897 : i1 to i32
      %sign3A_899 = arith.constant 0 : i32
      %sign3A_900 = arith.cmpi slt, %add3A_794, %sign3A_899 : i32
      %sign3A_901 = arith.extui %sign3A_900 : i1 to i32
      %sign3A_902 = arith.subi %sign3A_898, %sign3A_901 : i32
      %sign3A_903 = arith.constant 0 : i32
      %sign3A_904 = arith.cmpi sgt, %jit3A_894, %sign3A_903 : i32
      %sign3A_905 = arith.extui %sign3A_904 : i1 to i32
      %sign3A_906 = arith.constant 0 : i32
      %sign3A_907 = arith.cmpi slt, %jit3A_894, %sign3A_906 : i32
      %sign3A_908 = arith.extui %sign3A_907 : i1 to i32
      %sign3A_909 = arith.subi %sign3A_905, %sign3A_908 : i32
      %ne3A_910 = arith.cmpi ne, %sign3A_902, %sign3A_909 : i32
      %rem3A_911 = arith.remsi %add3A_794, %jit3A_894 : i32
      %ne3A_912 = arith.constant 0 : i32
      %ne3A_913 = arith.cmpi ne, %rem3A_911, %ne3A_912 : i32
      %and3A_914 = arith.andi %ne3A_910, %ne3A_913 : i1
      %sub3A_915 = arith.constant 1 : i32
      %sub3A_916 = arith.subi %div3A_895, %sub3A_915 : i32
      %select_n3A_917 = arith.select %and3A_914, %sub3A_916, %div3A_895 : i32
      %jit3A_918 = arith.constant 2 : i32
      %eq3A_919 = arith.constant 0 : i32
      %eq3A_920 = arith.cmpi eq, %jit3A_918, %eq3A_919 : i32
      %jit3A_921 = arith.constant 1 : i32
      %select_n3A_922 = arith.select %eq3A_920, %jit3A_921, %jit3A_918 : i32
      %rem3A_923 = arith.remsi %add3A_794, %select_n3A_922 : i32
      %ne3A_924 = arith.constant 0 : i32
      %ne3A_925 = arith.cmpi ne, %rem3A_923, %ne3A_924 : i32
      %lt3A_926 = arith.constant 0 : i32
      %lt3A_927 = arith.cmpi slt, %rem3A_923, %lt3A_926 : i32
      %lt3A_928 = arith.constant 0 : i32
      %lt3A_929 = arith.cmpi slt, %select_n3A_922, %lt3A_928 : i32
      %ne3A_930 = arith.xori %lt3A_927, %lt3A_929 : i1
      %and3A_931 = arith.andi %ne3A_930, %ne3A_925 : i1
      %add3A_932 = arith.addi %rem3A_923, %select_n3A_922 : i32
      %select_n3A_933 = arith.select %and3A_931, %add3A_932, %rem3A_923 : i32
      %mul3A_934 = arith.constant 64 : i32
      %mul3A_935 = arith.muli %select_n3A_933, %mul3A_934 : i32
      %dma_start3A_936 = arith.constant 0 : i32
      %dma_start3A_937 = tpu.memref_slice %arg4[%add3A, %select_n3A_917, %mul3A_935, %dma_start3A_936] : memref<32x32x128x256xf32, #tpu.memory_space<hbm>> -> memref<1x1x64x256xf32, #tpu.memory_space<hbm>>
      %dma_start3A_938 = tpu.memref_squeeze %dma_start3A_937 : memref<1x1x64x256xf32, #tpu.memory_space<hbm>> -> memref<64x256xf32, #tpu.memory_space<hbm>>
      %dma_start3A_939 = arith.constant 0 : i32
      %dma_start3A_940 = tpu.memref_slice %arg4[%add3A, %select_n3A_917, %mul3A_935, %dma_start3A_939] : memref<32x32x128x256xf32, #tpu.memory_space<hbm>> -> memref<1x1x64x256xf32, #tpu.memory_space<hbm>>
      %dma_start3A_941 = tpu.memref_squeeze %dma_start3A_940 : memref<1x1x64x256xf32, #tpu.memory_space<hbm>> -> memref<64x256xf32, #tpu.memory_space<hbm>>
      tpu.enqueue_dma source(%arg10 : memref<64x256xf32, #tpu.memory_space<vmem>>) target(%dma_start3A_941 : memref<64x256xf32, #tpu.memory_space<hbm>>) target_semaphore(%arg24 : memref<!tpu.dma_semaphore, #tpu.memory_space<semaphore_mem>>)
      %mul3A_942 = arith.constant 7 : i32
      %mul3A_943 = arith.muli %scan3A_187, %mul3A_942 : i32
      %add3A_944 = arith.constant 5 : i32
      %add3A_945 = arith.addi %mul3A_943, %add3A_944 : i32
      %dma_wait3A_946 = arith.constant 0 : i32
      %dma_wait3A_947 = arith.constant 0 : i32
      %dma_wait3A_948 = arith.constant 0 : i32
      %dma_wait3A_949 = arith.constant 0 : i32
      %dma_wait3A_950 = tpu.memref_slice %arg2[%dma_wait3A_946, %dma_wait3A_947, %dma_wait3A_948, %dma_wait3A_949] : memref<32x32x128x256xf32, #tpu.memory_space<hbm>> -> memref<1x1x64x256xf32, #tpu.memory_space<hbm>>
      %dma_wait3A_951 = tpu.memref_squeeze %dma_wait3A_950 : memref<1x1x64x256xf32, #tpu.memory_space<hbm>> -> memref<64x256xf32, #tpu.memory_space<hbm>>
      %dma_wait3A_952 = arith.constant 0 : i32
      %dma_wait3A_953 = arith.constant 0 : i32
      %dma_wait3A_954 = tpu.memref_slice %arg2[%dma_wait3A_946, %dma_wait3A_947, %dma_wait3A_952, %dma_wait3A_953] : memref<32x32x128x256xf32, #tpu.memory_space<hbm>> -> memref<1x1x64x256xf32, #tpu.memory_space<hbm>>
      %dma_wait3A_955 = tpu.memref_squeeze %dma_wait3A_954 : memref<1x1x64x256xf32, #tpu.memory_space<hbm>> -> memref<64x256xf32, #tpu.memory_space<hbm>>
      tpu.wait_dma2 semaphore(%arg18 : memref<!tpu.dma_semaphore, #tpu.memory_space<semaphore_mem>>) src(%dma_wait3A_955 : memref<64x256xf32, #tpu.memory_space<hbm>>) dst(%arg11 : memref<64x256xf32, #tpu.memory_space<vmem>>)
      %add3A_956 = arith.constant 1 : i32
      %add3A_957 = arith.addi %scan3A_187, %add3A_956 : i32
      %mul3A_958 = arith.constant 7 : i32
      %mul3A_959 = arith.muli %add3A_957, %mul3A_958 : i32
      %add3A_960 = arith.constant 1 : i32
      %add3A_961 = arith.addi %mul3A_959, %add3A_960 : i32
      %lt3A_962 = arith.constant 64 : i32
      %lt3A_963 = arith.cmpi slt, %add3A_961, %lt3A_962 : i32
      %convert_element_type3A_964 = arith.extui %lt3A_963 : i1 to i32
      %cond3A_965 = arith.constant 0 : i32
      %cond3A_966 = arith.cmpi ne, %convert_element_type3A_964, %cond3A_965 : i32
      scf.if %cond3A_966 {
        %dma_wait3A_1244 = arith.constant 0 : i32
        %dma_wait3A_1245 = arith.constant 0 : i32
        %dma_wait3A_1246 = arith.constant 0 : i32
        %dma_wait3A_1247 = arith.constant 0 : i32
        %dma_wait3A_1248 = tpu.memref_slice %arg4[%dma_wait3A_1244, %dma_wait3A_1245, %dma_wait3A_1246, %dma_wait3A_1247] : memref<32x32x128x256xf32, #tpu.memory_space<hbm>> -> memref<1x1x64x256xf32, #tpu.memory_space<hbm>>
        %dma_wait3A_1249 = tpu.memref_squeeze %dma_wait3A_1248 : memref<1x1x64x256xf32, #tpu.memory_space<hbm>> -> memref<64x256xf32, #tpu.memory_space<hbm>>
        %dma_wait3A_1250 = arith.constant 0 : i32
        %dma_wait3A_1251 = arith.constant 0 : i32
        %dma_wait3A_1252 = tpu.memref_slice %arg4[%dma_wait3A_1244, %dma_wait3A_1245, %dma_wait3A_1250, %dma_wait3A_1251] : memref<32x32x128x256xf32, #tpu.memory_space<hbm>> -> memref<1x1x64x256xf32, #tpu.memory_space<hbm>>
        %dma_wait3A_1253 = tpu.memref_squeeze %dma_wait3A_1252 : memref<1x1x64x256xf32, #tpu.memory_space<hbm>> -> memref<64x256xf32, #tpu.memory_space<hbm>>
        tpu.wait_dma2 semaphore(%arg21 : memref<!tpu.dma_semaphore, #tpu.memory_space<semaphore_mem>>) src(%arg7 : memref<64x256xf32, #tpu.memory_space<vmem>>) dst(%dma_wait3A_1253 : memref<64x256xf32, #tpu.memory_space<hbm>>)
        %jit3A_1254 = arith.constant 2 : i32
        %div3A_1255 = arith.divsi %add3A_961, %jit3A_1254 : i32
        %sign3A_1256 = arith.constant 0 : i32
        %sign3A_1257 = arith.cmpi sgt, %add3A_961, %sign3A_1256 : i32
        %sign3A_1258 = arith.extui %sign3A_1257 : i1 to i32
        %sign3A_1259 = arith.constant 0 : i32
        %sign3A_1260 = arith.cmpi slt, %add3A_961, %sign3A_1259 : i32
        %sign3A_1261 = arith.extui %sign3A_1260 : i1 to i32
        %sign3A_1262 = arith.subi %sign3A_1258, %sign3A_1261 : i32
        %sign3A_1263 = arith.constant 0 : i32
        %sign3A_1264 = arith.cmpi sgt, %jit3A_1254, %sign3A_1263 : i32
        %sign3A_1265 = arith.extui %sign3A_1264 : i1 to i32
        %sign3A_1266 = arith.constant 0 : i32
        %sign3A_1267 = arith.cmpi slt, %jit3A_1254, %sign3A_1266 : i32
        %sign3A_1268 = arith.extui %sign3A_1267 : i1 to i32
        %sign3A_1269 = arith.subi %sign3A_1265, %sign3A_1268 : i32
        %ne3A_1270 = arith.cmpi ne, %sign3A_1262, %sign3A_1269 : i32
        %rem3A_1271 = arith.remsi %add3A_961, %jit3A_1254 : i32
        %ne3A_1272 = arith.constant 0 : i32
        %ne3A_1273 = arith.cmpi ne, %rem3A_1271, %ne3A_1272 : i32
        %and3A_1274 = arith.andi %ne3A_1270, %ne3A_1273 : i1
        %sub3A_1275 = arith.constant 1 : i32
        %sub3A_1276 = arith.subi %div3A_1255, %sub3A_1275 : i32
        %select_n3A_1277 = arith.select %and3A_1274, %sub3A_1276, %div3A_1255 : i32
        %jit3A_1278 = arith.constant 2 : i32
        %eq3A_1279 = arith.constant 0 : i32
        %eq3A_1280 = arith.cmpi eq, %jit3A_1278, %eq3A_1279 : i32
        %jit3A_1281 = arith.constant 1 : i32
        %select_n3A_1282 = arith.select %eq3A_1280, %jit3A_1281, %jit3A_1278 : i32
        %rem3A_1283 = arith.remsi %add3A_961, %select_n3A_1282 : i32
        %ne3A_1284 = arith.constant 0 : i32
        %ne3A_1285 = arith.cmpi ne, %rem3A_1283, %ne3A_1284 : i32
        %lt3A_1286 = arith.constant 0 : i32
        %lt3A_1287 = arith.cmpi slt, %rem3A_1283, %lt3A_1286 : i32
        %lt3A_1288 = arith.constant 0 : i32
        %lt3A_1289 = arith.cmpi slt, %select_n3A_1282, %lt3A_1288 : i32
        %ne3A_1290 = arith.xori %lt3A_1287, %lt3A_1289 : i1
        %and3A_1291 = arith.andi %ne3A_1290, %ne3A_1285 : i1
        %add3A_1292 = arith.addi %rem3A_1283, %select_n3A_1282 : i32
        %select_n3A_1293 = arith.select %and3A_1291, %add3A_1292, %rem3A_1283 : i32
        %mul3A_1294 = arith.constant 64 : i32
        %mul3A_1295 = arith.muli %select_n3A_1293, %mul3A_1294 : i32
        %dma_start3A_1296 = arith.constant 0 : i32
        %dma_start3A_1297 = tpu.memref_slice %arg2[%add3A, %select_n3A_1277, %mul3A_1295, %dma_start3A_1296] : memref<32x32x128x256xf32, #tpu.memory_space<hbm>> -> memref<1x1x64x256xf32, #tpu.memory_space<hbm>>
        %dma_start3A_1298 = tpu.memref_squeeze %dma_start3A_1297 : memref<1x1x64x256xf32, #tpu.memory_space<hbm>> -> memref<64x256xf32, #tpu.memory_space<hbm>>
        %dma_start3A_1299 = arith.constant 0 : i32
        %dma_start3A_1300 = tpu.memref_slice %arg2[%add3A, %select_n3A_1277, %mul3A_1295, %dma_start3A_1299] : memref<32x32x128x256xf32, #tpu.memory_space<hbm>> -> memref<1x1x64x256xf32, #tpu.memory_space<hbm>>
        %dma_start3A_1301 = tpu.memref_squeeze %dma_start3A_1300 : memref<1x1x64x256xf32, #tpu.memory_space<hbm>> -> memref<64x256xf32, #tpu.memory_space<hbm>>
        tpu.enqueue_dma source(%dma_start3A_1301 : memref<64x256xf32, #tpu.memory_space<hbm>>) target(%arg7 : memref<64x256xf32, #tpu.memory_space<vmem>>) target_semaphore(%arg14 : memref<!tpu.dma_semaphore, #tpu.memory_space<semaphore_mem>>)
      } else {
      }
      %jit3A_967 = arith.constant 2 : i32
      %div3A_968 = arith.divsi %add3A_945, %jit3A_967 : i32
      %sign3A_969 = arith.constant 0 : i32
      %sign3A_970 = arith.cmpi sgt, %add3A_945, %sign3A_969 : i32
      %sign3A_971 = arith.extui %sign3A_970 : i1 to i32
      %sign3A_972 = arith.constant 0 : i32
      %sign3A_973 = arith.cmpi slt, %add3A_945, %sign3A_972 : i32
      %sign3A_974 = arith.extui %sign3A_973 : i1 to i32
      %sign3A_975 = arith.subi %sign3A_971, %sign3A_974 : i32
      %sign3A_976 = arith.constant 0 : i32
      %sign3A_977 = arith.cmpi sgt, %jit3A_967, %sign3A_976 : i32
      %sign3A_978 = arith.extui %sign3A_977 : i1 to i32
      %sign3A_979 = arith.constant 0 : i32
      %sign3A_980 = arith.cmpi slt, %jit3A_967, %sign3A_979 : i32
      %sign3A_981 = arith.extui %sign3A_980 : i1 to i32
      %sign3A_982 = arith.subi %sign3A_978, %sign3A_981 : i32
      %ne3A_983 = arith.cmpi ne, %sign3A_975, %sign3A_982 : i32
      %rem3A_984 = arith.remsi %add3A_945, %jit3A_967 : i32
      %ne3A_985 = arith.constant 0 : i32
      %ne3A_986 = arith.cmpi ne, %rem3A_984, %ne3A_985 : i32
      %and3A_987 = arith.andi %ne3A_983, %ne3A_986 : i1
      %sub3A_988 = arith.constant 1 : i32
      %sub3A_989 = arith.subi %div3A_968, %sub3A_988 : i32
      %select_n3A_990 = arith.select %and3A_987, %sub3A_989, %div3A_968 : i32
      %get3A_991 = arith.index_cast %select_n3A_990 : i32 to index
      %get3A_992 = arith.constant 0 : index
      %get3A_993 = tpu.vector_load %arg5[%get3A_991, %get3A_992] {strides = array<i32>} : memref<32x256xi32, #tpu.memory_space<vmem>>, vector<16xi32>,
      %get3A_994 = arith.index_cast %select_n3A_990 : i32 to index
      %get3A_995 = arith.constant 16 : index
      %get3A_996 = tpu.vector_load %arg5[%get3A_994, %get3A_995] {strides = array<i32>} : memref<32x256xi32, #tpu.memory_space<vmem>>, vector<16xi32>,
      %get3A_997 = arith.index_cast %select_n3A_990 : i32 to index
      %get3A_998 = arith.constant 32 : index
      %get3A_999 = tpu.vector_load %arg5[%get3A_997, %get3A_998] {strides = array<i32>} : memref<32x256xi32, #tpu.memory_space<vmem>>, vector<16xi32>,
      %get3A_1000 = arith.index_cast %select_n3A_990 : i32 to index
      %get3A_1001 = arith.constant 48 : index
      %get3A_1002 = tpu.vector_load %arg5[%get3A_1000, %get3A_1001] {strides = array<i32>} : memref<32x256xi32, #tpu.memory_space<vmem>>, vector<16xi32>,
      %get3A_1003 = arith.index_cast %select_n3A_990 : i32 to index
      %get3A_1004 = arith.constant 64 : index
      %get3A_1005 = tpu.vector_load %arg5[%get3A_1003, %get3A_1004] {strides = array<i32>} : memref<32x256xi32, #tpu.memory_space<vmem>>, vector<16xi32>,
      %get3A_1006 = arith.index_cast %select_n3A_990 : i32 to index
      %get3A_1007 = arith.constant 80 : index
      %get3A_1008 = tpu.vector_load %arg5[%get3A_1006, %get3A_1007] {strides = array<i32>} : memref<32x256xi32, #tpu.memory_space<vmem>>, vector<16xi32>,
      %get3A_1009 = arith.index_cast %select_n3A_990 : i32 to index
      %get3A_1010 = arith.constant 96 : index
      %get3A_1011 = tpu.vector_load %arg5[%get3A_1009, %get3A_1010] {strides = array<i32>} : memref<32x256xi32, #tpu.memory_space<vmem>>, vector<16xi32>,
      %get3A_1012 = arith.index_cast %select_n3A_990 : i32 to index
      %get3A_1013 = arith.constant 112 : index
      %get3A_1014 = tpu.vector_load %arg5[%get3A_1012, %get3A_1013] {strides = array<i32>} : memref<32x256xi32, #tpu.memory_space<vmem>>, vector<16xi32>,
      %get3A_1015 = arith.index_cast %select_n3A_990 : i32 to index
      %get3A_1016 = arith.constant 128 : index
      %get3A_1017 = tpu.vector_load %arg5[%get3A_1015, %get3A_1016] {strides = array<i32>} : memref<32x256xi32, #tpu.memory_space<vmem>>, vector<16xi32>,
      %get3A_1018 = arith.index_cast %select_n3A_990 : i32 to index
      %get3A_1019 = arith.constant 144 : index
      %get3A_1020 = tpu.vector_load %arg5[%get3A_1018, %get3A_1019] {strides = array<i32>} : memref<32x256xi32, #tpu.memory_space<vmem>>, vector<16xi32>,
      %get3A_1021 = arith.index_cast %select_n3A_990 : i32 to index
      %get3A_1022 = arith.constant 160 : index
      %get3A_1023 = tpu.vector_load %arg5[%get3A_1021, %get3A_1022] {strides = array<i32>} : memref<32x256xi32, #tpu.memory_space<vmem>>, vector<16xi32>,
      %get3A_1024 = arith.index_cast %select_n3A_990 : i32 to index
      %get3A_1025 = arith.constant 176 : index
      %get3A_1026 = tpu.vector_load %arg5[%get3A_1024, %get3A_1025] {strides = array<i32>} : memref<32x256xi32, #tpu.memory_space<vmem>>, vector<16xi32>,
      %get3A_1027 = arith.index_cast %select_n3A_990 : i32 to index
      %get3A_1028 = arith.constant 192 : index
      %get3A_1029 = tpu.vector_load %arg5[%get3A_1027, %get3A_1028] {strides = array<i32>} : memref<32x256xi32, #tpu.memory_space<vmem>>, vector<16xi32>,
      %get3A_1030 = arith.index_cast %select_n3A_990 : i32 to index
      %get3A_1031 = arith.constant 208 : index
      %get3A_1032 = tpu.vector_load %arg5[%get3A_1030, %get3A_1031] {strides = array<i32>} : memref<32x256xi32, #tpu.memory_space<vmem>>, vector<16xi32>,
      %get3A_1033 = arith.index_cast %select_n3A_990 : i32 to index
      %get3A_1034 = arith.constant 224 : index
      %get3A_1035 = tpu.vector_load %arg5[%get3A_1033, %get3A_1034] {strides = array<i32>} : memref<32x256xi32, #tpu.memory_space<vmem>>, vector<16xi32>,
      %get3A_1036 = arith.index_cast %select_n3A_990 : i32 to index
      %get3A_1037 = arith.constant 240 : index
      %get3A_1038 = tpu.vector_load %arg5[%get3A_1036, %get3A_1037] {strides = array<i32>} : memref<32x256xi32, #tpu.memory_space<vmem>>, vector<16xi32>,
      %broadcast_in_dim3A_1039 = arith.constant 0 : i32
      %broadcast_in_dim3A_1040 = vector.broadcast %broadcast_in_dim3A_1039 : i32 to vector<16xi32>
      %parallel_loop3A_1041 = arith.constant 0 : i32
      %parallel_loop3A_1042 = arith.constant 64 : i32
      %parallel_loop3A_1043 = arith.constant 1 : i32
      %parallel_loop3A_1044 = scf.for %parallel_loop3A_1244 = %parallel_loop3A_1041 to %parallel_loop3A_1042 step %parallel_loop3A_1043 iter_args(%parallel_loop3A_1245 = %broadcast_in_dim3A_1040) -> (vector<16xi32>)  : i32 {
        %parallel_loop3A_1246 = tpu.vector_load_idx %arg11[%parallel_loop3A_1245, %get3A_993] : memref<64x256xf32, #tpu.memory_space<vmem>>[vector<16xi32>, vector<16xi32>], vector<16xf32>,
        %parallel_loop3A_1247 = tpu.vector_load_idx %arg11[%parallel_loop3A_1245, %get3A_996] : memref<64x256xf32, #tpu.memory_space<vmem>>[vector<16xi32>, vector<16xi32>], vector<16xf32>,
        %parallel_loop3A_1248 = tpu.vector_load_idx %arg11[%parallel_loop3A_1245, %get3A_999] : memref<64x256xf32, #tpu.memory_space<vmem>>[vector<16xi32>, vector<16xi32>], vector<16xf32>,
        %parallel_loop3A_1249 = tpu.vector_load_idx %arg11[%parallel_loop3A_1245, %get3A_1002] : memref<64x256xf32, #tpu.memory_space<vmem>>[vector<16xi32>, vector<16xi32>], vector<16xf32>,
        %parallel_loop3A_1250 = tpu.vector_load_idx %arg11[%parallel_loop3A_1245, %get3A_1005] : memref<64x256xf32, #tpu.memory_space<vmem>>[vector<16xi32>, vector<16xi32>], vector<16xf32>,
        %parallel_loop3A_1251 = tpu.vector_load_idx %arg11[%parallel_loop3A_1245, %get3A_1008] : memref<64x256xf32, #tpu.memory_space<vmem>>[vector<16xi32>, vector<16xi32>], vector<16xf32>,
        %parallel_loop3A_1252 = tpu.vector_load_idx %arg11[%parallel_loop3A_1245, %get3A_1011] : memref<64x256xf32, #tpu.memory_space<vmem>>[vector<16xi32>, vector<16xi32>], vector<16xf32>,
        %parallel_loop3A_1253 = tpu.vector_load_idx %arg11[%parallel_loop3A_1245, %get3A_1014] : memref<64x256xf32, #tpu.memory_space<vmem>>[vector<16xi32>, vector<16xi32>], vector<16xf32>,
        %parallel_loop3A_1254 = tpu.vector_load_idx %arg11[%parallel_loop3A_1245, %get3A_1017] : memref<64x256xf32, #tpu.memory_space<vmem>>[vector<16xi32>, vector<16xi32>], vector<16xf32>,
        %parallel_loop3A_1255 = tpu.vector_load_idx %arg11[%parallel_loop3A_1245, %get3A_1020] : memref<64x256xf32, #tpu.memory_space<vmem>>[vector<16xi32>, vector<16xi32>], vector<16xf32>,
        %parallel_loop3A_1256 = tpu.vector_load_idx %arg11[%parallel_loop3A_1245, %get3A_1023] : memref<64x256xf32, #tpu.memory_space<vmem>>[vector<16xi32>, vector<16xi32>], vector<16xf32>,
        %parallel_loop3A_1257 = tpu.vector_load_idx %arg11[%parallel_loop3A_1245, %get3A_1026] : memref<64x256xf32, #tpu.memory_space<vmem>>[vector<16xi32>, vector<16xi32>], vector<16xf32>,
        %parallel_loop3A_1258 = tpu.vector_load_idx %arg11[%parallel_loop3A_1245, %get3A_1029] : memref<64x256xf32, #tpu.memory_space<vmem>>[vector<16xi32>, vector<16xi32>], vector<16xf32>,
        %parallel_loop3A_1259 = tpu.vector_load_idx %arg11[%parallel_loop3A_1245, %get3A_1032] : memref<64x256xf32, #tpu.memory_space<vmem>>[vector<16xi32>, vector<16xi32>], vector<16xf32>,
        %parallel_loop3A_1260 = tpu.vector_load_idx %arg11[%parallel_loop3A_1245, %get3A_1035] : memref<64x256xf32, #tpu.memory_space<vmem>>[vector<16xi32>, vector<16xi32>], vector<16xf32>,
        %parallel_loop3A_1261 = tpu.vector_load_idx %arg11[%parallel_loop3A_1245, %get3A_1038] : memref<64x256xf32, #tpu.memory_space<vmem>>[vector<16xi32>, vector<16xi32>], vector<16xf32>,
        %parallel_loop3A_1262 = arith.index_cast %parallel_loop3A_1244 : i32 to index
        %parallel_loop3A_1263 = arith.constant 0 : index
        %parallel_loop3A_1264 = tpu.vector_load %arg11[%parallel_loop3A_1262, %parallel_loop3A_1263] {strides = array<i32>} : memref<64x256xf32, #tpu.memory_space<vmem>>, vector<16xf32>,
        tpu.vector_store %arg11[%parallel_loop3A_1262, %parallel_loop3A_1263], %parallel_loop3A_1246 {strides = array<i32>} : memref<64x256xf32, #tpu.memory_space<vmem>>, vector<16xf32>,
        %parallel_loop3A_1265 = arith.index_cast %parallel_loop3A_1244 : i32 to index
        %parallel_loop3A_1266 = arith.constant 16 : index
        %parallel_loop3A_1267 = tpu.vector_load %arg11[%parallel_loop3A_1265, %parallel_loop3A_1266] {strides = array<i32>} : memref<64x256xf32, #tpu.memory_space<vmem>>, vector<16xf32>,
        tpu.vector_store %arg11[%parallel_loop3A_1265, %parallel_loop3A_1266], %parallel_loop3A_1247 {strides = array<i32>} : memref<64x256xf32, #tpu.memory_space<vmem>>, vector<16xf32>,
        %parallel_loop3A_1268 = arith.index_cast %parallel_loop3A_1244 : i32 to index
        %parallel_loop3A_1269 = arith.constant 32 : index
        %parallel_loop3A_1270 = tpu.vector_load %arg11[%parallel_loop3A_1268, %parallel_loop3A_1269] {strides = array<i32>} : memref<64x256xf32, #tpu.memory_space<vmem>>, vector<16xf32>,
        tpu.vector_store %arg11[%parallel_loop3A_1268, %parallel_loop3A_1269], %parallel_loop3A_1248 {strides = array<i32>} : memref<64x256xf32, #tpu.memory_space<vmem>>, vector<16xf32>,
        %parallel_loop3A_1271 = arith.index_cast %parallel_loop3A_1244 : i32 to index
        %parallel_loop3A_1272 = arith.constant 48 : index
        %parallel_loop3A_1273 = tpu.vector_load %arg11[%parallel_loop3A_1271, %parallel_loop3A_1272] {strides = array<i32>} : memref<64x256xf32, #tpu.memory_space<vmem>>, vector<16xf32>,
        tpu.vector_store %arg11[%parallel_loop3A_1271, %parallel_loop3A_1272], %parallel_loop3A_1249 {strides = array<i32>} : memref<64x256xf32, #tpu.memory_space<vmem>>, vector<16xf32>,
        %parallel_loop3A_1274 = arith.index_cast %parallel_loop3A_1244 : i32 to index
        %parallel_loop3A_1275 = arith.constant 64 : index
        %parallel_loop3A_1276 = tpu.vector_load %arg11[%parallel_loop3A_1274, %parallel_loop3A_1275] {strides = array<i32>} : memref<64x256xf32, #tpu.memory_space<vmem>>, vector<16xf32>,
        tpu.vector_store %arg11[%parallel_loop3A_1274, %parallel_loop3A_1275], %parallel_loop3A_1250 {strides = array<i32>} : memref<64x256xf32, #tpu.memory_space<vmem>>, vector<16xf32>,
        %parallel_loop3A_1277 = arith.index_cast %parallel_loop3A_1244 : i32 to index
        %parallel_loop3A_1278 = arith.constant 80 : index
        %parallel_loop3A_1279 = tpu.vector_load %arg11[%parallel_loop3A_1277, %parallel_loop3A_1278] {strides = array<i32>} : memref<64x256xf32, #tpu.memory_space<vmem>>, vector<16xf32>,
        tpu.vector_store %arg11[%parallel_loop3A_1277, %parallel_loop3A_1278], %parallel_loop3A_1251 {strides = array<i32>} : memref<64x256xf32, #tpu.memory_space<vmem>>, vector<16xf32>,
        %parallel_loop3A_1280 = arith.index_cast %parallel_loop3A_1244 : i32 to index
        %parallel_loop3A_1281 = arith.constant 96 : index
        %parallel_loop3A_1282 = tpu.vector_load %arg11[%parallel_loop3A_1280, %parallel_loop3A_1281] {strides = array<i32>} : memref<64x256xf32, #tpu.memory_space<vmem>>, vector<16xf32>,
        tpu.vector_store %arg11[%parallel_loop3A_1280, %parallel_loop3A_1281], %parallel_loop3A_1252 {strides = array<i32>} : memref<64x256xf32, #tpu.memory_space<vmem>>, vector<16xf32>,
        %parallel_loop3A_1283 = arith.index_cast %parallel_loop3A_1244 : i32 to index
        %parallel_loop3A_1284 = arith.constant 112 : index
        %parallel_loop3A_1285 = tpu.vector_load %arg11[%parallel_loop3A_1283, %parallel_loop3A_1284] {strides = array<i32>} : memref<64x256xf32, #tpu.memory_space<vmem>>, vector<16xf32>,
        tpu.vector_store %arg11[%parallel_loop3A_1283, %parallel_loop3A_1284], %parallel_loop3A_1253 {strides = array<i32>} : memref<64x256xf32, #tpu.memory_space<vmem>>, vector<16xf32>,
        %parallel_loop3A_1286 = arith.index_cast %parallel_loop3A_1244 : i32 to index
        %parallel_loop3A_1287 = arith.constant 128 : index
        %parallel_loop3A_1288 = tpu.vector_load %arg11[%parallel_loop3A_1286, %parallel_loop3A_1287] {strides = array<i32>} : memref<64x256xf32, #tpu.memory_space<vmem>>, vector<16xf32>,
        tpu.vector_store %arg11[%parallel_loop3A_1286, %parallel_loop3A_1287], %parallel_loop3A_1254 {strides = array<i32>} : memref<64x256xf32, #tpu.memory_space<vmem>>, vector<16xf32>,
        %parallel_loop3A_1289 = arith.index_cast %parallel_loop3A_1244 : i32 to index
        %parallel_loop3A_1290 = arith.constant 144 : index
        %parallel_loop3A_1291 = tpu.vector_load %arg11[%parallel_loop3A_1289, %parallel_loop3A_1290] {strides = array<i32>} : memref<64x256xf32, #tpu.memory_space<vmem>>, vector<16xf32>,
        tpu.vector_store %arg11[%parallel_loop3A_1289, %parallel_loop3A_1290], %parallel_loop3A_1255 {strides = array<i32>} : memref<64x256xf32, #tpu.memory_space<vmem>>, vector<16xf32>,
        %parallel_loop3A_1292 = arith.index_cast %parallel_loop3A_1244 : i32 to index
        %parallel_loop3A_1293 = arith.constant 160 : index
        %parallel_loop3A_1294 = tpu.vector_load %arg11[%parallel_loop3A_1292, %parallel_loop3A_1293] {strides = array<i32>} : memref<64x256xf32, #tpu.memory_space<vmem>>, vector<16xf32>,
        tpu.vector_store %arg11[%parallel_loop3A_1292, %parallel_loop3A_1293], %parallel_loop3A_1256 {strides = array<i32>} : memref<64x256xf32, #tpu.memory_space<vmem>>, vector<16xf32>,
        %parallel_loop3A_1295 = arith.index_cast %parallel_loop3A_1244 : i32 to index
        %parallel_loop3A_1296 = arith.constant 176 : index
        %parallel_loop3A_1297 = tpu.vector_load %arg11[%parallel_loop3A_1295, %parallel_loop3A_1296] {strides = array<i32>} : memref<64x256xf32, #tpu.memory_space<vmem>>, vector<16xf32>,
        tpu.vector_store %arg11[%parallel_loop3A_1295, %parallel_loop3A_1296], %parallel_loop3A_1257 {strides = array<i32>} : memref<64x256xf32, #tpu.memory_space<vmem>>, vector<16xf32>,
        %parallel_loop3A_1298 = arith.index_cast %parallel_loop3A_1244 : i32 to index
        %parallel_loop3A_1299 = arith.constant 192 : index
        %parallel_loop3A_1300 = tpu.vector_load %arg11[%parallel_loop3A_1298, %parallel_loop3A_1299] {strides = array<i32>} : memref<64x256xf32, #tpu.memory_space<vmem>>, vector<16xf32>,
        tpu.vector_store %arg11[%parallel_loop3A_1298, %parallel_loop3A_1299], %parallel_loop3A_1258 {strides = array<i32>} : memref<64x256xf32, #tpu.memory_space<vmem>>, vector<16xf32>,
        %parallel_loop3A_1301 = arith.index_cast %parallel_loop3A_1244 : i32 to index
        %parallel_loop3A_1302 = arith.constant 208 : index
        %parallel_loop3A_1303 = tpu.vector_load %arg11[%parallel_loop3A_1301, %parallel_loop3A_1302] {strides = array<i32>} : memref<64x256xf32, #tpu.memory_space<vmem>>, vector<16xf32>,
        tpu.vector_store %arg11[%parallel_loop3A_1301, %parallel_loop3A_1302], %parallel_loop3A_1259 {strides = array<i32>} : memref<64x256xf32, #tpu.memory_space<vmem>>, vector<16xf32>,
        %parallel_loop3A_1304 = arith.index_cast %parallel_loop3A_1244 : i32 to index
        %parallel_loop3A_1305 = arith.constant 224 : index
        %parallel_loop3A_1306 = tpu.vector_load %arg11[%parallel_loop3A_1304, %parallel_loop3A_1305] {strides = array<i32>} : memref<64x256xf32, #tpu.memory_space<vmem>>, vector<16xf32>,
        tpu.vector_store %arg11[%parallel_loop3A_1304, %parallel_loop3A_1305], %parallel_loop3A_1260 {strides = array<i32>} : memref<64x256xf32, #tpu.memory_space<vmem>>, vector<16xf32>,
        %parallel_loop3A_1307 = arith.index_cast %parallel_loop3A_1244 : i32 to index
        %parallel_loop3A_1308 = arith.constant 240 : index
        %parallel_loop3A_1309 = tpu.vector_load %arg11[%parallel_loop3A_1307, %parallel_loop3A_1308] {strides = array<i32>} : memref<64x256xf32, #tpu.memory_space<vmem>>, vector<16xf32>,
        tpu.vector_store %arg11[%parallel_loop3A_1307, %parallel_loop3A_1308], %parallel_loop3A_1261 {strides = array<i32>} : memref<64x256xf32, #tpu.memory_space<vmem>>, vector<16xf32>,
        %parallel_loop3A_1310 = arith.constant 1 : i32
        %parallel_loop3A_1311 = vector.broadcast %parallel_loop3A_1310 : i32 to vector<16xi32>
        %parallel_loop3A_1312 = arith.addi %parallel_loop3A_1245, %parallel_loop3A_1311 : vector<16xi32>
        scf.yield %parallel_loop3A_1312 : vector<16xi32>
      } {sc.loop_unroll_factor = 1 : i64, sc.parallel_access}
      %jit3A_1045 = arith.constant 2 : i32
      %div3A_1046 = arith.divsi %add3A_945, %jit3A_1045 : i32
      %sign3A_1047 = arith.constant 0 : i32
      %sign3A_1048 = arith.cmpi sgt, %add3A_945, %sign3A_1047 : i32
      %sign3A_1049 = arith.extui %sign3A_1048 : i1 to i32
      %sign3A_1050 = arith.constant 0 : i32
      %sign3A_1051 = arith.cmpi slt, %add3A_945, %sign3A_1050 : i32
      %sign3A_1052 = arith.extui %sign3A_1051 : i1 to i32
      %sign3A_1053 = arith.subi %sign3A_1049, %sign3A_1052 : i32
      %sign3A_1054 = arith.constant 0 : i32
      %sign3A_1055 = arith.cmpi sgt, %jit3A_1045, %sign3A_1054 : i32
      %sign3A_1056 = arith.extui %sign3A_1055 : i1 to i32
      %sign3A_1057 = arith.constant 0 : i32
      %sign3A_1058 = arith.cmpi slt, %jit3A_1045, %sign3A_1057 : i32
      %sign3A_1059 = arith.extui %sign3A_1058 : i1 to i32
      %sign3A_1060 = arith.subi %sign3A_1056, %sign3A_1059 : i32
      %ne3A_1061 = arith.cmpi ne, %sign3A_1053, %sign3A_1060 : i32
      %rem3A_1062 = arith.remsi %add3A_945, %jit3A_1045 : i32
      %ne3A_1063 = arith.constant 0 : i32
      %ne3A_1064 = arith.cmpi ne, %rem3A_1062, %ne3A_1063 : i32
      %and3A_1065 = arith.andi %ne3A_1061, %ne3A_1064 : i1
      %sub3A_1066 = arith.constant 1 : i32
      %sub3A_1067 = arith.subi %div3A_1046, %sub3A_1066 : i32
      %select_n3A_1068 = arith.select %and3A_1065, %sub3A_1067, %div3A_1046 : i32
      %jit3A_1069 = arith.constant 2 : i32
      %eq3A_1070 = arith.constant 0 : i32
      %eq3A_1071 = arith.cmpi eq, %jit3A_1069, %eq3A_1070 : i32
      %jit3A_1072 = arith.constant 1 : i32
      %select_n3A_1073 = arith.select %eq3A_1071, %jit3A_1072, %jit3A_1069 : i32
      %rem3A_1074 = arith.remsi %add3A_945, %select_n3A_1073 : i32
      %ne3A_1075 = arith.constant 0 : i32
      %ne3A_1076 = arith.cmpi ne, %rem3A_1074, %ne3A_1075 : i32
      %lt3A_1077 = arith.constant 0 : i32
      %lt3A_1078 = arith.cmpi slt, %rem3A_1074, %lt3A_1077 : i32
      %lt3A_1079 = arith.constant 0 : i32
      %lt3A_1080 = arith.cmpi slt, %select_n3A_1073, %lt3A_1079 : i32
      %ne3A_1081 = arith.xori %lt3A_1078, %lt3A_1080 : i1
      %and3A_1082 = arith.andi %ne3A_1081, %ne3A_1076 : i1
      %add3A_1083 = arith.addi %rem3A_1074, %select_n3A_1073 : i32
      %select_n3A_1084 = arith.select %and3A_1082, %add3A_1083, %rem3A_1074 : i32
      %mul3A_1085 = arith.constant 64 : i32
      %mul3A_1086 = arith.muli %select_n3A_1084, %mul3A_1085 : i32
      %dma_start3A_1087 = arith.constant 0 : i32
      %dma_start3A_1088 = tpu.memref_slice %arg4[%add3A, %select_n3A_1068, %mul3A_1086, %dma_start3A_1087] : memref<32x32x128x256xf32, #tpu.memory_space<hbm>> -> memref<1x1x64x256xf32, #tpu.memory_space<hbm>>
      %dma_start3A_1089 = tpu.memref_squeeze %dma_start3A_1088 : memref<1x1x64x256xf32, #tpu.memory_space<hbm>> -> memref<64x256xf32, #tpu.memory_space<hbm>>
      %dma_start3A_1090 = arith.constant 0 : i32
      %dma_start3A_1091 = tpu.memref_slice %arg4[%add3A, %select_n3A_1068, %mul3A_1086, %dma_start3A_1090] : memref<32x32x128x256xf32, #tpu.memory_space<hbm>> -> memref<1x1x64x256xf32, #tpu.memory_space<hbm>>
      %dma_start3A_1092 = tpu.memref_squeeze %dma_start3A_1091 : memref<1x1x64x256xf32, #tpu.memory_space<hbm>> -> memref<64x256xf32, #tpu.memory_space<hbm>>
      tpu.enqueue_dma source(%arg11 : memref<64x256xf32, #tpu.memory_space<vmem>>) target(%dma_start3A_1092 : memref<64x256xf32, #tpu.memory_space<hbm>>) target_semaphore(%arg25 : memref<!tpu.dma_semaphore, #tpu.memory_space<semaphore_mem>>)
      %mul3A_1093 = arith.constant 7 : i32
      %mul3A_1094 = arith.muli %scan3A_187, %mul3A_1093 : i32
      %add3A_1095 = arith.constant 6 : i32
      %add3A_1096 = arith.addi %mul3A_1094, %add3A_1095 : i32
      %dma_wait3A_1097 = arith.constant 0 : i32
      %dma_wait3A_1098 = arith.constant 0 : i32
      %dma_wait3A_1099 = arith.constant 0 : i32
      %dma_wait3A_1100 = arith.constant 0 : i32
      %dma_wait3A_1101 = tpu.memref_slice %arg2[%dma_wait3A_1097, %dma_wait3A_1098, %dma_wait3A_1099, %dma_wait3A_1100] : memref<32x32x128x256xf32, #tpu.memory_space<hbm>> -> memref<1x1x64x256xf32, #tpu.memory_space<hbm>>
      %dma_wait3A_1102 = tpu.memref_squeeze %dma_wait3A_1101 : memref<1x1x64x256xf32, #tpu.memory_space<hbm>> -> memref<64x256xf32, #tpu.memory_space<hbm>>
      %dma_wait3A_1103 = arith.constant 0 : i32
      %dma_wait3A_1104 = arith.constant 0 : i32
      %dma_wait3A_1105 = tpu.memref_slice %arg2[%dma_wait3A_1097, %dma_wait3A_1098, %dma_wait3A_1103, %dma_wait3A_1104] : memref<32x32x128x256xf32, #tpu.memory_space<hbm>> -> memref<1x1x64x256xf32, #tpu.memory_space<hbm>>
      %dma_wait3A_1106 = tpu.memref_squeeze %dma_wait3A_1105 : memref<1x1x64x256xf32, #tpu.memory_space<hbm>> -> memref<64x256xf32, #tpu.memory_space<hbm>>
      tpu.wait_dma2 semaphore(%arg19 : memref<!tpu.dma_semaphore, #tpu.memory_space<semaphore_mem>>) src(%dma_wait3A_1106 : memref<64x256xf32, #tpu.memory_space<hbm>>) dst(%arg12 : memref<64x256xf32, #tpu.memory_space<vmem>>)
      %add3A_1107 = arith.constant 1 : i32
      %add3A_1108 = arith.addi %scan3A_187, %add3A_1107 : i32
      %mul3A_1109 = arith.constant 7 : i32
      %mul3A_1110 = arith.muli %add3A_1108, %mul3A_1109 : i32
      %add3A_1111 = arith.constant 2 : i32
      %add3A_1112 = arith.addi %mul3A_1110, %add3A_1111 : i32
      %lt3A_1113 = arith.constant 64 : i32
      %lt3A_1114 = arith.cmpi slt, %add3A_1112, %lt3A_1113 : i32
      %convert_element_type3A_1115 = arith.extui %lt3A_1114 : i1 to i32
      %cond3A_1116 = arith.constant 0 : i32
      %cond3A_1117 = arith.cmpi ne, %convert_element_type3A_1115, %cond3A_1116 : i32
      scf.if %cond3A_1117 {
        %dma_wait3A_1244 = arith.constant 0 : i32
        %dma_wait3A_1245 = arith.constant 0 : i32
        %dma_wait3A_1246 = arith.constant 0 : i32
        %dma_wait3A_1247 = arith.constant 0 : i32
        %dma_wait3A_1248 = tpu.memref_slice %arg4[%dma_wait3A_1244, %dma_wait3A_1245, %dma_wait3A_1246, %dma_wait3A_1247] : memref<32x32x128x256xf32, #tpu.memory_space<hbm>> -> memref<1x1x64x256xf32, #tpu.memory_space<hbm>>
        %dma_wait3A_1249 = tpu.memref_squeeze %dma_wait3A_1248 : memref<1x1x64x256xf32, #tpu.memory_space<hbm>> -> memref<64x256xf32, #tpu.memory_space<hbm>>
        %dma_wait3A_1250 = arith.constant 0 : i32
        %dma_wait3A_1251 = arith.constant 0 : i32
        %dma_wait3A_1252 = tpu.memref_slice %arg4[%dma_wait3A_1244, %dma_wait3A_1245, %dma_wait3A_1250, %dma_wait3A_1251] : memref<32x32x128x256xf32, #tpu.memory_space<hbm>> -> memref<1x1x64x256xf32, #tpu.memory_space<hbm>>
        %dma_wait3A_1253 = tpu.memref_squeeze %dma_wait3A_1252 : memref<1x1x64x256xf32, #tpu.memory_space<hbm>> -> memref<64x256xf32, #tpu.memory_space<hbm>>
        tpu.wait_dma2 semaphore(%arg22 : memref<!tpu.dma_semaphore, #tpu.memory_space<semaphore_mem>>) src(%arg8 : memref<64x256xf32, #tpu.memory_space<vmem>>) dst(%dma_wait3A_1253 : memref<64x256xf32, #tpu.memory_space<hbm>>)
        %jit3A_1254 = arith.constant 2 : i32
        %div3A_1255 = arith.divsi %add3A_1112, %jit3A_1254 : i32
        %sign3A_1256 = arith.constant 0 : i32
        %sign3A_1257 = arith.cmpi sgt, %add3A_1112, %sign3A_1256 : i32
        %sign3A_1258 = arith.extui %sign3A_1257 : i1 to i32
        %sign3A_1259 = arith.constant 0 : i32
        %sign3A_1260 = arith.cmpi slt, %add3A_1112, %sign3A_1259 : i32
        %sign3A_1261 = arith.extui %sign3A_1260 : i1 to i32
        %sign3A_1262 = arith.subi %sign3A_1258, %sign3A_1261 : i32
        %sign3A_1263 = arith.constant 0 : i32
        %sign3A_1264 = arith.cmpi sgt, %jit3A_1254, %sign3A_1263 : i32
        %sign3A_1265 = arith.extui %sign3A_1264 : i1 to i32
        %sign3A_1266 = arith.constant 0 : i32
        %sign3A_1267 = arith.cmpi slt, %jit3A_1254, %sign3A_1266 : i32
        %sign3A_1268 = arith.extui %sign3A_1267 : i1 to i32
        %sign3A_1269 = arith.subi %sign3A_1265, %sign3A_1268 : i32
        %ne3A_1270 = arith.cmpi ne, %sign3A_1262, %sign3A_1269 : i32
        %rem3A_1271 = arith.remsi %add3A_1112, %jit3A_1254 : i32
        %ne3A_1272 = arith.constant 0 : i32
        %ne3A_1273 = arith.cmpi ne, %rem3A_1271, %ne3A_1272 : i32
        %and3A_1274 = arith.andi %ne3A_1270, %ne3A_1273 : i1
        %sub3A_1275 = arith.constant 1 : i32
        %sub3A_1276 = arith.subi %div3A_1255, %sub3A_1275 : i32
        %select_n3A_1277 = arith.select %and3A_1274, %sub3A_1276, %div3A_1255 : i32
        %jit3A_1278 = arith.constant 2 : i32
        %eq3A_1279 = arith.constant 0 : i32
        %eq3A_1280 = arith.cmpi eq, %jit3A_1278, %eq3A_1279 : i32
        %jit3A_1281 = arith.constant 1 : i32
        %select_n3A_1282 = arith.select %eq3A_1280, %jit3A_1281, %jit3A_1278 : i32
        %rem3A_1283 = arith.remsi %add3A_1112, %select_n3A_1282 : i32
        %ne3A_1284 = arith.constant 0 : i32
        %ne3A_1285 = arith.cmpi ne, %rem3A_1283, %ne3A_1284 : i32
        %lt3A_1286 = arith.constant 0 : i32
        %lt3A_1287 = arith.cmpi slt, %rem3A_1283, %lt3A_1286 : i32
        %lt3A_1288 = arith.constant 0 : i32
        %lt3A_1289 = arith.cmpi slt, %select_n3A_1282, %lt3A_1288 : i32
        %ne3A_1290 = arith.xori %lt3A_1287, %lt3A_1289 : i1
        %and3A_1291 = arith.andi %ne3A_1290, %ne3A_1285 : i1
        %add3A_1292 = arith.addi %rem3A_1283, %select_n3A_1282 : i32
        %select_n3A_1293 = arith.select %and3A_1291, %add3A_1292, %rem3A_1283 : i32
        %mul3A_1294 = arith.constant 64 : i32
        %mul3A_1295 = arith.muli %select_n3A_1293, %mul3A_1294 : i32
        %dma_start3A_1296 = arith.constant 0 : i32
        %dma_start3A_1297 = tpu.memref_slice %arg2[%add3A, %select_n3A_1277, %mul3A_1295, %dma_start3A_1296] : memref<32x32x128x256xf32, #tpu.memory_space<hbm>> -> memref<1x1x64x256xf32, #tpu.memory_space<hbm>>
        %dma_start3A_1298 = tpu.memref_squeeze %dma_start3A_1297 : memref<1x1x64x256xf32, #tpu.memory_space<hbm>> -> memref<64x256xf32, #tpu.memory_space<hbm>>
        %dma_start3A_1299 = arith.constant 0 : i32
        %dma_start3A_1300 = tpu.memref_slice %arg2[%add3A, %select_n3A_1277, %mul3A_1295, %dma_start3A_1299] : memref<32x32x128x256xf32, #tpu.memory_space<hbm>> -> memref<1x1x64x256xf32, #tpu.memory_space<hbm>>
        %dma_start3A_1301 = tpu.memref_squeeze %dma_start3A_1300 : memref<1x1x64x256xf32, #tpu.memory_space<hbm>> -> memref<64x256xf32, #tpu.memory_space<hbm>>
        tpu.enqueue_dma source(%dma_start3A_1301 : memref<64x256xf32, #tpu.memory_space<hbm>>) target(%arg8 : memref<64x256xf32, #tpu.memory_space<vmem>>) target_semaphore(%arg15 : memref<!tpu.dma_semaphore, #tpu.memory_space<semaphore_mem>>)
      } else {
      }
      %jit3A_1118 = arith.constant 2 : i32
      %div3A_1119 = arith.divsi %add3A_1096, %jit3A_1118 : i32
      %sign3A_1120 = arith.constant 0 : i32
      %sign3A_1121 = arith.cmpi sgt, %add3A_1096, %sign3A_1120 : i32
      %sign3A_1122 = arith.extui %sign3A_1121 : i1 to i32
      %sign3A_1123 = arith.constant 0 : i32
      %sign3A_1124 = arith.cmpi slt, %add3A_1096, %sign3A_1123 : i32
      %sign3A_1125 = arith.extui %sign3A_1124 : i1 to i32
      %sign3A_1126 = arith.subi %sign3A_1122, %sign3A_1125 : i32
      %sign3A_1127 = arith.constant 0 : i32
      %sign3A_1128 = arith.cmpi sgt, %jit3A_1118, %sign3A_1127 : i32
      %sign3A_1129 = arith.extui %sign3A_1128 : i1 to i32
      %sign3A_1130 = arith.constant 0 : i32
      %sign3A_1131 = arith.cmpi slt, %jit3A_1118, %sign3A_1130 : i32
      %sign3A_1132 = arith.extui %sign3A_1131 : i1 to i32
      %sign3A_1133 = arith.subi %sign3A_1129, %sign3A_1132 : i32
      %ne3A_1134 = arith.cmpi ne, %sign3A_1126, %sign3A_1133 : i32
      %rem3A_1135 = arith.remsi %add3A_1096, %jit3A_1118 : i32
      %ne3A_1136 = arith.constant 0 : i32
      %ne3A_1137 = arith.cmpi ne, %rem3A_1135, %ne3A_1136 : i32
      %and3A_1138 = arith.andi %ne3A_1134, %ne3A_1137 : i1
      %sub3A_1139 = arith.constant 1 : i32
      %sub3A_1140 = arith.subi %div3A_1119, %sub3A_1139 : i32
      %select_n3A_1141 = arith.select %and3A_1138, %sub3A_1140, %div3A_1119 : i32
      %get3A_1142 = arith.index_cast %select_n3A_1141 : i32 to index
      %get3A_1143 = arith.constant 0 : index
      %get3A_1144 = tpu.vector_load %arg5[%get3A_1142, %get3A_1143] {strides = array<i32>} : memref<32x256xi32, #tpu.memory_space<vmem>>, vector<16xi32>,
      %get3A_1145 = arith.index_cast %select_n3A_1141 : i32 to index
      %get3A_1146 = arith.constant 16 : index
      %get3A_1147 = tpu.vector_load %arg5[%get3A_1145, %get3A_1146] {strides = array<i32>} : memref<32x256xi32, #tpu.memory_space<vmem>>, vector<16xi32>,
      %get3A_1148 = arith.index_cast %select_n3A_1141 : i32 to index
      %get3A_1149 = arith.constant 32 : index
      %get3A_1150 = tpu.vector_load %arg5[%get3A_1148, %get3A_1149] {strides = array<i32>} : memref<32x256xi32, #tpu.memory_space<vmem>>, vector<16xi32>,
      %get3A_1151 = arith.index_cast %select_n3A_1141 : i32 to index
      %get3A_1152 = arith.constant 48 : index
      %get3A_1153 = tpu.vector_load %arg5[%get3A_1151, %get3A_1152] {strides = array<i32>} : memref<32x256xi32, #tpu.memory_space<vmem>>, vector<16xi32>,
      %get3A_1154 = arith.index_cast %select_n3A_1141 : i32 to index
      %get3A_1155 = arith.constant 64 : index
      %get3A_1156 = tpu.vector_load %arg5[%get3A_1154, %get3A_1155] {strides = array<i32>} : memref<32x256xi32, #tpu.memory_space<vmem>>, vector<16xi32>,
      %get3A_1157 = arith.index_cast %select_n3A_1141 : i32 to index
      %get3A_1158 = arith.constant 80 : index
      %get3A_1159 = tpu.vector_load %arg5[%get3A_1157, %get3A_1158] {strides = array<i32>} : memref<32x256xi32, #tpu.memory_space<vmem>>, vector<16xi32>,
      %get3A_1160 = arith.index_cast %select_n3A_1141 : i32 to index
      %get3A_1161 = arith.constant 96 : index
      %get3A_1162 = tpu.vector_load %arg5[%get3A_1160, %get3A_1161] {strides = array<i32>} : memref<32x256xi32, #tpu.memory_space<vmem>>, vector<16xi32>,
      %get3A_1163 = arith.index_cast %select_n3A_1141 : i32 to index
      %get3A_1164 = arith.constant 112 : index
      %get3A_1165 = tpu.vector_load %arg5[%get3A_1163, %get3A_1164] {strides = array<i32>} : memref<32x256xi32, #tpu.memory_space<vmem>>, vector<16xi32>,
      %get3A_1166 = arith.index_cast %select_n3A_1141 : i32 to index
      %get3A_1167 = arith.constant 128 : index
      %get3A_1168 = tpu.vector_load %arg5[%get3A_1166, %get3A_1167] {strides = array<i32>} : memref<32x256xi32, #tpu.memory_space<vmem>>, vector<16xi32>,
      %get3A_1169 = arith.index_cast %select_n3A_1141 : i32 to index
      %get3A_1170 = arith.constant 144 : index
      %get3A_1171 = tpu.vector_load %arg5[%get3A_1169, %get3A_1170] {strides = array<i32>} : memref<32x256xi32, #tpu.memory_space<vmem>>, vector<16xi32>,
      %get3A_1172 = arith.index_cast %select_n3A_1141 : i32 to index
      %get3A_1173 = arith.constant 160 : index
      %get3A_1174 = tpu.vector_load %arg5[%get3A_1172, %get3A_1173] {strides = array<i32>} : memref<32x256xi32, #tpu.memory_space<vmem>>, vector<16xi32>,
      %get3A_1175 = arith.index_cast %select_n3A_1141 : i32 to index
      %get3A_1176 = arith.constant 176 : index
      %get3A_1177 = tpu.vector_load %arg5[%get3A_1175, %get3A_1176] {strides = array<i32>} : memref<32x256xi32, #tpu.memory_space<vmem>>, vector<16xi32>,
      %get3A_1178 = arith.index_cast %select_n3A_1141 : i32 to index
      %get3A_1179 = arith.constant 192 : index
      %get3A_1180 = tpu.vector_load %arg5[%get3A_1178, %get3A_1179] {strides = array<i32>} : memref<32x256xi32, #tpu.memory_space<vmem>>, vector<16xi32>,
      %get3A_1181 = arith.index_cast %select_n3A_1141 : i32 to index
      %get3A_1182 = arith.constant 208 : index
      %get3A_1183 = tpu.vector_load %arg5[%get3A_1181, %get3A_1182] {strides = array<i32>} : memref<32x256xi32, #tpu.memory_space<vmem>>, vector<16xi32>,
      %get3A_1184 = arith.index_cast %select_n3A_1141 : i32 to index
      %get3A_1185 = arith.constant 224 : index
      %get3A_1186 = tpu.vector_load %arg5[%get3A_1184, %get3A_1185] {strides = array<i32>} : memref<32x256xi32, #tpu.memory_space<vmem>>, vector<16xi32>,
      %get3A_1187 = arith.index_cast %select_n3A_1141 : i32 to index
      %get3A_1188 = arith.constant 240 : index
      %get3A_1189 = tpu.vector_load %arg5[%get3A_1187, %get3A_1188] {strides = array<i32>} : memref<32x256xi32, #tpu.memory_space<vmem>>, vector<16xi32>,
      %broadcast_in_dim3A_1190 = arith.constant 0 : i32
      %broadcast_in_dim3A_1191 = vector.broadcast %broadcast_in_dim3A_1190 : i32 to vector<16xi32>
      %parallel_loop3A_1192 = arith.constant 0 : i32
      %parallel_loop3A_1193 = arith.constant 64 : i32
      %parallel_loop3A_1194 = arith.constant 1 : i32
      %parallel_loop3A_1195 = scf.for %parallel_loop3A_1244 = %parallel_loop3A_1192 to %parallel_loop3A_1193 step %parallel_loop3A_1194 iter_args(%parallel_loop3A_1245 = %broadcast_in_dim3A_1191) -> (vector<16xi32>)  : i32 {
        %parallel_loop3A_1246 = tpu.vector_load_idx %arg12[%parallel_loop3A_1245, %get3A_1144] : memref<64x256xf32, #tpu.memory_space<vmem>>[vector<16xi32>, vector<16xi32>], vector<16xf32>,
        %parallel_loop3A_1247 = tpu.vector_load_idx %arg12[%parallel_loop3A_1245, %get3A_1147] : memref<64x256xf32, #tpu.memory_space<vmem>>[vector<16xi32>, vector<16xi32>], vector<16xf32>,
        %parallel_loop3A_1248 = tpu.vector_load_idx %arg12[%parallel_loop3A_1245, %get3A_1150] : memref<64x256xf32, #tpu.memory_space<vmem>>[vector<16xi32>, vector<16xi32>], vector<16xf32>,
        %parallel_loop3A_1249 = tpu.vector_load_idx %arg12[%parallel_loop3A_1245, %get3A_1153] : memref<64x256xf32, #tpu.memory_space<vmem>>[vector<16xi32>, vector<16xi32>], vector<16xf32>,
        %parallel_loop3A_1250 = tpu.vector_load_idx %arg12[%parallel_loop3A_1245, %get3A_1156] : memref<64x256xf32, #tpu.memory_space<vmem>>[vector<16xi32>, vector<16xi32>], vector<16xf32>,
        %parallel_loop3A_1251 = tpu.vector_load_idx %arg12[%parallel_loop3A_1245, %get3A_1159] : memref<64x256xf32, #tpu.memory_space<vmem>>[vector<16xi32>, vector<16xi32>], vector<16xf32>,
        %parallel_loop3A_1252 = tpu.vector_load_idx %arg12[%parallel_loop3A_1245, %get3A_1162] : memref<64x256xf32, #tpu.memory_space<vmem>>[vector<16xi32>, vector<16xi32>], vector<16xf32>,
        %parallel_loop3A_1253 = tpu.vector_load_idx %arg12[%parallel_loop3A_1245, %get3A_1165] : memref<64x256xf32, #tpu.memory_space<vmem>>[vector<16xi32>, vector<16xi32>], vector<16xf32>,
        %parallel_loop3A_1254 = tpu.vector_load_idx %arg12[%parallel_loop3A_1245, %get3A_1168] : memref<64x256xf32, #tpu.memory_space<vmem>>[vector<16xi32>, vector<16xi32>], vector<16xf32>,
        %parallel_loop3A_1255 = tpu.vector_load_idx %arg12[%parallel_loop3A_1245, %get3A_1171] : memref<64x256xf32, #tpu.memory_space<vmem>>[vector<16xi32>, vector<16xi32>], vector<16xf32>,
        %parallel_loop3A_1256 = tpu.vector_load_idx %arg12[%parallel_loop3A_1245, %get3A_1174] : memref<64x256xf32, #tpu.memory_space<vmem>>[vector<16xi32>, vector<16xi32>], vector<16xf32>,
        %parallel_loop3A_1257 = tpu.vector_load_idx %arg12[%parallel_loop3A_1245, %get3A_1177] : memref<64x256xf32, #tpu.memory_space<vmem>>[vector<16xi32>, vector<16xi32>], vector<16xf32>,
        %parallel_loop3A_1258 = tpu.vector_load_idx %arg12[%parallel_loop3A_1245, %get3A_1180] : memref<64x256xf32, #tpu.memory_space<vmem>>[vector<16xi32>, vector<16xi32>], vector<16xf32>,
        %parallel_loop3A_1259 = tpu.vector_load_idx %arg12[%parallel_loop3A_1245, %get3A_1183] : memref<64x256xf32, #tpu.memory_space<vmem>>[vector<16xi32>, vector<16xi32>], vector<16xf32>,
        %parallel_loop3A_1260 = tpu.vector_load_idx %arg12[%parallel_loop3A_1245, %get3A_1186] : memref<64x256xf32, #tpu.memory_space<vmem>>[vector<16xi32>, vector<16xi32>], vector<16xf32>,
        %parallel_loop3A_1261 = tpu.vector_load_idx %arg12[%parallel_loop3A_1245, %get3A_1189] : memref<64x256xf32, #tpu.memory_space<vmem>>[vector<16xi32>, vector<16xi32>], vector<16xf32>,
        %parallel_loop3A_1262 = arith.index_cast %parallel_loop3A_1244 : i32 to index
        %parallel_loop3A_1263 = arith.constant 0 : index
        %parallel_loop3A_1264 = tpu.vector_load %arg12[%parallel_loop3A_1262, %parallel_loop3A_1263] {strides = array<i32>} : memref<64x256xf32, #tpu.memory_space<vmem>>, vector<16xf32>,
        tpu.vector_store %arg12[%parallel_loop3A_1262, %parallel_loop3A_1263], %parallel_loop3A_1246 {strides = array<i32>} : memref<64x256xf32, #tpu.memory_space<vmem>>, vector<16xf32>,
        %parallel_loop3A_1265 = arith.index_cast %parallel_loop3A_1244 : i32 to index
        %parallel_loop3A_1266 = arith.constant 16 : index
        %parallel_loop3A_1267 = tpu.vector_load %arg12[%parallel_loop3A_1265, %parallel_loop3A_1266] {strides = array<i32>} : memref<64x256xf32, #tpu.memory_space<vmem>>, vector<16xf32>,
        tpu.vector_store %arg12[%parallel_loop3A_1265, %parallel_loop3A_1266], %parallel_loop3A_1247 {strides = array<i32>} : memref<64x256xf32, #tpu.memory_space<vmem>>, vector<16xf32>,
        %parallel_loop3A_1268 = arith.index_cast %parallel_loop3A_1244 : i32 to index
        %parallel_loop3A_1269 = arith.constant 32 : index
        %parallel_loop3A_1270 = tpu.vector_load %arg12[%parallel_loop3A_1268, %parallel_loop3A_1269] {strides = array<i32>} : memref<64x256xf32, #tpu.memory_space<vmem>>, vector<16xf32>,
        tpu.vector_store %arg12[%parallel_loop3A_1268, %parallel_loop3A_1269], %parallel_loop3A_1248 {strides = array<i32>} : memref<64x256xf32, #tpu.memory_space<vmem>>, vector<16xf32>,
        %parallel_loop3A_1271 = arith.index_cast %parallel_loop3A_1244 : i32 to index
        %parallel_loop3A_1272 = arith.constant 48 : index
        %parallel_loop3A_1273 = tpu.vector_load %arg12[%parallel_loop3A_1271, %parallel_loop3A_1272] {strides = array<i32>} : memref<64x256xf32, #tpu.memory_space<vmem>>, vector<16xf32>,
        tpu.vector_store %arg12[%parallel_loop3A_1271, %parallel_loop3A_1272], %parallel_loop3A_1249 {strides = array<i32>} : memref<64x256xf32, #tpu.memory_space<vmem>>, vector<16xf32>,
        %parallel_loop3A_1274 = arith.index_cast %parallel_loop3A_1244 : i32 to index
        %parallel_loop3A_1275 = arith.constant 64 : index
        %parallel_loop3A_1276 = tpu.vector_load %arg12[%parallel_loop3A_1274, %parallel_loop3A_1275] {strides = array<i32>} : memref<64x256xf32, #tpu.memory_space<vmem>>, vector<16xf32>,
        tpu.vector_store %arg12[%parallel_loop3A_1274, %parallel_loop3A_1275], %parallel_loop3A_1250 {strides = array<i32>} : memref<64x256xf32, #tpu.memory_space<vmem>>, vector<16xf32>,
        %parallel_loop3A_1277 = arith.index_cast %parallel_loop3A_1244 : i32 to index
        %parallel_loop3A_1278 = arith.constant 80 : index
        %parallel_loop3A_1279 = tpu.vector_load %arg12[%parallel_loop3A_1277, %parallel_loop3A_1278] {strides = array<i32>} : memref<64x256xf32, #tpu.memory_space<vmem>>, vector<16xf32>,
        tpu.vector_store %arg12[%parallel_loop3A_1277, %parallel_loop3A_1278], %parallel_loop3A_1251 {strides = array<i32>} : memref<64x256xf32, #tpu.memory_space<vmem>>, vector<16xf32>,
        %parallel_loop3A_1280 = arith.index_cast %parallel_loop3A_1244 : i32 to index
        %parallel_loop3A_1281 = arith.constant 96 : index
        %parallel_loop3A_1282 = tpu.vector_load %arg12[%parallel_loop3A_1280, %parallel_loop3A_1281] {strides = array<i32>} : memref<64x256xf32, #tpu.memory_space<vmem>>, vector<16xf32>,
        tpu.vector_store %arg12[%parallel_loop3A_1280, %parallel_loop3A_1281], %parallel_loop3A_1252 {strides = array<i32>} : memref<64x256xf32, #tpu.memory_space<vmem>>, vector<16xf32>,
        %parallel_loop3A_1283 = arith.index_cast %parallel_loop3A_1244 : i32 to index
        %parallel_loop3A_1284 = arith.constant 112 : index
        %parallel_loop3A_1285 = tpu.vector_load %arg12[%parallel_loop3A_1283, %parallel_loop3A_1284] {strides = array<i32>} : memref<64x256xf32, #tpu.memory_space<vmem>>, vector<16xf32>,
        tpu.vector_store %arg12[%parallel_loop3A_1283, %parallel_loop3A_1284], %parallel_loop3A_1253 {strides = array<i32>} : memref<64x256xf32, #tpu.memory_space<vmem>>, vector<16xf32>,
        %parallel_loop3A_1286 = arith.index_cast %parallel_loop3A_1244 : i32 to index
        %parallel_loop3A_1287 = arith.constant 128 : index
        %parallel_loop3A_1288 = tpu.vector_load %arg12[%parallel_loop3A_1286, %parallel_loop3A_1287] {strides = array<i32>} : memref<64x256xf32, #tpu.memory_space<vmem>>, vector<16xf32>,
        tpu.vector_store %arg12[%parallel_loop3A_1286, %parallel_loop3A_1287], %parallel_loop3A_1254 {strides = array<i32>} : memref<64x256xf32, #tpu.memory_space<vmem>>, vector<16xf32>,
        %parallel_loop3A_1289 = arith.index_cast %parallel_loop3A_1244 : i32 to index
        %parallel_loop3A_1290 = arith.constant 144 : index
        %parallel_loop3A_1291 = tpu.vector_load %arg12[%parallel_loop3A_1289, %parallel_loop3A_1290] {strides = array<i32>} : memref<64x256xf32, #tpu.memory_space<vmem>>, vector<16xf32>,
        tpu.vector_store %arg12[%parallel_loop3A_1289, %parallel_loop3A_1290], %parallel_loop3A_1255 {strides = array<i32>} : memref<64x256xf32, #tpu.memory_space<vmem>>, vector<16xf32>,
        %parallel_loop3A_1292 = arith.index_cast %parallel_loop3A_1244 : i32 to index
        %parallel_loop3A_1293 = arith.constant 160 : index
        %parallel_loop3A_1294 = tpu.vector_load %arg12[%parallel_loop3A_1292, %parallel_loop3A_1293] {strides = array<i32>} : memref<64x256xf32, #tpu.memory_space<vmem>>, vector<16xf32>,
        tpu.vector_store %arg12[%parallel_loop3A_1292, %parallel_loop3A_1293], %parallel_loop3A_1256 {strides = array<i32>} : memref<64x256xf32, #tpu.memory_space<vmem>>, vector<16xf32>,
        %parallel_loop3A_1295 = arith.index_cast %parallel_loop3A_1244 : i32 to index
        %parallel_loop3A_1296 = arith.constant 176 : index
        %parallel_loop3A_1297 = tpu.vector_load %arg12[%parallel_loop3A_1295, %parallel_loop3A_1296] {strides = array<i32>} : memref<64x256xf32, #tpu.memory_space<vmem>>, vector<16xf32>,
        tpu.vector_store %arg12[%parallel_loop3A_1295, %parallel_loop3A_1296], %parallel_loop3A_1257 {strides = array<i32>} : memref<64x256xf32, #tpu.memory_space<vmem>>, vector<16xf32>,
        %parallel_loop3A_1298 = arith.index_cast %parallel_loop3A_1244 : i32 to index
        %parallel_loop3A_1299 = arith.constant 192 : index
        %parallel_loop3A_1300 = tpu.vector_load %arg12[%parallel_loop3A_1298, %parallel_loop3A_1299] {strides = array<i32>} : memref<64x256xf32, #tpu.memory_space<vmem>>, vector<16xf32>,
        tpu.vector_store %arg12[%parallel_loop3A_1298, %parallel_loop3A_1299], %parallel_loop3A_1258 {strides = array<i32>} : memref<64x256xf32, #tpu.memory_space<vmem>>, vector<16xf32>,
        %parallel_loop3A_1301 = arith.index_cast %parallel_loop3A_1244 : i32 to index
        %parallel_loop3A_1302 = arith.constant 208 : index
        %parallel_loop3A_1303 = tpu.vector_load %arg12[%parallel_loop3A_1301, %parallel_loop3A_1302] {strides = array<i32>} : memref<64x256xf32, #tpu.memory_space<vmem>>, vector<16xf32>,
        tpu.vector_store %arg12[%parallel_loop3A_1301, %parallel_loop3A_1302], %parallel_loop3A_1259 {strides = array<i32>} : memref<64x256xf32, #tpu.memory_space<vmem>>, vector<16xf32>,
        %parallel_loop3A_1304 = arith.index_cast %parallel_loop3A_1244 : i32 to index
        %parallel_loop3A_1305 = arith.constant 224 : index
        %parallel_loop3A_1306 = tpu.vector_load %arg12[%parallel_loop3A_1304, %parallel_loop3A_1305] {strides = array<i32>} : memref<64x256xf32, #tpu.memory_space<vmem>>, vector<16xf32>,
        tpu.vector_store %arg12[%parallel_loop3A_1304, %parallel_loop3A_1305], %parallel_loop3A_1260 {strides = array<i32>} : memref<64x256xf32, #tpu.memory_space<vmem>>, vector<16xf32>,
        %parallel_loop3A_1307 = arith.index_cast %parallel_loop3A_1244 : i32 to index
        %parallel_loop3A_1308 = arith.constant 240 : index
        %parallel_loop3A_1309 = tpu.vector_load %arg12[%parallel_loop3A_1307, %parallel_loop3A_1308] {strides = array<i32>} : memref<64x256xf32, #tpu.memory_space<vmem>>, vector<16xf32>,
        tpu.vector_store %arg12[%parallel_loop3A_1307, %parallel_loop3A_1308], %parallel_loop3A_1261 {strides = array<i32>} : memref<64x256xf32, #tpu.memory_space<vmem>>, vector<16xf32>,
        %parallel_loop3A_1310 = arith.constant 1 : i32
        %parallel_loop3A_1311 = vector.broadcast %parallel_loop3A_1310 : i32 to vector<16xi32>
        %parallel_loop3A_1312 = arith.addi %parallel_loop3A_1245, %parallel_loop3A_1311 : vector<16xi32>
        scf.yield %parallel_loop3A_1312 : vector<16xi32>
      } {sc.loop_unroll_factor = 1 : i64, sc.parallel_access}
      %jit3A_1196 = arith.constant 2 : i32
      %div3A_1197 = arith.divsi %add3A_1096, %jit3A_1196 : i32
      %sign3A_1198 = arith.constant 0 : i32
      %sign3A_1199 = arith.cmpi sgt, %add3A_1096, %sign3A_1198 : i32
      %sign3A_1200 = arith.extui %sign3A_1199 : i1 to i32
      %sign3A_1201 = arith.constant 0 : i32
      %sign3A_1202 = arith.cmpi slt, %add3A_1096, %sign3A_1201 : i32
      %sign3A_1203 = arith.extui %sign3A_1202 : i1 to i32
      %sign3A_1204 = arith.subi %sign3A_1200, %sign3A_1203 : i32
      %sign3A_1205 = arith.constant 0 : i32
      %sign3A_1206 = arith.cmpi sgt, %jit3A_1196, %sign3A_1205 : i32
      %sign3A_1207 = arith.extui %sign3A_1206 : i1 to i32
      %sign3A_1208 = arith.constant 0 : i32
      %sign3A_1209 = arith.cmpi slt, %jit3A_1196, %sign3A_1208 : i32
      %sign3A_1210 = arith.extui %sign3A_1209 : i1 to i32
      %sign3A_1211 = arith.subi %sign3A_1207, %sign3A_1210 : i32
      %ne3A_1212 = arith.cmpi ne, %sign3A_1204, %sign3A_1211 : i32
      %rem3A_1213 = arith.remsi %add3A_1096, %jit3A_1196 : i32
      %ne3A_1214 = arith.constant 0 : i32
      %ne3A_1215 = arith.cmpi ne, %rem3A_1213, %ne3A_1214 : i32
      %and3A_1216 = arith.andi %ne3A_1212, %ne3A_1215 : i1
      %sub3A_1217 = arith.constant 1 : i32
      %sub3A_1218 = arith.subi %div3A_1197, %sub3A_1217 : i32
      %select_n3A_1219 = arith.select %and3A_1216, %sub3A_1218, %div3A_1197 : i32
      %jit3A_1220 = arith.constant 2 : i32
      %eq3A_1221 = arith.constant 0 : i32
      %eq3A_1222 = arith.cmpi eq, %jit3A_1220, %eq3A_1221 : i32
      %jit3A_1223 = arith.constant 1 : i32
      %select_n3A_1224 = arith.select %eq3A_1222, %jit3A_1223, %jit3A_1220 : i32
      %rem3A_1225 = arith.remsi %add3A_1096, %select_n3A_1224 : i32
      %ne3A_1226 = arith.constant 0 : i32
      %ne3A_1227 = arith.cmpi ne, %rem3A_1225, %ne3A_1226 : i32
      %lt3A_1228 = arith.constant 0 : i32
      %lt3A_1229 = arith.cmpi slt, %rem3A_1225, %lt3A_1228 : i32
      %lt3A_1230 = arith.constant 0 : i32
      %lt3A_1231 = arith.cmpi slt, %select_n3A_1224, %lt3A_1230 : i32
      %ne3A_1232 = arith.xori %lt3A_1229, %lt3A_1231 : i1
      %and3A_1233 = arith.andi %ne3A_1232, %ne3A_1227 : i1
      %add3A_1234 = arith.addi %rem3A_1225, %select_n3A_1224 : i32
      %select_n3A_1235 = arith.select %and3A_1233, %add3A_1234, %rem3A_1225 : i32
      %mul3A_1236 = arith.constant 64 : i32
      %mul3A_1237 = arith.muli %select_n3A_1235, %mul3A_1236 : i32
      %dma_start3A_1238 = arith.constant 0 : i32
      %dma_start3A_1239 = tpu.memref_slice %arg4[%add3A, %select_n3A_1219, %mul3A_1237, %dma_start3A_1238] : memref<32x32x128x256xf32, #tpu.memory_space<hbm>> -> memref<1x1x64x256xf32, #tpu.memory_space<hbm>>
      %dma_start3A_1240 = tpu.memref_squeeze %dma_start3A_1239 : memref<1x1x64x256xf32, #tpu.memory_space<hbm>> -> memref<64x256xf32, #tpu.memory_space<hbm>>
      %dma_start3A_1241 = arith.constant 0 : i32
      %dma_start3A_1242 = tpu.memref_slice %arg4[%add3A, %select_n3A_1219, %mul3A_1237, %dma_start3A_1241] : memref<32x32x128x256xf32, #tpu.memory_space<hbm>> -> memref<1x1x64x256xf32, #tpu.memory_space<hbm>>
      %dma_start3A_1243 = tpu.memref_squeeze %dma_start3A_1242 : memref<1x1x64x256xf32, #tpu.memory_space<hbm>> -> memref<64x256xf32, #tpu.memory_space<hbm>>
      tpu.enqueue_dma source(%arg12 : memref<64x256xf32, #tpu.memory_space<vmem>>) target(%dma_start3A_1243 : memref<64x256xf32, #tpu.memory_space<hbm>>) target_semaphore(%arg26 : memref<!tpu.dma_semaphore, #tpu.memory_space<semaphore_mem>>)
    }
    %scan3A_31 = arith.constant 9 : i32
    %dma_wait3A = arith.constant 0 : i32
    %dma_wait3A_32 = arith.constant 0 : i32
    %dma_wait3A_33 = arith.constant 0 : i32
    %dma_wait3A_34 = arith.constant 0 : i32
    %dma_wait3A_35 = tpu.memref_slice %arg2[%dma_wait3A, %dma_wait3A_32, %dma_wait3A_33, %dma_wait3A_34] : memref<32x32x128x256xf32, #tpu.memory_space<hbm>> -> memref<1x1x64x256xf32, #tpu.memory_space<hbm>>
    %dma_wait3A_36 = tpu.memref_squeeze %dma_wait3A_35 : memref<1x1x64x256xf32, #tpu.memory_space<hbm>> -> memref<64x256xf32, #tpu.memory_space<hbm>>
    %dma_wait3A_37 = arith.constant 0 : i32
    %dma_wait3A_38 = arith.constant 0 : i32
    %dma_wait3A_39 = tpu.memref_slice %arg2[%dma_wait3A, %dma_wait3A_32, %dma_wait3A_37, %dma_wait3A_38] : memref<32x32x128x256xf32, #tpu.memory_space<hbm>> -> memref<1x1x64x256xf32, #tpu.memory_space<hbm>>
    %dma_wait3A_40 = tpu.memref_squeeze %dma_wait3A_39 : memref<1x1x64x256xf32, #tpu.memory_space<hbm>> -> memref<64x256xf32, #tpu.memory_space<hbm>>
    tpu.wait_dma2 semaphore(%arg13 : memref<!tpu.dma_semaphore, #tpu.memory_space<semaphore_mem>>) src(%dma_wait3A_40 : memref<64x256xf32, #tpu.memory_space<hbm>>) dst(%arg6 : memref<64x256xf32, #tpu.memory_space<vmem>>)
    %get3A = arith.constant 31 : i32
    %get3A_41 = arith.index_cast %get3A : i32 to index
    %get3A_42 = arith.constant 0 : index
    %get3A_43 = tpu.vector_load %arg5[%get3A_41, %get3A_42] {strides = array<i32>} : memref<32x256xi32, #tpu.memory_space<vmem>>, vector<16xi32>,
    %get3A_44 = arith.constant 31 : i32
    %get3A_45 = arith.index_cast %get3A_44 : i32 to index
    %get3A_46 = arith.constant 16 : index
    %get3A_47 = tpu.vector_load %arg5[%get3A_45, %get3A_46] {strides = array<i32>} : memref<32x256xi32, #tpu.memory_space<vmem>>, vector<16xi32>,
    %get3A_48 = arith.constant 31 : i32
    %get3A_49 = arith.index_cast %get3A_48 : i32 to index
    %get3A_50 = arith.constant 32 : index
    %get3A_51 = tpu.vector_load %arg5[%get3A_49, %get3A_50] {strides = array<i32>} : memref<32x256xi32, #tpu.memory_space<vmem>>, vector<16xi32>,
    %get3A_52 = arith.constant 31 : i32
    %get3A_53 = arith.index_cast %get3A_52 : i32 to index
    %get3A_54 = arith.constant 48 : index
    %get3A_55 = tpu.vector_load %arg5[%get3A_53, %get3A_54] {strides = array<i32>} : memref<32x256xi32, #tpu.memory_space<vmem>>, vector<16xi32>,
    %get3A_56 = arith.constant 31 : i32
    %get3A_57 = arith.index_cast %get3A_56 : i32 to index
    %get3A_58 = arith.constant 64 : index
    %get3A_59 = tpu.vector_load %arg5[%get3A_57, %get3A_58] {strides = array<i32>} : memref<32x256xi32, #tpu.memory_space<vmem>>, vector<16xi32>,
    %get3A_60 = arith.constant 31 : i32
    %get3A_61 = arith.index_cast %get3A_60 : i32 to index
    %get3A_62 = arith.constant 80 : index
    %get3A_63 = tpu.vector_load %arg5[%get3A_61, %get3A_62] {strides = array<i32>} : memref<32x256xi32, #tpu.memory_space<vmem>>, vector<16xi32>,
    %get3A_64 = arith.constant 31 : i32
    %get3A_65 = arith.index_cast %get3A_64 : i32 to index
    %get3A_66 = arith.constant 96 : index
    %get3A_67 = tpu.vector_load %arg5[%get3A_65, %get3A_66] {strides = array<i32>} : memref<32x256xi32, #tpu.memory_space<vmem>>, vector<16xi32>,
    %get3A_68 = arith.constant 31 : i32
    %get3A_69 = arith.index_cast %get3A_68 : i32 to index
    %get3A_70 = arith.constant 112 : index
    %get3A_71 = tpu.vector_load %arg5[%get3A_69, %get3A_70] {strides = array<i32>} : memref<32x256xi32, #tpu.memory_space<vmem>>, vector<16xi32>,
    %get3A_72 = arith.constant 31 : i32
    %get3A_73 = arith.index_cast %get3A_72 : i32 to index
    %get3A_74 = arith.constant 128 : index
    %get3A_75 = tpu.vector_load %arg5[%get3A_73, %get3A_74] {strides = array<i32>} : memref<32x256xi32, #tpu.memory_space<vmem>>, vector<16xi32>,
    %get3A_76 = arith.constant 31 : i32
    %get3A_77 = arith.index_cast %get3A_76 : i32 to index
    %get3A_78 = arith.constant 144 : index
    %get3A_79 = tpu.vector_load %arg5[%get3A_77, %get3A_78] {strides = array<i32>} : memref<32x256xi32, #tpu.memory_space<vmem>>, vector<16xi32>,
    %get3A_80 = arith.constant 31 : i32
    %get3A_81 = arith.index_cast %get3A_80 : i32 to index
    %get3A_82 = arith.constant 160 : index
    %get3A_83 = tpu.vector_load %arg5[%get3A_81, %get3A_82] {strides = array<i32>} : memref<32x256xi32, #tpu.memory_space<vmem>>, vector<16xi32>,
    %get3A_84 = arith.constant 31 : i32
    %get3A_85 = arith.index_cast %get3A_84 : i32 to index
    %get3A_86 = arith.constant 176 : index
    %get3A_87 = tpu.vector_load %arg5[%get3A_85, %get3A_86] {strides = array<i32>} : memref<32x256xi32, #tpu.memory_space<vmem>>, vector<16xi32>,
    %get3A_88 = arith.constant 31 : i32
    %get3A_89 = arith.index_cast %get3A_88 : i32 to index
    %get3A_90 = arith.constant 192 : index
    %get3A_91 = tpu.vector_load %arg5[%get3A_89, %get3A_90] {strides = array<i32>} : memref<32x256xi32, #tpu.memory_space<vmem>>, vector<16xi32>,
    %get3A_92 = arith.constant 31 : i32
    %get3A_93 = arith.index_cast %get3A_92 : i32 to index
    %get3A_94 = arith.constant 208 : index
    %get3A_95 = tpu.vector_load %arg5[%get3A_93, %get3A_94] {strides = array<i32>} : memref<32x256xi32, #tpu.memory_space<vmem>>, vector<16xi32>,
    %get3A_96 = arith.constant 31 : i32
    %get3A_97 = arith.index_cast %get3A_96 : i32 to index
    %get3A_98 = arith.constant 224 : index
    %get3A_99 = tpu.vector_load %arg5[%get3A_97, %get3A_98] {strides = array<i32>} : memref<32x256xi32, #tpu.memory_space<vmem>>, vector<16xi32>,
    %get3A_100 = arith.constant 31 : i32
    %get3A_101 = arith.index_cast %get3A_100 : i32 to index
    %get3A_102 = arith.constant 240 : index
    %get3A_103 = tpu.vector_load %arg5[%get3A_101, %get3A_102] {strides = array<i32>} : memref<32x256xi32, #tpu.memory_space<vmem>>, vector<16xi32>,
    %broadcast_in_dim3A = arith.constant 0 : i32
    %broadcast_in_dim3A_104 = vector.broadcast %broadcast_in_dim3A : i32 to vector<16xi32>
    %parallel_loop3A = arith.constant 0 : i32
    %parallel_loop3A_105 = arith.constant 64 : i32
    %parallel_loop3A_106 = arith.constant 1 : i32
    %parallel_loop3A_107 = scf.for %parallel_loop3A_187 = %parallel_loop3A to %parallel_loop3A_105 step %parallel_loop3A_106 iter_args(%parallel_loop3A_188 = %broadcast_in_dim3A_104) -> (vector<16xi32>)  : i32 {
      %parallel_loop3A_189 = tpu.vector_load_idx %arg6[%parallel_loop3A_188, %get3A_43] : memref<64x256xf32, #tpu.memory_space<vmem>>[vector<16xi32>, vector<16xi32>], vector<16xf32>,
      %parallel_loop3A_190 = tpu.vector_load_idx %arg6[%parallel_loop3A_188, %get3A_47] : memref<64x256xf32, #tpu.memory_space<vmem>>[vector<16xi32>, vector<16xi32>], vector<16xf32>,
      %parallel_loop3A_191 = tpu.vector_load_idx %arg6[%parallel_loop3A_188, %get3A_51] : memref<64x256xf32, #tpu.memory_space<vmem>>[vector<16xi32>, vector<16xi32>], vector<16xf32>,
      %parallel_loop3A_192 = tpu.vector_load_idx %arg6[%parallel_loop3A_188, %get3A_55] : memref<64x256xf32, #tpu.memory_space<vmem>>[vector<16xi32>, vector<16xi32>], vector<16xf32>,
      %parallel_loop3A_193 = tpu.vector_load_idx %arg6[%parallel_loop3A_188, %get3A_59] : memref<64x256xf32, #tpu.memory_space<vmem>>[vector<16xi32>, vector<16xi32>], vector<16xf32>,
      %parallel_loop3A_194 = tpu.vector_load_idx %arg6[%parallel_loop3A_188, %get3A_63] : memref<64x256xf32, #tpu.memory_space<vmem>>[vector<16xi32>, vector<16xi32>], vector<16xf32>,
      %parallel_loop3A_195 = tpu.vector_load_idx %arg6[%parallel_loop3A_188, %get3A_67] : memref<64x256xf32, #tpu.memory_space<vmem>>[vector<16xi32>, vector<16xi32>], vector<16xf32>,
      %parallel_loop3A_196 = tpu.vector_load_idx %arg6[%parallel_loop3A_188, %get3A_71] : memref<64x256xf32, #tpu.memory_space<vmem>>[vector<16xi32>, vector<16xi32>], vector<16xf32>,
      %parallel_loop3A_197 = tpu.vector_load_idx %arg6[%parallel_loop3A_188, %get3A_75] : memref<64x256xf32, #tpu.memory_space<vmem>>[vector<16xi32>, vector<16xi32>], vector<16xf32>,
      %parallel_loop3A_198 = tpu.vector_load_idx %arg6[%parallel_loop3A_188, %get3A_79] : memref<64x256xf32, #tpu.memory_space<vmem>>[vector<16xi32>, vector<16xi32>], vector<16xf32>,
      %parallel_loop3A_199 = tpu.vector_load_idx %arg6[%parallel_loop3A_188, %get3A_83] : memref<64x256xf32, #tpu.memory_space<vmem>>[vector<16xi32>, vector<16xi32>], vector<16xf32>,
      %parallel_loop3A_200 = tpu.vector_load_idx %arg6[%parallel_loop3A_188, %get3A_87] : memref<64x256xf32, #tpu.memory_space<vmem>>[vector<16xi32>, vector<16xi32>], vector<16xf32>,
      %parallel_loop3A_201 = tpu.vector_load_idx %arg6[%parallel_loop3A_188, %get3A_91] : memref<64x256xf32, #tpu.memory_space<vmem>>[vector<16xi32>, vector<16xi32>], vector<16xf32>,
      %parallel_loop3A_202 = tpu.vector_load_idx %arg6[%parallel_loop3A_188, %get3A_95] : memref<64x256xf32, #tpu.memory_space<vmem>>[vector<16xi32>, vector<16xi32>], vector<16xf32>,
      %parallel_loop3A_203 = tpu.vector_load_idx %arg6[%parallel_loop3A_188, %get3A_99] : memref<64x256xf32, #tpu.memory_space<vmem>>[vector<16xi32>, vector<16xi32>], vector<16xf32>,
      %parallel_loop3A_204 = tpu.vector_load_idx %arg6[%parallel_loop3A_188, %get3A_103] : memref<64x256xf32, #tpu.memory_space<vmem>>[vector<16xi32>, vector<16xi32>], vector<16xf32>,
      %parallel_loop3A_205 = arith.index_cast %parallel_loop3A_187 : i32 to index
      %parallel_loop3A_206 = arith.constant 0 : index
      %parallel_loop3A_207 = tpu.vector_load %arg6[%parallel_loop3A_205, %parallel_loop3A_206] {strides = array<i32>} : memref<64x256xf32, #tpu.memory_space<vmem>>, vector<16xf32>,
      tpu.vector_store %arg6[%parallel_loop3A_205, %parallel_loop3A_206], %parallel_loop3A_189 {strides = array<i32>} : memref<64x256xf32, #tpu.memory_space<vmem>>, vector<16xf32>,
      %parallel_loop3A_208 = arith.index_cast %parallel_loop3A_187 : i32 to index
      %parallel_loop3A_209 = arith.constant 16 : index
      %parallel_loop3A_210 = tpu.vector_load %arg6[%parallel_loop3A_208, %parallel_loop3A_209] {strides = array<i32>} : memref<64x256xf32, #tpu.memory_space<vmem>>, vector<16xf32>,
      tpu.vector_store %arg6[%parallel_loop3A_208, %parallel_loop3A_209], %parallel_loop3A_190 {strides = array<i32>} : memref<64x256xf32, #tpu.memory_space<vmem>>, vector<16xf32>,
      %parallel_loop3A_211 = arith.index_cast %parallel_loop3A_187 : i32 to index
      %parallel_loop3A_212 = arith.constant 32 : index
      %parallel_loop3A_213 = tpu.vector_load %arg6[%parallel_loop3A_211, %parallel_loop3A_212] {strides = array<i32>} : memref<64x256xf32, #tpu.memory_space<vmem>>, vector<16xf32>,
      tpu.vector_store %arg6[%parallel_loop3A_211, %parallel_loop3A_212], %parallel_loop3A_191 {strides = array<i32>} : memref<64x256xf32, #tpu.memory_space<vmem>>, vector<16xf32>,
      %parallel_loop3A_214 = arith.index_cast %parallel_loop3A_187 : i32 to index
      %parallel_loop3A_215 = arith.constant 48 : index
      %parallel_loop3A_216 = tpu.vector_load %arg6[%parallel_loop3A_214, %parallel_loop3A_215] {strides = array<i32>} : memref<64x256xf32, #tpu.memory_space<vmem>>, vector<16xf32>,
      tpu.vector_store %arg6[%parallel_loop3A_214, %parallel_loop3A_215], %parallel_loop3A_192 {strides = array<i32>} : memref<64x256xf32, #tpu.memory_space<vmem>>, vector<16xf32>,
      %parallel_loop3A_217 = arith.index_cast %parallel_loop3A_187 : i32 to index
      %parallel_loop3A_218 = arith.constant 64 : index
      %parallel_loop3A_219 = tpu.vector_load %arg6[%parallel_loop3A_217, %parallel_loop3A_218] {strides = array<i32>} : memref<64x256xf32, #tpu.memory_space<vmem>>, vector<16xf32>,
      tpu.vector_store %arg6[%parallel_loop3A_217, %parallel_loop3A_218], %parallel_loop3A_193 {strides = array<i32>} : memref<64x256xf32, #tpu.memory_space<vmem>>, vector<16xf32>,
      %parallel_loop3A_220 = arith.index_cast %parallel_loop3A_187 : i32 to index
      %parallel_loop3A_221 = arith.constant 80 : index
      %parallel_loop3A_222 = tpu.vector_load %arg6[%parallel_loop3A_220, %parallel_loop3A_221] {strides = array<i32>} : memref<64x256xf32, #tpu.memory_space<vmem>>, vector<16xf32>,
      tpu.vector_store %arg6[%parallel_loop3A_220, %parallel_loop3A_221], %parallel_loop3A_194 {strides = array<i32>} : memref<64x256xf32, #tpu.memory_space<vmem>>, vector<16xf32>,
      %parallel_loop3A_223 = arith.index_cast %parallel_loop3A_187 : i32 to index
      %parallel_loop3A_224 = arith.constant 96 : index
      %parallel_loop3A_225 = tpu.vector_load %arg6[%parallel_loop3A_223, %parallel_loop3A_224] {strides = array<i32>} : memref<64x256xf32, #tpu.memory_space<vmem>>, vector<16xf32>,
      tpu.vector_store %arg6[%parallel_loop3A_223, %parallel_loop3A_224], %parallel_loop3A_195 {strides = array<i32>} : memref<64x256xf32, #tpu.memory_space<vmem>>, vector<16xf32>,
      %parallel_loop3A_226 = arith.index_cast %parallel_loop3A_187 : i32 to index
      %parallel_loop3A_227 = arith.constant 112 : index
      %parallel_loop3A_228 = tpu.vector_load %arg6[%parallel_loop3A_226, %parallel_loop3A_227] {strides = array<i32>} : memref<64x256xf32, #tpu.memory_space<vmem>>, vector<16xf32>,
      tpu.vector_store %arg6[%parallel_loop3A_226, %parallel_loop3A_227], %parallel_loop3A_196 {strides = array<i32>} : memref<64x256xf32, #tpu.memory_space<vmem>>, vector<16xf32>,
      %parallel_loop3A_229 = arith.index_cast %parallel_loop3A_187 : i32 to index
      %parallel_loop3A_230 = arith.constant 128 : index
      %parallel_loop3A_231 = tpu.vector_load %arg6[%parallel_loop3A_229, %parallel_loop3A_230] {strides = array<i32>} : memref<64x256xf32, #tpu.memory_space<vmem>>, vector<16xf32>,
      tpu.vector_store %arg6[%parallel_loop3A_229, %parallel_loop3A_230], %parallel_loop3A_197 {strides = array<i32>} : memref<64x256xf32, #tpu.memory_space<vmem>>, vector<16xf32>,
      %parallel_loop3A_232 = arith.index_cast %parallel_loop3A_187 : i32 to index
      %parallel_loop3A_233 = arith.constant 144 : index
      %parallel_loop3A_234 = tpu.vector_load %arg6[%parallel_loop3A_232, %parallel_loop3A_233] {strides = array<i32>} : memref<64x256xf32, #tpu.memory_space<vmem>>, vector<16xf32>,
      tpu.vector_store %arg6[%parallel_loop3A_232, %parallel_loop3A_233], %parallel_loop3A_198 {strides = array<i32>} : memref<64x256xf32, #tpu.memory_space<vmem>>, vector<16xf32>,
      %parallel_loop3A_235 = arith.index_cast %parallel_loop3A_187 : i32 to index
      %parallel_loop3A_236 = arith.constant 160 : index
      %parallel_loop3A_237 = tpu.vector_load %arg6[%parallel_loop3A_235, %parallel_loop3A_236] {strides = array<i32>} : memref<64x256xf32, #tpu.memory_space<vmem>>, vector<16xf32>,
      tpu.vector_store %arg6[%parallel_loop3A_235, %parallel_loop3A_236], %parallel_loop3A_199 {strides = array<i32>} : memref<64x256xf32, #tpu.memory_space<vmem>>, vector<16xf32>,
      %parallel_loop3A_238 = arith.index_cast %parallel_loop3A_187 : i32 to index
      %parallel_loop3A_239 = arith.constant 176 : index
      %parallel_loop3A_240 = tpu.vector_load %arg6[%parallel_loop3A_238, %parallel_loop3A_239] {strides = array<i32>} : memref<64x256xf32, #tpu.memory_space<vmem>>, vector<16xf32>,
      tpu.vector_store %arg6[%parallel_loop3A_238, %parallel_loop3A_239], %parallel_loop3A_200 {strides = array<i32>} : memref<64x256xf32, #tpu.memory_space<vmem>>, vector<16xf32>,
      %parallel_loop3A_241 = arith.index_cast %parallel_loop3A_187 : i32 to index
      %parallel_loop3A_242 = arith.constant 192 : index
      %parallel_loop3A_243 = tpu.vector_load %arg6[%parallel_loop3A_241, %parallel_loop3A_242] {strides = array<i32>} : memref<64x256xf32, #tpu.memory_space<vmem>>, vector<16xf32>,
      tpu.vector_store %arg6[%parallel_loop3A_241, %parallel_loop3A_242], %parallel_loop3A_201 {strides = array<i32>} : memref<64x256xf32, #tpu.memory_space<vmem>>, vector<16xf32>,
      %parallel_loop3A_244 = arith.index_cast %parallel_loop3A_187 : i32 to index
      %parallel_loop3A_245 = arith.constant 208 : index
      %parallel_loop3A_246 = tpu.vector_load %arg6[%parallel_loop3A_244, %parallel_loop3A_245] {strides = array<i32>} : memref<64x256xf32, #tpu.memory_space<vmem>>, vector<16xf32>,
      tpu.vector_store %arg6[%parallel_loop3A_244, %parallel_loop3A_245], %parallel_loop3A_202 {strides = array<i32>} : memref<64x256xf32, #tpu.memory_space<vmem>>, vector<16xf32>,
      %parallel_loop3A_247 = arith.index_cast %parallel_loop3A_187 : i32 to index
      %parallel_loop3A_248 = arith.constant 224 : index
      %parallel_loop3A_249 = tpu.vector_load %arg6[%parallel_loop3A_247, %parallel_loop3A_248] {strides = array<i32>} : memref<64x256xf32, #tpu.memory_space<vmem>>, vector<16xf32>,
      tpu.vector_store %arg6[%parallel_loop3A_247, %parallel_loop3A_248], %parallel_loop3A_203 {strides = array<i32>} : memref<64x256xf32, #tpu.memory_space<vmem>>, vector<16xf32>,
      %parallel_loop3A_250 = arith.index_cast %parallel_loop3A_187 : i32 to index
      %parallel_loop3A_251 = arith.constant 240 : index
      %parallel_loop3A_252 = tpu.vector_load %arg6[%parallel_loop3A_250, %parallel_loop3A_251] {strides = array<i32>} : memref<64x256xf32, #tpu.memory_space<vmem>>, vector<16xf32>,
      tpu.vector_store %arg6[%parallel_loop3A_250, %parallel_loop3A_251], %parallel_loop3A_204 {strides = array<i32>} : memref<64x256xf32, #tpu.memory_space<vmem>>, vector<16xf32>,
      %parallel_loop3A_253 = arith.constant 1 : i32
      %parallel_loop3A_254 = vector.broadcast %parallel_loop3A_253 : i32 to vector<16xi32>
      %parallel_loop3A_255 = arith.addi %parallel_loop3A_188, %parallel_loop3A_254 : vector<16xi32>
      scf.yield %parallel_loop3A_255 : vector<16xi32>
    } {sc.loop_unroll_factor = 1 : i64, sc.parallel_access}
    %dma_start3A_108 = arith.constant 31 : i32
    %dma_start3A_109 = arith.constant 64 : i32
    %dma_start3A_110 = arith.constant 0 : i32
    %dma_start3A_111 = tpu.memref_slice %arg4[%add3A, %dma_start3A_108, %dma_start3A_109, %dma_start3A_110] : memref<32x32x128x256xf32, #tpu.memory_space<hbm>> -> memref<1x1x64x256xf32, #tpu.memory_space<hbm>>
    %dma_start3A_112 = tpu.memref_squeeze %dma_start3A_111 : memref<1x1x64x256xf32, #tpu.memory_space<hbm>> -> memref<64x256xf32, #tpu.memory_space<hbm>>
    %dma_start3A_113 = arith.constant 64 : i32
    %dma_start3A_114 = arith.constant 0 : i32
    %dma_start3A_115 = tpu.memref_slice %arg4[%add3A, %dma_start3A_108, %dma_start3A_113, %dma_start3A_114] : memref<32x32x128x256xf32, #tpu.memory_space<hbm>> -> memref<1x1x64x256xf32, #tpu.memory_space<hbm>>
    %dma_start3A_116 = tpu.memref_squeeze %dma_start3A_115 : memref<1x1x64x256xf32, #tpu.memory_space<hbm>> -> memref<64x256xf32, #tpu.memory_space<hbm>>
    tpu.enqueue_dma source(%arg6 : memref<64x256xf32, #tpu.memory_space<vmem>>) target(%dma_start3A_116 : memref<64x256xf32, #tpu.memory_space<hbm>>) target_semaphore(%arg20 : memref<!tpu.dma_semaphore, #tpu.memory_space<semaphore_mem>>)
    %dma_wait3A_117 = arith.constant 0 : i32
    %dma_wait3A_118 = arith.constant 0 : i32
    %dma_wait3A_119 = arith.constant 0 : i32
    %dma_wait3A_120 = arith.constant 0 : i32
    %dma_wait3A_121 = tpu.memref_slice %arg4[%dma_wait3A_117, %dma_wait3A_118, %dma_wait3A_119, %dma_wait3A_120] : memref<32x32x128x256xf32, #tpu.memory_space<hbm>> -> memref<1x1x64x256xf32, #tpu.memory_space<hbm>>
    %dma_wait3A_122 = tpu.memref_squeeze %dma_wait3A_121 : memref<1x1x64x256xf32, #tpu.memory_space<hbm>> -> memref<64x256xf32, #tpu.memory_space<hbm>>
    %dma_wait3A_123 = arith.constant 0 : i32
    %dma_wait3A_124 = arith.constant 0 : i32
    %dma_wait3A_125 = tpu.memref_slice %arg4[%dma_wait3A_117, %dma_wait3A_118, %dma_wait3A_123, %dma_wait3A_124] : memref<32x32x128x256xf32, #tpu.memory_space<hbm>> -> memref<1x1x64x256xf32, #tpu.memory_space<hbm>>
    %dma_wait3A_126 = tpu.memref_squeeze %dma_wait3A_125 : memref<1x1x64x256xf32, #tpu.memory_space<hbm>> -> memref<64x256xf32, #tpu.memory_space<hbm>>
    tpu.wait_dma2 semaphore(%arg20 : memref<!tpu.dma_semaphore, #tpu.memory_space<semaphore_mem>>) src(%arg6 : memref<64x256xf32, #tpu.memory_space<vmem>>) dst(%dma_wait3A_126 : memref<64x256xf32, #tpu.memory_space<hbm>>)
    %dma_wait3A_127 = arith.constant 0 : i32
    %dma_wait3A_128 = arith.constant 0 : i32
    %dma_wait3A_129 = arith.constant 0 : i32
    %dma_wait3A_130 = arith.constant 0 : i32
    %dma_wait3A_131 = tpu.memref_slice %arg4[%dma_wait3A_127, %dma_wait3A_128, %dma_wait3A_129, %dma_wait3A_130] : memref<32x32x128x256xf32, #tpu.memory_space<hbm>> -> memref<1x1x64x256xf32, #tpu.memory_space<hbm>>
    %dma_wait3A_132 = tpu.memref_squeeze %dma_wait3A_131 : memref<1x1x64x256xf32, #tpu.memory_space<hbm>> -> memref<64x256xf32, #tpu.memory_space<hbm>>
    %dma_wait3A_133 = arith.constant 0 : i32
    %dma_wait3A_134 = arith.constant 0 : i32
    %dma_wait3A_135 = tpu.memref_slice %arg4[%dma_wait3A_127, %dma_wait3A_128, %dma_wait3A_133, %dma_wait3A_134] : memref<32x32x128x256xf32, #tpu.memory_space<hbm>> -> memref<1x1x64x256xf32, #tpu.memory_space<hbm>>
    %dma_wait3A_136 = tpu.memref_squeeze %dma_wait3A_135 : memref<1x1x64x256xf32, #tpu.memory_space<hbm>> -> memref<64x256xf32, #tpu.memory_space<hbm>>
    tpu.wait_dma2 semaphore(%arg21 : memref<!tpu.dma_semaphore, #tpu.memory_space<semaphore_mem>>) src(%arg7 : memref<64x256xf32, #tpu.memory_space<vmem>>) dst(%dma_wait3A_136 : memref<64x256xf32, #tpu.memory_space<hbm>>)
    %dma_wait3A_137 = arith.constant 0 : i32
    %dma_wait3A_138 = arith.constant 0 : i32
    %dma_wait3A_139 = arith.constant 0 : i32
    %dma_wait3A_140 = arith.constant 0 : i32
    %dma_wait3A_141 = tpu.memref_slice %arg4[%dma_wait3A_137, %dma_wait3A_138, %dma_wait3A_139, %dma_wait3A_140] : memref<32x32x128x256xf32, #tpu.memory_space<hbm>> -> memref<1x1x64x256xf32, #tpu.memory_space<hbm>>
    %dma_wait3A_142 = tpu.memref_squeeze %dma_wait3A_141 : memref<1x1x64x256xf32, #tpu.memory_space<hbm>> -> memref<64x256xf32, #tpu.memory_space<hbm>>
    %dma_wait3A_143 = arith.constant 0 : i32
    %dma_wait3A_144 = arith.constant 0 : i32
    %dma_wait3A_145 = tpu.memref_slice %arg4[%dma_wait3A_137, %dma_wait3A_138, %dma_wait3A_143, %dma_wait3A_144] : memref<32x32x128x256xf32, #tpu.memory_space<hbm>> -> memref<1x1x64x256xf32, #tpu.memory_space<hbm>>
    %dma_wait3A_146 = tpu.memref_squeeze %dma_wait3A_145 : memref<1x1x64x256xf32, #tpu.memory_space<hbm>> -> memref<64x256xf32, #tpu.memory_space<hbm>>
    tpu.wait_dma2 semaphore(%arg22 : memref<!tpu.dma_semaphore, #tpu.memory_space<semaphore_mem>>) src(%arg8 : memref<64x256xf32, #tpu.memory_space<vmem>>) dst(%dma_wait3A_146 : memref<64x256xf32, #tpu.memory_space<hbm>>)
    %dma_wait3A_147 = arith.constant 0 : i32
    %dma_wait3A_148 = arith.constant 0 : i32
    %dma_wait3A_149 = arith.constant 0 : i32
    %dma_wait3A_150 = arith.constant 0 : i32
    %dma_wait3A_151 = tpu.memref_slice %arg4[%dma_wait3A_147, %dma_wait3A_148, %dma_wait3A_149, %dma_wait3A_150] : memref<32x32x128x256xf32, #tpu.memory_space<hbm>> -> memref<1x1x64x256xf32, #tpu.memory_space<hbm>>
    %dma_wait3A_152 = tpu.memref_squeeze %dma_wait3A_151 : memref<1x1x64x256xf32, #tpu.memory_space<hbm>> -> memref<64x256xf32, #tpu.memory_space<hbm>>
    %dma_wait3A_153 = arith.constant 0 : i32
    %dma_wait3A_154 = arith.constant 0 : i32
    %dma_wait3A_155 = tpu.memref_slice %arg4[%dma_wait3A_147, %dma_wait3A_148, %dma_wait3A_153, %dma_wait3A_154] : memref<32x32x128x256xf32, #tpu.memory_space<hbm>> -> memref<1x1x64x256xf32, #tpu.memory_space<hbm>>
    %dma_wait3A_156 = tpu.memref_squeeze %dma_wait3A_155 : memref<1x1x64x256xf32, #tpu.memory_space<hbm>> -> memref<64x256xf32, #tpu.memory_space<hbm>>
    tpu.wait_dma2 semaphore(%arg23 : memref<!tpu.dma_semaphore, #tpu.memory_space<semaphore_mem>>) src(%arg9 : memref<64x256xf32, #tpu.memory_space<vmem>>) dst(%dma_wait3A_156 : memref<64x256xf32, #tpu.memory_space<hbm>>)
    %dma_wait3A_157 = arith.constant 0 : i32
    %dma_wait3A_158 = arith.constant 0 : i32
    %dma_wait3A_159 = arith.constant 0 : i32
    %dma_wait3A_160 = arith.constant 0 : i32
    %dma_wait3A_161 = tpu.memref_slice %arg4[%dma_wait3A_157, %dma_wait3A_158, %dma_wait3A_159, %dma_wait3A_160] : memref<32x32x128x256xf32, #tpu.memory_space<hbm>> -> memref<1x1x64x256xf32, #tpu.memory_space<hbm>>
    %dma_wait3A_162 = tpu.memref_squeeze %dma_wait3A_161 : memref<1x1x64x256xf32, #tpu.memory_space<hbm>> -> memref<64x256xf32, #tpu.memory_space<hbm>>
    %dma_wait3A_163 = arith.constant 0 : i32
    %dma_wait3A_164 = arith.constant 0 : i32
    %dma_wait3A_165 = tpu.memref_slice %arg4[%dma_wait3A_157, %dma_wait3A_158, %dma_wait3A_163, %dma_wait3A_164] : memref<32x32x128x256xf32, #tpu.memory_space<hbm>> -> memref<1x1x64x256xf32, #tpu.memory_space<hbm>>
    %dma_wait3A_166 = tpu.memref_squeeze %dma_wait3A_165 : memref<1x1x64x256xf32, #tpu.memory_space<hbm>> -> memref<64x256xf32, #tpu.memory_space<hbm>>
    tpu.wait_dma2 semaphore(%arg24 : memref<!tpu.dma_semaphore, #tpu.memory_space<semaphore_mem>>) src(%arg10 : memref<64x256xf32, #tpu.memory_space<vmem>>) dst(%dma_wait3A_166 : memref<64x256xf32, #tpu.memory_space<hbm>>)
    %dma_wait3A_167 = arith.constant 0 : i32
    %dma_wait3A_168 = arith.constant 0 : i32
    %dma_wait3A_169 = arith.constant 0 : i32
    %dma_wait3A_170 = arith.constant 0 : i32
    %dma_wait3A_171 = tpu.memref_slice %arg4[%dma_wait3A_167, %dma_wait3A_168, %dma_wait3A_169, %dma_wait3A_170] : memref<32x32x128x256xf32, #tpu.memory_space<hbm>> -> memref<1x1x64x256xf32, #tpu.memory_space<hbm>>
    %dma_wait3A_172 = tpu.memref_squeeze %dma_wait3A_171 : memref<1x1x64x256xf32, #tpu.memory_space<hbm>> -> memref<64x256xf32, #tpu.memory_space<hbm>>
    %dma_wait3A_173 = arith.constant 0 : i32
    %dma_wait3A_174 = arith.constant 0 : i32
    %dma_wait3A_175 = tpu.memref_slice %arg4[%dma_wait3A_167, %dma_wait3A_168, %dma_wait3A_173, %dma_wait3A_174] : memref<32x32x128x256xf32, #tpu.memory_space<hbm>> -> memref<1x1x64x256xf32, #tpu.memory_space<hbm>>
    %dma_wait3A_176 = tpu.memref_squeeze %dma_wait3A_175 : memref<1x1x64x256xf32, #tpu.memory_space<hbm>> -> memref<64x256xf32, #tpu.memory_space<hbm>>
    tpu.wait_dma2 semaphore(%arg25 : memref<!tpu.dma_semaphore, #tpu.memory_space<semaphore_mem>>) src(%arg11 : memref<64x256xf32, #tpu.memory_space<vmem>>) dst(%dma_wait3A_176 : memref<64x256xf32, #tpu.memory_space<hbm>>)
    %dma_wait3A_177 = arith.constant 0 : i32
    %dma_wait3A_178 = arith.constant 0 : i32
    %dma_wait3A_179 = arith.constant 0 : i32
    %dma_wait3A_180 = arith.constant 0 : i32
    %dma_wait3A_181 = tpu.memref_slice %arg4[%dma_wait3A_177, %dma_wait3A_178, %dma_wait3A_179, %dma_wait3A_180] : memref<32x32x128x256xf32, #tpu.memory_space<hbm>> -> memref<1x1x64x256xf32, #tpu.memory_space<hbm>>
    %dma_wait3A_182 = tpu.memref_squeeze %dma_wait3A_181 : memref<1x1x64x256xf32, #tpu.memory_space<hbm>> -> memref<64x256xf32, #tpu.memory_space<hbm>>
    %dma_wait3A_183 = arith.constant 0 : i32
    %dma_wait3A_184 = arith.constant 0 : i32
    %dma_wait3A_185 = tpu.memref_slice %arg4[%dma_wait3A_177, %dma_wait3A_178, %dma_wait3A_183, %dma_wait3A_184] : memref<32x32x128x256xf32, #tpu.memory_space<hbm>> -> memref<1x1x64x256xf32, #tpu.memory_space<hbm>>
    %dma_wait3A_186 = tpu.memref_squeeze %dma_wait3A_185 : memref<1x1x64x256xf32, #tpu.memory_space<hbm>> -> memref<64x256xf32, #tpu.memory_space<hbm>>
    tpu.wait_dma2 semaphore(%arg26 : memref<!tpu.dma_semaphore, #tpu.memory_space<semaphore_mem>>) src(%arg12 : memref<64x256xf32, #tpu.memory_space<vmem>>) dst(%dma_wait3A_186 : memref<64x256xf32, #tpu.memory_space<hbm>>)
    return
  }
}

</mosaic_0001>

<sc_bundles>
// kernel: kernel.3.cloned.1.call-start
scs
__scs_entry_jumppad:
0x0: {  	(pc) =	sbr.rel $0x88, $3  }
0x1: {  	(tag) =	ssettag $0x0;
	lr =	simm.s32 $0x1  }
0x2: {  	[smem:$0x3F9F] =	sst lr;
	_ =	strace $0xD0000000  }
0x3: {  	_ = 	snop  }
0x4: {  	_ = 	snop  }
0x5: {  	_ = 	snop  }
0x6: {  	_ = 	snop  }
0x7: {  	_ = 	snop  }
__scs_overlays_trampoline_lowered:
0x8: {  	[smem:$0x3FAE] =	sst s0  }
0x9: {  	[smem:$0x3FAF] =	sst s1  }
0xa: {  	[smem:$0x3FB0] =	sst s2  }
0xb: {  	[smem:$0x3FB1] =	sst s3  }
0xc: {  	[smem:$0x3FB2] =	sst s4  }
0xd: {  	[smem:$0x3FB3] =	sst s5  }
0xe: {  	[smem:$0x3FB4] =	sst s6  }
0xf: {  	[smem:$0x3FB5] =	sst s7  }
0x10: {  	[smem:$0x3FB6] =	sst s8  }
0x11: {  	[smem:$0x3FB7] =	sst s9;
	s0 =	simm.s32 @!p0 $0x0  }
0x12: {  	s1 =	sld [smem:$0x3F9D];
	s0 =	simm.s32 @p0 $0x1  }
0x13: {  	[smem:$0x3FB8] =	sst s0;
	s0 =	simm.s32 @!p1 $0x0  }
0x14: {  	s2 =	sld [smem:$0x3F9C];
	s0 =	simm.s32 @p1 $0x1  }
0x15: {  	[smem:$0x3FB9] =	sst s0;
	s0 =	simm.s32 @!p2 $0x0  }
0x16: {  	s3 =	sld [smem:$0x3FDB];
	s0 =	simm.s32 @p2 $0x1  }
0x17: {  	s4 =	simm.s32 $0x1BF5;
	[smem:$0x3FBB] =	sst s0  }
0x18: {  	s0 =	sld [smem:$0x3F9E];
	_ =	swait.ge [sflag:s4], $0x0  }
0x19: {  	s7 =	sld [smem:$0x3F9F]  }
0x1a: {  	s8 =	sadd.s32 $0xFFFFE003, lr  }
0x1b: {  	s9 =	sadd.s32 $0xFFFFFEF7, lr;
	s5 =	simm.s32 $0xFFFFFFFF;
	p2 =	slt.u32 s8, $0xFFFFF086  }
0x1c: {  	p1 =	slt.u32 s9, $0xF7A;
	s5 =	simm.s32 @!p2 $0x0  }
0x1d: {  	s5 =	simm.s32 @p1 $0x1;
	p0 =	seq.s32 s7, s2  }
0x1e: {  	s7 =	smul.u32 @!p0 $0xF7A, s2;
	p2 =	seq.s32 @!p0 s5, $0x0  }
0x1f: {  	s9 =	smul.u32 $0xF7A, s1;
	s8 =	simm.s32 @!p0 $0x1BF5;
	p2 =	por !p2, p0  }
0x20: {  	[sflag:s8] =	ssyncset.s32 @!p0 $0xFFFFF086;
	s6 =	sadd.s32 @!p0 s3, s7;
	s7 =	simm.s32 @!p0 $0x108  }
0x21: {  	s3 =	sadd.s32 s3, s9;
	s6 =	sadd.s32 @!p0 $0x88, s6;
	s7 =	simm.s32 @p2 $0x1082  }
0x22: {  	[simem:s7], [sflag:s8] =	dma.local @!p0 [hbm:s6], $0xF7A  }
0x23: {  	s9 =	sor.u32 $0xD0000000, s2;
	s6 =	simm.s32 $0x108;
	_ =	swait.ge @!p0 [sflag:s8], $0x0  }
0x24: {  	s3 =	sadd.s32 $0x88, s3;
	s6 =	simm.s32 @!p1 $0x1082;
	[sflag:s4] =	ssyncset.s32 $0xFFFFF086  }
0x25: {  	[simem:s6], [sflag:s4] =	dma.local [hbm:s3], $0xF7A  }
0x26: {  	[smem:$0x3F9F] =	sst s1;
	(tag) =	ssettag s2;
	_ =	strace s9  }
0x27: {  	s1 =	sld [smem:$0x3FAF]  }
0x28: {  	s2 =	sld [smem:$0x3FB0]  }
0x29: {  	s4 =	sld [smem:$0x3FB2]  }
0x2a: {  	p0 =	seq.s32 s5, $0x0;
	s5 =	sld [smem:$0x3FB3]  }
0x2b: {  	s6 =	sld [smem:$0x3FB4]  }
0x2c: {  	s7 =	sld [smem:$0x3FB5]  }
0x2d: {  	s3 =	simm.s32 $0x108;
	s8 =	sld [smem:$0x3FB6]  }
0x2e: {  	s3 =	simm.s32 @!p0 $0x1082;
	s9 =	sld [smem:$0x3FB7]  }
0x2f: {  	lr =	sadd.s32 s0, s3;
	s0 =	sld [smem:$0x3FAE]  }
0x30: {  	s3 =	sld [smem:$0x3FB1]  }
0x31: {  	[smem:$0x3FBA] =	sst s10  }
0x32: {  	s10 =	sld [smem:$0x3FB8];
	_ =	sdelay $0x3  }
0x33: {  	p0 =	seq.s32 s10, $0x1;
	s10 =	sld [smem:$0x3FBA];
	_ =	sdelay $0x3  }
0x34: {  	[smem:$0x3FBA] =	sst s10  }
0x35: {  	s10 =	sld [smem:$0x3FB9];
	_ =	sdelay $0x3  }
0x36: {  	p1 =	seq.s32 s10, $0x1;
	s10 =	sld [smem:$0x3FBA];
	_ =	sdelay $0x3  }
0x37: {  	[smem:$0x3FBA] =	sst s10  }
0x38: {  	s10 =	sld [smem:$0x3FBB]  }
0x39: {  	_ = 	snop;
	(pc) =	sbr.ind lr, $3  }
0x3a: {  	_ = 	snop  }
0x3b: {  	_ = 	snop  }
0x3c: {  	p2 =	seq.s32 s10, $0x1;
	s10 =	sld [smem:$0x3FBA]  }
0x3d: {  	_ =	shalt  }
0x3e: {  	_ =	shalt  }
0x3f: {  	_ =	shalt  }
0x40: {  	_ =	shalt  }
0x41: {  	_ =	shalt  }
0x42: {  	_ =	shalt  }
0x43: {  	_ =	shalt  }
0x44: {  	_ =	shalt  }
0x45: {  	_ =	shalt  }
0x46: {  	_ =	shalt  }
0x47: {  	_ =	shalt  }
0x48: {  	_ =	shalt  }
0x49: {  	_ =	shalt  }
0x4a: {  	_ =	shalt  }
0x4b: {  	_ =	shalt  }
0x4c: {  	_ =	shalt  }
0x4d: {  	_ =	shalt  }
0x4e: {  	_ =	shalt  }
0x4f: {  	_ =	shalt  }
0x50: {  	_ =	shalt  }
0x51: {  	_ =	shalt  }
0x52: {  	_ =	shalt  }
0x53: {  	_ =	shalt  }
0x54: {  	_ =	shalt  }
0x55: {  	_ =	shalt  }
0x56: {  	_ =	shalt  }
0x57: {  	_ =	shalt  }
0x58: {  	_ =	shalt  }
0x59: {  	_ =	shalt  }
0x5a: {  	_ =	shalt  }
0x5b: {  	_ =	shalt  }
0x5c: {  	_ =	shalt  }
0x5d: {  	_ =	shalt  }
0x5e: {  	_ =	shalt  }
0x5f: {  	_ =	shalt  }
0x60: {  	_ =	shalt  }
0x61: {  	_ =	shalt  }
0x62: {  	_ =	shalt  }
0x63: {  	_ =	shalt  }
0x64: {  	_ =	shalt  }
0x65: {  	_ =	shalt  }
0x66: {  	_ =	shalt  }
0x67: {  	_ =	shalt  }
0x68: {  	_ =	shalt  }
0x69: {  	_ =	shalt  }
0x6a: {  	_ =	shalt  }
0x6b: {  	_ =	shalt  }
0x6c: {  	_ =	shalt  }
0x6d: {  	_ =	shalt  }
0x6e: {  	_ =	shalt  }
0x6f: {  	_ =	shalt  }
0x70: {  	_ =	shalt  }
0x71: {  	_ =	shalt  }
0x72: {  	_ =	shalt  }
0x73: {  	_ =	shalt  }
0x74: {  	_ =	shalt  }
0x75: {  	_ =	shalt  }
0x76: {  	_ =	shalt  }
0x77: {  	_ =	shalt  }
0x78: {  	_ =	shalt  }
0x79: {  	_ =	shalt  }
0x7a: {  	_ =	shalt  }
0x7b: {  	_ =	shalt  }
0x7c: {  	_ =	shalt  }
0x7d: {  	_ =	shalt  }
0x7e: {  	_ =	shalt  }
0x7f: {  	_ =	shalt  }
0x80: {  	_ =	shalt  }
0x81: {  	_ =	shalt  }
0x82: {  	_ =	shalt  }
0x83: {  	_ =	shalt  }
0x84: {  	_ =	shalt  }
0x85: {  	_ =	shalt  }
0x86: {  	_ =	shalt  }
0x87: {  	_ =	shalt  }
.Lfunc_end0:
.L_simem_size_0:
called_computation_lowered:
.L_overlay_start_0:
0x88: {  	s2 =	sld [smem:$0x3FD9]  }
0x89: {  	s3 =	sld [smem:$0x3FFE];
	_ =	sdelay $0x1  }
0x8a: {  	s1 =	srdreg.scid  }
0x8b: {  	s0 =	sand.u32 $0x1, s1  }
0x8c: {  	s18 =	sshll.u32 s0, $0xA;
	s2 =	sadd.s32 s3, s2  }
0x8d: {  	s2 =	sadd.s32 s2, s18  }
0x8e: {  	[smem:$0x3FC6] =	sst s2  }
0x8f: {  	_ = 	snop  }
0x90: {  	s2 =	sld [smem:$0x3FC9]  }
0x91: {  	s19 =	sld [smem:$0x3FC8]  }
0x92: {  	s4 =	sld [smem:$0x3FD0];
	(tm) =	ssettm $0x1  }
0x93: {  	s5 =	sld [smem:$0x3FFB];
	_ =	sdelay $0x3  }
0x94: {  	_ =	strace s5  }
0x95: {  	s5 =	sld [smem:$0x3FFC];
	_ =	sdelay $0x3  }
0x96: {  	_ =	strace s5  }
0x97: {  	s5 =	sld [smem:$0x3FFD];
	_ =	sdelay $0x3  }
0x98: {  	_ =	strace s5  }
0x99: {  	_ =	strace $0x8FFFFFFF  }
0x9a: {  	s20 =	sld [smem:$0x3FDB];
	_ =	sdelay $0x1  }
0x9b: {  	s6 =	simm.s32 $_scs_section_size  }
0x9c: {  	s7 =	simm.s32 $_size__tile_overlayer_lowered;
	s8 =	simm.s32 $_tile_overlayer_lowered  }
0x9d: {  	s23 =	simm.s32 $0x1BFF;
	s22 =	sshll.u32 s8, $0x1;
	s5 =	sadd.s32 s6, s20  }
0x9e: {  	s9 =	simm.s32 $0x0;
	s21 =	sshll.u32 s7, $0x1;
	s7 =	sadd.s32 s22, s5  }
0x9f: {  	[timem:s9], [sflag:s23] =	dma.local [hbm:s7], s21  }
0xa0: {  	_ =	swait.ge [sflag:s23], s21  }
0xa1: {  	s6 =	ssub.s32 $0x0, s21;
	[sflag:s23] =	ssyncset.done $0x0  }
0xa2: {  	[sflag:s23] =	ssyncadd.s32 s6;
	_ =	sdelay $0x1  }
0xa3: {  	s24 =	simm.s32 $0x1B8B  }
0xa4: {  	_ =	swait.ge [sflag:s24], $0x1  }
0xa5: {  	[sflag:s24] =	ssyncset.done $0x0  }
0xa6: {  	s25 =	simm.s32 $0x1B8E;
	[sflag:s24] =	ssyncadd.s32 $0xFFFFFFFF  }
0xa7: {  	s26 =	simm.s32 $execute0_lowered;
	[smem:$0x3FD2] =	sst s25  }
0xa8: {  	s6 =	sshll.u32 s26, $0x1;
	_ =	strace $0x80000046;
	[dreg:$0x1] =	wrdreg $0xFFFFFFFF  }
0xa9: {  	s28 =	simm.s32 $_size_execute0_lowered;
	s5 =	sadd.s32 s5, s6;
	[dreg:$0x0] =	wrdreg $0x0  }
0xaa: {  	s6 =	sshll.u32 s28, $0x1;
	[dreg:$0x2] =	wrdreg s5  }
0xab: {  	[dreg:$0x3] =	wrdreg s6  }
0xac: {  	[dreg:$0x4] =	wrdreg $0xC0  }
0xad: {  	_ =	task [dreg:s9], $0x5FFFF  }
0xae: {  	[dreg:$0x1] =	wrdreg $0xFFFFFFFF  }
0xaf: {  	[dreg:$0x0] =	wrdreg $0x60  }
0xb0: {  	[dreg:$0x2] =	wrdreg s2  }
0xb1: {  	[dreg:$0x3] =	wrdreg s19  }
0xb2: {  	[dreg:$0x4] =	wrdreg s4  }
0xb3: {  	[dreg:$0x5] =	wrdreg $0x9  }
0xb4: {  	_ =	task.clear_ibuf [dreg:s9], $0x6FFFF;
	_ =	strace $0x90000046  }
0xb5: {  	s29 =	simm.s32 $0x9;
	_ =	strace $0x80000048  }
0xb6: {  	_ =	swait.ge [sflag:s29], $0x1  }
0xb7: {  	[sflag:s29] =	ssyncadd.s32 $0xFFFFFFFF  }
0xb8: {  	_ =	strace $0x90000048  }
0xb9: {  	_ =	sfence  }
0xba: {  	s30 =	sld [smem:$0x0];
	_ =	sdelay $0x2  }
0xbb: {  	s31 =	sshll.u32 s1, $0xD;
	s1 =	sshrl.u32 s1, $0x2  }
0xbc: {  	s3 =	sand.u32 $0x4000, s31;
	s1 =	sadd.s32 s1, s30  }
0xbd: {  	s0 =	sor.u32 s3, s0;
	s1 =	sshll.u32 s1, $0x11  }
0xbe: {  	s0 =	sor.u32 s1, s0  }
0xbf: {  	s0 =	sadd.s32 $0x8F2B, s0  }
0xc0: {  	[sflag:s0] =	ssyncadd.remote.s32 $0x1  }
0xc1: {  	_ =	sfence.sel $0xFFFF  }
0xc2: {  	[dreg:$0x0] =	wrdreg $0xFFFFFFFF;
	(pc) =	sbr.abs _section_cstart, $3  }
0xc3: {  	[dreg:$0x1] =	wrdreg $0xFFFFFFFF  }
0xc4: {  	_ =	task.clear_ibuf [dreg:s9], $0x2FFFF;
	_ =	strace $0x9FFFFFFF  }
0xc5: {  	(tm) =	ssettm $0x7FFFFFFF  }
tec
execute0_lowered:
.L_overlay_start_1:
0x0: {  	(tag) =	ssettag $0x1  }
0x1: {  	s1 =	rddreg [dreg:$0x0]  }
0x2: {  	s0 =	srdreg.scid;
	s2 =	stileid.u32  }
0x3: {  	s4 =	rddreg [dreg:$0x2];
	s5 =	simm.s32 $0x0;
	s0 =	sand.u32 $0x1, s0  }
0x4: {  	s17 =	simm.s32 $0x2000;
	s2 =	sshll.u32 s2, $0x15;
	s3 =	sshll.u32 s0, $0x14  }
0x5: {  	s18 =	simm.s32 $0x6000;
	s0 =	ssub.s32 $0x2, s0;
	s6 =	sor.u32 s3, s2  }
0x6: {  	s19 =	simm.s32 $0xA000;
	s20 =	sshrl.u32 s0, $0x1;
	s2 =	sshrl.u32 s6, $0x3  }
0x7: {  	[smem:$0x7FF] =	sst s5;
	s0 =	ssub.s32 s0, s20;
	s7 =	sadd.s32 s1, s2  }
0x8: {  	_ =	strace $0x80000047;
	s0 =	smax.u32 s0, $0x1;
	[dreg:$0x4] =	wrdreg s7  }
0x9: {  	s28 =	simm.s32 $0x1A000;
	s21 =	sadd.s32 $0x800, s7;
	[dreg:$0xc] =	wrdreg s0  }
0xa: {  	s29 =	simm.s32 $0x5;
	s22 =	sadd.s32 $0x1000, s7;
	[dreg:$0x5] =	wrdreg s21  }
0xb: {  	s30 =	simm.s32 $0x8;
	s23 =	sadd.s32 $0x1800, s7;
	[dreg:$0x6] =	wrdreg s22  }
0xc: {  	s31 =	simm.s32 $0x6;
	s24 =	sadd.s32 $0x2000, s7;
	[dreg:$0x7] =	wrdreg s23  }
0xd: {  	s20 =	simm.s32 $0x1;
	s25 =	sadd.s32 $0x2800, s7;
	[dreg:$0x8] =	wrdreg s24  }
0xe: {  	s2 =	sadd.s32 s2, s4;
	s26 =	sadd.s32 $0x3000, s7;
	[dreg:$0x9] =	wrdreg s25  }
0xf: {  	s2 =	sadd.s32 $0x1F800, s2;
	s7 =	simm.s32 $0x0;
	[dreg:$0xa] =	wrdreg s26  }
0x10: {  	[dreg:$0xb] =	wrdreg s2;
	s21 =	simm.s32 $0xE000;
	s23 =	simm.s32 $0x12000  }
0x11: {  	s25 =	simm.s32 $0x16000;
	s26 =	simm.s32 $0x4;
	s2 =	simm.s32 $0x7  }
.LBB2_1:
0x12: {  	[dreg:$0xd] =	wrdreg s7  }
0x13: {  	s0 =	rddreg [dreg:$0x1];
	s15 =	simm.s32 $0xF  }
0x14: {  	[tilespmem:s5], [sflag:$0xF] =	stream.linear.gather [hbm4b:s0+s5], $0x2000, $0x38;
	[tilespmem:$0x1E000] =	vst v63  }
0x15: {  	_ =	swait.ge [sflag:s15], $0x2000  }
0x16: {  	[sflag:s15] =	ssyncset.done $0x0  }
0x17: {  	s16 =	rddreg [dreg:$0x4];
	[sflag:s15] =	ssyncadd.s32 $0xFFFFE000  }
0x18: {  	[tilespmem:s17], [sflag:$0x1] =	stream.linear.gather [hbm4b:s16+s5], $0x4000, $0x38;
	[tilespmem:$0x1E000] =	vst v63  }
0x19: {  	s22 =	rddreg [dreg:$0x5]  }
0x1a: {  	[tilespmem:s18], [sflag:$0x2] =	stream.linear.gather [hbm4b:s22+s5], $0x4000, $0x38;
	[tilespmem:$0x1E000] =	vst v63  }
0x1b: {  	s0 =	simm.s32 $0x0;
	s24 =	rddreg [dreg:$0x6]  }
0x1c: {  	[tilespmem:s19], [sflag:$0x3] =	stream.linear.gather [hbm4b:s24+s5], $0x4000, $0x38;
	[tilespmem:$0x1E000] =	vst v63  }
.LBB2_2:
0x1d: {  	s9 =	smul.u32 $0x7, s0;
	_ =	sdelay $0x1  }
0x1e: {  	p0 =	seq.s32 s0, $0x0;
	s8 =	sadd.s32 $0x3, s9  }
0x1f: {  	_ =	swait.ge [sflag:s20], $0x4000;
	s3 =	sshll.u32 @!p0 s8, $0xE  }
0x20: {  	[sflag:s20] =	ssyncset.done $0x0;
	s7 =	sand.u32 @!p0 $0x3F8000, s3  }
0x21: {  	s10 =	simm.s32 @!p0 $0xB;
	s3 =	sand.u32 @!p0 $0x4000, s3;
	s7 =	sadd.s32 @!p0 s6, s7  }
0x22: {  	[sflag:s20] =	ssyncadd.s32 $0xFFFFC000;
	s15 =	sshll.u32 s9, $0x7;
	s3 =	sor.u32 @!p0 s3, s7  }
0x23: {  	s16 =	sshll.u32 s9, $0x6;
	_ =	swait.ge @!p0 [sflag:s10], $0x4000;
	s3 =	sshrl.u32 @!p0 s3, $0x3  }
0x24: {  	[sflag:s10] =	ssyncset.done @!p0 $0x0;
	s7 =	sadd.s32 @!p0 s1, s3;
	s3 =	rddreg [dreg:$0x7]  }
0x25: {  	[sflag:s10] =	ssyncadd.s32 @!p0 $0xFFFFC000;
	s7 =	smov.u32 @p0 s3;
	s3 =	simm.s32 $0x0  }
0x26: {  	[tilespmem:s21], [sflag:$0x4] =	stream.linear.gather [hbm4b:s7+s3], $0x4000, $0x38;
	[tilespmem:$0x1E000] =	vst v63  }
0x27: {  	s10 =	sand.u32 $0x380, s16;
	s7 =	sand.u32 $0x3800, s15  }
0x28: {  	s7 =	sor.u32 s10, s7  }
0x29: {  	v0 =	vld [tilespmem:s7+$0x0]  }
0x2a: {  	v1 =	vld [tilespmem:s7+$0x10]  }
0x2b: {  	v2 =	vld [tilespmem:s7+$0x20];
	_ =	sdelay $0x1  }
0x2c: {  	v3 =	vld [tilespmem:s7+$0x30]  }
0x2d: {  	v22 =	vimm.s32 $0x0;
	v4 =	vld [tilespmem:s7+$0x40]  }
0x2e: {  	v5 =	vshll.u32 v0, $0x3;
	v0 =	vand.u32 $0x7F, v0;
	v7 =	vand.u32 $0x7F, v1  }
0x2f: {  	v6 =	vld [tilespmem:s7+$0x50];
	v1 =	vshll.u32 v1, $0x3;
	v8 =	vshll.u32 v2, $0x3;
	v2 =	vand.u32 $0x7F, v2  }
0x30: {  	v9 =	vld [tilespmem:s7+$0x60];
	v5 =	vand.u32 $0xFFFFFC00, v5;
	v1 =	vand.u32 $0xFFFFFC00, v1;
	v8 =	vand.u32 $0xFFFFFC00, v8  }
0x31: {  	v10 =	vld [tilespmem:s7+$0x70];
	v0 =	vor.u32 v0, v5;
	v1 =	vor.u32 v7, v1;
	v2 =	vor.u32 v2, v8  }
0x32: {  	v7 =	vld [tilespmem:s7+$0x400];
	v5 =	vand.u32 $0x7F, v3;
	v3 =	vshll.u32 v3, $0x3;
	v8 =	vshll.u32 v4, $0x3  }
0x33: {  	v12 =	vld [tilespmem:s7+$0x410];
	v4 =	vand.u32 $0x7F, v4;
	v3 =	vand.u32 $0xFFFFFC00, v3;
	v8 =	vand.u32 $0xFFFFFC00, v8  }
0x34: {  	v13 =	vld [tilespmem:s7+$0x420];
	v3 =	vor.u32 v5, v3;
	v4 =	vor.u32 v4, v8;
	v5 =	vshll.u32 v6, $0x3  }
0x35: {  	v17 =	vld [tilespmem:s7+$0x440];
	v6 =	vand.u32 $0x7F, v6;
	v8 =	vshll.u32 v9, $0x3;
	v5 =	vand.u32 $0xFFFFFC00, v5  }
0x36: {  	v8 =	vand.u32 $0xFFFFFC00, v8;
	v5 =	vor.u32 v6, v5;
	v6 =	vand.u32 $0x7F, v9  }
0x37: {  	v9 =	vand.u32 $0x7F, v10;
	v10 =	vshll.u32 v10, $0x3;
	v11 =	vshll.u32 v7, $0x3  }
0x38: {  	v14 =	vld [tilespmem:s7+$0x430];
	v15 =	vand.u32 $0xFFFFFC00, v10;
	v7 =	vand.u32 $0x7F, v7;
	v10 =	vor.u32 v6, v8  }
0x39: {  	v6 =	vand.u32 $0x7F, v12;
	v16 =	vand.u32 $0xFFFFFC00, v11;
	v11 =	vor.u32 v9, v15  }
0x3a: {  	v9 =	vshll.u32 v13, $0x3;
	v15 =	vshll.u32 v17, $0x3;
	v8 =	vor.u32 v7, v16  }
0x3b: {  	v7 =	vshll.u32 v12, $0x3;
	v12 =	vand.u32 $0x7F, v13;
	v13 =	vand.u32 $0xFFFFFC00, v9  }
0x3c: {  	v16 =	vshll.u32 v22, $0x7;
	v15 =	vand.u32 $0xFFFFFC00, v15;
	v7 =	vand.u32 $0xFFFFFC00, v7  }
0x3d: {  	v9 =	vor.u32 v6, v7;
	v6 =	vor.u32 v12, v13;
	v7 =	vshll.u32 v14, $0x3  }
0x3e: {  	v12 =	vand.u32 $0x7F, v14;
	v14 =	vshll.u32 v22, $0x8;
	v7 =	vand.u32 $0xFFFFFC00, v7  }
0x3f: {  	v26 =	vand.u32 $0x380, v16;
	v13 =	vld [tilespmem:s7+$0x450];
	v23 =	vand.u32 $0xFFFFF800, v14;
	v7 =	vor.u32 v12, v7  }
0x40: {  	v12 =	vand.u32 $0x7F, v17;
	v16 =	vadd.s32 v0, v23;
	v18 =	vadd.s32 v2, v23  }
0x41: {  	v14 =	vld [tilespmem:s7+$0x470];
	v19 =	vadd.s32 v3, v23;
	v12 =	vor.u32 v12, v15;
	v15 =	vor.u32 v26, v16  }
0x42: {  	v20 =	vadd.s32 v4, v23;
	v25 =	vadd.s32 v5, v23;
	v19 =	vor.u32 v26, v19  }
0x43: {  	v28 =	vadd.s32 v11, v23;
	v16 =	vadd.s32 v1, v23;
	v25 =	vor.u32 v26, v25  }
0x44: {  	v21 =	vld [tilespmem:s7+$0x460];
	v16 =	vor.u32 v26, v16;
	v17 =	vand.u32 $0x7F, v13;
	v13 =	vshll.u32 v13, $0x3  }
0x45: {  	v18 =	vor.u32 v26, v18;
	v20 =	vor.u32 v26, v20;
	v13 =	vand.u32 $0xFFFFFC00, v13  }
0x46: {  	v24 =	vand.u32 $0x7F, v14;
	v14 =	vshll.u32 v14, $0x3;
	v32 =	vld.idx.msk [tilespmem:v15+s17+$0x0], $0xffff;
	v15 =	vadd.s32 v10, v23  }
0x47: {  	v14 =	vand.u32 $0xFFFFFC00, v14;
	v13 =	vor.u32 v17, v13;
	v17 =	vld.idx.msk [tilespmem:v19+s17+$0x0], $0xffff;
	v27 =	vor.u32 v26, v15  }
0x48: {  	v19 =	vld.idx.msk [tilespmem:v25+s17+$0x0], $0xffff;
	v15 =	vor.u32 v24, v14;
	v24 =	vor.u32 v26, v28  }
0x49: {  	v33 =	vadd.s32 $0x1, v22;
	v29 =	vand.u32 $0x7F, v21;
	v40 =	vld.idx.msk [tilespmem:v16+s17+$0x0], $0xffff;
	v14 =	vadd.s32 v8, v23  }
0x4a: {  	v31 =	vadd.s32 v7, v23;
	v16 =	vld.idx.msk [tilespmem:v18+s17+$0x0], $0xffff;
	v28 =	vor.u32 v26, v14;
	v14 =	vadd.s32 v15, v23  }
0x4b: {  	v18 =	vld.idx.msk [tilespmem:v20+s17+$0x0], $0xffff;
	v20 =	vadd.s32 v9, v23;
	v30 =	vor.u32 v26, v14;
	v14 =	vshll.u32 v21, $0x3  }
0x4c: {  	v25 =	vor.u32 v26, v20;
	v21 =	vadd.s32 v6, v23;
	v14 =	vand.u32 $0xFFFFFC00, v14;
	v20 =	vld.idx.msk [tilespmem:v27+s17+$0x0], $0xffff  }
0x4d: {  	v14 =	vor.u32 v29, v14;
	v27 =	vor.u32 v26, v21;
	v21 =	vld.idx.msk [tilespmem:v24+s17+$0x0], $0xffff;
	v24 =	vadd.s32 v12, v23  }
0x4e: {  	v29 =	vor.u32 v26, v31;
	v31 =	vor.u32 v26, v24;
	v24 =	vadd.s32 v13, v23  }
0x4f: {  	v22 =	vld.idx.msk [tilespmem:v28+s17+$0x0], $0xffff;
	v28 =	vshll.u32 v33, $0x8;
	v34 =	vor.u32 v26, v24  }
0x50: {  	v23 =	vadd.s32 v14, v23;
	v36 =	vld.idx.msk [tilespmem:v30+s17+$0x0], $0xffff;
	v30 =	vshll.u32 v33, $0x7;
	v24 =	vand.u32 $0xFFFFF800, v28  }
0x51: {  	v25 =	vld.idx.msk [tilespmem:v25+s17+$0x0], $0xffff;
	v35 =	vor.u32 v26, v23;
	v23 =	vand.u32 $0x380, v30;
	v28 =	vadd.s32 v0, v24  }
0x52: {  	v38 =	vor.u32 v23, v28;
	v26 =	vld.idx.msk [tilespmem:v27+s17+$0x0], $0xffff;
	v27 =	vadd.s32 v1, v24  }
0x53: {  	v28 =	vld.idx.msk [tilespmem:v29+s17+$0x0], $0xffff;
	v29 =	vadd.s32 v2, v24;
	v39 =	vor.u32 v23, v27  }
0x54: {  	s22 =	sand.u32 $0x3800, s3;
	s24 =	sand.u32 $0x380, s3;
	v27 =	vld.idx.msk [tilespmem:v34+s17+$0x0], $0xffff;
	v34 =	vor.u32 v23, v29;
	v29 =	vadd.s32 v3, v24  }
0x55: {  	s10 =	sor.u32 s24, s22;
	v41 =	vadd.s32 v4, v24;
	v30 =	vld.idx.msk [tilespmem:v31+s17+$0x0], $0xffff;
	v37 =	vor.u32 v23, v29  }
0x56: {  	v62 =	vadd.s32 v5, v24;
	v31 =	vld.idx.msk [tilespmem:v35+s17+$0x0], $0xffff;
	v35 =	vor.u32 v23, v41;
	[tilespmem:s10+$0x2470] =	vst v36  }
0x57: {  	v63 =	vadd.s32 v10, v24;
	v36 =	vor.u32 v23, v62;
	[tilespmem:s10+$0x2000] =	vst v32;
	v29 =	vld.idx.msk [tilespmem:v38+s17+$0x0], $0xffff  }
0x58: {  	s11 =	simm.s32 $0x100;
	s12 =	simm.s32 $0x200;
	s7 =	sshrl.u32 s9, $0x1;
	[tilespmem:s10+$0x2010] =	vst v40;
	v38 =	vor.u32 v23, v63;
	v32 =	vld.idx.msk [tilespmem:v39+s17+$0x0], $0xffff;
	v39 =	vadd.s32 v11, v24  }
.LBB2_3:
0x59: {  	p1 =	sne.s32 s12, $0x3F00;
	v39 =	vor.u32 v23, v39;
	v40 =	vadd.s32 v8, v24;
	[tilespmem:s10+$0x2020] =	vst v16;
	v16 =	vld.idx.msk [tilespmem:v34+s17+$0x0], $0xffff  }
0x5a: {  	v34 =	vor.u32 v23, v40;
	v40 =	vadd.s32 v15, v24;
	[tilespmem:s10+$0x2030] =	vst v17;
	v17 =	vld.idx.msk [tilespmem:v37+s17+$0x0], $0xffff  }
0x5b: {  	v37 =	vadd.s32 v9, v24;
	v40 =	vor.u32 v23, v40;
	[tilespmem:s10+$0x2040] =	vst v18;
	v18 =	vld.idx.msk [tilespmem:v35+s17+$0x0], $0xffff  }
0x5c: {  	v35 =	vor.u32 v23, v37;
	v37 =	vadd.s32 v6, v24;
	[tilespmem:s10+$0x2050] =	vst v19;
	v19 =	vld.idx.msk [tilespmem:v36+s17+$0x0], $0xffff  }
0x5d: {  	v33 =	vadd.s32 $0x1, v33;
	v36 =	vor.u32 v23, v37;
	v37 =	vadd.s32 v7, v24;
	[tilespmem:s10+$0x2060] =	vst v20;
	v20 =	vld.idx.msk [tilespmem:v38+s17+$0x0], $0xffff  }
0x5e: {  	v41 =	vadd.s32 v12, v24;
	v38 =	vshll.u32 v33, $0x7;
	v37 =	vor.u32 v23, v37;
	[tilespmem:s10+$0x2070] =	vst v21;
	v21 =	vld.idx.msk [tilespmem:v39+s17+$0x0], $0xffff  }
0x5f: {  	v42 =	vadd.s32 v13, v24;
	v41 =	vor.u32 v23, v41;
	v39 =	vshll.u32 v33, $0x8;
	[tilespmem:s10+$0x2400] =	vst v22;
	v22 =	vld.idx.msk [tilespmem:v34+s17+$0x0], $0xffff  }
0x60: {  	v42 =	vor.u32 v23, v42;
	v34 =	vadd.s32 v14, v24;
	v24 =	vand.u32 $0xFFFFF800, v39;
	v39 =	vld.idx.msk [tilespmem:v40+s17+$0x0], $0xffff;
	[tilespmem:s10+$0x2410] =	vst v25  }
0x61: {  	v40 =	vadd.s32 v0, v24;
	v43 =	vor.u32 v23, v34;
	v23 =	vand.u32 $0x380, v38;
	v25 =	vld.idx.msk [tilespmem:v35+s17+$0x0], $0xffff;
	[tilespmem:s10+$0x2420] =	vst v26  }
0x62: {  	v34 =	vadd.s32 v1, v24;
	v38 =	vor.u32 v23, v40;
	v26 =	vld.idx.msk [tilespmem:v36+s17+$0x0], $0xffff;
	[tilespmem:s10+$0x2430] =	vst v28  }
0x63: {  	s3 =	sadd.s32 $0x80, s3;
	v40 =	vor.u32 v23, v34;
	v34 =	vadd.s32 v2, v24;
	v28 =	vld.idx.msk [tilespmem:v37+s17+$0x0], $0xffff;
	[tilespmem:s10+$0x2440] =	vst v30  }
.Ltmp0:
0x64: {  	s11 =	sand.u32 $0x3800, s11;
	s13 =	sand.u32 $0x380, s3;
	v35 =	vadd.s32 v3, v24;
	v34 =	vor.u32 v23, v34;
	v30 =	vld.idx.msk [tilespmem:v41+s17+$0x0], $0xffff;
	[tilespmem:s10+$0x2450] =	vst v27;
	(pc) =	sbr.rel @p1 .LBB2_3-.Ltmp0, $4  }
0x65: {  	v37 =	vor.u32 v23, v35;
	v35 =	vadd.s32 v4, v24;
	v27 =	vld.idx.msk [tilespmem:v42+s17+$0x0], $0xffff;
	[tilespmem:s10+$0x2460] =	vst v31;
	s10 =	sor.u32 s13, s11;
	s11 =	smov.u32 s12  }
0x66: {  	v36 =	vadd.s32 v5, v24;
	v35 =	vor.u32 v23, v35;
	v31 =	vld.idx.msk [tilespmem:v43+s17+$0x0], $0xffff;
	[tilespmem:s10+$0x2470] =	vst v39  }
0x67: {  	v36 =	vor.u32 v23, v36;
	v39 =	vadd.s32 v10, v24;
	[tilespmem:s10+$0x2000] =	vst v29;
	v29 =	vld.idx.msk [tilespmem:v38+s17+$0x0], $0xffff  }
0x68: {  	s12 =	sadd.s32 $0x100, s12;
	v38 =	vor.u32 v23, v39;
	v39 =	vadd.s32 v11, v24;
	[tilespmem:s10+$0x2010] =	vst v32;
	v32 =	vld.idx.msk [tilespmem:v40+s17+$0x0], $0xffff  }
0x69: {  	_ =	sdelay $0x3  }
0x6a: {  	v0 =	vld.idx.msk [tilespmem:v34+s17+$0x0], $0xffff;
	v1 =	vor.u32 v23, v39;
	v2 =	vadd.s32 v8, v24;
	[tilespmem:s10+$0x2020] =	vst v16  }
0x6b: {  	v3 =	vld.idx.msk [tilespmem:v37+s17+$0x0], $0xffff;
	v4 =	vadd.s32 v15, v24;
	[tilespmem:s10+$0x2030] =	vst v17;
	v2 =	vor.u32 v23, v2  }
0x6c: {  	v5 =	vld.idx.msk [tilespmem:v35+s17+$0x0], $0xffff;
	v8 =	vadd.s32 v9, v24;
	[tilespmem:s10+$0x2040] =	vst v18;
	v4 =	vor.u32 v23, v4  }
0x6d: {  	v9 =	vld.idx.msk [tilespmem:v36+s17+$0x0], $0xffff;
	v6 =	vadd.s32 v6, v24;
	[tilespmem:s10+$0x2050] =	vst v19;
	v8 =	vor.u32 v23, v8  }
0x6e: {  	v10 =	vld.idx.msk [tilespmem:v38+s17+$0x0], $0xffff;
	v7 =	vadd.s32 v7, v24;
	[tilespmem:s10+$0x2060] =	vst v20;
	v6 =	vor.u32 v23, v6  }
0x6f: {  	v11 =	vadd.s32 v12, v24;
	[tilespmem:s10+$0x2070] =	vst v21;
	v7 =	vor.u32 v23, v7;
	v1 =	vld.idx.msk [tilespmem:v1+s17+$0x0], $0xffff  }
0x70: {  	v12 =	vadd.s32 v13, v24;
	[tilespmem:s10+$0x2400] =	vst v22;
	v11 =	vor.u32 v23, v11;
	v2 =	vld.idx.msk [tilespmem:v2+s17+$0x0], $0xffff  }
0x71: {  	v13 =	vadd.s32 v14, v24;
	[tilespmem:s10+$0x2410] =	vst v25;
	v12 =	vor.u32 v23, v12;
	v4 =	vld.idx.msk [tilespmem:v4+s17+$0x0], $0xffff  }
0x72: {  	[tilespmem:s10+$0x2420] =	vst v26;
	v13 =	vor.u32 v23, v13;
	v8 =	vld.idx.msk [tilespmem:v8+s17+$0x0], $0xffff  }
0x73: {  	[tilespmem:s10+$0x2430] =	vst v28;
	v6 =	vld.idx.msk [tilespmem:v6+s17+$0x0], $0xffff  }
0x74: {  	[tilespmem:s10+$0x2440] =	vst v30;
	s3 =	sadd.s32 $0x80, s3;
	v7 =	vld.idx.msk [tilespmem:v7+s17+$0x0], $0xffff  }
0x75: {  	s11 =	sand.u32 $0x3800, s11;
	s3 =	sand.u32 $0x380, s3;
	[tilespmem:s10+$0x2450] =	vst v27;
	v11 =	vld.idx.msk [tilespmem:v11+s17+$0x0], $0xffff  }
0x76: {  	s3 =	sor.u32 s3, s11;
	[tilespmem:s10+$0x2460] =	vst v31;
	v12 =	vld.idx.msk [tilespmem:v12+s17+$0x0], $0xffff  }
0x77: {  	v13 =	vld.idx.msk [tilespmem:v13+s17+$0x0], $0xffff;
	[tilespmem:s3+$0x2000] =	vst v29  }
0x78: {  	[tilespmem:s3+$0x2010] =	vst v32  }
0x79: {  	[tilespmem:s3+$0x2020] =	vst v0  }
0x7a: {  	[tilespmem:s3+$0x2030] =	vst v3  }
0x7b: {  	[tilespmem:s3+$0x2040] =	vst v5  }
0x7c: {  	[tilespmem:s3+$0x2050] =	vst v9  }
0x7d: {  	[tilespmem:s3+$0x2060] =	vst v10  }
0x7e: {  	[tilespmem:s3+$0x2070] =	vst v1  }
0x7f: {  	[tilespmem:s3+$0x2470] =	vst v4  }
0x80: {  	[tilespmem:s3+$0x2400] =	vst v2  }
0x81: {  	[tilespmem:s3+$0x2410] =	vst v8  }
0x82: {  	s7 =	sshll.u32 s7, $0xF;
	s24 =	sshll.u32 s0, $0xE;
	[tilespmem:s3+$0x2420] =	vst v6  }
0x83: {  	s7 =	sadd.s32 s6, s7;
	s16 =	sand.u32 $0x4000, s24;
	[tilespmem:s3+$0x2430] =	vst v7  }
0x84: {  	s7 =	sor.u32 s16, s7;
	[tilespmem:s3+$0x2440] =	vst v11  }
0x85: {  	s14 =	sadd.s32 $0x4, s9;
	s7 =	sshrl.u32 s7, $0x3;
	[tilespmem:s3+$0x2450] =	vst v12  }
0x86: {  	s12 =	simm.s32 $0x2;
	s11 =	sadd.s32 s4, s7;
	[tilespmem:s3+$0x2460] =	vst v13;
	s3 =	sshll.u32 @!p0 s14, $0xE  }
0x87: {  	[hbm4b:s11+s5] =	stream.linear.scatter [tilespmem:s17], [sflag:$0x8], $0x4000, $0x38;
	[tilespmem:$0x1E000] =	vst v63  }
0x88: {  	s3 =	sand.u32 @!p0 $0x3F8000, s3;
	_ =	swait.ge [sflag:s12], $0x4000  }
0x89: {  	s3 =	sadd.s32 @!p0 s6, s3;
	[sflag:s12] =	ssyncset.done $0x0  }
0x8a: {  	s7 =	simm.s32 @!p0 $0xC;
	s3 =	sor.u32 @!p0 s16, s3;
	[sflag:s12] =	ssyncadd.s32 $0xFFFFC000  }
0x8b: {  	s10 =	sshrl.u32 @!p0 s3, $0x3;
	_ =	swait.ge @!p0 [sflag:s7], $0x4000  }
0x8c: {  	s3 =	sadd.s32 $0x1, s9;
	s10 =	sadd.s32 @!p0 s1, s10;
	[sflag:s7] =	ssyncset.done @!p0 $0x0  }
0x8d: {  	s13 =	sshll.u32 s3, $0x7;
	[sflag:s7] =	ssyncadd.s32 @!p0 $0xFFFFC000;
	s7 =	rddreg [dreg:$0x8]  }
0x8e: {  	s15 =	sshll.u32 s3, $0x6;
	s10 =	smov.u32 @p0 s7;
	s7 =	simm.s32 $0x0  }
0x8f: {  	[tilespmem:s23], [sflag:$0x5] =	stream.linear.gather [hbm4b:s10+s7], $0x4000, $0x38;
	[tilespmem:$0x1E000] =	vst v63  }
0x90: {  	s11 =	sand.u32 $0x380, s15;
	s10 =	sand.u32 $0x7800, s13  }
0x91: {  	s10 =	sor.u32 s11, s10  }
0x92: {  	v0 =	vld [tilespmem:s10+$0x0]  }
0x93: {  	v1 =	vld [tilespmem:s10+$0x10]  }
0x94: {  	v2 =	vld [tilespmem:s10+$0x20];
	_ =	sdelay $0x1  }
0x95: {  	v3 =	vld [tilespmem:s10+$0x30]  }
0x96: {  	v22 =	vimm.s32 $0x0;
	v4 =	vld [tilespmem:s10+$0x40]  }
0x97: {  	v5 =	vshll.u32 v0, $0x3;
	v0 =	vand.u32 $0x7F, v0;
	v7 =	vand.u32 $0x7F, v1  }
0x98: {  	v6 =	vld [tilespmem:s10+$0x50];
	v1 =	vshll.u32 v1, $0x3;
	v8 =	vshll.u32 v2, $0x3;
	v2 =	vand.u32 $0x7F, v2  }
0x99: {  	v9 =	vld [tilespmem:s10+$0x60];
	v5 =	vand.u32 $0xFFFFFC00, v5;
	v1 =	vand.u32 $0xFFFFFC00, v1;
	v8 =	vand.u32 $0xFFFFFC00, v8  }
0x9a: {  	v10 =	vld [tilespmem:s10+$0x70];
	v0 =	vor.u32 v0, v5;
	v1 =	vor.u32 v7, v1;
	v2 =	vor.u32 v2, v8  }
0x9b: {  	v7 =	vld [tilespmem:s10+$0x400];
	v5 =	vand.u32 $0x7F, v3;
	v3 =	vshll.u32 v3, $0x3;
	v8 =	vshll.u32 v4, $0x3  }
0x9c: {  	v12 =	vld [tilespmem:s10+$0x410];
	v4 =	vand.u32 $0x7F, v4;
	v3 =	vand.u32 $0xFFFFFC00, v3;
	v8 =	vand.u32 $0xFFFFFC00, v8  }
0x9d: {  	v13 =	vld [tilespmem:s10+$0x420];
	v3 =	vor.u32 v5, v3;
	v4 =	vor.u32 v4, v8;
	v5 =	vshll.u32 v6, $0x3  }
0x9e: {  	v17 =	vld [tilespmem:s10+$0x440];
	v6 =	vand.u32 $0x7F, v6;
	v8 =	vshll.u32 v9, $0x3;
	v5 =	vand.u32 $0xFFFFFC00, v5  }
0x9f: {  	v8 =	vand.u32 $0xFFFFFC00, v8;
	v5 =	vor.u32 v6, v5;
	v6 =	vand.u32 $0x7F, v9  }
0xa0: {  	v9 =	vand.u32 $0x7F, v10;
	v10 =	vshll.u32 v10, $0x3;
	v11 =	vshll.u32 v7, $0x3  }
0xa1: {  	v14 =	vld [tilespmem:s10+$0x430];
	v15 =	vand.u32 $0xFFFFFC00, v10;
	v7 =	vand.u32 $0x7F, v7;
	v10 =	vor.u32 v6, v8  }
0xa2: {  	v6 =	vand.u32 $0x7F, v12;
	v16 =	vand.u32 $0xFFFFFC00, v11;
	v11 =	vor.u32 v9, v15  }
0xa3: {  	v9 =	vshll.u32 v13, $0x3;
	v15 =	vshll.u32 v17, $0x3;
	v8 =	vor.u32 v7, v16  }
0xa4: {  	v7 =	vshll.u32 v12, $0x3;
	v12 =	vand.u32 $0x7F, v13;
	v13 =	vand.u32 $0xFFFFFC00, v9  }
0xa5: {  	v16 =	vshll.u32 v22, $0x7;
	v15 =	vand.u32 $0xFFFFFC00, v15;
	v7 =	vand.u32 $0xFFFFFC00, v7  }
0xa6: {  	v9 =	vor.u32 v6, v7;
	v6 =	vor.u32 v12, v13;
	v7 =	vshll.u32 v14, $0x3  }
0xa7: {  	v12 =	vand.u32 $0x7F, v14;
	v14 =	vshll.u32 v22, $0x8;
	v7 =	vand.u32 $0xFFFFFC00, v7  }
0xa8: {  	v26 =	vand.u32 $0x380, v16;
	v13 =	vld [tilespmem:s10+$0x450];
	v23 =	vand.u32 $0xFFFFF800, v14;
	v7 =	vor.u32 v12, v7  }
0xa9: {  	v12 =	vand.u32 $0x7F, v17;
	v16 =	vadd.s32 v0, v23;
	v18 =	vadd.s32 v2, v23  }
0xaa: {  	v14 =	vld [tilespmem:s10+$0x470];
	v19 =	vadd.s32 v3, v23;
	v12 =	vor.u32 v12, v15;
	v15 =	vor.u32 v26, v16  }
0xab: {  	v20 =	vadd.s32 v4, v23;
	v25 =	vadd.s32 v5, v23;
	v19 =	vor.u32 v26, v19  }
0xac: {  	v28 =	vadd.s32 v11, v23;
	v16 =	vadd.s32 v1, v23;
	v25 =	vor.u32 v26, v25  }
0xad: {  	v16 =	vor.u32 v26, v16;
	v17 =	vand.u32 $0x7F, v13;
	v13 =	vshll.u32 v13, $0x3  }
0xae: {  	v21 =	vld [tilespmem:s10+$0x460];
	v18 =	vor.u32 v26, v18;
	v20 =	vor.u32 v26, v20;
	v13 =	vand.u32 $0xFFFFFC00, v13  }
0xaf: {  	v24 =	vand.u32 $0x7F, v14;
	v14 =	vshll.u32 v14, $0x3;
	v56 =	vld.idx.msk [tilespmem:v15+s18+$0x0], $0xffff;
	v15 =	vadd.s32 v10, v23  }
0xb0: {  	v14 =	vand.u32 $0xFFFFFC00, v14;
	v13 =	vor.u32 v17, v13;
	v17 =	vld.idx.msk [tilespmem:v19+s18+$0x0], $0xffff;
	v27 =	vor.u32 v26, v15  }
0xb1: {  	v19 =	vld.idx.msk [tilespmem:v25+s18+$0x0], $0xffff;
	v15 =	vor.u32 v24, v14;
	v24 =	vor.u32 v26, v28  }
0xb2: {  	v33 =	vadd.s32 $0x1, v22;
	v40 =	vld.idx.msk [tilespmem:v16+s18+$0x0], $0xffff;
	v14 =	vadd.s32 v8, v23  }
0xb3: {  	v29 =	vand.u32 $0x7F, v21;
	v16 =	vld.idx.msk [tilespmem:v18+s18+$0x0], $0xffff;
	v28 =	vor.u32 v26, v14;
	v14 =	vadd.s32 v15, v23  }
0xb4: {  	v31 =	vadd.s32 v7, v23;
	v18 =	vld.idx.msk [tilespmem:v20+s18+$0x0], $0xffff;
	v20 =	vadd.s32 v9, v23;
	v30 =	vor.u32 v26, v14  }
0xb5: {  	v25 =	vor.u32 v26, v20;
	v14 =	vshll.u32 v21, $0x3;
	v21 =	vadd.s32 v6, v23;
	v20 =	vld.idx.msk [tilespmem:v27+s18+$0x0], $0xffff  }
0xb6: {  	v14 =	vand.u32 $0xFFFFFC00, v14;
	v27 =	vor.u32 v26, v21;
	v21 =	vld.idx.msk [tilespmem:v24+s18+$0x0], $0xffff;
	v24 =	vadd.s32 v12, v23  }
0xb7: {  	v14 =	vor.u32 v29, v14;
	v29 =	vor.u32 v26, v31;
	v31 =	vor.u32 v26, v24  }
0xb8: {  	v22 =	vld.idx.msk [tilespmem:v28+s18+$0x0], $0xffff;
	v24 =	vadd.s32 v13, v23;
	v28 =	vshll.u32 v33, $0x8;
	v23 =	vadd.s32 v14, v23  }
0xb9: {  	v57 =	vor.u32 v26, v24;
	v58 =	vld.idx.msk [tilespmem:v30+s18+$0x0], $0xffff;
	v30 =	vshll.u32 v33, $0x7;
	v24 =	vand.u32 $0xFFFFF800, v28  }
0xba: {  	v25 =	vld.idx.msk [tilespmem:v25+s18+$0x0], $0xffff;
	v59 =	vor.u32 v26, v23;
	v23 =	vand.u32 $0x380, v30;
	v28 =	vadd.s32 v0, v24  }
0xbb: {  	v60 =	vor.u32 v23, v28;
	v26 =	vld.idx.msk [tilespmem:v27+s18+$0x0], $0xffff;
	v27 =	vadd.s32 v1, v24  }
0xbc: {  	v28 =	vld.idx.msk [tilespmem:v29+s18+$0x0], $0xffff;
	v29 =	vadd.s32 v2, v24;
	v61 =	vor.u32 v23, v27  }
0xbd: {  	s22 =	sand.u32 $0x3800, s7;
	s24 =	sand.u32 $0x380, s7;
	v34 =	vor.u32 v23, v29;
	v29 =	vadd.s32 v3, v24;
	v30 =	vld.idx.msk [tilespmem:v31+s18+$0x0], $0xffff  }
0xbe: {  	s11 =	sor.u32 s24, s22;
	v41 =	vadd.s32 v4, v24;
	v37 =	vor.u32 v23, v29;
	v27 =	vld.idx.msk [tilespmem:v57+s18+$0x0], $0xffff  }
0xbf: {  	v62 =	vadd.s32 v5, v24;
	v35 =	vor.u32 v23, v41;
	v31 =	vld.idx.msk [tilespmem:v59+s18+$0x0], $0xffff;
	[tilespmem:s11+$0x6470] =	vst v58  }
0xc0: {  	v63 =	vadd.s32 v10, v24;
	v36 =	vor.u32 v23, v62;
	[tilespmem:s11+$0x6000] =	vst v56;
	v29 =	vld.idx.msk [tilespmem:v60+s18+$0x0], $0xffff  }
0xc1: {  	s12 =	simm.s32 $0x100;
	s13 =	simm.s32 $0x200;
	s10 =	sshrl.u32 s3, $0x1;
	v39 =	vadd.s32 v11, v24;
	v38 =	vor.u32 v23, v63;
	[tilespmem:s11+$0x6010] =	vst v40;
	v32 =	vld.idx.msk [tilespmem:v61+s18+$0x0], $0xffff  }
.LBB2_5:
0xc2: {  	p1 =	sne.s32 s13, $0x3F00;
	v39 =	vor.u32 v23, v39;
	v40 =	vadd.s32 v8, v24;
	[tilespmem:s11+$0x6020] =	vst v16;
	v16 =	vld.idx.msk [tilespmem:v34+s18+$0x0], $0xffff  }
0xc3: {  	v34 =	vor.u32 v23, v40;
	v40 =	vadd.s32 v15, v24;
	[tilespmem:s11+$0x6030] =	vst v17;
	v17 =	vld.idx.msk [tilespmem:v37+s18+$0x0], $0xffff  }
0xc4: {  	v37 =	vadd.s32 v9, v24;
	v40 =	vor.u32 v23, v40;
	[tilespmem:s11+$0x6040] =	vst v18;
	v18 =	vld.idx.msk [tilespmem:v35+s18+$0x0], $0xffff  }
0xc5: {  	v35 =	vor.u32 v23, v37;
	v37 =	vadd.s32 v6, v24;
	[tilespmem:s11+$0x6050] =	vst v19;
	v19 =	vld.idx.msk [tilespmem:v36+s18+$0x0], $0xffff  }
0xc6: {  	v33 =	vadd.s32 $0x1, v33;
	v36 =	vor.u32 v23, v37;
	v37 =	vadd.s32 v7, v24;
	[tilespmem:s11+$0x6060] =	vst v20;
	v20 =	vld.idx.msk [tilespmem:v38+s18+$0x0], $0xffff  }
0xc7: {  	v41 =	vadd.s32 v12, v24;
	v38 =	vshll.u32 v33, $0x7;
	v37 =	vor.u32 v23, v37;
	[tilespmem:s11+$0x6070] =	vst v21;
	v21 =	vld.idx.msk [tilespmem:v39+s18+$0x0], $0xffff  }
0xc8: {  	v42 =	vadd.s32 v13, v24;
	v41 =	vor.u32 v23, v41;
	v39 =	vshll.u32 v33, $0x8;
	[tilespmem:s11+$0x6400] =	vst v22;
	v22 =	vld.idx.msk [tilespmem:v34+s18+$0x0], $0xffff  }
0xc9: {  	v42 =	vor.u32 v23, v42;
	v34 =	vadd.s32 v14, v24;
	v24 =	vand.u32 $0xFFFFF800, v39;
	v39 =	vld.idx.msk [tilespmem:v40+s18+$0x0], $0xffff;
	[tilespmem:s11+$0x6410] =	vst v25  }
0xca: {  	v40 =	vadd.s32 v0, v24;
	v43 =	vor.u32 v23, v34;
	v23 =	vand.u32 $0x380, v38;
	v25 =	vld.idx.msk [tilespmem:v35+s18+$0x0], $0xffff;
	[tilespmem:s11+$0x6420] =	vst v26  }
0xcb: {  	v34 =	vadd.s32 v1, v24;
	v38 =	vor.u32 v23, v40;
	v26 =	vld.idx.msk [tilespmem:v36+s18+$0x0], $0xffff;
	[tilespmem:s11+$0x6430] =	vst v28  }
0xcc: {  	s7 =	sadd.s32 $0x80, s7;
	v40 =	vor.u32 v23, v34;
	v34 =	vadd.s32 v2, v24;
	v28 =	vld.idx.msk [tilespmem:v37+s18+$0x0], $0xffff;
	[tilespmem:s11+$0x6440] =	vst v30  }
.Ltmp1:
0xcd: {  	s12 =	sand.u32 $0x3800, s12;
	s15 =	sand.u32 $0x380, s7;
	v35 =	vadd.s32 v3, v24;
	v34 =	vor.u32 v23, v34;
	v30 =	vld.idx.msk [tilespmem:v41+s18+$0x0], $0xffff;
	[tilespmem:s11+$0x6450] =	vst v27;
	(pc) =	sbr.rel @p1 .LBB2_5-.Ltmp1, $4  }
0xce: {  	v37 =	vor.u32 v23, v35;
	v35 =	vadd.s32 v4, v24;
	v27 =	vld.idx.msk [tilespmem:v42+s18+$0x0], $0xffff;
	[tilespmem:s11+$0x6460] =	vst v31;
	s11 =	sor.u32 s15, s12;
	s12 =	smov.u32 s13  }
0xcf: {  	v36 =	vadd.s32 v5, v24;
	v35 =	vor.u32 v23, v35;
	v31 =	vld.idx.msk [tilespmem:v43+s18+$0x0], $0xffff;
	[tilespmem:s11+$0x6470] =	vst v39  }
0xd0: {  	v36 =	vor.u32 v23, v36;
	v39 =	vadd.s32 v10, v24;
	[tilespmem:s11+$0x6000] =	vst v29;
	v29 =	vld.idx.msk [tilespmem:v38+s18+$0x0], $0xffff  }
0xd1: {  	s13 =	sadd.s32 $0x100, s13;
	v38 =	vor.u32 v23, v39;
	v39 =	vadd.s32 v11, v24;
	[tilespmem:s11+$0x6010] =	vst v32;
	v32 =	vld.idx.msk [tilespmem:v40+s18+$0x0], $0xffff  }
0xd2: {  	_ =	sdelay $0x3  }
0xd3: {  	v0 =	vld.idx.msk [tilespmem:v34+s18+$0x0], $0xffff;
	v1 =	vor.u32 v23, v39;
	v2 =	vadd.s32 v8, v24;
	[tilespmem:s11+$0x6020] =	vst v16  }
0xd4: {  	v3 =	vld.idx.msk [tilespmem:v37+s18+$0x0], $0xffff;
	v4 =	vadd.s32 v15, v24;
	[tilespmem:s11+$0x6030] =	vst v17;
	v2 =	vor.u32 v23, v2  }
0xd5: {  	v5 =	vld.idx.msk [tilespmem:v35+s18+$0x0], $0xffff;
	v8 =	vadd.s32 v9, v24;
	[tilespmem:s11+$0x6040] =	vst v18;
	v4 =	vor.u32 v23, v4  }
0xd6: {  	v9 =	vld.idx.msk [tilespmem:v36+s18+$0x0], $0xffff;
	v6 =	vadd.s32 v6, v24;
	[tilespmem:s11+$0x6050] =	vst v19;
	v8 =	vor.u32 v23, v8  }
0xd7: {  	v10 =	vld.idx.msk [tilespmem:v38+s18+$0x0], $0xffff;
	v7 =	vadd.s32 v7, v24;
	[tilespmem:s11+$0x6060] =	vst v20;
	v6 =	vor.u32 v23, v6  }
0xd8: {  	v11 =	vadd.s32 v12, v24;
	[tilespmem:s11+$0x6070] =	vst v21;
	v7 =	vor.u32 v23, v7;
	v1 =	vld.idx.msk [tilespmem:v1+s18+$0x0], $0xffff  }
0xd9: {  	v12 =	vadd.s32 v13, v24;
	[tilespmem:s11+$0x6400] =	vst v22;
	v11 =	vor.u32 v23, v11;
	v2 =	vld.idx.msk [tilespmem:v2+s18+$0x0], $0xffff  }
0xda: {  	v13 =	vadd.s32 v14, v24;
	[tilespmem:s11+$0x6410] =	vst v25;
	v12 =	vor.u32 v23, v12;
	v4 =	vld.idx.msk [tilespmem:v4+s18+$0x0], $0xffff  }
0xdb: {  	[tilespmem:s11+$0x6420] =	vst v26;
	v13 =	vor.u32 v23, v13;
	v8 =	vld.idx.msk [tilespmem:v8+s18+$0x0], $0xffff  }
0xdc: {  	[tilespmem:s11+$0x6430] =	vst v28;
	v6 =	vld.idx.msk [tilespmem:v6+s18+$0x0], $0xffff  }
0xdd: {  	[tilespmem:s11+$0x6440] =	vst v30;
	s7 =	sadd.s32 $0x80, s7;
	v7 =	vld.idx.msk [tilespmem:v7+s18+$0x0], $0xffff  }
0xde: {  	s12 =	sand.u32 $0x3800, s12;
	s7 =	sand.u32 $0x380, s7;
	[tilespmem:s11+$0x6450] =	vst v27;
	v11 =	vld.idx.msk [tilespmem:v11+s18+$0x0], $0xffff  }
0xdf: {  	s7 =	sor.u32 s7, s12;
	[tilespmem:s11+$0x6460] =	vst v31;
	v12 =	vld.idx.msk [tilespmem:v12+s18+$0x0], $0xffff  }
0xe0: {  	v13 =	vld.idx.msk [tilespmem:v13+s18+$0x0], $0xffff;
	[tilespmem:s7+$0x6000] =	vst v29  }
0xe1: {  	[tilespmem:s7+$0x6010] =	vst v32  }
0xe2: {  	[tilespmem:s7+$0x6020] =	vst v0  }
0xe3: {  	[tilespmem:s7+$0x6030] =	vst v3  }
0xe4: {  	[tilespmem:s7+$0x6040] =	vst v5  }
0xe5: {  	[tilespmem:s7+$0x6050] =	vst v9  }
0xe6: {  	[tilespmem:s7+$0x6060] =	vst v10  }
0xe7: {  	[tilespmem:s7+$0x6070] =	vst v1  }
0xe8: {  	[tilespmem:s7+$0x6470] =	vst v4  }
0xe9: {  	[tilespmem:s7+$0x6400] =	vst v2  }
0xea: {  	[tilespmem:s7+$0x6410] =	vst v8  }
0xeb: {  	s10 =	sshll.u32 s10, $0xF;
	s3 =	sshll.u32 s3, $0xE;
	[tilespmem:s7+$0x6420] =	vst v6  }
0xec: {  	s10 =	sadd.s32 s6, s10;
	s3 =	sand.u32 $0x4000, s3;
	[tilespmem:s7+$0x6430] =	vst v7  }
0xed: {  	s3 =	sor.u32 s3, s10;
	[tilespmem:s7+$0x6440] =	vst v11  }
0xee: {  	s3 =	sshrl.u32 s3, $0x3;
	[tilespmem:s7+$0x6450] =	vst v12  }
0xef: {  	s3 =	sadd.s32 s4, s3;
	[tilespmem:s7+$0x6460] =	vst v13  }
0xf0: {  	[hbm4b:s3+s5] =	stream.linear.scatter [tilespmem:s18], [sflag:$0x9], $0x4000, $0x38;
	[tilespmem:$0x1E000] =	vst v63  }
0xf1: {  	s12 =	simm.s32 $0x3;
	s3 =	sadd.s32 $0x5, s9  }
0xf2: {  	s7 =	sshll.u32 @!p0 s3, $0xE;
	_ =	swait.ge [sflag:s12], $0x4000  }
0xf3: {  	s11 =	simm.s32 @!p0 $0xD;
	s10 =	sand.u32 @!p0 $0x3F8000, s7;
	[sflag:s12] =	ssyncset.done $0x0  }
0xf4: {  	s7 =	sand.u32 @!p0 $0x4000, s7;
	s10 =	sadd.s32 @!p0 s6, s10;
	[sflag:s12] =	ssyncadd.s32 $0xFFFFC000  }
0xf5: {  	s7 =	sor.u32 @!p0 s7, s10;
	_ =	swait.ge @!p0 [sflag:s11], $0x4000;
	s10 =	sadd.s32 $0x2, s9  }
0xf6: {  	s7 =	sshrl.u32 @!p0 s7, $0x3;
	[sflag:s11] =	ssyncset.done @!p0 $0x0;
	s13 =	sshll.u32 s10, $0x7  }
0xf7: {  	s15 =	sshll.u32 s10, $0x6;
	s12 =	sadd.s32 @!p0 s1, s7;
	s7 =	rddreg [dreg:$0x9]  }
0xf8: {  	[sflag:s11] =	ssyncadd.s32 @!p0 $0xFFFFC000;
	s12 =	smov.u32 @p0 s7;
	s7 =	simm.s32 $0x0  }
0xf9: {  	[tilespmem:s25], [sflag:$0x6] =	stream.linear.gather [hbm4b:s12+s7], $0x4000, $0x38;
	[tilespmem:$0x1E000] =	vst v63  }
0xfa: {  	s11 =	sand.u32 $0x7800, s13;
	s12 =	sand.u32 $0x380, s15  }
0xfb: {  	s11 =	sor.u32 s12, s11  }
0xfc: {  	v0 =	vld [tilespmem:s11+$0x0]  }
0xfd: {  	v1 =	vld [tilespmem:s11+$0x10]  }
0xfe: {  	v2 =	vld [tilespmem:s11+$0x20];
	_ =	sdelay $0x1  }
0xff: {  	v3 =	vld [tilespmem:s11+$0x30]  }
0x100: {  	v22 =	vimm.s32 $0x0;
	v4 =	vld [tilespmem:s11+$0x40]  }
0x101: {  	v5 =	vshll.u32 v0, $0x3;
	v0 =	vand.u32 $0x7F, v0;
	v7 =	vand.u32 $0x7F, v1  }
0x102: {  	v6 =	vld [tilespmem:s11+$0x50];
	v1 =	vshll.u32 v1, $0x3;
	v8 =	vshll.u32 v2, $0x3;
	v2 =	vand.u32 $0x7F, v2  }
0x103: {  	v9 =	vld [tilespmem:s11+$0x60];
	v5 =	vand.u32 $0xFFFFFC00, v5;
	v1 =	vand.u32 $0xFFFFFC00, v1;
	v8 =	vand.u32 $0xFFFFFC00, v8  }
0x104: {  	v10 =	vld [tilespmem:s11+$0x70];
	v0 =	vor.u32 v0, v5;
	v1 =	vor.u32 v7, v1;
	v2 =	vor.u32 v2, v8  }
0x105: {  	v7 =	vld [tilespmem:s11+$0x400];
	v5 =	vand.u32 $0x7F, v3;
	v3 =	vshll.u32 v3, $0x3;
	v8 =	vshll.u32 v4, $0x3  }
0x106: {  	v12 =	vld [tilespmem:s11+$0x410];
	v4 =	vand.u32 $0x7F, v4;
	v3 =	vand.u32 $0xFFFFFC00, v3;
	v8 =	vand.u32 $0xFFFFFC00, v8  }
0x107: {  	v13 =	vld [tilespmem:s11+$0x420];
	v3 =	vor.u32 v5, v3;
	v4 =	vor.u32 v4, v8;
	v5 =	vshll.u32 v6, $0x3  }
0x108: {  	v17 =	vld [tilespmem:s11+$0x440];
	v6 =	vand.u32 $0x7F, v6;
	v8 =	vshll.u32 v9, $0x3;
	v5 =	vand.u32 $0xFFFFFC00, v5  }
0x109: {  	v8 =	vand.u32 $0xFFFFFC00, v8;
	v5 =	vor.u32 v6, v5;
	v6 =	vand.u32 $0x7F, v9  }
0x10a: {  	v9 =	vand.u32 $0x7F, v10;
	v10 =	vshll.u32 v10, $0x3;
	v11 =	vshll.u32 v7, $0x3  }
0x10b: {  	v14 =	vld [tilespmem:s11+$0x430];
	v15 =	vand.u32 $0xFFFFFC00, v10;
	v7 =	vand.u32 $0x7F, v7;
	v10 =	vor.u32 v6, v8  }
0x10c: {  	v6 =	vand.u32 $0x7F, v12;
	v16 =	vand.u32 $0xFFFFFC00, v11;
	v11 =	vor.u32 v9, v15  }
0x10d: {  	v9 =	vshll.u32 v13, $0x3;
	v15 =	vshll.u32 v17, $0x3;
	v8 =	vor.u32 v7, v16  }
0x10e: {  	v7 =	vshll.u32 v12, $0x3;
	v12 =	vand.u32 $0x7F, v13;
	v13 =	vand.u32 $0xFFFFFC00, v9  }
0x10f: {  	v16 =	vshll.u32 v22, $0x7;
	v15 =	vand.u32 $0xFFFFFC00, v15;
	v7 =	vand.u32 $0xFFFFFC00, v7  }
0x110: {  	v9 =	vor.u32 v6, v7;
	v6 =	vor.u32 v12, v13;
	v7 =	vshll.u32 v14, $0x3  }
0x111: {  	v12 =	vand.u32 $0x7F, v14;
	v14 =	vshll.u32 v22, $0x8;
	v7 =	vand.u32 $0xFFFFFC00, v7  }
0x112: {  	v26 =	vand.u32 $0x380, v16;
	v13 =	vld [tilespmem:s11+$0x450];
	v23 =	vand.u32 $0xFFFFF800, v14;
	v7 =	vor.u32 v12, v7  }
0x113: {  	v12 =	vand.u32 $0x7F, v17;
	v16 =	vadd.s32 v0, v23;
	v18 =	vadd.s32 v2, v23  }
0x114: {  	v14 =	vld [tilespmem:s11+$0x470];
	v19 =	vadd.s32 v3, v23;
	v12 =	vor.u32 v12, v15;
	v15 =	vor.u32 v26, v16  }
0x115: {  	v20 =	vadd.s32 v4, v23;
	v25 =	vadd.s32 v5, v23;
	v19 =	vor.u32 v26, v19  }
0x116: {  	v28 =	vadd.s32 v11, v23;
	v16 =	vadd.s32 v1, v23;
	v25 =	vor.u32 v26, v25  }
0x117: {  	v16 =	vor.u32 v26, v16;
	v17 =	vand.u32 $0x7F, v13;
	v13 =	vshll.u32 v13, $0x3  }
0x118: {  	v21 =	vld [tilespmem:s11+$0x460];
	v18 =	vor.u32 v26, v18;
	v20 =	vor.u32 v26, v20;
	v13 =	vand.u32 $0xFFFFFC00, v13  }
0x119: {  	v24 =	vand.u32 $0x7F, v14;
	v14 =	vshll.u32 v14, $0x3;
	v56 =	vld.idx.msk [tilespmem:v15+s19+$0x0], $0xffff;
	v15 =	vadd.s32 v10, v23  }
0x11a: {  	v14 =	vand.u32 $0xFFFFFC00, v14;
	v13 =	vor.u32 v17, v13;
	v17 =	vld.idx.msk [tilespmem:v19+s19+$0x0], $0xffff;
	v27 =	vor.u32 v26, v15  }
0x11b: {  	v19 =	vld.idx.msk [tilespmem:v25+s19+$0x0], $0xffff;
	v15 =	vor.u32 v24, v14;
	v24 =	vor.u32 v26, v28  }
0x11c: {  	v33 =	vadd.s32 $0x1, v22;
	v40 =	vld.idx.msk [tilespmem:v16+s19+$0x0], $0xffff;
	v14 =	vadd.s32 v8, v23  }
0x11d: {  	v29 =	vand.u32 $0x7F, v21;
	v16 =	vld.idx.msk [tilespmem:v18+s19+$0x0], $0xffff;
	v28 =	vor.u32 v26, v14;
	v14 =	vadd.s32 v15, v23  }
0x11e: {  	v31 =	vadd.s32 v7, v23;
	v18 =	vld.idx.msk [tilespmem:v20+s19+$0x0], $0xffff;
	v20 =	vadd.s32 v9, v23;
	v30 =	vor.u32 v26, v14  }
0x11f: {  	v25 =	vor.u32 v26, v20;
	v14 =	vshll.u32 v21, $0x3;
	v21 =	vadd.s32 v6, v23;
	v20 =	vld.idx.msk [tilespmem:v27+s19+$0x0], $0xffff  }
0x120: {  	v14 =	vand.u32 $0xFFFFFC00, v14;
	v27 =	vor.u32 v26, v21;
	v21 =	vld.idx.msk [tilespmem:v24+s19+$0x0], $0xffff;
	v24 =	vadd.s32 v12, v23  }
0x121: {  	v14 =	vor.u32 v29, v14;
	v29 =	vor.u32 v26, v31;
	v31 =	vor.u32 v26, v24  }
0x122: {  	v22 =	vld.idx.msk [tilespmem:v28+s19+$0x0], $0xffff;
	v24 =	vadd.s32 v13, v23;
	v28 =	vshll.u32 v33, $0x8;
	v23 =	vadd.s32 v14, v23  }
0x123: {  	v57 =	vor.u32 v26, v24;
	v58 =	vld.idx.msk [tilespmem:v30+s19+$0x0], $0xffff;
	v30 =	vshll.u32 v33, $0x7;
	v24 =	vand.u32 $0xFFFFF800, v28  }
0x124: {  	v25 =	vld.idx.msk [tilespmem:v25+s19+$0x0], $0xffff;
	v59 =	vor.u32 v26, v23;
	v23 =	vand.u32 $0x380, v30;
	v28 =	vadd.s32 v0, v24  }
0x125: {  	v60 =	vor.u32 v23, v28;
	v26 =	vld.idx.msk [tilespmem:v27+s19+$0x0], $0xffff;
	v27 =	vadd.s32 v1, v24  }
0x126: {  	v28 =	vld.idx.msk [tilespmem:v29+s19+$0x0], $0xffff;
	v29 =	vadd.s32 v2, v24;
	v61 =	vor.u32 v23, v27  }
0x127: {  	s22 =	sand.u32 $0x3800, s7;
	s24 =	sand.u32 $0x380, s7;
	v34 =	vor.u32 v23, v29;
	v29 =	vadd.s32 v3, v24;
	v30 =	vld.idx.msk [tilespmem:v31+s19+$0x0], $0xffff  }
0x128: {  	s11 =	sor.u32 s24, s22;
	v41 =	vadd.s32 v4, v24;
	v37 =	vor.u32 v23, v29;
	v27 =	vld.idx.msk [tilespmem:v57+s19+$0x0], $0xffff  }
0x129: {  	v62 =	vadd.s32 v5, v24;
	v35 =	vor.u32 v23, v41;
	v31 =	vld.idx.msk [tilespmem:v59+s19+$0x0], $0xffff;
	[tilespmem:s11+$0xA470] =	vst v58  }
0x12a: {  	v63 =	vadd.s32 v10, v24;
	v36 =	vor.u32 v23, v62;
	[tilespmem:s11+$0xA000] =	vst v56;
	v29 =	vld.idx.msk [tilespmem:v60+s19+$0x0], $0xffff  }
0x12b: {  	s10 =	sshrl.u32 s10, $0x1;
	s13 =	simm.s32 $0x200;
	s12 =	simm.s32 $0x100;
	v39 =	vadd.s32 v11, v24;
	v38 =	vor.u32 v23, v63;
	[tilespmem:s11+$0xA010] =	vst v40;
	v32 =	vld.idx.msk [tilespmem:v61+s19+$0x0], $0xffff  }
.LBB2_7:
0x12c: {  	p1 =	sne.s32 s13, $0x3F00;
	v39 =	vor.u32 v23, v39;
	v40 =	vadd.s32 v8, v24;
	[tilespmem:s11+$0xA020] =	vst v16;
	v16 =	vld.idx.msk [tilespmem:v34+s19+$0x0], $0xffff  }
0x12d: {  	v34 =	vor.u32 v23, v40;
	v40 =	vadd.s32 v15, v24;
	[tilespmem:s11+$0xA030] =	vst v17;
	v17 =	vld.idx.msk [tilespmem:v37+s19+$0x0], $0xffff  }
0x12e: {  	v37 =	vadd.s32 v9, v24;
	v40 =	vor.u32 v23, v40;
	[tilespmem:s11+$0xA040] =	vst v18;
	v18 =	vld.idx.msk [tilespmem:v35+s19+$0x0], $0xffff  }
0x12f: {  	v35 =	vor.u32 v23, v37;
	v37 =	vadd.s32 v6, v24;
	[tilespmem:s11+$0xA050] =	vst v19;
	v19 =	vld.idx.msk [tilespmem:v36+s19+$0x0], $0xffff  }
0x130: {  	v33 =	vadd.s32 $0x1, v33;
	v36 =	vor.u32 v23, v37;
	v37 =	vadd.s32 v7, v24;
	[tilespmem:s11+$0xA060] =	vst v20;
	v20 =	vld.idx.msk [tilespmem:v38+s19+$0x0], $0xffff  }
0x131: {  	v41 =	vadd.s32 v12, v24;
	v38 =	vshll.u32 v33, $0x7;
	v37 =	vor.u32 v23, v37;
	[tilespmem:s11+$0xA070] =	vst v21;
	v21 =	vld.idx.msk [tilespmem:v39+s19+$0x0], $0xffff  }
0x132: {  	v42 =	vadd.s32 v13, v24;
	v41 =	vor.u32 v23, v41;
	v39 =	vshll.u32 v33, $0x8;
	[tilespmem:s11+$0xA400] =	vst v22;
	v22 =	vld.idx.msk [tilespmem:v34+s19+$0x0], $0xffff  }
0x133: {  	v42 =	vor.u32 v23, v42;
	v34 =	vadd.s32 v14, v24;
	v24 =	vand.u32 $0xFFFFF800, v39;
	v39 =	vld.idx.msk [tilespmem:v40+s19+$0x0], $0xffff;
	[tilespmem:s11+$0xA410] =	vst v25  }
0x134: {  	v40 =	vadd.s32 v0, v24;
	v43 =	vor.u32 v23, v34;
	v23 =	vand.u32 $0x380, v38;
	v25 =	vld.idx.msk [tilespmem:v35+s19+$0x0], $0xffff;
	[tilespmem:s11+$0xA420] =	vst v26  }
0x135: {  	v34 =	vadd.s32 v1, v24;
	v38 =	vor.u32 v23, v40;
	v26 =	vld.idx.msk [tilespmem:v36+s19+$0x0], $0xffff;
	[tilespmem:s11+$0xA430] =	vst v28  }
0x136: {  	s7 =	sadd.s32 $0x80, s7;
	v40 =	vor.u32 v23, v34;
	v34 =	vadd.s32 v2, v24;
	v28 =	vld.idx.msk [tilespmem:v37+s19+$0x0], $0xffff;
	[tilespmem:s11+$0xA440] =	vst v30  }
.Ltmp2:
0x137: {  	s12 =	sand.u32 $0x3800, s12;
	s15 =	sand.u32 $0x380, s7;
	v35 =	vadd.s32 v3, v24;
	v34 =	vor.u32 v23, v34;
	v30 =	vld.idx.msk [tilespmem:v41+s19+$0x0], $0xffff;
	[tilespmem:s11+$0xA450] =	vst v27;
	(pc) =	sbr.rel @p1 .LBB2_7-.Ltmp2, $4  }
0x138: {  	v37 =	vor.u32 v23, v35;
	v35 =	vadd.s32 v4, v24;
	v27 =	vld.idx.msk [tilespmem:v42+s19+$0x0], $0xffff;
	[tilespmem:s11+$0xA460] =	vst v31;
	s11 =	sor.u32 s15, s12;
	s12 =	smov.u32 s13  }
0x139: {  	v36 =	vadd.s32 v5, v24;
	v35 =	vor.u32 v23, v35;
	v31 =	vld.idx.msk [tilespmem:v43+s19+$0x0], $0xffff;
	[tilespmem:s11+$0xA470] =	vst v39  }
0x13a: {  	v36 =	vor.u32 v23, v36;
	v39 =	vadd.s32 v10, v24;
	[tilespmem:s11+$0xA000] =	vst v29;
	v29 =	vld.idx.msk [tilespmem:v38+s19+$0x0], $0xffff  }
0x13b: {  	s13 =	sadd.s32 $0x100, s13;
	v38 =	vor.u32 v23, v39;
	v39 =	vadd.s32 v11, v24;
	[tilespmem:s11+$0xA010] =	vst v32;
	v32 =	vld.idx.msk [tilespmem:v40+s19+$0x0], $0xffff  }
0x13c: {  	_ =	sdelay $0x3  }
0x13d: {  	v0 =	vld.idx.msk [tilespmem:v34+s19+$0x0], $0xffff;
	v1 =	vor.u32 v23, v39;
	v2 =	vadd.s32 v8, v24;
	[tilespmem:s11+$0xA020] =	vst v16  }
0x13e: {  	v3 =	vld.idx.msk [tilespmem:v37+s19+$0x0], $0xffff;
	v4 =	vadd.s32 v15, v24;
	[tilespmem:s11+$0xA030] =	vst v17;
	v2 =	vor.u32 v23, v2  }
0x13f: {  	v5 =	vld.idx.msk [tilespmem:v35+s19+$0x0], $0xffff;
	v8 =	vadd.s32 v9, v24;
	[tilespmem:s11+$0xA040] =	vst v18;
	v4 =	vor.u32 v23, v4  }
0x140: {  	v9 =	vld.idx.msk [tilespmem:v36+s19+$0x0], $0xffff;
	v6 =	vadd.s32 v6, v24;
	[tilespmem:s11+$0xA050] =	vst v19;
	v8 =	vor.u32 v23, v8  }
0x141: {  	v10 =	vld.idx.msk [tilespmem:v38+s19+$0x0], $0xffff;
	v7 =	vadd.s32 v7, v24;
	[tilespmem:s11+$0xA060] =	vst v20;
	v6 =	vor.u32 v23, v6  }
0x142: {  	v11 =	vadd.s32 v12, v24;
	[tilespmem:s11+$0xA070] =	vst v21;
	v7 =	vor.u32 v23, v7;
	v1 =	vld.idx.msk [tilespmem:v1+s19+$0x0], $0xffff  }
0x143: {  	v12 =	vadd.s32 v13, v24;
	[tilespmem:s11+$0xA400] =	vst v22;
	v11 =	vor.u32 v23, v11;
	v2 =	vld.idx.msk [tilespmem:v2+s19+$0x0], $0xffff  }
0x144: {  	v13 =	vadd.s32 v14, v24;
	[tilespmem:s11+$0xA410] =	vst v25;
	v12 =	vor.u32 v23, v12;
	v4 =	vld.idx.msk [tilespmem:v4+s19+$0x0], $0xffff  }
0x145: {  	[tilespmem:s11+$0xA420] =	vst v26;
	v13 =	vor.u32 v23, v13;
	v8 =	vld.idx.msk [tilespmem:v8+s19+$0x0], $0xffff  }
0x146: {  	[tilespmem:s11+$0xA430] =	vst v28;
	v6 =	vld.idx.msk [tilespmem:v6+s19+$0x0], $0xffff  }
0x147: {  	[tilespmem:s11+$0xA440] =	vst v30;
	s7 =	sadd.s32 $0x80, s7;
	v7 =	vld.idx.msk [tilespmem:v7+s19+$0x0], $0xffff  }
0x148: {  	s12 =	sand.u32 $0x3800, s12;
	s7 =	sand.u32 $0x380, s7;
	[tilespmem:s11+$0xA450] =	vst v27;
	v11 =	vld.idx.msk [tilespmem:v11+s19+$0x0], $0xffff  }
0x149: {  	s7 =	sor.u32 s7, s12;
	[tilespmem:s11+$0xA460] =	vst v31;
	v12 =	vld.idx.msk [tilespmem:v12+s19+$0x0], $0xffff  }
0x14a: {  	v13 =	vld.idx.msk [tilespmem:v13+s19+$0x0], $0xffff;
	[tilespmem:s7+$0xA000] =	vst v29  }
0x14b: {  	[tilespmem:s7+$0xA010] =	vst v32  }
0x14c: {  	[tilespmem:s7+$0xA020] =	vst v0  }
0x14d: {  	[tilespmem:s7+$0xA030] =	vst v3  }
0x14e: {  	[tilespmem:s7+$0xA040] =	vst v5  }
0x14f: {  	[tilespmem:s7+$0xA050] =	vst v9  }
0x150: {  	[tilespmem:s7+$0xA060] =	vst v10  }
0x151: {  	[tilespmem:s7+$0xA070] =	vst v1  }
0x152: {  	[tilespmem:s7+$0xA470] =	vst v4  }
0x153: {  	[tilespmem:s7+$0xA400] =	vst v2  }
0x154: {  	[tilespmem:s7+$0xA410] =	vst v8  }
0x155: {  	s10 =	sshll.u32 s10, $0xF;
	[tilespmem:s7+$0xA420] =	vst v6  }
0x156: {  	s10 =	sadd.s32 s6, s10;
	[tilespmem:s7+$0xA430] =	vst v7  }
0x157: {  	s10 =	sor.u32 s16, s10;
	[tilespmem:s7+$0xA440] =	vst v11  }
0x158: {  	s9 =	sadd.s32 $0x6, s9;
	s10 =	sshrl.u32 s10, $0x3;
	[tilespmem:s7+$0xA450] =	vst v12  }
0x159: {  	s12 =	sadd.s32 s4, s10;
	[tilespmem:s7+$0xA460] =	vst v13;
	s7 =	sshll.u32 @!p0 s9, $0xE  }
0x15a: {  	[hbm4b:s12+s5] =	stream.linear.scatter [tilespmem:s19], [sflag:$0xA], $0x4000, $0x38;
	[tilespmem:$0x1E000] =	vst v63  }
0x15b: {  	s7 =	sand.u32 @!p0 $0x3F8000, s7;
	_ =	swait.ge [sflag:s26], $0x4000  }
0x15c: {  	s13 =	sshll.u32 s8, $0x7;
	s7 =	sadd.s32 @!p0 s6, s7;
	[sflag:s26] =	ssyncset.done $0x0  }
0x15d: {  	s10 =	simm.s32 @!p0 $0xE;
	s7 =	sor.u32 @!p0 s16, s7;
	[sflag:s26] =	ssyncadd.s32 $0xFFFFC000  }
0x15e: {  	s15 =	sshll.u32 s8, $0x6;
	s7 =	sshrl.u32 @!p0 s7, $0x3;
	_ =	swait.ge @!p0 [sflag:s10], $0x4000  }
0x15f: {  	s11 =	sadd.s32 @!p0 s1, s7;
	[sflag:s10] =	ssyncset.done @!p0 $0x0;
	s7 =	rddreg [dreg:$0xa]  }
0x160: {  	[sflag:s10] =	ssyncadd.s32 @!p0 $0xFFFFC000;
	s11 =	smov.u32 @p0 s7;
	s7 =	simm.s32 $0x0  }
0x161: {  	[tilespmem:s28], [sflag:$0x7] =	stream.linear.gather [hbm4b:s11+s7], $0x4000, $0x38;
	[tilespmem:$0x1E000] =	vst v63  }
0x162: {  	s10 =	sand.u32 $0x7800, s13;
	s11 =	sand.u32 $0x380, s15  }
0x163: {  	s10 =	sor.u32 s11, s10  }
0x164: {  	v0 =	vld [tilespmem:s10+$0x0]  }
0x165: {  	v1 =	vld [tilespmem:s10+$0x10]  }
0x166: {  	v2 =	vld [tilespmem:s10+$0x20];
	_ =	sdelay $0x1  }
0x167: {  	v3 =	vld [tilespmem:s10+$0x30]  }
0x168: {  	v22 =	vimm.s32 $0x0;
	v4 =	vld [tilespmem:s10+$0x40]  }
0x169: {  	v5 =	vshll.u32 v0, $0x3;
	v0 =	vand.u32 $0x7F, v0;
	v7 =	vand.u32 $0x7F, v1  }
0x16a: {  	v6 =	vld [tilespmem:s10+$0x50];
	v1 =	vshll.u32 v1, $0x3;
	v8 =	vshll.u32 v2, $0x3;
	v2 =	vand.u32 $0x7F, v2  }
0x16b: {  	v9 =	vld [tilespmem:s10+$0x60];
	v5 =	vand.u32 $0xFFFFFC00, v5;
	v1 =	vand.u32 $0xFFFFFC00, v1;
	v8 =	vand.u32 $0xFFFFFC00, v8  }
0x16c: {  	v10 =	vld [tilespmem:s10+$0x70];
	v0 =	vor.u32 v0, v5;
	v1 =	vor.u32 v7, v1;
	v2 =	vor.u32 v2, v8  }
0x16d: {  	v7 =	vld [tilespmem:s10+$0x400];
	v5 =	vand.u32 $0x7F, v3;
	v3 =	vshll.u32 v3, $0x3;
	v8 =	vshll.u32 v4, $0x3  }
0x16e: {  	v12 =	vld [tilespmem:s10+$0x410];
	v4 =	vand.u32 $0x7F, v4;
	v3 =	vand.u32 $0xFFFFFC00, v3;
	v8 =	vand.u32 $0xFFFFFC00, v8  }
0x16f: {  	v13 =	vld [tilespmem:s10+$0x420];
	v3 =	vor.u32 v5, v3;
	v4 =	vor.u32 v4, v8;
	v5 =	vshll.u32 v6, $0x3  }
0x170: {  	v17 =	vld [tilespmem:s10+$0x440];
	v6 =	vand.u32 $0x7F, v6;
	v8 =	vshll.u32 v9, $0x3;
	v5 =	vand.u32 $0xFFFFFC00, v5  }
0x171: {  	v8 =	vand.u32 $0xFFFFFC00, v8;
	v5 =	vor.u32 v6, v5;
	v6 =	vand.u32 $0x7F, v9  }
0x172: {  	v9 =	vand.u32 $0x7F, v10;
	v10 =	vshll.u32 v10, $0x3;
	v11 =	vshll.u32 v7, $0x3  }
0x173: {  	v14 =	vld [tilespmem:s10+$0x430];
	v15 =	vand.u32 $0xFFFFFC00, v10;
	v7 =	vand.u32 $0x7F, v7;
	v10 =	vor.u32 v6, v8  }
0x174: {  	v6 =	vand.u32 $0x7F, v12;
	v16 =	vand.u32 $0xFFFFFC00, v11;
	v11 =	vor.u32 v9, v15  }
0x175: {  	v9 =	vshll.u32 v13, $0x3;
	v15 =	vshll.u32 v17, $0x3;
	v8 =	vor.u32 v7, v16  }
0x176: {  	v7 =	vshll.u32 v12, $0x3;
	v12 =	vand.u32 $0x7F, v13;
	v13 =	vand.u32 $0xFFFFFC00, v9  }
0x177: {  	v16 =	vshll.u32 v22, $0x7;
	v15 =	vand.u32 $0xFFFFFC00, v15;
	v7 =	vand.u32 $0xFFFFFC00, v7  }
0x178: {  	v9 =	vor.u32 v6, v7;
	v6 =	vor.u32 v12, v13;
	v7 =	vshll.u32 v14, $0x3  }
0x179: {  	v12 =	vand.u32 $0x7F, v14;
	v14 =	vshll.u32 v22, $0x8;
	v7 =	vand.u32 $0xFFFFFC00, v7  }
0x17a: {  	v26 =	vand.u32 $0x380, v16;
	v13 =	vld [tilespmem:s10+$0x450];
	v23 =	vand.u32 $0xFFFFF800, v14;
	v7 =	vor.u32 v12, v7  }
0x17b: {  	v12 =	vand.u32 $0x7F, v17;
	v16 =	vadd.s32 v0, v23;
	v18 =	vadd.s32 v2, v23  }
0x17c: {  	v14 =	vld [tilespmem:s10+$0x470];
	v19 =	vadd.s32 v3, v23;
	v12 =	vor.u32 v12, v15;
	v15 =	vor.u32 v26, v16  }
0x17d: {  	v20 =	vadd.s32 v4, v23;
	v25 =	vadd.s32 v5, v23;
	v19 =	vor.u32 v26, v19  }
0x17e: {  	v28 =	vadd.s32 v11, v23;
	v16 =	vadd.s32 v1, v23;
	v25 =	vor.u32 v26, v25  }
0x17f: {  	v16 =	vor.u32 v26, v16;
	v17 =	vand.u32 $0x7F, v13;
	v13 =	vshll.u32 v13, $0x3  }
0x180: {  	v21 =	vld [tilespmem:s10+$0x460];
	v18 =	vor.u32 v26, v18;
	v20 =	vor.u32 v26, v20;
	v13 =	vand.u32 $0xFFFFFC00, v13  }
0x181: {  	v24 =	vand.u32 $0x7F, v14;
	v14 =	vshll.u32 v14, $0x3;
	v56 =	vld.idx.msk [tilespmem:v15+s21+$0x0], $0xffff;
	v15 =	vadd.s32 v10, v23  }
0x182: {  	v14 =	vand.u32 $0xFFFFFC00, v14;
	v13 =	vor.u32 v17, v13;
	v17 =	vld.idx.msk [tilespmem:v19+s21+$0x0], $0xffff;
	v27 =	vor.u32 v26, v15  }
0x183: {  	v19 =	vld.idx.msk [tilespmem:v25+s21+$0x0], $0xffff;
	v15 =	vor.u32 v24, v14;
	v24 =	vor.u32 v26, v28  }
0x184: {  	v33 =	vadd.s32 $0x1, v22;
	v40 =	vld.idx.msk [tilespmem:v16+s21+$0x0], $0xffff;
	v14 =	vadd.s32 v8, v23  }
0x185: {  	v29 =	vand.u32 $0x7F, v21;
	v16 =	vld.idx.msk [tilespmem:v18+s21+$0x0], $0xffff;
	v28 =	vor.u32 v26, v14;
	v14 =	vadd.s32 v15, v23  }
0x186: {  	v31 =	vadd.s32 v7, v23;
	v18 =	vld.idx.msk [tilespmem:v20+s21+$0x0], $0xffff;
	v20 =	vadd.s32 v9, v23;
	v30 =	vor.u32 v26, v14  }
0x187: {  	v25 =	vor.u32 v26, v20;
	v14 =	vshll.u32 v21, $0x3;
	v21 =	vadd.s32 v6, v23;
	v20 =	vld.idx.msk [tilespmem:v27+s21+$0x0], $0xffff  }
0x188: {  	v14 =	vand.u32 $0xFFFFFC00, v14;
	v27 =	vor.u32 v26, v21;
	v21 =	vld.idx.msk [tilespmem:v24+s21+$0x0], $0xffff;
	v24 =	vadd.s32 v12, v23  }
0x189: {  	v14 =	vor.u32 v29, v14;
	v29 =	vor.u32 v26, v31;
	v31 =	vor.u32 v26, v24  }
0x18a: {  	v22 =	vld.idx.msk [tilespmem:v28+s21+$0x0], $0xffff;
	v24 =	vadd.s32 v13, v23;
	v28 =	vshll.u32 v33, $0x8;
	v23 =	vadd.s32 v14, v23  }
0x18b: {  	v57 =	vor.u32 v26, v24;
	v58 =	vld.idx.msk [tilespmem:v30+s21+$0x0], $0xffff;
	v30 =	vshll.u32 v33, $0x7;
	v24 =	vand.u32 $0xFFFFF800, v28  }
0x18c: {  	v25 =	vld.idx.msk [tilespmem:v25+s21+$0x0], $0xffff;
	v59 =	vor.u32 v26, v23;
	v23 =	vand.u32 $0x380, v30;
	v28 =	vadd.s32 v0, v24  }
0x18d: {  	v60 =	vor.u32 v23, v28;
	v26 =	vld.idx.msk [tilespmem:v27+s21+$0x0], $0xffff;
	v27 =	vadd.s32 v1, v24  }
0x18e: {  	v28 =	vld.idx.msk [tilespmem:v29+s21+$0x0], $0xffff;
	v29 =	vadd.s32 v2, v24;
	v61 =	vor.u32 v23, v27  }
0x18f: {  	s22 =	sand.u32 $0x3800, s7;
	s24 =	sand.u32 $0x380, s7;
	v34 =	vor.u32 v23, v29;
	v29 =	vadd.s32 v3, v24;
	v30 =	vld.idx.msk [tilespmem:v31+s21+$0x0], $0xffff  }
0x190: {  	s11 =	sor.u32 s24, s22;
	v41 =	vadd.s32 v4, v24;
	v37 =	vor.u32 v23, v29;
	v27 =	vld.idx.msk [tilespmem:v57+s21+$0x0], $0xffff  }
0x191: {  	v62 =	vadd.s32 v5, v24;
	v35 =	vor.u32 v23, v41;
	v31 =	vld.idx.msk [tilespmem:v59+s21+$0x0], $0xffff;
	[tilespmem:s11+$0xE470] =	vst v58  }
0x192: {  	v63 =	vadd.s32 v10, v24;
	v36 =	vor.u32 v23, v62;
	[tilespmem:s11+$0xE000] =	vst v56;
	v29 =	vld.idx.msk [tilespmem:v60+s21+$0x0], $0xffff  }
0x193: {  	s12 =	simm.s32 $0x100;
	s13 =	simm.s32 $0x200;
	s10 =	sshrl.u32 s8, $0x1;
	v39 =	vadd.s32 v11, v24;
	v38 =	vor.u32 v23, v63;
	[tilespmem:s11+$0xE010] =	vst v40;
	v32 =	vld.idx.msk [tilespmem:v61+s21+$0x0], $0xffff  }
.LBB2_9:
0x194: {  	p0 =	sne.s32 s13, $0x3F00;
	v39 =	vor.u32 v23, v39;
	v40 =	vadd.s32 v8, v24;
	[tilespmem:s11+$0xE020] =	vst v16;
	v16 =	vld.idx.msk [tilespmem:v34+s21+$0x0], $0xffff  }
0x195: {  	v34 =	vor.u32 v23, v40;
	v40 =	vadd.s32 v15, v24;
	[tilespmem:s11+$0xE030] =	vst v17;
	v17 =	vld.idx.msk [tilespmem:v37+s21+$0x0], $0xffff  }
0x196: {  	v37 =	vadd.s32 v9, v24;
	v40 =	vor.u32 v23, v40;
	[tilespmem:s11+$0xE040] =	vst v18;
	v18 =	vld.idx.msk [tilespmem:v35+s21+$0x0], $0xffff  }
0x197: {  	v35 =	vor.u32 v23, v37;
	v37 =	vadd.s32 v6, v24;
	[tilespmem:s11+$0xE050] =	vst v19;
	v19 =	vld.idx.msk [tilespmem:v36+s21+$0x0], $0xffff  }
0x198: {  	v33 =	vadd.s32 $0x1, v33;
	v36 =	vor.u32 v23, v37;
	v37 =	vadd.s32 v7, v24;
	[tilespmem:s11+$0xE060] =	vst v20;
	v20 =	vld.idx.msk [tilespmem:v38+s21+$0x0], $0xffff  }
0x199: {  	v41 =	vadd.s32 v12, v24;
	v38 =	vshll.u32 v33, $0x7;
	v37 =	vor.u32 v23, v37;
	[tilespmem:s11+$0xE070] =	vst v21;
	v21 =	vld.idx.msk [tilespmem:v39+s21+$0x0], $0xffff  }
0x19a: {  	v42 =	vadd.s32 v13, v24;
	v41 =	vor.u32 v23, v41;
	v39 =	vshll.u32 v33, $0x8;
	[tilespmem:s11+$0xE400] =	vst v22;
	v22 =	vld.idx.msk [tilespmem:v34+s21+$0x0], $0xffff  }
0x19b: {  	v42 =	vor.u32 v23, v42;
	v34 =	vadd.s32 v14, v24;
	v24 =	vand.u32 $0xFFFFF800, v39;
	v39 =	vld.idx.msk [tilespmem:v40+s21+$0x0], $0xffff;
	[tilespmem:s11+$0xE410] =	vst v25  }
0x19c: {  	v40 =	vadd.s32 v0, v24;
	v43 =	vor.u32 v23, v34;
	v23 =	vand.u32 $0x380, v38;
	v25 =	vld.idx.msk [tilespmem:v35+s21+$0x0], $0xffff;
	[tilespmem:s11+$0xE420] =	vst v26  }
0x19d: {  	v34 =	vadd.s32 v1, v24;
	v38 =	vor.u32 v23, v40;
	v26 =	vld.idx.msk [tilespmem:v36+s21+$0x0], $0xffff;
	[tilespmem:s11+$0xE430] =	vst v28  }
0x19e: {  	s7 =	sadd.s32 $0x80, s7;
	v40 =	vor.u32 v23, v34;
	v34 =	vadd.s32 v2, v24;
	v28 =	vld.idx.msk [tilespmem:v37+s21+$0x0], $0xffff;
	[tilespmem:s11+$0xE440] =	vst v30  }
.Ltmp3:
0x19f: {  	s12 =	sand.u32 $0x3800, s12;
	s15 =	sand.u32 $0x380, s7;
	v35 =	vadd.s32 v3, v24;
	v34 =	vor.u32 v23, v34;
	v30 =	vld.idx.msk [tilespmem:v41+s21+$0x0], $0xffff;
	[tilespmem:s11+$0xE450] =	vst v27;
	(pc) =	sbr.rel @p0 .LBB2_9-.Ltmp3, $4  }
0x1a0: {  	v37 =	vor.u32 v23, v35;
	v35 =	vadd.s32 v4, v24;
	v27 =	vld.idx.msk [tilespmem:v42+s21+$0x0], $0xffff;
	[tilespmem:s11+$0xE460] =	vst v31;
	s11 =	sor.u32 s15, s12;
	s12 =	smov.u32 s13  }
0x1a1: {  	v36 =	vadd.s32 v5, v24;
	v35 =	vor.u32 v23, v35;
	v31 =	vld.idx.msk [tilespmem:v43+s21+$0x0], $0xffff;
	[tilespmem:s11+$0xE470] =	vst v39  }
0x1a2: {  	v36 =	vor.u32 v23, v36;
	v39 =	vadd.s32 v10, v24;
	[tilespmem:s11+$0xE000] =	vst v29;
	v29 =	vld.idx.msk [tilespmem:v38+s21+$0x0], $0xffff  }
0x1a3: {  	s13 =	sadd.s32 $0x100, s13;
	v38 =	vor.u32 v23, v39;
	v39 =	vadd.s32 v11, v24;
	[tilespmem:s11+$0xE010] =	vst v32;
	v32 =	vld.idx.msk [tilespmem:v40+s21+$0x0], $0xffff  }
0x1a4: {  	_ =	sdelay $0x3  }
0x1a5: {  	v0 =	vld.idx.msk [tilespmem:v34+s21+$0x0], $0xffff;
	v1 =	vor.u32 v23, v39;
	v2 =	vadd.s32 v8, v24;
	[tilespmem:s11+$0xE020] =	vst v16  }
0x1a6: {  	v3 =	vld.idx.msk [tilespmem:v37+s21+$0x0], $0xffff;
	v4 =	vadd.s32 v15, v24;
	[tilespmem:s11+$0xE030] =	vst v17;
	v2 =	vor.u32 v23, v2  }
0x1a7: {  	v5 =	vld.idx.msk [tilespmem:v35+s21+$0x0], $0xffff;
	v8 =	vadd.s32 v9, v24;
	[tilespmem:s11+$0xE040] =	vst v18;
	v4 =	vor.u32 v23, v4  }
0x1a8: {  	v9 =	vld.idx.msk [tilespmem:v36+s21+$0x0], $0xffff;
	v6 =	vadd.s32 v6, v24;
	[tilespmem:s11+$0xE050] =	vst v19;
	v8 =	vor.u32 v23, v8  }
0x1a9: {  	v10 =	vld.idx.msk [tilespmem:v38+s21+$0x0], $0xffff;
	v7 =	vadd.s32 v7, v24;
	[tilespmem:s11+$0xE060] =	vst v20;
	v6 =	vor.u32 v23, v6  }
0x1aa: {  	v11 =	vadd.s32 v12, v24;
	[tilespmem:s11+$0xE070] =	vst v21;
	v7 =	vor.u32 v23, v7;
	v1 =	vld.idx.msk [tilespmem:v1+s21+$0x0], $0xffff  }
0x1ab: {  	v12 =	vadd.s32 v13, v24;
	[tilespmem:s11+$0xE400] =	vst v22;
	v11 =	vor.u32 v23, v11;
	v2 =	vld.idx.msk [tilespmem:v2+s21+$0x0], $0xffff  }
0x1ac: {  	v13 =	vadd.s32 v14, v24;
	[tilespmem:s11+$0xE410] =	vst v25;
	v12 =	vor.u32 v23, v12;
	v4 =	vld.idx.msk [tilespmem:v4+s21+$0x0], $0xffff  }
0x1ad: {  	[tilespmem:s11+$0xE420] =	vst v26;
	v13 =	vor.u32 v23, v13;
	v8 =	vld.idx.msk [tilespmem:v8+s21+$0x0], $0xffff  }
0x1ae: {  	[tilespmem:s11+$0xE430] =	vst v28;
	v6 =	vld.idx.msk [tilespmem:v6+s21+$0x0], $0xffff  }
0x1af: {  	[tilespmem:s11+$0xE440] =	vst v30;
	s7 =	sadd.s32 $0x80, s7;
	v7 =	vld.idx.msk [tilespmem:v7+s21+$0x0], $0xffff  }
0x1b0: {  	s12 =	sand.u32 $0x3800, s12;
	s7 =	sand.u32 $0x380, s7;
	[tilespmem:s11+$0xE450] =	vst v27;
	v11 =	vld.idx.msk [tilespmem:v11+s21+$0x0], $0xffff  }
0x1b1: {  	s7 =	sor.u32 s7, s12;
	[tilespmem:s11+$0xE460] =	vst v31;
	v12 =	vld.idx.msk [tilespmem:v12+s21+$0x0], $0xffff  }
0x1b2: {  	v13 =	vld.idx.msk [tilespmem:v13+s21+$0x0], $0xffff;
	[tilespmem:s7+$0xE000] =	vst v29  }
0x1b3: {  	[tilespmem:s7+$0xE010] =	vst v32  }
0x1b4: {  	[tilespmem:s7+$0xE020] =	vst v0  }
0x1b5: {  	[tilespmem:s7+$0xE030] =	vst v3  }
0x1b6: {  	[tilespmem:s7+$0xE040] =	vst v5  }
0x1b7: {  	[tilespmem:s7+$0xE050] =	vst v9  }
0x1b8: {  	[tilespmem:s7+$0xE060] =	vst v10  }
0x1b9: {  	[tilespmem:s7+$0xE070] =	vst v1  }
0x1ba: {  	[tilespmem:s7+$0xE470] =	vst v4  }
0x1bb: {  	[tilespmem:s7+$0xE400] =	vst v2  }
0x1bc: {  	s10 =	sshll.u32 s10, $0xF;
	s8 =	sshll.u32 s8, $0xE;
	[tilespmem:s7+$0xE410] =	vst v8  }
0x1bd: {  	s10 =	sadd.s32 s6, s10;
	s8 =	sand.u32 $0x4000, s8;
	[tilespmem:s7+$0xE420] =	vst v6  }
0x1be: {  	s8 =	sor.u32 s8, s10;
	[tilespmem:s7+$0xE430] =	vst v7  }
0x1bf: {  	s8 =	sshrl.u32 s8, $0x3;
	[tilespmem:s7+$0xE440] =	vst v11  }
0x1c0: {  	s12 =	sadd.s32 s4, s8;
	s8 =	sadd.s32 $0x1, s0;
	[tilespmem:s7+$0xE450] =	vst v12  }
0x1c1: {  	s10 =	simm.s32 $0x0;
	s15 =	smul.u32 $0x1C000, s8;
	[tilespmem:s7+$0xE460] =	vst v13  }
0x1c2: {  	[hbm4b:s12+s10] =	stream.linear.scatter [tilespmem:s21], [sflag:$0xB], $0x4000, $0x38;
	[tilespmem:$0x1E000] =	vst v63  }
0x1c3: {  	_ =	swait.ge [sflag:s29], $0x4000  }
0x1c4: {  	s22 =	sshll.u32 s8, $0xE;
	s13 =	sand.u32 $0x3F8000, s15;
	[sflag:s29] =	ssyncset.done $0x0  }
0x1c5: {  	s24 =	sadd.s32 s6, s13;
	s7 =	sand.u32 $0x4000, s22;
	[sflag:s29] =	ssyncadd.s32 $0xFFFFC000  }
0x1c6: {  	s11 =	sor.u32 s7, s24;
	_ =	swait.ge [sflag:s30], $0x4000  }
0x1c7: {  	s13 =	sshll.u32 s14, $0x6;
	s11 =	sshrl.u32 s11, $0x3;
	[sflag:s30] =	ssyncset.done $0x0  }
0x1c8: {  	s12 =	sshll.u32 s14, $0x7;
	s11 =	sadd.s32 s1, s11;
	[sflag:s30] =	ssyncadd.s32 $0xFFFFC000  }
0x1c9: {  	[tilespmem:s17], [sflag:$0x1] =	stream.linear.gather [hbm4b:s11+s10], $0x4000, $0x38;
	[tilespmem:$0x1E000] =	vst v63  }
0x1ca: {  	s11 =	sand.u32 $0x7800, s12;
	s12 =	sand.u32 $0x380, s13  }
0x1cb: {  	s11 =	sor.u32 s12, s11  }
0x1cc: {  	v0 =	vld [tilespmem:s11+$0x0]  }
0x1cd: {  	v1 =	vld [tilespmem:s11+$0x10]  }
0x1ce: {  	v2 =	vld [tilespmem:s11+$0x20];
	_ =	sdelay $0x1  }
0x1cf: {  	v22 =	vimm.s32 $0x0;
	v3 =	vld [tilespmem:s11+$0x30]  }
0x1d0: {  	v33 =	vadd.s32 $0x1, v22;
	v4 =	vld [tilespmem:s11+$0x40]  }
0x1d1: {  	v5 =	vshll.u32 v0, $0x3;
	v0 =	vand.u32 $0x7F, v0;
	v7 =	vand.u32 $0x7F, v1  }
0x1d2: {  	v6 =	vld [tilespmem:s11+$0x50];
	v1 =	vshll.u32 v1, $0x3;
	v8 =	vshll.u32 v2, $0x3;
	v2 =	vand.u32 $0x7F, v2  }
0x1d3: {  	v9 =	vld [tilespmem:s11+$0x60];
	v5 =	vand.u32 $0xFFFFFC00, v5;
	v1 =	vand.u32 $0xFFFFFC00, v1;
	v8 =	vand.u32 $0xFFFFFC00, v8  }
0x1d4: {  	v10 =	vld [tilespmem:s11+$0x70];
	v0 =	vor.u32 v0, v5;
	v1 =	vor.u32 v7, v1;
	v2 =	vor.u32 v2, v8  }
0x1d5: {  	v7 =	vld [tilespmem:s11+$0x400];
	v5 =	vand.u32 $0x7F, v3;
	v3 =	vshll.u32 v3, $0x3;
	v8 =	vshll.u32 v4, $0x3  }
0x1d6: {  	v12 =	vld [tilespmem:s11+$0x410];
	v4 =	vand.u32 $0x7F, v4;
	v3 =	vand.u32 $0xFFFFFC00, v3;
	v8 =	vand.u32 $0xFFFFFC00, v8  }
0x1d7: {  	v13 =	vld [tilespmem:s11+$0x420];
	v3 =	vor.u32 v5, v3;
	v4 =	vor.u32 v4, v8;
	v5 =	vshll.u32 v6, $0x3  }
0x1d8: {  	v17 =	vld [tilespmem:s11+$0x440];
	v6 =	vand.u32 $0x7F, v6;
	v8 =	vshll.u32 v9, $0x3;
	v5 =	vand.u32 $0xFFFFFC00, v5  }
0x1d9: {  	v8 =	vand.u32 $0xFFFFFC00, v8;
	v5 =	vor.u32 v6, v5;
	v6 =	vand.u32 $0x7F, v9  }
0x1da: {  	v9 =	vand.u32 $0x7F, v10;
	v10 =	vshll.u32 v10, $0x3;
	v11 =	vshll.u32 v7, $0x3  }
0x1db: {  	v14 =	vld [tilespmem:s11+$0x430];
	v15 =	vand.u32 $0xFFFFFC00, v10;
	v7 =	vand.u32 $0x7F, v7;
	v10 =	vor.u32 v6, v8  }
0x1dc: {  	v6 =	vand.u32 $0x7F, v12;
	v16 =	vand.u32 $0xFFFFFC00, v11;
	v11 =	vor.u32 v9, v15  }
0x1dd: {  	v9 =	vshll.u32 v13, $0x3;
	v15 =	vshll.u32 v17, $0x3;
	v8 =	vor.u32 v7, v16  }
0x1de: {  	v7 =	vshll.u32 v12, $0x3;
	v12 =	vand.u32 $0x7F, v13;
	v13 =	vand.u32 $0xFFFFFC00, v9  }
0x1df: {  	v16 =	vshll.u32 v22, $0x7;
	v15 =	vand.u32 $0xFFFFFC00, v15;
	v7 =	vand.u32 $0xFFFFFC00, v7  }
0x1e0: {  	v9 =	vor.u32 v6, v7;
	v6 =	vor.u32 v12, v13;
	v7 =	vshll.u32 v14, $0x3  }
0x1e1: {  	v12 =	vand.u32 $0x7F, v14;
	v14 =	vshll.u32 v22, $0x8;
	v7 =	vand.u32 $0xFFFFFC00, v7  }
0x1e2: {  	v26 =	vand.u32 $0x380, v16;
	v13 =	vld [tilespmem:s11+$0x450];
	v23 =	vand.u32 $0xFFFFF800, v14;
	v7 =	vor.u32 v12, v7  }
0x1e3: {  	v12 =	vand.u32 $0x7F, v17;
	v16 =	vadd.s32 v0, v23;
	v18 =	vadd.s32 v2, v23  }
0x1e4: {  	v14 =	vld [tilespmem:s11+$0x470];
	v19 =	vadd.s32 v3, v23;
	v12 =	vor.u32 v12, v15;
	v15 =	vor.u32 v26, v16  }
0x1e5: {  	v20 =	vadd.s32 v4, v23;
	v16 =	vadd.s32 v1, v23;
	v19 =	vor.u32 v26, v19  }
0x1e6: {  	v25 =	vadd.s32 v5, v23;
	v28 =	vadd.s32 v11, v23;
	v16 =	vor.u32 v26, v16  }
0x1e7: {  	v21 =	vld [tilespmem:s11+$0x460];
	v18 =	vor.u32 v26, v18;
	v17 =	vand.u32 $0x7F, v13;
	v13 =	vshll.u32 v13, $0x3  }
0x1e8: {  	v20 =	vor.u32 v26, v20;
	v25 =	vor.u32 v26, v25;
	v13 =	vand.u32 $0xFFFFFC00, v13  }
0x1e9: {  	v24 =	vand.u32 $0x7F, v14;
	v14 =	vshll.u32 v14, $0x3;
	v57 =	vld.idx.msk [tilespmem:v15+s23+$0x0], $0xffff;
	v15 =	vadd.s32 v10, v23  }
0x1ea: {  	v14 =	vand.u32 $0xFFFFFC00, v14;
	v13 =	vor.u32 v17, v13;
	v17 =	vld.idx.msk [tilespmem:v19+s23+$0x0], $0xffff;
	v27 =	vor.u32 v26, v15  }
0x1eb: {  	v40 =	vld.idx.msk [tilespmem:v16+s23+$0x0], $0xffff;
	v15 =	vor.u32 v24, v14;
	v24 =	vor.u32 v26, v28;
	v14 =	vadd.s32 v8, v23  }
0x1ec: {  	v29 =	vand.u32 $0x7F, v21;
	v16 =	vld.idx.msk [tilespmem:v18+s23+$0x0], $0xffff;
	v28 =	vor.u32 v26, v14;
	v14 =	vadd.s32 v15, v23  }
0x1ed: {  	v18 =	vld.idx.msk [tilespmem:v20+s23+$0x0], $0xffff;
	v20 =	vadd.s32 v9, v23;
	v30 =	vor.u32 v26, v14;
	v14 =	vshll.u32 v21, $0x3  }
0x1ee: {  	v19 =	vld.idx.msk [tilespmem:v25+s23+$0x0], $0xffff;
	v25 =	vor.u32 v26, v20;
	v21 =	vadd.s32 v6, v23;
	v14 =	vand.u32 $0xFFFFFC00, v14  }
0x1ef: {  	v31 =	vadd.s32 v7, v23;
	v14 =	vor.u32 v29, v14;
	v20 =	vld.idx.msk [tilespmem:v27+s23+$0x0], $0xffff;
	v27 =	vor.u32 v26, v21  }
0x1f0: {  	v29 =	vor.u32 v26, v31;
	v31 =	vshll.u32 v33, $0x8;
	v21 =	vld.idx.msk [tilespmem:v24+s23+$0x0], $0xffff;
	v24 =	vadd.s32 v12, v23  }
0x1f1: {  	v22 =	vld.idx.msk [tilespmem:v28+s23+$0x0], $0xffff;
	v28 =	vor.u32 v26, v24;
	v24 =	vadd.s32 v13, v23;
	v23 =	vadd.s32 v14, v23  }
0x1f2: {  	v58 =	vor.u32 v26, v24;
	v59 =	vld.idx.msk [tilespmem:v30+s23+$0x0], $0xffff;
	v30 =	vshll.u32 v33, $0x7;
	v24 =	vand.u32 $0xFFFFF800, v31  }
0x1f3: {  	v25 =	vld.idx.msk [tilespmem:v25+s23+$0x0], $0xffff;
	v31 =	vor.u32 v26, v23;
	v23 =	vand.u32 $0x380, v30;
	v30 =	vadd.s32 v0, v24  }
0x1f4: {  	v60 =	vor.u32 v23, v30;
	v26 =	vld.idx.msk [tilespmem:v27+s23+$0x0], $0xffff;
	v27 =	vadd.s32 v1, v24  }
0x1f5: {  	s22 =	sand.u32 $0x3800, s10;
	s24 =	sand.u32 $0x380, s10;
	v30 =	vld.idx.msk [tilespmem:v29+s23+$0x0], $0xffff;
	v29 =	vadd.s32 v2, v24;
	v61 =	vor.u32 v23, v27  }
0x1f6: {  	s12 =	sor.u32 s24, s22;
	v34 =	vor.u32 v23, v29;
	v29 =	vadd.s32 v3, v24;
	v28 =	vld.idx.msk [tilespmem:v28+s23+$0x0], $0xffff  }
0x1f7: {  	s11 =	sadd.s32 $0x12000, s12;
	v62 =	vadd.s32 v4, v24;
	v38 =	vor.u32 v23, v29;
	v27 =	vld.idx.msk [tilespmem:v58+s23+$0x0], $0xffff  }
0x1f8: {  	v41 =	vadd.s32 v5, v24;
	v35 =	vor.u32 v23, v62;
	v31 =	vld.idx.msk [tilespmem:v31+s23+$0x0], $0xffff;
	[tilespmem:s11+$0x470] =	vst v59  }
0x1f9: {  	v63 =	vadd.s32 v10, v24;
	v36 =	vor.u32 v23, v41;
	[tilespmem:s12+$0x12000] =	vst v57;
	v29 =	vld.idx.msk [tilespmem:v60+s23+$0x0], $0xffff  }
0x1fa: {  	s14 =	sshrl.u32 s14, $0x1;
	s13 =	simm.s32 $0x200;
	v39 =	vadd.s32 v11, v24;
	v37 =	vor.u32 v23, v63;
	s12 =	simm.s32 $0x100;
	[tilespmem:s11+$0x10] =	vst v40;
	v32 =	vld.idx.msk [tilespmem:v61+s23+$0x0], $0xffff  }
.LBB2_11:
0x1fb: {  	p0 =	sne.s32 s13, $0x3F00;
	v39 =	vor.u32 v23, v39;
	v40 =	vadd.s32 v8, v24;
	[tilespmem:s11+$0x20] =	vst v16;
	v16 =	vld.idx.msk [tilespmem:v34+s23+$0x0], $0xffff  }
0x1fc: {  	v34 =	vor.u32 v23, v40;
	v40 =	vadd.s32 v15, v24;
	[tilespmem:s11+$0x30] =	vst v17;
	v17 =	vld.idx.msk [tilespmem:v38+s23+$0x0], $0xffff  }
0x1fd: {  	v38 =	vadd.s32 v9, v24;
	v40 =	vor.u32 v23, v40;
	[tilespmem:s11+$0x40] =	vst v18;
	v18 =	vld.idx.msk [tilespmem:v35+s23+$0x0], $0xffff  }
0x1fe: {  	v35 =	vor.u32 v23, v38;
	v38 =	vadd.s32 v6, v24;
	[tilespmem:s11+$0x50] =	vst v19;
	v19 =	vld.idx.msk [tilespmem:v36+s23+$0x0], $0xffff  }
0x1ff: {  	v33 =	vadd.s32 $0x1, v33;
	v36 =	vor.u32 v23, v38;
	v38 =	vadd.s32 v7, v24;
	[tilespmem:s11+$0x60] =	vst v20;
	v20 =	vld.idx.msk [tilespmem:v37+s23+$0x0], $0xffff  }
0x200: {  	v41 =	vadd.s32 v12, v24;
	v37 =	vshll.u32 v33, $0x7;
	v38 =	vor.u32 v23, v38;
	[tilespmem:s11+$0x70] =	vst v21;
	v21 =	vld.idx.msk [tilespmem:v39+s23+$0x0], $0xffff  }
0x201: {  	v42 =	vadd.s32 v13, v24;
	v41 =	vor.u32 v23, v41;
	v39 =	vshll.u32 v33, $0x8;
	[tilespmem:s11+$0x400] =	vst v22;
	v22 =	vld.idx.msk [tilespmem:v34+s23+$0x0], $0xffff  }
0x202: {  	v42 =	vor.u32 v23, v42;
	v34 =	vadd.s32 v14, v24;
	v24 =	vand.u32 $0xFFFFF800, v39;
	v39 =	vld.idx.msk [tilespmem:v40+s23+$0x0], $0xffff;
	[tilespmem:s11+$0x410] =	vst v25  }
0x203: {  	v40 =	vadd.s32 v0, v24;
	v43 =	vor.u32 v23, v34;
	v23 =	vand.u32 $0x380, v37;
	v25 =	vld.idx.msk [tilespmem:v35+s23+$0x0], $0xffff;
	[tilespmem:s11+$0x420] =	vst v26  }
0x204: {  	s10 =	sadd.s32 $0x80, s10;
	v34 =	vadd.s32 v1, v24;
	v37 =	vor.u32 v23, v40;
	v26 =	vld.idx.msk [tilespmem:v36+s23+$0x0], $0xffff;
	[tilespmem:s11+$0x430] =	vst v30  }
0x205: {  	s22 =	sand.u32 $0x3800, s12;
	s12 =	smov.u32 s13;
	s24 =	sand.u32 $0x380, s10;
	v40 =	vor.u32 v23, v34;
	v34 =	vadd.s32 v2, v24;
	v30 =	vld.idx.msk [tilespmem:v38+s23+$0x0], $0xffff;
	[tilespmem:s11+$0x440] =	vst v28  }
.Ltmp4:
0x206: {  	s22 =	sor.u32 s24, s22;
	v35 =	vadd.s32 v3, v24;
	v34 =	vor.u32 v23, v34;
	v28 =	vld.idx.msk [tilespmem:v41+s23+$0x0], $0xffff;
	[tilespmem:s11+$0x450] =	vst v27;
	(pc) =	sbr.rel @p0 .LBB2_11-.Ltmp4, $4  }
0x207: {  	v38 =	vor.u32 v23, v35;
	v35 =	vadd.s32 v4, v24;
	v27 =	vld.idx.msk [tilespmem:v42+s23+$0x0], $0xffff;
	[tilespmem:s11+$0x460] =	vst v31;
	s11 =	sadd.s32 $0x12000, s22  }
0x208: {  	v36 =	vadd.s32 v5, v24;
	v35 =	vor.u32 v23, v35;
	v31 =	vld.idx.msk [tilespmem:v43+s23+$0x0], $0xffff;
	[tilespmem:s11+$0x470] =	vst v39  }
0x209: {  	v36 =	vor.u32 v23, v36;
	v39 =	vadd.s32 v10, v24;
	[tilespmem:s22+$0x12000] =	vst v29;
	v29 =	vld.idx.msk [tilespmem:v37+s23+$0x0], $0xffff  }
0x20a: {  	s13 =	sadd.s32 $0x100, s13;
	v37 =	vor.u32 v23, v39;
	v39 =	vadd.s32 v11, v24;
	[tilespmem:s11+$0x10] =	vst v32;
	v32 =	vld.idx.msk [tilespmem:v40+s23+$0x0], $0xffff  }
0x20b: {  	_ =	sdelay $0x3  }
0x20c: {  	v0 =	vld.idx.msk [tilespmem:v34+s23+$0x0], $0xffff;
	v1 =	vor.u32 v23, v39;
	v2 =	vadd.s32 v8, v24;
	[tilespmem:s11+$0x20] =	vst v16  }
0x20d: {  	v3 =	vld.idx.msk [tilespmem:v38+s23+$0x0], $0xffff;
	v4 =	vadd.s32 v15, v24;
	[tilespmem:s11+$0x30] =	vst v17;
	v2 =	vor.u32 v23, v2  }
0x20e: {  	v5 =	vld.idx.msk [tilespmem:v35+s23+$0x0], $0xffff;
	v8 =	vadd.s32 v9, v24;
	[tilespmem:s11+$0x40] =	vst v18;
	v4 =	vor.u32 v23, v4  }
0x20f: {  	v9 =	vld.idx.msk [tilespmem:v36+s23+$0x0], $0xffff;
	v6 =	vadd.s32 v6, v24;
	[tilespmem:s11+$0x50] =	vst v19;
	v8 =	vor.u32 v23, v8  }
0x210: {  	v10 =	vld.idx.msk [tilespmem:v37+s23+$0x0], $0xffff;
	v7 =	vadd.s32 v7, v24;
	[tilespmem:s11+$0x60] =	vst v20;
	v6 =	vor.u32 v23, v6  }
0x211: {  	v11 =	vadd.s32 v12, v24;
	[tilespmem:s11+$0x70] =	vst v21;
	v7 =	vor.u32 v23, v7;
	v1 =	vld.idx.msk [tilespmem:v1+s23+$0x0], $0xffff  }
0x212: {  	v12 =	vadd.s32 v13, v24;
	[tilespmem:s11+$0x400] =	vst v22;
	v11 =	vor.u32 v23, v11;
	v2 =	vld.idx.msk [tilespmem:v2+s23+$0x0], $0xffff  }
0x213: {  	v13 =	vadd.s32 v14, v24;
	[tilespmem:s11+$0x410] =	vst v25;
	v12 =	vor.u32 v23, v12;
	v4 =	vld.idx.msk [tilespmem:v4+s23+$0x0], $0xffff  }
0x214: {  	[tilespmem:s11+$0x420] =	vst v26;
	v13 =	vor.u32 v23, v13;
	v8 =	vld.idx.msk [tilespmem:v8+s23+$0x0], $0xffff  }
0x215: {  	[tilespmem:s11+$0x430] =	vst v30;
	s10 =	sadd.s32 $0x80, s10;
	v6 =	vld.idx.msk [tilespmem:v6+s23+$0x0], $0xffff  }
0x216: {  	s12 =	sand.u32 $0x3800, s12;
	[tilespmem:s11+$0x440] =	vst v28;
	s10 =	sand.u32 $0x380, s10;
	v7 =	vld.idx.msk [tilespmem:v7+s23+$0x0], $0xffff  }
0x217: {  	[tilespmem:s11+$0x450] =	vst v27;
	s10 =	sor.u32 s10, s12;
	v11 =	vld.idx.msk [tilespmem:v11+s23+$0x0], $0xffff  }
0x218: {  	[tilespmem:s11+$0x460] =	vst v31;
	s12 =	sadd.s32 $0x12000, s10;
	v12 =	vld.idx.msk [tilespmem:v12+s23+$0x0], $0xffff  }
0x219: {  	v13 =	vld.idx.msk [tilespmem:v13+s23+$0x0], $0xffff;
	[tilespmem:s12+$0x470] =	vst v4  }
0x21a: {  	[tilespmem:s10+$0x12000] =	vst v29  }
0x21b: {  	[tilespmem:s12+$0x10] =	vst v32  }
0x21c: {  	[tilespmem:s12+$0x20] =	vst v0  }
0x21d: {  	[tilespmem:s12+$0x30] =	vst v3  }
0x21e: {  	[tilespmem:s12+$0x40] =	vst v5  }
0x21f: {  	[tilespmem:s12+$0x50] =	vst v9  }
0x220: {  	[tilespmem:s12+$0x60] =	vst v10  }
0x221: {  	[tilespmem:s12+$0x70] =	vst v1  }
0x222: {  	[tilespmem:s12+$0x400] =	vst v2  }
0x223: {  	[tilespmem:s12+$0x410] =	vst v8  }
0x224: {  	s11 =	sshll.u32 s14, $0xF;
	[tilespmem:s12+$0x420] =	vst v6  }
0x225: {  	s10 =	sadd.s32 s6, s11;
	[tilespmem:s12+$0x430] =	vst v7  }
0x226: {  	[tilespmem:s12+$0x440] =	vst v11;
	s10 =	sor.u32 s16, s10  }
0x227: {  	[tilespmem:s12+$0x450] =	vst v12;
	s10 =	sshrl.u32 s10, $0x3  }
0x228: {  	p0 =	seq.s32 s0, $0x8;
	[tilespmem:s12+$0x460] =	vst v13;
	s10 =	sadd.s32 s4, s10  }
0x229: {  	[hbm4b:s10+s5] =	stream.linear.scatter [tilespmem:s23], [sflag:$0xC], $0x4000, $0x38;
	[tilespmem:$0x1E000] =	vst v63  }
0x22a: {  	s13 =	sshll.u32 s3, $0x7;
	s0 =	sadd.s32 @!p0 $0x4000, s15;
	_ =	swait.ge [sflag:s31], $0x4000  }
0x22b: {  	s11 =	sand.u32 @!p0 $0x7F8000, s0;
	s0 =	sand.u32 @!p0 $0x4000, s0;
	[sflag:s31] =	ssyncset.done $0x0  }
0x22c: {  	s11 =	sadd.s32 @!p0 s6, s11;
	s10 =	simm.s32 @!p0 $0x9;
	[sflag:s31] =	ssyncadd.s32 $0xFFFFC000  }
0x22d: {  	s14 =	sshll.u32 s3, $0x6;
	s0 =	sor.u32 @!p0 s0, s11;
	_ =	swait.ge @!p0 [sflag:s10], $0x4000  }
0x22e: {  	s11 =	simm.s32 @!p0 $0x6000;
	s0 =	sshrl.u32 @!p0 s0, $0x3;
	[sflag:s10] =	ssyncset.done @!p0 $0x0  }
0x22f: {  	s0 =	sadd.s32 @!p0 s1, s0;
	[sflag:s10] =	ssyncadd.s32 @!p0 $0xFFFFC000;
	s10 =	simm.s32 @!p0 $0x0  }
0x230: {  	[tilespmem:s11], [sflag:$0x2] =	stream.linear.gather @!p0 [hbm4b:s0+s10], $0x4000, $0x38;
	[tilespmem:$0x1E000] =	vst v63  }
0x231: {  	s0 =	sand.u32 $0x7800, s13;
	s10 =	sand.u32 $0x380, s14  }
0x232: {  	s0 =	sor.u32 s10, s0  }
0x233: {  	v0 =	vld [tilespmem:s0+$0x0]  }
0x234: {  	v1 =	vld [tilespmem:s0+$0x10]  }
0x235: {  	v2 =	vld [tilespmem:s0+$0x20];
	_ =	sdelay $0x1  }
0x236: {  	v22 =	vimm.s32 $0x0;
	v3 =	vld [tilespmem:s0+$0x30]  }
0x237: {  	v33 =	vadd.s32 $0x1, v22;
	v4 =	vld [tilespmem:s0+$0x40]  }
0x238: {  	v5 =	vshll.u32 v0, $0x3;
	v0 =	vand.u32 $0x7F, v0;
	v7 =	vand.u32 $0x7F, v1  }
0x239: {  	v6 =	vld [tilespmem:s0+$0x50];
	v1 =	vshll.u32 v1, $0x3;
	v8 =	vshll.u32 v2, $0x3;
	v2 =	vand.u32 $0x7F, v2  }
0x23a: {  	v9 =	vld [tilespmem:s0+$0x60];
	v5 =	vand.u32 $0xFFFFFC00, v5;
	v1 =	vand.u32 $0xFFFFFC00, v1;
	v8 =	vand.u32 $0xFFFFFC00, v8  }
0x23b: {  	v10 =	vld [tilespmem:s0+$0x70];
	v0 =	vor.u32 v0, v5;
	v1 =	vor.u32 v7, v1;
	v2 =	vor.u32 v2, v8  }
0x23c: {  	v7 =	vld [tilespmem:s0+$0x400];
	v5 =	vand.u32 $0x7F, v3;
	v3 =	vshll.u32 v3, $0x3;
	v8 =	vshll.u32 v4, $0x3  }
0x23d: {  	v12 =	vld [tilespmem:s0+$0x410];
	v4 =	vand.u32 $0x7F, v4;
	v3 =	vand.u32 $0xFFFFFC00, v3;
	v8 =	vand.u32 $0xFFFFFC00, v8  }
0x23e: {  	v13 =	vld [tilespmem:s0+$0x420];
	v3 =	vor.u32 v5, v3;
	v4 =	vor.u32 v4, v8;
	v5 =	vshll.u32 v6, $0x3  }
0x23f: {  	v17 =	vld [tilespmem:s0+$0x440];
	v6 =	vand.u32 $0x7F, v6;
	v8 =	vshll.u32 v9, $0x3;
	v5 =	vand.u32 $0xFFFFFC00, v5  }
0x240: {  	v8 =	vand.u32 $0xFFFFFC00, v8;
	v5 =	vor.u32 v6, v5;
	v6 =	vand.u32 $0x7F, v9  }
0x241: {  	v9 =	vand.u32 $0x7F, v10;
	v10 =	vshll.u32 v10, $0x3;
	v11 =	vshll.u32 v7, $0x3  }
0x242: {  	v14 =	vld [tilespmem:s0+$0x430];
	v15 =	vand.u32 $0xFFFFFC00, v10;
	v7 =	vand.u32 $0x7F, v7;
	v10 =	vor.u32 v6, v8  }
0x243: {  	v6 =	vand.u32 $0x7F, v12;
	v16 =	vand.u32 $0xFFFFFC00, v11;
	v11 =	vor.u32 v9, v15  }
0x244: {  	v9 =	vshll.u32 v13, $0x3;
	v15 =	vshll.u32 v17, $0x3;
	v8 =	vor.u32 v7, v16  }
0x245: {  	v7 =	vshll.u32 v12, $0x3;
	v12 =	vand.u32 $0x7F, v13;
	v13 =	vand.u32 $0xFFFFFC00, v9  }
0x246: {  	v16 =	vshll.u32 v22, $0x7;
	v15 =	vand.u32 $0xFFFFFC00, v15;
	v7 =	vand.u32 $0xFFFFFC00, v7  }
0x247: {  	v9 =	vor.u32 v6, v7;
	v6 =	vor.u32 v12, v13;
	v7 =	vshll.u32 v14, $0x3  }
0x248: {  	v12 =	vand.u32 $0x7F, v14;
	v14 =	vshll.u32 v22, $0x8;
	v7 =	vand.u32 $0xFFFFFC00, v7  }
0x249: {  	v26 =	vand.u32 $0x380, v16;
	v13 =	vld [tilespmem:s0+$0x450];
	v23 =	vand.u32 $0xFFFFF800, v14;
	v7 =	vor.u32 v12, v7  }
0x24a: {  	v12 =	vand.u32 $0x7F, v17;
	v16 =	vadd.s32 v0, v23;
	v18 =	vadd.s32 v2, v23  }
0x24b: {  	v14 =	vld [tilespmem:s0+$0x470];
	v19 =	vadd.s32 v3, v23;
	v12 =	vor.u32 v12, v15;
	v15 =	vor.u32 v26, v16  }
0x24c: {  	v20 =	vadd.s32 v4, v23;
	v16 =	vadd.s32 v1, v23;
	v19 =	vor.u32 v26, v19  }
0x24d: {  	v25 =	vadd.s32 v5, v23;
	v28 =	vadd.s32 v11, v23;
	v16 =	vor.u32 v26, v16  }
0x24e: {  	v21 =	vld [tilespmem:s0+$0x460];
	v18 =	vor.u32 v26, v18;
	v17 =	vand.u32 $0x7F, v13;
	v13 =	vshll.u32 v13, $0x3  }
0x24f: {  	v20 =	vor.u32 v26, v20;
	v25 =	vor.u32 v26, v25;
	v13 =	vand.u32 $0xFFFFFC00, v13  }
0x250: {  	v24 =	vand.u32 $0x7F, v14;
	v14 =	vshll.u32 v14, $0x3;
	v57 =	vld.idx.msk [tilespmem:v15+s25+$0x0], $0xffff;
	v15 =	vadd.s32 v10, v23  }
0x251: {  	v14 =	vand.u32 $0xFFFFFC00, v14;
	v13 =	vor.u32 v17, v13;
	v17 =	vld.idx.msk [tilespmem:v19+s25+$0x0], $0xffff;
	v27 =	vor.u32 v26, v15  }
0x252: {  	v40 =	vld.idx.msk [tilespmem:v16+s25+$0x0], $0xffff;
	v15 =	vor.u32 v24, v14;
	v24 =	vor.u32 v26, v28;
	v14 =	vadd.s32 v8, v23  }
0x253: {  	v29 =	vand.u32 $0x7F, v21;
	v16 =	vld.idx.msk [tilespmem:v18+s25+$0x0], $0xffff;
	v28 =	vor.u32 v26, v14;
	v14 =	vadd.s32 v15, v23  }
0x254: {  	v18 =	vld.idx.msk [tilespmem:v20+s25+$0x0], $0xffff;
	v20 =	vadd.s32 v9, v23;
	v30 =	vor.u32 v26, v14;
	v14 =	vshll.u32 v21, $0x3  }
0x255: {  	v19 =	vld.idx.msk [tilespmem:v25+s25+$0x0], $0xffff;
	v25 =	vor.u32 v26, v20;
	v21 =	vadd.s32 v6, v23;
	v14 =	vand.u32 $0xFFFFFC00, v14  }
0x256: {  	v31 =	vadd.s32 v7, v23;
	v14 =	vor.u32 v29, v14;
	v20 =	vld.idx.msk [tilespmem:v27+s25+$0x0], $0xffff;
	v27 =	vor.u32 v26, v21  }
0x257: {  	v29 =	vor.u32 v26, v31;
	v31 =	vshll.u32 v33, $0x8;
	v21 =	vld.idx.msk [tilespmem:v24+s25+$0x0], $0xffff;
	v24 =	vadd.s32 v12, v23  }
0x258: {  	v22 =	vld.idx.msk [tilespmem:v28+s25+$0x0], $0xffff;
	v28 =	vor.u32 v26, v24;
	v24 =	vadd.s32 v13, v23;
	v23 =	vadd.s32 v14, v23  }
0x259: {  	v58 =	vor.u32 v26, v24;
	v59 =	vld.idx.msk [tilespmem:v30+s25+$0x0], $0xffff;
	v30 =	vshll.u32 v33, $0x7;
	v24 =	vand.u32 $0xFFFFF800, v31  }
0x25a: {  	v25 =	vld.idx.msk [tilespmem:v25+s25+$0x0], $0xffff;
	v31 =	vor.u32 v26, v23;
	v23 =	vand.u32 $0x380, v30;
	v30 =	vadd.s32 v0, v24  }
0x25b: {  	s10 =	simm.s32 $0x0;
	v60 =	vor.u32 v23, v30;
	v26 =	vld.idx.msk [tilespmem:v27+s25+$0x0], $0xffff;
	v27 =	vadd.s32 v1, v24  }
0x25c: {  	s22 =	sand.u32 $0x3800, s10;
	s24 =	sand.u32 $0x380, s10;
	v30 =	vld.idx.msk [tilespmem:v29+s25+$0x0], $0xffff;
	v29 =	vadd.s32 v2, v24;
	v61 =	vor.u32 v23, v27  }
0x25d: {  	s0 =	sor.u32 s24, s22;
	v34 =	vor.u32 v23, v29;
	v29 =	vadd.s32 v3, v24;
	v28 =	vld.idx.msk [tilespmem:v28+s25+$0x0], $0xffff  }
0x25e: {  	s11 =	sadd.s32 $0x16000, s0;
	v62 =	vadd.s32 v4, v24;
	v38 =	vor.u32 v23, v29;
	v27 =	vld.idx.msk [tilespmem:v58+s25+$0x0], $0xffff  }
0x25f: {  	v41 =	vadd.s32 v5, v24;
	v35 =	vor.u32 v23, v62;
	v31 =	vld.idx.msk [tilespmem:v31+s25+$0x0], $0xffff;
	[tilespmem:s11+$0x470] =	vst v59  }
0x260: {  	v63 =	vadd.s32 v10, v24;
	v36 =	vor.u32 v23, v41;
	[tilespmem:s0+$0x16000] =	vst v57;
	v29 =	vld.idx.msk [tilespmem:v60+s25+$0x0], $0xffff  }
0x261: {  	s12 =	simm.s32 $0x100;
	s13 =	simm.s32 $0x200;
	v39 =	vadd.s32 v11, v24;
	v37 =	vor.u32 v23, v63;
	s0 =	sshrl.u32 s3, $0x1;
	[tilespmem:s11+$0x10] =	vst v40;
	v32 =	vld.idx.msk [tilespmem:v61+s25+$0x0], $0xffff  }
.LBB2_13:
0x262: {  	p1 =	sne.s32 s13, $0x3F00;
	v39 =	vor.u32 v23, v39;
	v40 =	vadd.s32 v8, v24;
	[tilespmem:s11+$0x20] =	vst v16;
	v16 =	vld.idx.msk [tilespmem:v34+s25+$0x0], $0xffff  }
0x263: {  	v34 =	vor.u32 v23, v40;
	v40 =	vadd.s32 v15, v24;
	[tilespmem:s11+$0x30] =	vst v17;
	v17 =	vld.idx.msk [tilespmem:v38+s25+$0x0], $0xffff  }
0x264: {  	v38 =	vadd.s32 v9, v24;
	v40 =	vor.u32 v23, v40;
	[tilespmem:s11+$0x40] =	vst v18;
	v18 =	vld.idx.msk [tilespmem:v35+s25+$0x0], $0xffff  }
0x265: {  	v35 =	vor.u32 v23, v38;
	v38 =	vadd.s32 v6, v24;
	[tilespmem:s11+$0x50] =	vst v19;
	v19 =	vld.idx.msk [tilespmem:v36+s25+$0x0], $0xffff  }
0x266: {  	v33 =	vadd.s32 $0x1, v33;
	v36 =	vor.u32 v23, v38;
	v38 =	vadd.s32 v7, v24;
	[tilespmem:s11+$0x60] =	vst v20;
	v20 =	vld.idx.msk [tilespmem:v37+s25+$0x0], $0xffff  }
0x267: {  	v41 =	vadd.s32 v12, v24;
	v37 =	vshll.u32 v33, $0x7;
	v38 =	vor.u32 v23, v38;
	[tilespmem:s11+$0x70] =	vst v21;
	v21 =	vld.idx.msk [tilespmem:v39+s25+$0x0], $0xffff  }
0x268: {  	v42 =	vadd.s32 v13, v24;
	v41 =	vor.u32 v23, v41;
	v39 =	vshll.u32 v33, $0x8;
	[tilespmem:s11+$0x400] =	vst v22;
	v22 =	vld.idx.msk [tilespmem:v34+s25+$0x0], $0xffff  }
0x269: {  	v42 =	vor.u32 v23, v42;
	v34 =	vadd.s32 v14, v24;
	v24 =	vand.u32 $0xFFFFF800, v39;
	v39 =	vld.idx.msk [tilespmem:v40+s25+$0x0], $0xffff;
	[tilespmem:s11+$0x410] =	vst v25  }
0x26a: {  	v40 =	vadd.s32 v0, v24;
	v43 =	vor.u32 v23, v34;
	v23 =	vand.u32 $0x380, v37;
	v25 =	vld.idx.msk [tilespmem:v35+s25+$0x0], $0xffff;
	[tilespmem:s11+$0x420] =	vst v26  }
0x26b: {  	s10 =	sadd.s32 $0x80, s10;
	v34 =	vadd.s32 v1, v24;
	v37 =	vor.u32 v23, v40;
	v26 =	vld.idx.msk [tilespmem:v36+s25+$0x0], $0xffff;
	[tilespmem:s11+$0x430] =	vst v30  }
0x26c: {  	s14 =	sand.u32 $0x3800, s12;
	s12 =	smov.u32 s13;
	s22 =	sand.u32 $0x380, s10;
	v40 =	vor.u32 v23, v34;
	v34 =	vadd.s32 v2, v24;
	v30 =	vld.idx.msk [tilespmem:v38+s25+$0x0], $0xffff;
	[tilespmem:s11+$0x440] =	vst v28  }
.Ltmp5:
0x26d: {  	s14 =	sor.u32 s22, s14;
	v35 =	vadd.s32 v3, v24;
	v34 =	vor.u32 v23, v34;
	v28 =	vld.idx.msk [tilespmem:v41+s25+$0x0], $0xffff;
	[tilespmem:s11+$0x450] =	vst v27;
	(pc) =	sbr.rel @p1 .LBB2_13-.Ltmp5, $4  }
0x26e: {  	v38 =	vor.u32 v23, v35;
	v35 =	vadd.s32 v4, v24;
	v27 =	vld.idx.msk [tilespmem:v42+s25+$0x0], $0xffff;
	[tilespmem:s11+$0x460] =	vst v31;
	s11 =	sadd.s32 $0x16000, s14  }
0x26f: {  	v36 =	vadd.s32 v5, v24;
	v35 =	vor.u32 v23, v35;
	v31 =	vld.idx.msk [tilespmem:v43+s25+$0x0], $0xffff;
	[tilespmem:s11+$0x470] =	vst v39  }
0x270: {  	v36 =	vor.u32 v23, v36;
	v39 =	vadd.s32 v10, v24;
	[tilespmem:s14+$0x16000] =	vst v29;
	v29 =	vld.idx.msk [tilespmem:v37+s25+$0x0], $0xffff  }
0x271: {  	s13 =	sadd.s32 $0x100, s13;
	v37 =	vor.u32 v23, v39;
	v39 =	vadd.s32 v11, v24;
	[tilespmem:s11+$0x10] =	vst v32;
	v32 =	vld.idx.msk [tilespmem:v40+s25+$0x0], $0xffff  }
0x272: {  	_ =	sdelay $0x3  }
0x273: {  	v0 =	vld.idx.msk [tilespmem:v34+s25+$0x0], $0xffff;
	v1 =	vor.u32 v23, v39;
	v2 =	vadd.s32 v8, v24;
	[tilespmem:s11+$0x20] =	vst v16  }
0x274: {  	v3 =	vld.idx.msk [tilespmem:v38+s25+$0x0], $0xffff;
	v4 =	vadd.s32 v15, v24;
	[tilespmem:s11+$0x30] =	vst v17;
	v2 =	vor.u32 v23, v2  }
0x275: {  	v5 =	vld.idx.msk [tilespmem:v35+s25+$0x0], $0xffff;
	v8 =	vadd.s32 v9, v24;
	[tilespmem:s11+$0x40] =	vst v18;
	v4 =	vor.u32 v23, v4  }
0x276: {  	v9 =	vld.idx.msk [tilespmem:v36+s25+$0x0], $0xffff;
	v6 =	vadd.s32 v6, v24;
	[tilespmem:s11+$0x50] =	vst v19;
	v8 =	vor.u32 v23, v8  }
0x277: {  	v10 =	vld.idx.msk [tilespmem:v37+s25+$0x0], $0xffff;
	v7 =	vadd.s32 v7, v24;
	[tilespmem:s11+$0x60] =	vst v20;
	v6 =	vor.u32 v23, v6  }
0x278: {  	v11 =	vadd.s32 v12, v24;
	[tilespmem:s11+$0x70] =	vst v21;
	v7 =	vor.u32 v23, v7;
	v1 =	vld.idx.msk [tilespmem:v1+s25+$0x0], $0xffff  }
0x279: {  	v12 =	vadd.s32 v13, v24;
	[tilespmem:s11+$0x400] =	vst v22;
	v11 =	vor.u32 v23, v11;
	v2 =	vld.idx.msk [tilespmem:v2+s25+$0x0], $0xffff  }
0x27a: {  	v13 =	vadd.s32 v14, v24;
	[tilespmem:s11+$0x410] =	vst v25;
	v12 =	vor.u32 v23, v12;
	v4 =	vld.idx.msk [tilespmem:v4+s25+$0x0], $0xffff  }
0x27b: {  	[tilespmem:s11+$0x420] =	vst v26;
	v13 =	vor.u32 v23, v13;
	v8 =	vld.idx.msk [tilespmem:v8+s25+$0x0], $0xffff  }
0x27c: {  	[tilespmem:s11+$0x430] =	vst v30;
	s10 =	sadd.s32 $0x80, s10;
	v6 =	vld.idx.msk [tilespmem:v6+s25+$0x0], $0xffff  }
0x27d: {  	s12 =	sand.u32 $0x3800, s12;
	[tilespmem:s11+$0x440] =	vst v28;
	s10 =	sand.u32 $0x380, s10;
	v7 =	vld.idx.msk [tilespmem:v7+s25+$0x0], $0xffff  }
0x27e: {  	[tilespmem:s11+$0x450] =	vst v27;
	s10 =	sor.u32 s10, s12;
	v11 =	vld.idx.msk [tilespmem:v11+s25+$0x0], $0xffff  }
0x27f: {  	[tilespmem:s11+$0x460] =	vst v31;
	s12 =	sadd.s32 $0x16000, s10;
	v12 =	vld.idx.msk [tilespmem:v12+s25+$0x0], $0xffff  }
0x280: {  	v13 =	vld.idx.msk [tilespmem:v13+s25+$0x0], $0xffff;
	[tilespmem:s12+$0x470] =	vst v4  }
0x281: {  	[tilespmem:s10+$0x16000] =	vst v29  }
0x282: {  	[tilespmem:s12+$0x10] =	vst v32  }
0x283: {  	[tilespmem:s12+$0x20] =	vst v0  }
0x284: {  	[tilespmem:s12+$0x30] =	vst v3  }
0x285: {  	[tilespmem:s12+$0x40] =	vst v5  }
0x286: {  	[tilespmem:s12+$0x50] =	vst v9  }
0x287: {  	[tilespmem:s12+$0x60] =	vst v10  }
0x288: {  	[tilespmem:s12+$0x70] =	vst v1  }
0x289: {  	[tilespmem:s12+$0x400] =	vst v2  }
0x28a: {  	[tilespmem:s12+$0x410] =	vst v8  }
0x28b: {  	s0 =	sshll.u32 s0, $0xF;
	s3 =	sshll.u32 s3, $0xE;
	[tilespmem:s12+$0x420] =	vst v6  }
0x28c: {  	s0 =	sadd.s32 s6, s0;
	s3 =	sand.u32 $0x4000, s3;
	[tilespmem:s12+$0x430] =	vst v7  }
0x28d: {  	s0 =	sor.u32 s3, s0;
	[tilespmem:s12+$0x440] =	vst v11  }
0x28e: {  	s0 =	sshrl.u32 s0, $0x3;
	[tilespmem:s12+$0x450] =	vst v12  }
0x28f: {  	s0 =	sadd.s32 s4, s0;
	[tilespmem:s12+$0x460] =	vst v13  }
0x290: {  	[hbm4b:s0+s5] =	stream.linear.scatter [tilespmem:s25], [sflag:$0xD], $0x4000, $0x38;
	[tilespmem:$0x1E000] =	vst v63  }
0x291: {  	s0 =	sadd.s32 @!p0 $0x8000, s15;
	_ =	swait.ge [sflag:s2], $0x4000  }
0x292: {  	s14 =	sshll.u32 s9, $0x7;
	s0 =	sand.u32 @!p0 $0x7F8000, s0;
	[sflag:s2] =	ssyncset.done $0x0  }
0x293: {  	s3 =	simm.s32 @!p0 $0xA;
	s0 =	sadd.s32 @!p0 s6, s0;
	[sflag:s2] =	ssyncadd.s32 $0xFFFFC000  }
0x294: {  	s15 =	sshll.u32 s9, $0x6;
	s0 =	sor.u32 @!p0 s7, s0;
	_ =	swait.ge @!p0 [sflag:s3], $0x4000  }
0x295: {  	s7 =	simm.s32 @!p0 $0xA000;
	s0 =	sshrl.u32 @!p0 s0, $0x3;
	[sflag:s3] =	ssyncset.done @!p0 $0x0  }
0x296: {  	s0 =	sadd.s32 @!p0 s1, s0;
	[sflag:s3] =	ssyncadd.s32 @!p0 $0xFFFFC000;
	s3 =	simm.s32 @!p0 $0x0  }
0x297: {  	[tilespmem:s7], [sflag:$0x3] =	stream.linear.gather @!p0 [hbm4b:s0+s3], $0x4000, $0x38;
	[tilespmem:$0x1E000] =	vst v63  }
0x298: {  	s0 =	sand.u32 $0x7800, s14;
	s3 =	sand.u32 $0x380, s15  }
0x299: {  	s0 =	sor.u32 s3, s0  }
0x29a: {  	v0 =	vld [tilespmem:s0+$0x0]  }
0x29b: {  	v1 =	vld [tilespmem:s0+$0x10]  }
0x29c: {  	v2 =	vld [tilespmem:s0+$0x20];
	_ =	sdelay $0x1  }
0x29d: {  	v22 =	vimm.s32 $0x0;
	v3 =	vld [tilespmem:s0+$0x30]  }
0x29e: {  	v33 =	vadd.s32 $0x1, v22;
	v4 =	vld [tilespmem:s0+$0x40]  }
0x29f: {  	v5 =	vshll.u32 v0, $0x3;
	v0 =	vand.u32 $0x7F, v0;
	v7 =	vand.u32 $0x7F, v1  }
0x2a0: {  	v6 =	vld [tilespmem:s0+$0x50];
	v1 =	vshll.u32 v1, $0x3;
	v8 =	vshll.u32 v2, $0x3;
	v2 =	vand.u32 $0x7F, v2  }
0x2a1: {  	v9 =	vld [tilespmem:s0+$0x60];
	v5 =	vand.u32 $0xFFFFFC00, v5;
	v1 =	vand.u32 $0xFFFFFC00, v1;
	v8 =	vand.u32 $0xFFFFFC00, v8  }
0x2a2: {  	v10 =	vld [tilespmem:s0+$0x70];
	v0 =	vor.u32 v0, v5;
	v1 =	vor.u32 v7, v1;
	v2 =	vor.u32 v2, v8  }
0x2a3: {  	v7 =	vld [tilespmem:s0+$0x400];
	v5 =	vand.u32 $0x7F, v3;
	v3 =	vshll.u32 v3, $0x3;
	v8 =	vshll.u32 v4, $0x3  }
0x2a4: {  	v12 =	vld [tilespmem:s0+$0x410];
	v4 =	vand.u32 $0x7F, v4;
	v3 =	vand.u32 $0xFFFFFC00, v3;
	v8 =	vand.u32 $0xFFFFFC00, v8  }
0x2a5: {  	v13 =	vld [tilespmem:s0+$0x420];
	v3 =	vor.u32 v5, v3;
	v4 =	vor.u32 v4, v8;
	v5 =	vshll.u32 v6, $0x3  }
0x2a6: {  	v17 =	vld [tilespmem:s0+$0x440];
	v6 =	vand.u32 $0x7F, v6;
	v8 =	vshll.u32 v9, $0x3;
	v5 =	vand.u32 $0xFFFFFC00, v5  }
0x2a7: {  	v8 =	vand.u32 $0xFFFFFC00, v8;
	v5 =	vor.u32 v6, v5;
	v6 =	vand.u32 $0x7F, v9  }
0x2a8: {  	v9 =	vand.u32 $0x7F, v10;
	v10 =	vshll.u32 v10, $0x3;
	v11 =	vshll.u32 v7, $0x3  }
0x2a9: {  	v14 =	vld [tilespmem:s0+$0x430];
	v15 =	vand.u32 $0xFFFFFC00, v10;
	v7 =	vand.u32 $0x7F, v7;
	v10 =	vor.u32 v6, v8  }
0x2aa: {  	v6 =	vand.u32 $0x7F, v12;
	v16 =	vand.u32 $0xFFFFFC00, v11;
	v11 =	vor.u32 v9, v15  }
0x2ab: {  	v9 =	vshll.u32 v13, $0x3;
	v15 =	vshll.u32 v17, $0x3;
	v8 =	vor.u32 v7, v16  }
0x2ac: {  	v7 =	vshll.u32 v12, $0x3;
	v12 =	vand.u32 $0x7F, v13;
	v13 =	vand.u32 $0xFFFFFC00, v9  }
0x2ad: {  	v16 =	vshll.u32 v22, $0x7;
	v15 =	vand.u32 $0xFFFFFC00, v15;
	v7 =	vand.u32 $0xFFFFFC00, v7  }
0x2ae: {  	v9 =	vor.u32 v6, v7;
	v6 =	vor.u32 v12, v13;
	v7 =	vshll.u32 v14, $0x3  }
0x2af: {  	v12 =	vand.u32 $0x7F, v14;
	v14 =	vshll.u32 v22, $0x8;
	v7 =	vand.u32 $0xFFFFFC00, v7  }
0x2b0: {  	v26 =	vand.u32 $0x380, v16;
	v13 =	vld [tilespmem:s0+$0x450];
	v23 =	vand.u32 $0xFFFFF800, v14;
	v7 =	vor.u32 v12, v7  }
0x2b1: {  	v12 =	vand.u32 $0x7F, v17;
	v16 =	vadd.s32 v0, v23;
	v18 =	vadd.s32 v2, v23  }
0x2b2: {  	v14 =	vld [tilespmem:s0+$0x470];
	v19 =	vadd.s32 v3, v23;
	v12 =	vor.u32 v12, v15;
	v15 =	vor.u32 v26, v16  }
0x2b3: {  	v20 =	vadd.s32 v4, v23;
	v16 =	vadd.s32 v1, v23;
	v19 =	vor.u32 v26, v19  }
0x2b4: {  	v25 =	vadd.s32 v5, v23;
	v28 =	vadd.s32 v11, v23;
	v16 =	vor.u32 v26, v16  }
0x2b5: {  	v21 =	vld [tilespmem:s0+$0x460];
	v18 =	vor.u32 v26, v18;
	v17 =	vand.u32 $0x7F, v13;
	v13 =	vshll.u32 v13, $0x3  }
0x2b6: {  	v20 =	vor.u32 v26, v20;
	v25 =	vor.u32 v26, v25;
	v13 =	vand.u32 $0xFFFFFC00, v13  }
0x2b7: {  	v24 =	vand.u32 $0x7F, v14;
	v14 =	vshll.u32 v14, $0x3;
	v57 =	vld.idx.msk [tilespmem:v15+s28+$0x0], $0xffff;
	v15 =	vadd.s32 v10, v23  }
0x2b8: {  	v14 =	vand.u32 $0xFFFFFC00, v14;
	v13 =	vor.u32 v17, v13;
	v17 =	vld.idx.msk [tilespmem:v19+s28+$0x0], $0xffff;
	v27 =	vor.u32 v26, v15  }
0x2b9: {  	v40 =	vld.idx.msk [tilespmem:v16+s28+$0x0], $0xffff;
	v15 =	vor.u32 v24, v14;
	v24 =	vor.u32 v26, v28;
	v14 =	vadd.s32 v8, v23  }
0x2ba: {  	v29 =	vand.u32 $0x7F, v21;
	v16 =	vld.idx.msk [tilespmem:v18+s28+$0x0], $0xffff;
	v28 =	vor.u32 v26, v14;
	v14 =	vadd.s32 v15, v23  }
0x2bb: {  	v18 =	vld.idx.msk [tilespmem:v20+s28+$0x0], $0xffff;
	v20 =	vadd.s32 v9, v23;
	v30 =	vor.u32 v26, v14;
	v14 =	vshll.u32 v21, $0x3  }
0x2bc: {  	v19 =	vld.idx.msk [tilespmem:v25+s28+$0x0], $0xffff;
	v25 =	vor.u32 v26, v20;
	v21 =	vadd.s32 v6, v23;
	v14 =	vand.u32 $0xFFFFFC00, v14  }
0x2bd: {  	v31 =	vadd.s32 v7, v23;
	v14 =	vor.u32 v29, v14;
	v20 =	vld.idx.msk [tilespmem:v27+s28+$0x0], $0xffff;
	v27 =	vor.u32 v26, v21  }
0x2be: {  	v29 =	vor.u32 v26, v31;
	v31 =	vshll.u32 v33, $0x8;
	v21 =	vld.idx.msk [tilespmem:v24+s28+$0x0], $0xffff;
	v24 =	vadd.s32 v12, v23  }
0x2bf: {  	v22 =	vld.idx.msk [tilespmem:v28+s28+$0x0], $0xffff;
	v28 =	vor.u32 v26, v24;
	v24 =	vadd.s32 v13, v23;
	v23 =	vadd.s32 v14, v23  }
0x2c0: {  	v58 =	vor.u32 v26, v24;
	v59 =	vld.idx.msk [tilespmem:v30+s28+$0x0], $0xffff;
	v30 =	vshll.u32 v33, $0x7;
	v24 =	vand.u32 $0xFFFFF800, v31  }
0x2c1: {  	v25 =	vld.idx.msk [tilespmem:v25+s28+$0x0], $0xffff;
	v31 =	vor.u32 v26, v23;
	v23 =	vand.u32 $0x380, v30;
	v30 =	vadd.s32 v0, v24  }
0x2c2: {  	s3 =	simm.s32 $0x0;
	v60 =	vor.u32 v23, v30;
	v26 =	vld.idx.msk [tilespmem:v27+s28+$0x0], $0xffff;
	v27 =	vadd.s32 v1, v24  }
0x2c3: {  	s22 =	sand.u32 $0x3800, s3;
	s24 =	sand.u32 $0x380, s3;
	v30 =	vld.idx.msk [tilespmem:v29+s28+$0x0], $0xffff;
	v29 =	vadd.s32 v2, v24;
	v61 =	vor.u32 v23, v27  }
0x2c4: {  	s0 =	sor.u32 s24, s22;
	v34 =	vor.u32 v23, v29;
	v29 =	vadd.s32 v3, v24;
	v28 =	vld.idx.msk [tilespmem:v28+s28+$0x0], $0xffff  }
0x2c5: {  	s7 =	sadd.s32 $0x1A000, s0;
	v62 =	vadd.s32 v4, v24;
	v38 =	vor.u32 v23, v29;
	v27 =	vld.idx.msk [tilespmem:v58+s28+$0x0], $0xffff  }
0x2c6: {  	v41 =	vadd.s32 v5, v24;
	v35 =	vor.u32 v23, v62;
	v31 =	vld.idx.msk [tilespmem:v31+s28+$0x0], $0xffff;
	[tilespmem:s7+$0x470] =	vst v59  }
0x2c7: {  	v63 =	vadd.s32 v10, v24;
	v36 =	vor.u32 v23, v41;
	[tilespmem:s0+$0x1A000] =	vst v57;
	v29 =	vld.idx.msk [tilespmem:v60+s28+$0x0], $0xffff  }
0x2c8: {  	s10 =	simm.s32 $0x200;
	v39 =	vadd.s32 v11, v24;
	v37 =	vor.u32 v23, v63;
	s0 =	sshrl.u32 s9, $0x1;
	s9 =	simm.s32 $0x100;
	[tilespmem:s7+$0x10] =	vst v40;
	v32 =	vld.idx.msk [tilespmem:v61+s28+$0x0], $0xffff  }
.LBB2_15:
0x2c9: {  	p0 =	sne.s32 s10, $0x3F00;
	v39 =	vor.u32 v23, v39;
	v40 =	vadd.s32 v8, v24;
	[tilespmem:s7+$0x20] =	vst v16;
	v16 =	vld.idx.msk [tilespmem:v34+s28+$0x0], $0xffff  }
0x2ca: {  	v34 =	vor.u32 v23, v40;
	v40 =	vadd.s32 v15, v24;
	[tilespmem:s7+$0x30] =	vst v17;
	v17 =	vld.idx.msk [tilespmem:v38+s28+$0x0], $0xffff  }
0x2cb: {  	v38 =	vadd.s32 v9, v24;
	v40 =	vor.u32 v23, v40;
	[tilespmem:s7+$0x40] =	vst v18;
	v18 =	vld.idx.msk [tilespmem:v35+s28+$0x0], $0xffff  }
0x2cc: {  	v35 =	vor.u32 v23, v38;
	v38 =	vadd.s32 v6, v24;
	[tilespmem:s7+$0x50] =	vst v19;
	v19 =	vld.idx.msk [tilespmem:v36+s28+$0x0], $0xffff  }
0x2cd: {  	v33 =	vadd.s32 $0x1, v33;
	v36 =	vor.u32 v23, v38;
	v38 =	vadd.s32 v7, v24;
	[tilespmem:s7+$0x60] =	vst v20;
	v20 =	vld.idx.msk [tilespmem:v37+s28+$0x0], $0xffff  }
0x2ce: {  	v41 =	vadd.s32 v12, v24;
	v37 =	vshll.u32 v33, $0x7;
	v38 =	vor.u32 v23, v38;
	[tilespmem:s7+$0x70] =	vst v21;
	v21 =	vld.idx.msk [tilespmem:v39+s28+$0x0], $0xffff  }
0x2cf: {  	v42 =	vadd.s32 v13, v24;
	v41 =	vor.u32 v23, v41;
	v39 =	vshll.u32 v33, $0x8;
	[tilespmem:s7+$0x400] =	vst v22;
	v22 =	vld.idx.msk [tilespmem:v34+s28+$0x0], $0xffff  }
0x2d0: {  	v42 =	vor.u32 v23, v42;
	v34 =	vadd.s32 v14, v24;
	v24 =	vand.u32 $0xFFFFF800, v39;
	v39 =	vld.idx.msk [tilespmem:v40+s28+$0x0], $0xffff;
	[tilespmem:s7+$0x410] =	vst v25  }
0x2d1: {  	v40 =	vadd.s32 v0, v24;
	v43 =	vor.u32 v23, v34;
	v23 =	vand.u32 $0x380, v37;
	v25 =	vld.idx.msk [tilespmem:v35+s28+$0x0], $0xffff;
	[tilespmem:s7+$0x420] =	vst v26  }
0x2d2: {  	s3 =	sadd.s32 $0x80, s3;
	v34 =	vadd.s32 v1, v24;
	v37 =	vor.u32 v23, v40;
	v26 =	vld.idx.msk [tilespmem:v36+s28+$0x0], $0xffff;
	[tilespmem:s7+$0x430] =	vst v30  }
0x2d3: {  	s11 =	sand.u32 $0x3800, s9;
	s9 =	smov.u32 s10;
	s12 =	sand.u32 $0x380, s3;
	v40 =	vor.u32 v23, v34;
	v34 =	vadd.s32 v2, v24;
	v30 =	vld.idx.msk [tilespmem:v38+s28+$0x0], $0xffff;
	[tilespmem:s7+$0x440] =	vst v28  }
.Ltmp6:
0x2d4: {  	s11 =	sor.u32 s12, s11;
	v35 =	vadd.s32 v3, v24;
	v34 =	vor.u32 v23, v34;
	v28 =	vld.idx.msk [tilespmem:v41+s28+$0x0], $0xffff;
	[tilespmem:s7+$0x450] =	vst v27;
	(pc) =	sbr.rel @p0 .LBB2_15-.Ltmp6, $4  }
0x2d5: {  	v38 =	vor.u32 v23, v35;
	v35 =	vadd.s32 v4, v24;
	v27 =	vld.idx.msk [tilespmem:v42+s28+$0x0], $0xffff;
	[tilespmem:s7+$0x460] =	vst v31;
	s7 =	sadd.s32 $0x1A000, s11  }
0x2d6: {  	v36 =	vadd.s32 v5, v24;
	v35 =	vor.u32 v23, v35;
	v31 =	vld.idx.msk [tilespmem:v43+s28+$0x0], $0xffff;
	[tilespmem:s7+$0x470] =	vst v39  }
0x2d7: {  	v36 =	vor.u32 v23, v36;
	v39 =	vadd.s32 v10, v24;
	[tilespmem:s11+$0x1A000] =	vst v29;
	v29 =	vld.idx.msk [tilespmem:v37+s28+$0x0], $0xffff  }
0x2d8: {  	s10 =	sadd.s32 $0x100, s10;
	v37 =	vor.u32 v23, v39;
	v39 =	vadd.s32 v11, v24;
	[tilespmem:s7+$0x10] =	vst v32;
	v32 =	vld.idx.msk [tilespmem:v40+s28+$0x0], $0xffff  }
0x2d9: {  	_ =	sdelay $0x3  }
0x2da: {  	v0 =	vld.idx.msk [tilespmem:v34+s28+$0x0], $0xffff;
	v1 =	vor.u32 v23, v39;
	v2 =	vadd.s32 v8, v24;
	[tilespmem:s7+$0x20] =	vst v16  }
0x2db: {  	v3 =	vld.idx.msk [tilespmem:v38+s28+$0x0], $0xffff;
	v4 =	vadd.s32 v15, v24;
	[tilespmem:s7+$0x30] =	vst v17;
	v2 =	vor.u32 v23, v2  }
0x2dc: {  	v5 =	vld.idx.msk [tilespmem:v35+s28+$0x0], $0xffff;
	v60 =	vadd.s32 v9, v24;
	[tilespmem:s7+$0x40] =	vst v18;
	v4 =	vor.u32 v23, v4  }
0x2dd: {  	v61 =	vld.idx.msk [tilespmem:v36+s28+$0x0], $0xffff;
	v6 =	vadd.s32 v6, v24;
	[tilespmem:s7+$0x50] =	vst v19;
	v8 =	vor.u32 v23, v60  }
0x2de: {  	v10 =	vld.idx.msk [tilespmem:v37+s28+$0x0], $0xffff;
	v7 =	vadd.s32 v7, v24;
	[tilespmem:s7+$0x60] =	vst v20;
	v6 =	vor.u32 v23, v6  }
0x2df: {  	v11 =	vadd.s32 v12, v24;
	[tilespmem:s7+$0x70] =	vst v21;
	v7 =	vor.u32 v23, v7;
	v1 =	vld.idx.msk [tilespmem:v1+s28+$0x0], $0xffff  }
0x2e0: {  	v62 =	vadd.s32 v13, v24;
	[tilespmem:s7+$0x400] =	vst v22;
	v11 =	vor.u32 v23, v11;
	v2 =	vld.idx.msk [tilespmem:v2+s28+$0x0], $0xffff  }
0x2e1: {  	v63 =	vadd.s32 v14, v24;
	[tilespmem:s7+$0x410] =	vst v25;
	v12 =	vor.u32 v23, v62;
	v4 =	vld.idx.msk [tilespmem:v4+s28+$0x0], $0xffff  }
0x2e2: {  	[tilespmem:s7+$0x420] =	vst v26;
	v13 =	vor.u32 v23, v63;
	v8 =	vld.idx.msk [tilespmem:v8+s28+$0x0], $0xffff  }
0x2e3: {  	[tilespmem:s7+$0x430] =	vst v30;
	s3 =	sadd.s32 $0x80, s3;
	v6 =	vld.idx.msk [tilespmem:v6+s28+$0x0], $0xffff  }
0x2e4: {  	s9 =	sand.u32 $0x3800, s9;
	[tilespmem:s7+$0x440] =	vst v28;
	s3 =	sand.u32 $0x380, s3;
	v7 =	vld.idx.msk [tilespmem:v7+s28+$0x0], $0xffff  }
0x2e5: {  	[tilespmem:s7+$0x450] =	vst v27;
	s3 =	sor.u32 s3, s9;
	v11 =	vld.idx.msk [tilespmem:v11+s28+$0x0], $0xffff  }
0x2e6: {  	[tilespmem:s7+$0x460] =	vst v31;
	s9 =	sadd.s32 $0x1A000, s3;
	v12 =	vld.idx.msk [tilespmem:v12+s28+$0x0], $0xffff  }
0x2e7: {  	v13 =	vld.idx.msk [tilespmem:v13+s28+$0x0], $0xffff;
	[tilespmem:s9+$0x470] =	vst v4  }
0x2e8: {  	[tilespmem:s3+$0x1A000] =	vst v29  }
0x2e9: {  	[tilespmem:s9+$0x10] =	vst v32  }
0x2ea: {  	[tilespmem:s9+$0x20] =	vst v0  }
0x2eb: {  	[tilespmem:s9+$0x30] =	vst v3  }
0x2ec: {  	[tilespmem:s9+$0x40] =	vst v5  }
0x2ed: {  	[tilespmem:s9+$0x50] =	vst v61  }
0x2ee: {  	[tilespmem:s9+$0x60] =	vst v10  }
0x2ef: {  	[tilespmem:s9+$0x70] =	vst v1  }
0x2f0: {  	[tilespmem:s9+$0x400] =	vst v2  }
0x2f1: {  	[tilespmem:s9+$0x410] =	vst v8  }
0x2f2: {  	s0 =	sshll.u32 s0, $0xF;
	[tilespmem:s9+$0x420] =	vst v6  }
0x2f3: {  	p0 =	sne.s32 s8, $0x9;
	s0 =	sadd.s32 s6, s0;
	[tilespmem:s9+$0x430] =	vst v7  }
.Ltmp7:
0x2f4: {  	s0 =	sor.u32 s16, s0;
	[tilespmem:s9+$0x440] =	vst v11;
	(pc) =	sbr.rel @p0 .LBB2_2-.Ltmp7, $4  }
0x2f5: {  	s0 =	sshrl.u32 s0, $0x3;
	[tilespmem:s9+$0x450] =	vst v12  }
0x2f6: {  	s0 =	sadd.s32 s4, s0;
	[tilespmem:s9+$0x460] =	vst v13  }
0x2f7: {  	[hbm4b:s0+s5] =	stream.linear.scatter [tilespmem:s28], [sflag:$0xE], $0x4000, $0x38;
	[tilespmem:$0x1E000] =	vst v63  }
0x2f8: {  	s0 =	smov.u32 s8  }
0x2f9: {  	_ =	swait.ge [sflag:s20], $0x4000  }
0x2fa: {  	[sflag:s20] =	ssyncset.done $0x0  }
0x2fb: {  	[sflag:s20] =	ssyncadd.s32 $0xFFFFC000  }
0x2fc: {  	v0 =	vld [tilespmem:$0x1B80]  }
0x2fd: {  	v1 =	vld [tilespmem:$0x1B90]  }
0x2fe: {  	v2 =	vld [tilespmem:$0x1BA0];
	_ =	sdelay $0x1  }
0x2ff: {  	v3 =	vld [tilespmem:$0x1BB0]  }
0x300: {  	v22 =	vimm.s32 $0x0;
	v4 =	vld [tilespmem:$0x1BC0]  }
0x301: {  	v5 =	vshll.u32 v0, $0x3;
	v0 =	vand.u32 $0x7F, v0;
	v7 =	vand.u32 $0x7F, v1  }
0x302: {  	v6 =	vld [tilespmem:$0x1BD0];
	v1 =	vshll.u32 v1, $0x3;
	v8 =	vshll.u32 v2, $0x3;
	v2 =	vand.u32 $0x7F, v2  }
0x303: {  	v9 =	vld [tilespmem:$0x1BE0];
	v5 =	vand.u32 $0xFFFFFC00, v5;
	v1 =	vand.u32 $0xFFFFFC00, v1;
	v8 =	vand.u32 $0xFFFFFC00, v8  }
0x304: {  	v10 =	vld [tilespmem:$0x1BF0];
	v0 =	vor.u32 v0, v5;
	v1 =	vor.u32 v7, v1;
	v2 =	vor.u32 v2, v8  }
0x305: {  	v7 =	vld [tilespmem:$0x1F80];
	v5 =	vand.u32 $0x7F, v3;
	v3 =	vshll.u32 v3, $0x3;
	v8 =	vshll.u32 v4, $0x3  }
0x306: {  	v12 =	vld [tilespmem:$0x1F90];
	v4 =	vand.u32 $0x7F, v4;
	v3 =	vand.u32 $0xFFFFFC00, v3;
	v8 =	vand.u32 $0xFFFFFC00, v8  }
0x307: {  	v13 =	vld [tilespmem:$0x1FA0];
	v3 =	vor.u32 v5, v3;
	v4 =	vor.u32 v4, v8;
	v5 =	vshll.u32 v6, $0x3  }
0x308: {  	v17 =	vld [tilespmem:$0x1FC0];
	v6 =	vand.u32 $0x7F, v6;
	v8 =	vshll.u32 v9, $0x3;
	v5 =	vand.u32 $0xFFFFFC00, v5  }
0x309: {  	v8 =	vand.u32 $0xFFFFFC00, v8;
	v5 =	vor.u32 v6, v5;
	v6 =	vand.u32 $0x7F, v9  }
0x30a: {  	v9 =	vand.u32 $0x7F, v10;
	v10 =	vshll.u32 v10, $0x3;
	v11 =	vshll.u32 v7, $0x3  }
0x30b: {  	v14 =	vld [tilespmem:$0x1FB0];
	v15 =	vand.u32 $0xFFFFFC00, v10;
	v7 =	vand.u32 $0x7F, v7;
	v10 =	vor.u32 v6, v8  }
0x30c: {  	v6 =	vand.u32 $0x7F, v12;
	v16 =	vand.u32 $0xFFFFFC00, v11;
	v11 =	vor.u32 v9, v15  }
0x30d: {  	v9 =	vshll.u32 v13, $0x3;
	v15 =	vshll.u32 v17, $0x3;
	v8 =	vor.u32 v7, v16  }
0x30e: {  	v7 =	vshll.u32 v12, $0x3;
	v12 =	vand.u32 $0x7F, v13;
	v13 =	vand.u32 $0xFFFFFC00, v9  }
0x30f: {  	v16 =	vshll.u32 v22, $0x7;
	v15 =	vand.u32 $0xFFFFFC00, v15;
	v7 =	vand.u32 $0xFFFFFC00, v7  }
0x310: {  	v9 =	vor.u32 v6, v7;
	v6 =	vor.u32 v12, v13;
	v7 =	vshll.u32 v14, $0x3  }
0x311: {  	v12 =	vand.u32 $0x7F, v14;
	v14 =	vshll.u32 v22, $0x8;
	v7 =	vand.u32 $0xFFFFFC00, v7  }
0x312: {  	v26 =	vand.u32 $0x380, v16;
	v13 =	vld [tilespmem:$0x1FD0];
	v23 =	vand.u32 $0xFFFFF800, v14;
	v7 =	vor.u32 v12, v7  }
0x313: {  	v12 =	vand.u32 $0x7F, v17;
	v16 =	vadd.s32 v0, v23;
	v18 =	vadd.s32 v2, v23  }
0x314: {  	v14 =	vld [tilespmem:$0x1FF0];
	v19 =	vadd.s32 v3, v23;
	v12 =	vor.u32 v12, v15;
	v15 =	vor.u32 v26, v16  }
0x315: {  	v20 =	vadd.s32 v4, v23;
	v16 =	vadd.s32 v1, v23;
	v19 =	vor.u32 v26, v19  }
0x316: {  	v25 =	vadd.s32 v5, v23;
	v28 =	vadd.s32 v11, v23;
	v16 =	vor.u32 v26, v16  }
0x317: {  	v21 =	vld [tilespmem:$0x1FE0];
	v18 =	vor.u32 v26, v18;
	v17 =	vand.u32 $0x7F, v13;
	v13 =	vshll.u32 v13, $0x3  }
0x318: {  	v20 =	vor.u32 v26, v20;
	v25 =	vor.u32 v26, v25;
	v13 =	vand.u32 $0xFFFFFC00, v13  }
0x319: {  	v24 =	vand.u32 $0x7F, v14;
	v14 =	vshll.u32 v14, $0x3;
	v32 =	vld.idx.msk [tilespmem:v15+s17+$0x0], $0xffff;
	v15 =	vadd.s32 v10, v23  }
0x31a: {  	v14 =	vand.u32 $0xFFFFFC00, v14;
	v13 =	vor.u32 v17, v13;
	v17 =	vld.idx.msk [tilespmem:v19+s17+$0x0], $0xffff;
	v27 =	vor.u32 v26, v15  }
0x31b: {  	v40 =	vld.idx.msk [tilespmem:v16+s17+$0x0], $0xffff;
	v15 =	vor.u32 v24, v14;
	v24 =	vor.u32 v26, v28;
	v14 =	vadd.s32 v8, v23  }
0x31c: {  	v29 =	vand.u32 $0x7F, v21;
	v16 =	vld.idx.msk [tilespmem:v18+s17+$0x0], $0xffff;
	v28 =	vor.u32 v26, v14  }
0x31d: {  	v31 =	vadd.s32 v7, v23;
	v18 =	vld.idx.msk [tilespmem:v20+s17+$0x0], $0xffff;
	v20 =	vadd.s32 v9, v23;
	v14 =	vadd.s32 v15, v23  }
0x31e: {  	v19 =	vld.idx.msk [tilespmem:v25+s17+$0x0], $0xffff;
	v30 =	vor.u32 v26, v14;
	v14 =	vshll.u32 v21, $0x3;
	v21 =	vadd.s32 v6, v23  }
0x31f: {  	v25 =	vor.u32 v26, v20;
	v14 =	vand.u32 $0xFFFFFC00, v14;
	v20 =	vld.idx.msk [tilespmem:v27+s17+$0x0], $0xffff;
	v27 =	vor.u32 v26, v21  }
0x320: {  	v14 =	vor.u32 v29, v14;
	v29 =	vor.u32 v26, v31;
	v21 =	vld.idx.msk [tilespmem:v24+s17+$0x0], $0xffff;
	v24 =	vadd.s32 v12, v23  }
0x321: {  	v33 =	vadd.s32 $0x1, v22;
	v22 =	vld.idx.msk [tilespmem:v28+s17+$0x0], $0xffff;
	v28 =	vor.u32 v26, v24;
	v24 =	vadd.s32 v13, v23  }
0x322: {  	v31 =	vshll.u32 v33, $0x8;
	v34 =	vor.u32 v26, v24  }
0x323: {  	v23 =	vadd.s32 v14, v23;
	v36 =	vld.idx.msk [tilespmem:v30+s17+$0x0], $0xffff;
	v30 =	vshll.u32 v33, $0x7;
	v24 =	vand.u32 $0xFFFFF800, v31  }
0x324: {  	v31 =	vor.u32 v26, v23;
	v23 =	vand.u32 $0x380, v30;
	v30 =	vadd.s32 v0, v24;
	v26 =	vld.idx.msk [tilespmem:v27+s17+$0x0], $0xffff  }
0x325: {  	v37 =	vor.u32 v23, v30;
	v30 =	vadd.s32 v1, v24;
	v27 =	vld.idx.msk [tilespmem:v29+s17+$0x0], $0xffff  }
0x326: {  	s0 =	simm.s32 $0x0;
	v39 =	vor.u32 v23, v30;
	v29 =	vadd.s32 v2, v24;
	v30 =	vld.idx.msk [tilespmem:v28+s17+$0x0], $0xffff  }
0x327: {  	s3 =	sand.u32 $0x3800, s0;
	s7 =	sand.u32 $0x380, s0;
	v28 =	vld.idx.msk [tilespmem:v34+s17+$0x0], $0xffff;
	v34 =	vor.u32 v23, v29;
	v29 =	vadd.s32 v3, v24  }
0x328: {  	s3 =	sor.u32 s7, s3;
	v25 =	vld.idx.msk [tilespmem:v25+s17+$0x0], $0xffff;
	v35 =	vadd.s32 v4, v24;
	v38 =	vor.u32 v23, v29  }
0x329: {  	v41 =	vadd.s32 v5, v24;
	v35 =	vor.u32 v23, v35;
	v31 =	vld.idx.msk [tilespmem:v31+s17+$0x0], $0xffff;
	[tilespmem:s3+$0x2470] =	vst v36  }
0x32a: {  	v63 =	vadd.s32 v10, v24;
	v36 =	vor.u32 v23, v41;
	[tilespmem:s3+$0x2000] =	vst v32;
	v29 =	vld.idx.msk [tilespmem:v37+s17+$0x0], $0xffff  }
0x32b: {  	s8 =	simm.s32 $0x200;
	s7 =	simm.s32 $0x100;
	[tilespmem:s3+$0x2010] =	vst v40;
	v37 =	vor.u32 v23, v63;
	v32 =	vld.idx.msk [tilespmem:v39+s17+$0x0], $0xffff;
	v39 =	vadd.s32 v11, v24  }
.LBB2_18:
0x32c: {  	p0 =	sne.s32 s8, $0x3F00;
	v39 =	vor.u32 v23, v39;
	v40 =	vadd.s32 v8, v24;
	[tilespmem:s3+$0x2020] =	vst v16;
	v16 =	vld.idx.msk [tilespmem:v34+s17+$0x0], $0xffff  }
0x32d: {  	v34 =	vor.u32 v23, v40;
	v40 =	vadd.s32 v15, v24;
	[tilespmem:s3+$0x2030] =	vst v17;
	v17 =	vld.idx.msk [tilespmem:v38+s17+$0x0], $0xffff  }
0x32e: {  	v38 =	vadd.s32 v9, v24;
	v40 =	vor.u32 v23, v40;
	[tilespmem:s3+$0x2040] =	vst v18;
	v18 =	vld.idx.msk [tilespmem:v35+s17+$0x0], $0xffff  }
0x32f: {  	v35 =	vor.u32 v23, v38;
	v38 =	vadd.s32 v6, v24;
	[tilespmem:s3+$0x2050] =	vst v19;
	v19 =	vld.idx.msk [tilespmem:v36+s17+$0x0], $0xffff  }
0x330: {  	v33 =	vadd.s32 $0x1, v33;
	v36 =	vor.u32 v23, v38;
	v38 =	vadd.s32 v7, v24;
	[tilespmem:s3+$0x2060] =	vst v20;
	v20 =	vld.idx.msk [tilespmem:v37+s17+$0x0], $0xffff  }
0x331: {  	v41 =	vadd.s32 v12, v24;
	v37 =	vshll.u32 v33, $0x7;
	v38 =	vor.u32 v23, v38;
	[tilespmem:s3+$0x2070] =	vst v21;
	v21 =	vld.idx.msk [tilespmem:v39+s17+$0x0], $0xffff  }
0x332: {  	v42 =	vadd.s32 v13, v24;
	v41 =	vor.u32 v23, v41;
	v39 =	vshll.u32 v33, $0x8;
	[tilespmem:s3+$0x2400] =	vst v22;
	v22 =	vld.idx.msk [tilespmem:v34+s17+$0x0], $0xffff  }
0x333: {  	v42 =	vor.u32 v23, v42;
	v34 =	vadd.s32 v14, v24;
	v24 =	vand.u32 $0xFFFFF800, v39;
	v39 =	vld.idx.msk [tilespmem:v40+s17+$0x0], $0xffff;
	[tilespmem:s3+$0x2410] =	vst v25  }
0x334: {  	v40 =	vadd.s32 v0, v24;
	v43 =	vor.u32 v23, v34;
	v23 =	vand.u32 $0x380, v37;
	v25 =	vld.idx.msk [tilespmem:v35+s17+$0x0], $0xffff;
	[tilespmem:s3+$0x2420] =	vst v26  }
0x335: {  	v34 =	vadd.s32 v1, v24;
	v37 =	vor.u32 v23, v40;
	v26 =	vld.idx.msk [tilespmem:v36+s17+$0x0], $0xffff;
	[tilespmem:s3+$0x2430] =	vst v27  }
0x336: {  	s0 =	sadd.s32 $0x80, s0;
	v40 =	vor.u32 v23, v34;
	v34 =	vadd.s32 v2, v24;
	v27 =	vld.idx.msk [tilespmem:v38+s17+$0x0], $0xffff;
	[tilespmem:s3+$0x2440] =	vst v30  }
.Ltmp8:
0x337: {  	s7 =	sand.u32 $0x3800, s7;
	s9 =	sand.u32 $0x380, s0;
	v35 =	vadd.s32 v3, v24;
	v34 =	vor.u32 v23, v34;
	v30 =	vld.idx.msk [tilespmem:v41+s17+$0x0], $0xffff;
	[tilespmem:s3+$0x2450] =	vst v28;
	(pc) =	sbr.rel @p0 .LBB2_18-.Ltmp8, $4  }
0x338: {  	v38 =	vor.u32 v23, v35;
	v35 =	vadd.s32 v4, v24;
	v28 =	vld.idx.msk [tilespmem:v42+s17+$0x0], $0xffff;
	[tilespmem:s3+$0x2460] =	vst v31;
	s3 =	sor.u32 s9, s7;
	s7 =	smov.u32 s8  }
0x339: {  	v36 =	vadd.s32 v5, v24;
	v35 =	vor.u32 v23, v35;
	v31 =	vld.idx.msk [tilespmem:v43+s17+$0x0], $0xffff;
	[tilespmem:s3+$0x2470] =	vst v39  }
0x33a: {  	v36 =	vor.u32 v23, v36;
	v39 =	vadd.s32 v10, v24;
	[tilespmem:s3+$0x2000] =	vst v29;
	v29 =	vld.idx.msk [tilespmem:v37+s17+$0x0], $0xffff  }
0x33b: {  	s8 =	sadd.s32 $0x100, s8;
	v37 =	vor.u32 v23, v39;
	v39 =	vadd.s32 v11, v24;
	[tilespmem:s3+$0x2010] =	vst v32;
	v32 =	vld.idx.msk [tilespmem:v40+s17+$0x0], $0xffff  }
0x33c: {  	_ =	sdelay $0x3  }
0x33d: {  	v0 =	vld.idx.msk [tilespmem:v34+s17+$0x0], $0xffff;
	v1 =	vor.u32 v23, v39;
	v2 =	vadd.s32 v8, v24;
	[tilespmem:s3+$0x2020] =	vst v16  }
0x33e: {  	v3 =	vld.idx.msk [tilespmem:v38+s17+$0x0], $0xffff;
	v4 =	vadd.s32 v15, v24;
	[tilespmem:s3+$0x2030] =	vst v17;
	v2 =	vor.u32 v23, v2  }
0x33f: {  	v5 =	vld.idx.msk [tilespmem:v35+s17+$0x0], $0xffff;
	v60 =	vadd.s32 v9, v24;
	[tilespmem:s3+$0x2040] =	vst v18;
	v4 =	vor.u32 v23, v4  }
0x340: {  	v61 =	vld.idx.msk [tilespmem:v36+s17+$0x0], $0xffff;
	v6 =	vadd.s32 v6, v24;
	[tilespmem:s3+$0x2050] =	vst v19;
	v8 =	vor.u32 v23, v60  }
0x341: {  	v10 =	vld.idx.msk [tilespmem:v37+s17+$0x0], $0xffff;
	v7 =	vadd.s32 v7, v24;
	[tilespmem:s3+$0x2060] =	vst v20;
	v6 =	vor.u32 v23, v6  }
0x342: {  	v11 =	vadd.s32 v12, v24;
	[tilespmem:s3+$0x2070] =	vst v21;
	v7 =	vor.u32 v23, v7;
	v1 =	vld.idx.msk [tilespmem:v1+s17+$0x0], $0xffff  }
0x343: {  	v62 =	vadd.s32 v13, v24;
	[tilespmem:s3+$0x2400] =	vst v22;
	v11 =	vor.u32 v23, v11;
	v2 =	vld.idx.msk [tilespmem:v2+s17+$0x0], $0xffff  }
0x344: {  	v63 =	vadd.s32 v14, v24;
	[tilespmem:s3+$0x2410] =	vst v25;
	v12 =	vor.u32 v23, v62;
	v4 =	vld.idx.msk [tilespmem:v4+s17+$0x0], $0xffff  }
0x345: {  	[tilespmem:s3+$0x2420] =	vst v26;
	v13 =	vor.u32 v23, v63;
	v8 =	vld.idx.msk [tilespmem:v8+s17+$0x0], $0xffff  }
0x346: {  	[tilespmem:s3+$0x2430] =	vst v27;
	v6 =	vld.idx.msk [tilespmem:v6+s17+$0x0], $0xffff  }
0x347: {  	[tilespmem:s3+$0x2440] =	vst v30;
	s0 =	sadd.s32 $0x80, s0;
	v7 =	vld.idx.msk [tilespmem:v7+s17+$0x0], $0xffff  }
0x348: {  	s7 =	sand.u32 $0x3800, s7;
	s0 =	sand.u32 $0x380, s0;
	[tilespmem:s3+$0x2450] =	vst v28;
	v11 =	vld.idx.msk [tilespmem:v11+s17+$0x0], $0xffff  }
0x349: {  	s0 =	sor.u32 s0, s7;
	[tilespmem:s3+$0x2460] =	vst v31;
	v12 =	vld.idx.msk [tilespmem:v12+s17+$0x0], $0xffff  }
0x34a: {  	v13 =	vld.idx.msk [tilespmem:v13+s17+$0x0], $0xffff;
	[tilespmem:s0+$0x2000] =	vst v29  }
0x34b: {  	[tilespmem:s0+$0x2010] =	vst v32  }
0x34c: {  	[tilespmem:s0+$0x2020] =	vst v0  }
0x34d: {  	[tilespmem:s0+$0x2030] =	vst v3  }
0x34e: {  	[tilespmem:s0+$0x2040] =	vst v5  }
0x34f: {  	[tilespmem:s0+$0x2050] =	vst v61  }
0x350: {  	[tilespmem:s0+$0x2060] =	vst v10  }
0x351: {  	[tilespmem:s0+$0x2070] =	vst v1  }
0x352: {  	[tilespmem:s0+$0x2470] =	vst v4  }
0x353: {  	[tilespmem:s0+$0x2400] =	vst v2  }
0x354: {  	[tilespmem:s0+$0x2410] =	vst v8  }
0x355: {  	[tilespmem:s0+$0x2420] =	vst v6  }
0x356: {  	[tilespmem:s0+$0x2430] =	vst v7  }
0x357: {  	[tilespmem:s0+$0x2440] =	vst v11  }
0x358: {  	[tilespmem:s0+$0x2450] =	vst v12  }
0x359: {  	[tilespmem:s0+$0x2460] =	vst v13  }
0x35a: {  	s0 =	rddreg [dreg:$0xb]  }
0x35b: {  	[hbm4b:s0+s5] =	stream.linear.scatter [tilespmem:s17], [sflag:$0x8], $0x4000, $0x38;
	[tilespmem:$0x1E000] =	vst v63  }
0x35c: {  	_ =	swait.ge [sflag:s30], $0x4000  }
0x35d: {  	[sflag:s30] =	ssyncset.done $0x0  }
0x35e: {  	s11 =	simm.s32 $0x9;
	[sflag:s30] =	ssyncadd.s32 $0xFFFFC000  }
0x35f: {  	_ =	swait.ge [sflag:s11], $0x4000  }
0x360: {  	[sflag:s11] =	ssyncset.done $0x0  }
0x361: {  	s12 =	simm.s32 $0xA;
	[sflag:s11] =	ssyncadd.s32 $0xFFFFC000  }
0x362: {  	_ =	swait.ge [sflag:s12], $0x4000  }
0x363: {  	[sflag:s12] =	ssyncset.done $0x0  }
0x364: {  	s13 =	simm.s32 $0xB;
	[sflag:s12] =	ssyncadd.s32 $0xFFFFC000  }
0x365: {  	_ =	swait.ge [sflag:s13], $0x4000  }
0x366: {  	[sflag:s13] =	ssyncset.done $0x0  }
0x367: {  	s14 =	simm.s32 $0xC;
	[sflag:s13] =	ssyncadd.s32 $0xFFFFC000  }
0x368: {  	_ =	swait.ge [sflag:s14], $0x4000  }
0x369: {  	[sflag:s14] =	ssyncset.done $0x0  }
0x36a: {  	s15 =	simm.s32 $0xD;
	[sflag:s14] =	ssyncadd.s32 $0xFFFFC000  }
0x36b: {  	_ =	swait.ge [sflag:s15], $0x4000  }
0x36c: {  	[sflag:s15] =	ssyncset.done $0x0  }
0x36d: {  	s16 =	simm.s32 $0xE;
	[sflag:s15] =	ssyncadd.s32 $0xFFFFC000  }
0x36e: {  	_ =	swait.ge [sflag:s16], $0x4000  }
0x36f: {  	s22 =	rddreg [dreg:$0xd]  }
0x370: {  	s24 =	rddreg [dreg:$0xc];
	s7 =	sadd.s32 $0x1, s22  }
0x371: {  	p0 =	sne.s32 s7, s24  }
.Ltmp9:
0x372: {  	_ = 	snop;
	(pc) =	sbr.rel @p0 .LBB2_1-.Ltmp9, $3  }
0x373: {  	_ =	sdelay $0x1  }
0x374: {  	[sflag:s16] =	ssyncset.done $0x0  }
0x375: {  	[sflag:s16] =	ssyncadd.s32 $0xFFFFC000  }
0x376: {  	_ =	sfence.sel $0x180000  }
0x377: {  	[bflag:$0x0] =	sbarrier.arrive $0xFFFF  }
0x378: {  	_ =	strace $0x90000047  }
0x379: {  	s0 =	stileid.u32;
	[bflag:$0x2] =	sbarrier.arrive $0xFFFF  }
0x37a: {  	p0 =	sne.s32 s0, $0x0;
	s0 =	rddreg [dreg:$0x3]  }
0x37b: {  	s0 =	sadd.s32 @!p0 $0x100000, s0  }
0x37c: {  	[sflag:s0] =	ssyncadd.tile.s32 @!p0 $0x1;
	_ =	shalt  }
.Lfunc_end2:
_tile_overlayer_lowered:
.L_overlay_start_2:
0x37d: {  	(tag) =	ssettag $0x2  }
0x37e: {  	s0 =	rddreg [dreg:$0x0];
	s2 =	stileid.u32  }
0x37f: {  	s1 =	rddreg [dreg:$0x1];
	p0 =	sne.s32 s2, $0x0  }
0x380: {  	s3 =	rddreg [dreg:$0x2];
	[bflag:$0x3] =	sbarrier.arrive $0xFFFF;
	s2 =	simm.s32 @!p0 $0x1C0F  }
0x381: {  	[timem:s3], [sflag:s2] =	dma.local @!p0 [hbm:s0], s1  }
0x382: {  	s0 =	simm.s32 @!p0 $0xF  }
0x383: {  	_ =	swait.ge @!p0 [sflag:s0], s1  }
0x384: {  	s1 =	ssub.s32 @!p0 $0x0, s1;
	[sflag:s0] =	ssyncset.done @!p0 $0x0  }
0x385: {  	[sflag:s0] =	ssyncadd.s32 @!p0 s1  }
0x386: {  	[bflag:$0x3] =	sbarrier.arrive $0xFFFF  }
0x387: {  	_ =	shalt  }

</sc_bundles>
